<compile_context>
chip_gen: v7x
topology: tpu7x:2x2x1
jax: 0.10.2.dev20260603
libtpu: 0.0.44.dev20260713+nightly
codegen_flags: <defaults>
</compile_context>

<pallas_src>
import functools

import jax
import jax.numpy as jnp
from jax import lax
from jax.experimental import pallas as pl
from jax.experimental.pallas import tpu as pltpu
from jax.experimental.pallas import tpu_sc as plsc

N = 10000
DEG = 16
D = 128

NW = 32
NPAD = 10240
CHN = 8
NHALF = NPAD // 2
NCHA_TOT = (NHALF // 16) // CHN
NCHA_C0 = 24
NCHA_C1 = NCHA_TOT - NCHA_C0

SB = NPAD * DEG
PREAL = SB + NPAD
KC2 = 256
PPAD = 180224
CHC_TOT = (PPAD // 16) // KC2
CHC_C0 = 26
CHC_C1 = CHC_TOT - CHC_C0

PADTS = 3.0e38
EPS = 1e-5

_f32 = jnp.float32
_i32 = jnp.int32


def _sc_mesh():
    return plsc.VectorSubcoreMesh(core_axis_name="c", subcore_axis_name="s")


_SC_PARAMS = pltpu.CompilerParams(needs_layout_passes=False)



def _sga_sorts(tid, sidx, uidx):
    for n in range(CHN):
        ts = plsc.bitcast(tid[n, pl.ds(0, DEG)], _f32)
        ids = tid[n, pl.ds(DEG, DEG)]
        _, si = plsc.sort_key_val(ts, ids)
        sidx[pl.ds(n * DEG, DEG)] = si
        uidx[pl.ds(n * DEG, DEG)] = ids


def _sort_gather_body(tid_hbm, x_hbm, nbtw_hbm, child_hbm, tsg_hbm,
                      tid0, tid1, tid2, tid3, sx0, sx1, ux0, ux1,
                      rx0, rx1, rt0, rt1,
                      st0, st1, st2, st3, sgx0, sgx1, sgt0, sgt1,
                      swx0, swx1, swt0, swt1):
    core = lax.axis_index("c")
    base = (lax.axis_index("s") * (NHALF // 16)
            + jnp.where(core == 1, NCHA_C0 * CHN, 0))
    nch = jnp.where(core == 1, NCHA_C1, NCHA_C0)
    tid = [tid0, tid1, tid2, tid3]
    st = [st0, st1, st2, st3]
    sidx = [sx0, sx1]
    uidx = [ux0, ux1]
    rx = [rx0, rx1]
    rt = [rt0, rt1]
    sgx = [sgx0, sgx1]
    sgt = [sgt0, sgt1]
    swx = [swx0, swx1]
    swt = [swt0, swt1]
    NR = CHN * DEG

    def tid_copy(c, s):
        pltpu.async_copy(tid_hbm.at[pl.ds(base + c * CHN, CHN)], tid[s], st[s])

    def tid_wait(s):
        pltpu.make_async_copy(tid_hbm.at[pl.ds(0, CHN)], tid[s], st[s]).wait()

    def gathers(b):
        pltpu.async_copy(x_hbm.at[sidx[b]], rx[b], sgx[b])
        pltpu.async_copy(nbtw_hbm.at[uidx[b]], rt[b], sgt[b])

    def gathers_wait(b):
        pltpu.make_async_copy(x_hbm.at[pl.ds(0, NR)], rx[b], sgx[b]).wait()
        pltpu.make_async_copy(nbtw_hbm.at[pl.ds(0, NR)], rt[b], sgt[b]).wait()

    def writes_wait(b):
        pltpu.make_async_copy(rx[b], child_hbm.at[pl.ds(0, NR)], swx[b]).wait()
        pltpu.make_async_copy(rt[b], tsg_hbm.at[pl.ds(0, NR)], swt[b]).wait()

    tid_copy(0, 0)
    tid_copy(1, 1)
    tid_wait(0)
    _sga_sorts(tid0, sx0, ux0)
    gathers(0)

    def outer(g, carry):
        for j in range(4):
            c = g * 4 + j
            s1, s2 = (j + 1) % 4, (j + 2) % 4
            b, b1 = j % 2, (j + 1) % 2

            @pl.when(c + 2 < nch)
            def _():
                tid_copy(c + 2, s2)

            @pl.when(c + 1 < nch)
            def _():
                tid_wait(s1)
                _sga_sorts(tid[s1], sidx[b1], uidx[b1])

                @pl.when(c >= 1)
                def _():
                    writes_wait(b1)

                gathers(b1)

            @pl.when(c < nch)
            def _():
                gathers_wait(b)
                nb = base + c * CHN
                pltpu.async_copy(
                    rx[b], child_hbm.at[pl.ds(nb * DEG, NR)], swx[b])
                pltpu.async_copy(
                    rt[b], tsg_hbm.at[pl.ds(nb * DEG, NR)], swt[b])
        return carry

    lax.fori_loop(0, (NCHA_C0 + 3) // 4, outer, 0)
    for b in range(2):
        writes_wait(b)


def _sort_gather(tid_half, xp, nbt_wide):
    f = pl.kernel(
        _sort_gather_body,
        out_type=(
            jax.ShapeDtypeStruct((NHALF * DEG, D), _f32),
            jax.ShapeDtypeStruct((NHALF * DEG, D), _f32),
        ),
        mesh=_sc_mesh(),
        scratch_types=(
            [pltpu.VMEM((CHN, 2 * DEG), _i32) for _ in range(4)]
            + [pltpu.VMEM((CHN * DEG,), _i32) for _ in range(4)]
            + [pltpu.VMEM((CHN * DEG, D), _f32) for _ in range(4)]
            + [pltpu.SemaphoreType.DMA for _ in range(12)]
        ),
        compiler_params=_SC_PARAMS,
    )
    return f(tid_half, xp, nbt_wide)



def _table_body(child_ref, x_ref, tsg_ref, nbt_ref, nts_ref, tf_ref,
                nbif_ref, table_ref, idxn_ref, idxs_ref, *, bn, noff):
    c3 = child_ref[...].reshape(bn, DEG, D)
    acc = x_ref[...]
    table_ref[0] = acc
    for k in range(1, DEG + 1):
        acc = acc + c3[:, k - 1, :]
        table_ref[k] = acc * (1.0 / (k + 1))
    cmp = (tsg_ref[...][:, :DEG] <= tf_ref[...]).astype(_f32)
    scale_n = jnp.full((DEG, D), float(NPAD), _f32)
    r_n = jnp.dot(cmp, scale_n, preferred_element_type=_f32)
    idxn_ref[...] = r_n[:, :1].astype(_i32) + nbif_ref[...]
    rs = jnp.sum((nbt_ref[...] <= nts_ref[...]).astype(_i32), axis=1,
                 keepdims=True)
    nid = (lax.broadcasted_iota(_i32, (bn, 1), 0)
           + pl.program_id(0) * bn + noff)
    idxs_ref[...] = rs * NPAD + nid


def _build_table(child, tsg, xp, nbtp, ntp_col, nbtf, nbif, half, prev=None):
    bn = 128
    grid = (NHALF // bn,)
    off = half * (NHALF // bn)

    def body(child_ref, x_ref, tsg_ref, nbt_ref, nts_ref, tf_ref, nbif_ref,
             *rest):
        _table_body(child_ref, x_ref, tsg_ref, nbt_ref, nts_ref, tf_ref,
                    nbif_ref, rest[-3], rest[-2], rest[-1],
                    bn=bn, noff=half * NHALF)

    in_specs = [
        pl.BlockSpec((bn * DEG, D), lambda b: (b, 0)),
        pl.BlockSpec((bn, D), lambda b: (off + b, 0)),
        pl.BlockSpec((bn * DEG, D), lambda b: (b, 0)),
        pl.BlockSpec((bn, DEG), lambda b: (off + b, 0)),
        pl.BlockSpec((bn, 1), lambda b: (off + b, 0)),
        pl.BlockSpec((bn * DEG, 1), lambda b: (off + b, 0)),
        pl.BlockSpec((bn * DEG, 1), lambda b: (off + b, 0)),
    ]
    args = [child, xp, tsg, nbtp, ntp_col, nbtf, nbif]
    aliases = {}
    if prev is not None:
        in_specs += [pl.BlockSpec(memory_space=pl.ANY)] * 3
        args += list(prev)
        aliases = {7: 0, 8: 1, 9: 2}
    return pl.pallas_call(
        body,
        grid=grid,
        in_specs=in_specs,
        out_specs=[
            pl.BlockSpec((DEG + 1, bn, D), lambda b: (0, off + b, 0)),
            pl.BlockSpec((bn * DEG, 1), lambda b: (off + b, 0)),
            pl.BlockSpec((bn, 1), lambda b: (off + b, 0)),
        ],
        out_shape=[
            jax.ShapeDtypeStruct((DEG + 1, NPAD, D), _f32),
            jax.ShapeDtypeStruct((SB, 1), _i32),
            jax.ShapeDtypeStruct((NPAD, 1), _i32),
        ],
        input_output_aliases=aliases,
    )(*args)



def _tab_gather_body(idx_hbm, table_hbm, agg1_hbm,
                     ix00, ix01, ix10, ix11, outr0, outr1,
                     si0, si1, sg0, sg1, sw0, sw1):
    core = lax.axis_index("c")
    base = (lax.axis_index("s") * (PPAD // 16)
            + jnp.where(core == 1, CHC_C0 * KC2, 0))
    nch = jnp.where(core == 1, CHC_C1, CHC_C0)
    ix = [(ix00, ix01), (ix10, ix11)]
    si = [si0, si1]
    outr = [outr0, outr1]
    sg = [sg0, sg1]
    sw = [sw0, sw1]

    def idx_copy(c, b):
        pb = base + c * KC2
        pltpu.async_copy(idx_hbm.at[pl.ds(pb, 128)], ix[b][0], si[b])
        pltpu.async_copy(idx_hbm.at[pl.ds(pb + 128, 128)], ix[b][1], si[b])

    def idx_wait(b):
        for h in range(2):
            pltpu.make_async_copy(
                idx_hbm.at[pl.ds(0, 128)], ix[b][h], si[b]).wait()

    def tgather(b):
        for h in range(2):
            pltpu.async_copy(
                table_hbm.at[ix[b][h]], outr[b].at[pl.ds(h * 128, 128)],
                sg[b])

    def tgather_wait(b):
        for h in range(2):
            pltpu.make_async_copy(
                table_hbm.at[pl.ds(0, 128)], outr[b].at[pl.ds(h * 128, 128)],
                sg[b]).wait()

    idx_copy(0, 0)
    idx_copy(1, 1)
    idx_wait(0)
    tgather(0)

    def outer(g, carry):
        for j in range(2):
            c = g * 2 + j
            b, b1 = j, (j + 1) % 2

            @pl.when(c + 1 < nch)
            def _():
                idx_wait(b1)

                @pl.when(c >= 1)
                def _():
                    pltpu.make_async_copy(
                        outr[b1], agg1_hbm.at[pl.ds(0, KC2)], sw[b1]).wait()

                tgather(b1)

            @pl.when(c < nch)
            def _():
                tgather_wait(b)
                pltpu.async_copy(
                    outr[b], agg1_hbm.at[pl.ds(base + c * KC2, KC2)], sw[b])

            @pl.when(c + 2 < nch)
            def _():
                idx_copy(c + 2, b)
        return carry

    lax.fori_loop(0, (CHC_C0 + 1) // 2, outer, 0)
    for b in range(2):
        pltpu.make_async_copy(
            outr[b], agg1_hbm.at[pl.ds(0, KC2)], sw[b]).wait()


def _tab_gather(idx_flat, table_flat):
    f = pl.kernel(
        _tab_gather_body,
        out_type=jax.ShapeDtypeStruct((PPAD, D), _f32),
        mesh=_sc_mesh(),
        scratch_types=(
            [pltpu.VMEM((128,), _i32) for _ in range(4)]
            + [pltpu.VMEM((KC2, D), _f32) for _ in range(2)]
            + [pltpu.SemaphoreType.DMA for _ in range(6)]
        ),
        compiler_params=_SC_PARAMS,
    )
    return f(idx_flat, table_flat)



def _mm1_body(agg_ref, w1_ref, b1_ref, pw_ref, *rest):
    h_ref, st_ref, acc = rest[-3], rest[-2], rest[-1]
    step = pl.program_id(0)

    @pl.when(step == 0)
    def _():
        acc[...] = jnp.zeros_like(acc)

    a = agg_ref[...]
    h = jnp.dot(a, w1_ref[...], preferred_element_type=_f32) + b1_ref[...]
    h_ref[...] = h
    w = pw_ref[...]
    hw = h * w
    s1 = jnp.sum(hw, axis=0, keepdims=True)
    s2 = jnp.sum(h * hw, axis=0, keepdims=True)
    d = jnp.sum(w)
    acc[0:1] = acc[0:1] + s1
    acc[1:2] = acc[1:2] + s2
    acc[2:3] = acc[2:3] + jnp.full((1, D), d, _f32)
    st_ref[...] = acc[...]


def _mm1(agg1, W1, b1, pair_w):
    bp = 4096
    grid = (PPAD // bp,)
    return pl.pallas_call(
        _mm1_body,
        grid=grid,
        in_specs=[
            pl.BlockSpec((bp, D), lambda b: (b, 0)),
            pl.BlockSpec((D, D), lambda b: (0, 0)),
            pl.BlockSpec((1, D), lambda b: (0, 0)),
            pl.BlockSpec((bp, 1), lambda b: (b, 0)),
        ],
        out_specs=[
            pl.BlockSpec((bp, D), lambda b: (b, 0)),
            pl.BlockSpec((8, D), lambda b: (0, 0)),
        ],
        out_shape=[
            jax.ShapeDtypeStruct((PPAD, D), _f32),
            jax.ShapeDtypeStruct((8, D), _f32),
        ],
        scratch_shapes=[pltpu.VMEM((8, D), _f32)],
    )(agg1, W1, b1, pair_w)



def _layer2_body(hn_ref, hs_ref, wn_ref, m2_ref, st1_ref, g1_ref, be1_ref,
                 w2_ref, b2_ref, h2_ref, st2_ref, acc, scr, *, bn):
    step = pl.program_id(0)

    @pl.when(step == 0)
    def _():
        acc[...] = jnp.zeros_like(acc)

    den = jnp.maximum(st1_ref[2:3], 1.0)
    mean = st1_ref[0:1] / den
    var = st1_ref[1:2] / den - mean * mean
    sc = g1_ref[...] * lax.rsqrt(var + EPS)
    sh = be1_ref[...] - mean * sc

    hw = jax.nn.relu(hn_ref[...] * sc + sh) * wn_ref[...]
    scr[...] = hw.reshape(bn, DEG, D)
    num = jax.nn.relu(hs_ref[...] * sc + sh)
    for k in range(DEG):
        num = num + scr[:, k, :]
    degs = jnp.sum(m2_ref[...], axis=1, keepdims=True) + 1.0
    agg2 = num / degs
    h2p = jnp.dot(agg2, w2_ref[...], preferred_element_type=_f32) + b2_ref[...]
    h2_ref[...] = h2p

    rid = lax.broadcasted_iota(_i32, (bn, 1), 0) + step * bn
    w = (rid < N).astype(_f32)
    hw = h2p * w
    acc[0:1] = acc[0:1] + jnp.sum(hw, axis=0, keepdims=True)
    acc[1:2] = acc[1:2] + jnp.sum(h2p * hw, axis=0, keepdims=True)
    acc[2:3] = acc[2:3] + jnp.full((1, D), jnp.sum(w), _f32)
    st2_ref[...] = acc[...]


def _layer2(h1pre, wnbr, mask2, stats1, gamma1, beta1, W2, b2):
    bn = 256
    grid = (NPAD // bn,)
    sb_blk = SB // bn
    return pl.pallas_call(
        functools.partial(_layer2_body, bn=bn),
        grid=grid,
        in_specs=[
            pl.BlockSpec((bn * DEG, D), lambda b: (b, 0)),
            pl.BlockSpec((bn, D), lambda b: (sb_blk + b, 0)),
            pl.BlockSpec((bn * DEG, 1), lambda b: (b, 0)),
            pl.BlockSpec((bn, DEG), lambda b: (b, 0)),
            pl.BlockSpec((8, D), lambda b: (0, 0)),
            pl.BlockSpec((1, D), lambda b: (0, 0)),
            pl.BlockSpec((1, D), lambda b: (0, 0)),
            pl.BlockSpec((D, D), lambda b: (0, 0)),
            pl.BlockSpec((1, D), lambda b: (0, 0)),
        ],
        out_specs=[
            pl.BlockSpec((bn, D), lambda b: (b, 0)),
            pl.BlockSpec((8, D), lambda b: (0, 0)),
        ],
        out_shape=[
            jax.ShapeDtypeStruct((NPAD, D), _f32),
            jax.ShapeDtypeStruct((8, D), _f32),
        ],
        scratch_shapes=[pltpu.VMEM((8, D), _f32),
                        pltpu.VMEM((bn, DEG, D), _f32)],
    )(h1pre, h1pre, wnbr, mask2, stats1, gamma1, beta1, W2, b2)



def _final_body(h2_ref, st2_ref, g2_ref, be2_ref, out_ref):
    den = jnp.maximum(st2_ref[2:3], 1.0)
    mean = st2_ref[0:1] / den
    var = st2_ref[1:2] / den - mean * mean
    sc = g2_ref[...] * lax.rsqrt(var + EPS)
    sh = be2_ref[...] - mean * sc
    out_ref[...] = jax.nn.relu(h2_ref[...] * sc + sh)


def _final(h2pre, stats2, gamma2, beta2):
    bn = 512
    grid = (NPAD // bn,)
    return pl.pallas_call(
        _final_body,
        grid=grid,
        in_specs=[
            pl.BlockSpec((bn, D), lambda b: (b, 0)),
            pl.BlockSpec((8, D), lambda b: (0, 0)),
            pl.BlockSpec((1, D), lambda b: (0, 0)),
            pl.BlockSpec((1, D), lambda b: (0, 0)),
        ],
        out_specs=pl.BlockSpec((bn, D), lambda b: (b, 0)),
        out_shape=jax.ShapeDtypeStruct((NPAD, D), _f32),
    )(h2pre, stats2, gamma2, beta2)



@jax.jit
def _run(x, node_ts, nbr_ts, W1, b1, gamma1, beta1, W2, b2, gamma2, beta2,
         nbr_idx):
    xp = jnp.zeros((NPAD, D), _f32).at[:N].set(x)
    ntp = jnp.zeros((NPAD,), _f32).at[:N].set(node_ts)
    nbtp = jnp.full((NPAD, DEG), PADTS, _f32).at[:N].set(nbr_ts)
    nbip = jnp.zeros((NPAD, DEG), _i32).at[:N].set(nbr_idx.astype(_i32))
    mask2 = (nbtp <= ntp[:, None]).astype(_f32)
    wself = jnp.zeros((NPAD,), _f32).at[:N].set(1.0)
    zpad_i = jnp.zeros((PPAD - PREAL,), _i32)
    zpad_f = jnp.zeros((PPAD - PREAL,), _f32)
    pair_w = jnp.concatenate([mask2.reshape(-1), wself, zpad_f])

    tid_packed = jnp.concatenate(
        [lax.bitcast_convert_type(nbtp, _i32), nbip], axis=1)
    nbt_wide = jnp.pad(nbtp, ((0, 0), (0, D - DEG)))

    ntp_col = ntp.reshape(NPAD, 1)
    nbtf = nbtp.reshape(SB, 1)
    nbif = nbip.reshape(SB, 1)
    child1, tsg1 = _sort_gather(tid_packed[:NHALF], xp, nbt_wide)
    child2, tsg2 = _sort_gather(tid_packed[NHALF:], xp, nbt_wide)
    prev = _build_table(child1, tsg1, xp, nbtp, ntp_col, nbtf, nbif, 0)
    table, idxn, idxs = _build_table(child2, tsg2, xp, nbtp, ntp_col,
                                     nbtf, nbif, 1, prev)
    table_flat = table.reshape((DEG + 1) * NPAD, D)
    idx_flat = jnp.concatenate(
        [idxn.reshape(-1), idxs.reshape(-1), zpad_i])
    agg1 = _tab_gather(idx_flat, table_flat)
    h1pre, stats1 = _mm1(agg1, W1, b1.reshape(1, D), pair_w.reshape(PPAD, 1))
    h2pre, stats2 = _layer2(h1pre, mask2.reshape(SB, 1), mask2, stats1,
                            gamma1.reshape(1, D), beta1.reshape(1, D),
                            W2, b2.reshape(1, D))
    h2 = _final(h2pre, stats2, gamma2.reshape(1, D), beta2.reshape(1, D))
    return h2[:N]


def kernel(x, node_ts, nbr_ts, W1, b1, gamma1, beta1, W2, b2, gamma2, beta2,
           nbr_idx):
    return _run(x, node_ts, nbr_ts, W1, b1, gamma1, beta1, W2, b2,
                gamma2, beta2, nbr_idx)

# --- scband reference (transcript-rebuilt; emitter-appended) ---
"""Pipeline reference for scband-flow-gnn-59442347377020 (READ-ONLY COPY).

The authoritative reference and input builder live on the scoring server;
editing this copy changes nothing except your own understanding.
"""

import jax, jax.numpy as jnp
import numpy as np

N = 10000
DEG = 16
D_IN = 128
D_HID = 128
D_OUT = 128


def setup_inputs(seed: int = 0):
    key = jax.random.key(seed)
    ks = jax.random.split(key, 8)
    x = jax.random.normal(ks[0], (N, D_IN), dtype=jnp.float32)
    node_ts = jax.random.uniform(ks[1], (N,), dtype=jnp.float32)
    nbr_idx = jax.random.randint(ks[2], (N, DEG), 0, N)
    nbr_ts = jax.random.uniform(ks[3], (N, DEG), dtype=jnp.float32)
    W1 = jax.random.normal(ks[4], (D_IN, D_HID), dtype=jnp.float32) / np.sqrt(D_IN)
    b1 = jnp.zeros((D_HID,), jnp.float32)
    gamma1 = jnp.ones((D_HID,), jnp.float32)
    beta1 = jnp.zeros((D_HID,), jnp.float32)
    W2 = jax.random.normal(ks[5], (D_HID, D_OUT), dtype=jnp.float32) / np.sqrt(D_HID)
    b2 = jnp.zeros((D_OUT,), jnp.float32)
    gamma2 = jnp.ones((D_OUT,), jnp.float32)
    beta2 = jnp.zeros((D_OUT,), jnp.float32)
    return {"x": x, "node_ts": node_ts, "nbr_ts": nbr_ts, "W1": W1, "b1": b1,
            "gamma1": gamma1, "beta1": beta1, "W2": W2, "b2": b2,
            "gamma2": gamma2, "beta2": beta2, "nbr_idx": nbr_idx}


def _masked_bn(h, mask, gamma, beta, eps=1e-5):
    # BatchNorm1d in training mode, with statistics computed only over rows
    # that are actually present in the original (filtered) pair batch.
    w = mask[:, None]
    denom = jnp.maximum(mask.sum(), 1.0)
    mean = (h * w).sum(0) / denom
    var = (((h - mean) ** 2) * w).sum(0) / denom
    return gamma * (h - mean) * jax.lax.rsqrt(var + eps) + beta


def reference(x, node_ts, nbr_ts, W1, b1, gamma1, beta1, W2, b2, gamma2, beta2, nbr_idx):
    # FlowGNN.recursive_temporal_prop, layers=2, batch = arange(N), batch_ts = node_ts.
    # Fixed-degree CSR: neighbors of node n are nbr_idx[n], edge times nbr_ts[n].
    # Temporal filtering is done with 0/1 masks instead of boolean indexing;
    # the unique() dedup step is a no-op in expectation for continuous random
    # timestamps, so the math is unchanged.
    batch = jnp.arange(N)
    batch_ts = node_ts
    # layer-2 temporal edge mask (messages with edge_t <= dst node_t)
    mask2 = (nbr_ts <= batch_ts[:, None]).astype(jnp.float32)  # [N, DEG]
    # flat (node, time) pair batch for the layer-1 recursive call:
    # temporal neighbors (at their edge times) followed by self pairs (at node_ts)
    pair_nodes = jnp.concatenate([nbr_idx.reshape(-1), batch])          # [N*DEG+N]
    pair_ts = jnp.concatenate([nbr_ts.reshape(-1), batch_ts])
    pair_mask = jnp.concatenate([mask2.reshape(-1), jnp.ones((N,), jnp.float32)])
    # ---- layer 1 ----
    cnb = nbr_idx[pair_nodes]                                           # [P, DEG]
    cnbt = nbr_ts[pair_nodes]
    cmask = (cnbt <= pair_ts[:, None]).astype(jnp.float32)
    child = x[cnb]                                                      # [P, DEG, D_IN] layer-0 embeddings
    self0 = x[pair_nodes]
    agg1 = ((child * cmask[:, :, None]).sum(1) + self0) / (cmask.sum(1) + 1.0)[:, None]
    h1 = jax.nn.relu(_masked_bn(agg1 @ W1 + b1, pair_mask, gamma1, beta1))
    # ---- layer 2 scatter-mean over pair ptr (neighbors + self per dst node) ----
    nbr_part = h1[: N * DEG].reshape(N, DEG, D_HID)
    self_part = h1[N * DEG:]
    agg2 = ((nbr_part * mask2[:, :, None]).sum(1) + self_part) / (mask2.sum(1) + 1.0)[:, None]
    h2 = jax.nn.relu(_masked_bn(agg2 @ W2 + b2, jnp.ones((N,), jnp.float32), gamma2, beta2))
    return h2

if __name__ == "__main__":
    import jax
    _d = setup_inputs()
    print(jax.jit(kernel)(*tuple(_d.values())))

</pallas_src>

<mosaic_0001>
#map = affine_map<(d0, d1) -> (0)>
#map1 = affine_map<(d0, d1) -> (0, 0)>
module attributes {stable_mosaic.version = 14 : i64} {
  func.func @_tab_gather_body(%arg0: i32, %arg1: i32, %arg2: memref<180224xi32, #tpu.memory_space<hbm>>, %arg3: memref<174080x128xf32, #tpu.memory_space<hbm>>, %arg4: memref<180224x128xf32, #tpu.memory_space<hbm>>, %arg5: memref<128xi32, #tpu.memory_space<vmem>>, %arg6: memref<128xi32, #tpu.memory_space<vmem>>, %arg7: memref<128xi32, #tpu.memory_space<vmem>>, %arg8: memref<128xi32, #tpu.memory_space<vmem>>, %arg9: memref<256x128xf32, #tpu.memory_space<vmem>>, %arg10: memref<256x128xf32, #tpu.memory_space<vmem>>, %arg11: memref<!tpu.dma_semaphore, #tpu.memory_space<semaphore_mem>>, %arg12: memref<!tpu.dma_semaphore, #tpu.memory_space<semaphore_mem>>, %arg13: memref<!tpu.dma_semaphore, #tpu.memory_space<semaphore_mem>>, %arg14: memref<!tpu.dma_semaphore, #tpu.memory_space<semaphore_mem>>, %arg15: memref<!tpu.dma_semaphore, #tpu.memory_space<semaphore_mem>>, %arg16: memref<!tpu.dma_semaphore, #tpu.memory_space<semaphore_mem>>) attributes {dimension_semantics = [#tpu.dimension_semantics<core_parallel>, #tpu.dimension_semantics<subcore_parallel>], iteration_bounds = array<i64: 2, 16>, scalar_prefetch = 0 : i64, scratch_operands = 12 : i64, tpu.core_type = #tpu.core_type<sc_vector_subcore>, window_params = [{transform_indices = #map}, {transform_indices = #map1}, {transform_indices = #map1}]} {
    %mul3A = arith.constant 11264 : i32
    %mul3A_0 = arith.muli %arg1, %mul3A : i32
    %eq3A = arith.constant 1 : i32
    %eq3A_1 = arith.cmpi eq, %arg0, %eq3A : i32
    %jit3A = arith.constant 6656 : i32
    %jit3A_2 = arith.constant 0 : i32
    %select_n3A = arith.select %eq3A_1, %jit3A, %jit3A_2 : i32
    %add3A = arith.addi %mul3A_0, %select_n3A : i32
    %eq3A_3 = arith.constant 1 : i32
    %eq3A_4 = arith.cmpi eq, %arg0, %eq3A_3 : i32
    %jit3A_5 = arith.constant 18 : i32
    %jit3A_6 = arith.constant 26 : i32
    %select_n3A_7 = arith.select %eq3A_4, %jit3A_5, %jit3A_6 : i32
    %add3A_8 = arith.constant 0 : i32
    %add3A_9 = arith.addi %add3A, %add3A_8 : i32
    %dma_start3A = tpu.memref_slice %arg2[%add3A_9] : memref<180224xi32, #tpu.memory_space<hbm>> -> memref<128xi32, #tpu.memory_space<hbm>>
    %dma_start3A_10 = tpu.memref_slice %arg2[%add3A_9] : memref<180224xi32, #tpu.memory_space<hbm>> -> memref<128xi32, #tpu.memory_space<hbm>>
    tpu.enqueue_dma source(%dma_start3A_10 : memref<128xi32, #tpu.memory_space<hbm>>) target(%arg5 : memref<128xi32, #tpu.memory_space<vmem>>) target_semaphore(%arg11 : memref<!tpu.dma_semaphore, #tpu.memory_space<semaphore_mem>>)
    %add3A_11 = arith.constant 128 : i32
    %add3A_12 = arith.addi %add3A_9, %add3A_11 : i32
    %dma_start3A_13 = tpu.memref_slice %arg2[%add3A_12] : memref<180224xi32, #tpu.memory_space<hbm>> -> memref<128xi32, #tpu.memory_space<hbm>>
    %dma_start3A_14 = tpu.memref_slice %arg2[%add3A_12] : memref<180224xi32, #tpu.memory_space<hbm>> -> memref<128xi32, #tpu.memory_space<hbm>>
    tpu.enqueue_dma source(%dma_start3A_14 : memref<128xi32, #tpu.memory_space<hbm>>) target(%arg6 : memref<128xi32, #tpu.memory_space<vmem>>) target_semaphore(%arg11 : memref<!tpu.dma_semaphore, #tpu.memory_space<semaphore_mem>>)
    %add3A_15 = arith.constant 256 : i32
    %add3A_16 = arith.addi %add3A, %add3A_15 : i32
    %dma_start3A_17 = tpu.memref_slice %arg2[%add3A_16] : memref<180224xi32, #tpu.memory_space<hbm>> -> memref<128xi32, #tpu.memory_space<hbm>>
    %dma_start3A_18 = tpu.memref_slice %arg2[%add3A_16] : memref<180224xi32, #tpu.memory_space<hbm>> -> memref<128xi32, #tpu.memory_space<hbm>>
    tpu.enqueue_dma source(%dma_start3A_18 : memref<128xi32, #tpu.memory_space<hbm>>) target(%arg7 : memref<128xi32, #tpu.memory_space<vmem>>) target_semaphore(%arg12 : memref<!tpu.dma_semaphore, #tpu.memory_space<semaphore_mem>>)
    %add3A_19 = arith.constant 128 : i32
    %add3A_20 = arith.addi %add3A_16, %add3A_19 : i32
    %dma_start3A_21 = tpu.memref_slice %arg2[%add3A_20] : memref<180224xi32, #tpu.memory_space<hbm>> -> memref<128xi32, #tpu.memory_space<hbm>>
    %dma_start3A_22 = tpu.memref_slice %arg2[%add3A_20] : memref<180224xi32, #tpu.memory_space<hbm>> -> memref<128xi32, #tpu.memory_space<hbm>>
    tpu.enqueue_dma source(%dma_start3A_22 : memref<128xi32, #tpu.memory_space<hbm>>) target(%arg8 : memref<128xi32, #tpu.memory_space<vmem>>) target_semaphore(%arg12 : memref<!tpu.dma_semaphore, #tpu.memory_space<semaphore_mem>>)
    %dma_wait3A = arith.constant 0 : i32
    %dma_wait3A_23 = tpu.memref_slice %arg2[%dma_wait3A] : memref<180224xi32, #tpu.memory_space<hbm>> -> memref<128xi32, #tpu.memory_space<hbm>>
    %dma_wait3A_24 = arith.constant 0 : i32
    %dma_wait3A_25 = tpu.memref_slice %arg2[%dma_wait3A_24] : memref<180224xi32, #tpu.memory_space<hbm>> -> memref<128xi32, #tpu.memory_space<hbm>>
    tpu.wait_dma2 semaphore(%arg11 : memref<!tpu.dma_semaphore, #tpu.memory_space<semaphore_mem>>) src(%dma_wait3A_25 : memref<128xi32, #tpu.memory_space<hbm>>) dst(%arg5 : memref<128xi32, #tpu.memory_space<vmem>>)
    %dma_wait3A_26 = arith.constant 0 : i32
    %dma_wait3A_27 = tpu.memref_slice %arg2[%dma_wait3A_26] : memref<180224xi32, #tpu.memory_space<hbm>> -> memref<128xi32, #tpu.memory_space<hbm>>
    %dma_wait3A_28 = arith.constant 0 : i32
    %dma_wait3A_29 = tpu.memref_slice %arg2[%dma_wait3A_28] : memref<180224xi32, #tpu.memory_space<hbm>> -> memref<128xi32, #tpu.memory_space<hbm>>
    tpu.wait_dma2 semaphore(%arg11 : memref<!tpu.dma_semaphore, #tpu.memory_space<semaphore_mem>>) src(%dma_wait3A_29 : memref<128xi32, #tpu.memory_space<hbm>>) dst(%arg6 : memref<128xi32, #tpu.memory_space<vmem>>)
    %dma_start3A_30 = arith.constant 0 : i32
    %dma_start3A_31 = arith.constant 0 : i32
    %dma_start3A_32 = tpu.memref_slice %arg9[%dma_start3A_30, %dma_start3A_31] : memref<256x128xf32, #tpu.memory_space<vmem>> -> memref<128x128xf32, #tpu.memory_space<vmem>>
    %dma_start3A_33 = arith.constant 0 : i32
    %dma_start3A_34 = arith.constant 0 : i32
    %dma_start3A_35 = tpu.memref_slice %arg3[%dma_start3A_33, %dma_start3A_34] : memref<174080x128xf32, #tpu.memory_space<hbm>> -> memref<174080x128xf32, #tpu.memory_space<hbm>>
    tpu.enqueue_indirect_dma source(%dma_start3A_35 : memref<174080x128xf32, #tpu.memory_space<hbm>>) target(%dma_start3A_32 : memref<128x128xf32, #tpu.memory_space<vmem>>) offsets(%arg5 : memref<128xi32, #tpu.memory_space<vmem>>) semaphore(%arg13 : memref<!tpu.dma_semaphore, #tpu.memory_space<semaphore_mem>>)
    %dma_start3A_36 = arith.constant 128 : i32
    %dma_start3A_37 = arith.constant 0 : i32
    %dma_start3A_38 = tpu.memref_slice %arg9[%dma_start3A_36, %dma_start3A_37] : memref<256x128xf32, #tpu.memory_space<vmem>> -> memref<128x128xf32, #tpu.memory_space<vmem>>
    %dma_start3A_39 = arith.constant 0 : i32
    %dma_start3A_40 = arith.constant 0 : i32
    %dma_start3A_41 = tpu.memref_slice %arg3[%dma_start3A_39, %dma_start3A_40] : memref<174080x128xf32, #tpu.memory_space<hbm>> -> memref<174080x128xf32, #tpu.memory_space<hbm>>
    tpu.enqueue_indirect_dma source(%dma_start3A_41 : memref<174080x128xf32, #tpu.memory_space<hbm>>) target(%dma_start3A_38 : memref<128x128xf32, #tpu.memory_space<vmem>>) offsets(%arg6 : memref<128xi32, #tpu.memory_space<vmem>>) semaphore(%arg13 : memref<!tpu.dma_semaphore, #tpu.memory_space<semaphore_mem>>)
    %scan3A = arith.constant 0 : i32
    %scan3A_42 = arith.constant 0 : i32
    %scan3A_43 = arith.constant 13 : i32
    %scan3A_44 = arith.addi %scan3A_42, %scan3A_43 : i32
    %scan3A_45 = arith.constant 1 : i32
    scf.for %scan3A_59 = %scan3A_42 to %scan3A_44 step %scan3A_45  : i32 {
      %mul3A_60 = arith.constant 2 : i32
      %mul3A_61 = arith.muli %scan3A_59, %mul3A_60 : i32
      %add3A_62 = arith.constant 0 : i32
      %add3A_63 = arith.addi %mul3A_61, %add3A_62 : i32
      %add3A_64 = arith.constant 1 : i32
      %add3A_65 = arith.addi %add3A_63, %add3A_64 : i32
      %lt3A = arith.cmpi slt, %add3A_65, %select_n3A_7 : i32
      %convert_element_type3A = arith.extui %lt3A : i1 to i32
      %cond3A = arith.constant 0 : i32
      %cond3A_66 = arith.cmpi ne, %convert_element_type3A, %cond3A : i32
      scf.if %cond3A_66 {
        %dma_wait3A_97 = arith.constant 0 : i32
        %dma_wait3A_98 = tpu.memref_slice %arg2[%dma_wait3A_97] : memref<180224xi32, #tpu.memory_space<hbm>> -> memref<128xi32, #tpu.memory_space<hbm>>
        %dma_wait3A_99 = arith.constant 0 : i32
        %dma_wait3A_100 = tpu.memref_slice %arg2[%dma_wait3A_99] : memref<180224xi32, #tpu.memory_space<hbm>> -> memref<128xi32, #tpu.memory_space<hbm>>
        tpu.wait_dma2 semaphore(%arg12 : memref<!tpu.dma_semaphore, #tpu.memory_space<semaphore_mem>>) src(%dma_wait3A_100 : memref<128xi32, #tpu.memory_space<hbm>>) dst(%arg7 : memref<128xi32, #tpu.memory_space<vmem>>)
        %dma_wait3A_101 = arith.constant 0 : i32
        %dma_wait3A_102 = tpu.memref_slice %arg2[%dma_wait3A_101] : memref<180224xi32, #tpu.memory_space<hbm>> -> memref<128xi32, #tpu.memory_space<hbm>>
        %dma_wait3A_103 = arith.constant 0 : i32
        %dma_wait3A_104 = tpu.memref_slice %arg2[%dma_wait3A_103] : memref<180224xi32, #tpu.memory_space<hbm>> -> memref<128xi32, #tpu.memory_space<hbm>>
        tpu.wait_dma2 semaphore(%arg12 : memref<!tpu.dma_semaphore, #tpu.memory_space<semaphore_mem>>) src(%dma_wait3A_104 : memref<128xi32, #tpu.memory_space<hbm>>) dst(%arg8 : memref<128xi32, #tpu.memory_space<vmem>>)
        %ge3A = arith.constant 1 : i32
        %ge3A_105 = arith.cmpi sge, %add3A_63, %ge3A : i32
        %convert_element_type3A_106 = arith.extui %ge3A_105 : i1 to i32
        %cond3A_107 = arith.constant 0 : i32
        %cond3A_108 = arith.cmpi ne, %convert_element_type3A_106, %cond3A_107 : i32
        scf.if %cond3A_108 {
          %dma_wait3A_121 = arith.constant 0 : i32
          %dma_wait3A_122 = arith.constant 0 : i32
          %dma_wait3A_123 = tpu.memref_slice %arg4[%dma_wait3A_121, %dma_wait3A_122] : memref<180224x128xf32, #tpu.memory_space<hbm>> -> memref<256x128xf32, #tpu.memory_space<hbm>>
          %dma_wait3A_124 = arith.constant 0 : i32
          %dma_wait3A_125 = arith.constant 0 : i32
          %dma_wait3A_126 = tpu.memref_slice %arg4[%dma_wait3A_124, %dma_wait3A_125] : memref<180224x128xf32, #tpu.memory_space<hbm>> -> memref<256x128xf32, #tpu.memory_space<hbm>>
          tpu.wait_dma2 semaphore(%arg16 : memref<!tpu.dma_semaphore, #tpu.memory_space<semaphore_mem>>) src(%arg10 : memref<256x128xf32, #tpu.memory_space<vmem>>) dst(%dma_wait3A_126 : memref<256x128xf32, #tpu.memory_space<hbm>>)
        } else {
        }
        %dma_start3A_109 = arith.constant 0 : i32
        %dma_start3A_110 = arith.constant 0 : i32
        %dma_start3A_111 = tpu.memref_slice %arg10[%dma_start3A_109, %dma_start3A_110] : memref<256x128xf32, #tpu.memory_space<vmem>> -> memref<128x128xf32, #tpu.memory_space<vmem>>
        %dma_start3A_112 = arith.constant 0 : i32
        %dma_start3A_113 = arith.constant 0 : i32
        %dma_start3A_114 = tpu.memref_slice %arg3[%dma_start3A_112, %dma_start3A_113] : memref<174080x128xf32, #tpu.memory_space<hbm>> -> memref<174080x128xf32, #tpu.memory_space<hbm>>
        tpu.enqueue_indirect_dma source(%dma_start3A_114 : memref<174080x128xf32, #tpu.memory_space<hbm>>) target(%dma_start3A_111 : memref<128x128xf32, #tpu.memory_space<vmem>>) offsets(%arg7 : memref<128xi32, #tpu.memory_space<vmem>>) semaphore(%arg14 : memref<!tpu.dma_semaphore, #tpu.memory_space<semaphore_mem>>)
        %dma_start3A_115 = arith.constant 128 : i32
        %dma_start3A_116 = arith.constant 0 : i32
        %dma_start3A_117 = tpu.memref_slice %arg10[%dma_start3A_115, %dma_start3A_116] : memref<256x128xf32, #tpu.memory_space<vmem>> -> memref<128x128xf32, #tpu.memory_space<vmem>>
        %dma_start3A_118 = arith.constant 0 : i32
        %dma_start3A_119 = arith.constant 0 : i32
        %dma_start3A_120 = tpu.memref_slice %arg3[%dma_start3A_118, %dma_start3A_119] : memref<174080x128xf32, #tpu.memory_space<hbm>> -> memref<174080x128xf32, #tpu.memory_space<hbm>>
        tpu.enqueue_indirect_dma source(%dma_start3A_120 : memref<174080x128xf32, #tpu.memory_space<hbm>>) target(%dma_start3A_117 : memref<128x128xf32, #tpu.memory_space<vmem>>) offsets(%arg8 : memref<128xi32, #tpu.memory_space<vmem>>) semaphore(%arg14 : memref<!tpu.dma_semaphore, #tpu.memory_space<semaphore_mem>>)
      } else {
      }
      %lt3A_67 = arith.cmpi slt, %add3A_63, %select_n3A_7 : i32
      %convert_element_type3A_68 = arith.extui %lt3A_67 : i1 to i32
      %cond3A_69 = arith.constant 0 : i32
      %cond3A_70 = arith.cmpi ne, %convert_element_type3A_68, %cond3A_69 : i32
      scf.if %cond3A_70 {
        %dma_wait3A_97 = arith.constant 0 : i32
        %dma_wait3A_98 = arith.constant 0 : i32
        %dma_wait3A_99 = tpu.memref_slice %arg9[%dma_wait3A_97, %dma_wait3A_98] : memref<256x128xf32, #tpu.memory_space<vmem>> -> memref<128x128xf32, #tpu.memory_space<vmem>>
        %dma_wait3A_100 = arith.constant 0 : i32
        %dma_wait3A_101 = arith.constant 0 : i32
        %dma_wait3A_102 = tpu.memref_slice %arg3[%dma_wait3A_100, %dma_wait3A_101] : memref<174080x128xf32, #tpu.memory_space<hbm>> -> memref<128x128xf32, #tpu.memory_space<hbm>>
        %dma_wait3A_103 = arith.constant 0 : i32
        %dma_wait3A_104 = arith.constant 0 : i32
        %dma_wait3A_105 = tpu.memref_slice %arg9[%dma_wait3A_103, %dma_wait3A_104] : memref<256x128xf32, #tpu.memory_space<vmem>> -> memref<128x128xf32, #tpu.memory_space<vmem>>
        %dma_wait3A_106 = arith.constant 0 : i32
        %dma_wait3A_107 = arith.constant 0 : i32
        %dma_wait3A_108 = tpu.memref_slice %arg3[%dma_wait3A_106, %dma_wait3A_107] : memref<174080x128xf32, #tpu.memory_space<hbm>> -> memref<128x128xf32, #tpu.memory_space<hbm>>
        tpu.wait_dma2 semaphore(%arg13 : memref<!tpu.dma_semaphore, #tpu.memory_space<semaphore_mem>>) src(%dma_wait3A_108 : memref<128x128xf32, #tpu.memory_space<hbm>>) dst(%dma_wait3A_105 : memref<128x128xf32, #tpu.memory_space<vmem>>)
        %dma_wait3A_109 = arith.constant 128 : i32
        %dma_wait3A_110 = arith.constant 0 : i32
        %dma_wait3A_111 = tpu.memref_slice %arg9[%dma_wait3A_109, %dma_wait3A_110] : memref<256x128xf32, #tpu.memory_space<vmem>> -> memref<128x128xf32, #tpu.memory_space<vmem>>
        %dma_wait3A_112 = arith.constant 0 : i32
        %dma_wait3A_113 = arith.constant 0 : i32
        %dma_wait3A_114 = tpu.memref_slice %arg3[%dma_wait3A_112, %dma_wait3A_113] : memref<174080x128xf32, #tpu.memory_space<hbm>> -> memref<128x128xf32, #tpu.memory_space<hbm>>
        %dma_wait3A_115 = arith.constant 128 : i32
        %dma_wait3A_116 = arith.constant 0 : i32
        %dma_wait3A_117 = tpu.memref_slice %arg9[%dma_wait3A_115, %dma_wait3A_116] : memref<256x128xf32, #tpu.memory_space<vmem>> -> memref<128x128xf32, #tpu.memory_space<vmem>>
        %dma_wait3A_118 = arith.constant 0 : i32
        %dma_wait3A_119 = arith.constant 0 : i32
        %dma_wait3A_120 = tpu.memref_slice %arg3[%dma_wait3A_118, %dma_wait3A_119] : memref<174080x128xf32, #tpu.memory_space<hbm>> -> memref<128x128xf32, #tpu.memory_space<hbm>>
        tpu.wait_dma2 semaphore(%arg13 : memref<!tpu.dma_semaphore, #tpu.memory_space<semaphore_mem>>) src(%dma_wait3A_120 : memref<128x128xf32, #tpu.memory_space<hbm>>) dst(%dma_wait3A_117 : memref<128x128xf32, #tpu.memory_space<vmem>>)
        %mul3A_121 = arith.constant 256 : i32
        %mul3A_122 = arith.muli %add3A_63, %mul3A_121 : i32
        %add3A_123 = arith.addi %add3A, %mul3A_122 : i32
        %dma_start3A_124 = arith.constant 0 : i32
        %dma_start3A_125 = tpu.memref_slice %arg4[%add3A_123, %dma_start3A_124] : memref<180224x128xf32, #tpu.memory_space<hbm>> -> memref<256x128xf32, #tpu.memory_space<hbm>>
        %dma_start3A_126 = arith.constant 0 : i32
        %dma_start3A_127 = tpu.memref_slice %arg4[%add3A_123, %dma_start3A_126] : memref<180224x128xf32, #tpu.memory_space<hbm>> -> memref<256x128xf32, #tpu.memory_space<hbm>>
        tpu.enqueue_dma source(%arg9 : memref<256x128xf32, #tpu.memory_space<vmem>>) target(%dma_start3A_127 : memref<256x128xf32, #tpu.memory_space<hbm>>) target_semaphore(%arg15 : memref<!tpu.dma_semaphore, #tpu.memory_space<semaphore_mem>>)
      } else {
      }
      %add3A_71 = arith.constant 2 : i32
      %add3A_72 = arith.addi %add3A_63, %add3A_71 : i32
      %lt3A_73 = arith.cmpi slt, %add3A_72, %select_n3A_7 : i32
      %convert_element_type3A_74 = arith.extui %lt3A_73 : i1 to i32
      %cond3A_75 = arith.constant 0 : i32
      %cond3A_76 = arith.cmpi ne, %convert_element_type3A_74, %cond3A_75 : i32
      scf.if %cond3A_76 {
        %add3A_97 = arith.constant 2 : i32
        %add3A_98 = arith.addi %add3A_63, %add3A_97 : i32
        %mul3A_99 = arith.constant 256 : i32
        %mul3A_100 = arith.muli %add3A_98, %mul3A_99 : i32
        %add3A_101 = arith.addi %add3A, %mul3A_100 : i32
        %dma_start3A_102 = tpu.memref_slice %arg2[%add3A_101] : memref<180224xi32, #tpu.memory_space<hbm>> -> memref<128xi32, #tpu.memory_space<hbm>>
        %dma_start3A_103 = tpu.memref_slice %arg2[%add3A_101] : memref<180224xi32, #tpu.memory_space<hbm>> -> memref<128xi32, #tpu.memory_space<hbm>>
        tpu.enqueue_dma source(%dma_start3A_103 : memref<128xi32, #tpu.memory_space<hbm>>) target(%arg5 : memref<128xi32, #tpu.memory_space<vmem>>) target_semaphore(%arg11 : memref<!tpu.dma_semaphore, #tpu.memory_space<semaphore_mem>>)
        %add3A_104 = arith.constant 128 : i32
        %add3A_105 = arith.addi %add3A_101, %add3A_104 : i32
        %dma_start3A_106 = tpu.memref_slice %arg2[%add3A_105] : memref<180224xi32, #tpu.memory_space<hbm>> -> memref<128xi32, #tpu.memory_space<hbm>>
        %dma_start3A_107 = tpu.memref_slice %arg2[%add3A_105] : memref<180224xi32, #tpu.memory_space<hbm>> -> memref<128xi32, #tpu.memory_space<hbm>>
        tpu.enqueue_dma source(%dma_start3A_107 : memref<128xi32, #tpu.memory_space<hbm>>) target(%arg6 : memref<128xi32, #tpu.memory_space<vmem>>) target_semaphore(%arg11 : memref<!tpu.dma_semaphore, #tpu.memory_space<semaphore_mem>>)
      } else {
      }
      %mul3A_77 = arith.constant 2 : i32
      %mul3A_78 = arith.muli %scan3A_59, %mul3A_77 : i32
      %add3A_79 = arith.constant 1 : i32
      %add3A_80 = arith.addi %mul3A_78, %add3A_79 : i32
      %add3A_81 = arith.constant 1 : i32
      %add3A_82 = arith.addi %add3A_80, %add3A_81 : i32
      %lt3A_83 = arith.cmpi slt, %add3A_82, %select_n3A_7 : i32
      %convert_element_type3A_84 = arith.extui %lt3A_83 : i1 to i32
      %cond3A_85 = arith.constant 0 : i32
      %cond3A_86 = arith.cmpi ne, %convert_element_type3A_84, %cond3A_85 : i32
      scf.if %cond3A_86 {
        %dma_wait3A_97 = arith.constant 0 : i32
        %dma_wait3A_98 = tpu.memref_slice %arg2[%dma_wait3A_97] : memref<180224xi32, #tpu.memory_space<hbm>> -> memref<128xi32, #tpu.memory_space<hbm>>
        %dma_wait3A_99 = arith.constant 0 : i32
        %dma_wait3A_100 = tpu.memref_slice %arg2[%dma_wait3A_99] : memref<180224xi32, #tpu.memory_space<hbm>> -> memref<128xi32, #tpu.memory_space<hbm>>
        tpu.wait_dma2 semaphore(%arg11 : memref<!tpu.dma_semaphore, #tpu.memory_space<semaphore_mem>>) src(%dma_wait3A_100 : memref<128xi32, #tpu.memory_space<hbm>>) dst(%arg5 : memref<128xi32, #tpu.memory_space<vmem>>)
        %dma_wait3A_101 = arith.constant 0 : i32
        %dma_wait3A_102 = tpu.memref_slice %arg2[%dma_wait3A_101] : memref<180224xi32, #tpu.memory_space<hbm>> -> memref<128xi32, #tpu.memory_space<hbm>>
        %dma_wait3A_103 = arith.constant 0 : i32
        %dma_wait3A_104 = tpu.memref_slice %arg2[%dma_wait3A_103] : memref<180224xi32, #tpu.memory_space<hbm>> -> memref<128xi32, #tpu.memory_space<hbm>>
        tpu.wait_dma2 semaphore(%arg11 : memref<!tpu.dma_semaphore, #tpu.memory_space<semaphore_mem>>) src(%dma_wait3A_104 : memref<128xi32, #tpu.memory_space<hbm>>) dst(%arg6 : memref<128xi32, #tpu.memory_space<vmem>>)
        %ge3A = arith.constant 1 : i32
        %ge3A_105 = arith.cmpi sge, %add3A_80, %ge3A : i32
        %convert_element_type3A_106 = arith.extui %ge3A_105 : i1 to i32
        %cond3A_107 = arith.constant 0 : i32
        %cond3A_108 = arith.cmpi ne, %convert_element_type3A_106, %cond3A_107 : i32
        scf.if %cond3A_108 {
          %dma_wait3A_121 = arith.constant 0 : i32
          %dma_wait3A_122 = arith.constant 0 : i32
          %dma_wait3A_123 = tpu.memref_slice %arg4[%dma_wait3A_121, %dma_wait3A_122] : memref<180224x128xf32, #tpu.memory_space<hbm>> -> memref<256x128xf32, #tpu.memory_space<hbm>>
          %dma_wait3A_124 = arith.constant 0 : i32
          %dma_wait3A_125 = arith.constant 0 : i32
          %dma_wait3A_126 = tpu.memref_slice %arg4[%dma_wait3A_124, %dma_wait3A_125] : memref<180224x128xf32, #tpu.memory_space<hbm>> -> memref<256x128xf32, #tpu.memory_space<hbm>>
          tpu.wait_dma2 semaphore(%arg15 : memref<!tpu.dma_semaphore, #tpu.memory_space<semaphore_mem>>) src(%arg9 : memref<256x128xf32, #tpu.memory_space<vmem>>) dst(%dma_wait3A_126 : memref<256x128xf32, #tpu.memory_space<hbm>>)
        } else {
        }
        %dma_start3A_109 = arith.constant 0 : i32
        %dma_start3A_110 = arith.constant 0 : i32
        %dma_start3A_111 = tpu.memref_slice %arg9[%dma_start3A_109, %dma_start3A_110] : memref<256x128xf32, #tpu.memory_space<vmem>> -> memref<128x128xf32, #tpu.memory_space<vmem>>
        %dma_start3A_112 = arith.constant 0 : i32
        %dma_start3A_113 = arith.constant 0 : i32
        %dma_start3A_114 = tpu.memref_slice %arg3[%dma_start3A_112, %dma_start3A_113] : memref<174080x128xf32, #tpu.memory_space<hbm>> -> memref<174080x128xf32, #tpu.memory_space<hbm>>
        tpu.enqueue_indirect_dma source(%dma_start3A_114 : memref<174080x128xf32, #tpu.memory_space<hbm>>) target(%dma_start3A_111 : memref<128x128xf32, #tpu.memory_space<vmem>>) offsets(%arg5 : memref<128xi32, #tpu.memory_space<vmem>>) semaphore(%arg13 : memref<!tpu.dma_semaphore, #tpu.memory_space<semaphore_mem>>)
        %dma_start3A_115 = arith.constant 128 : i32
        %dma_start3A_116 = arith.constant 0 : i32
        %dma_start3A_117 = tpu.memref_slice %arg9[%dma_start3A_115, %dma_start3A_116] : memref<256x128xf32, #tpu.memory_space<vmem>> -> memref<128x128xf32, #tpu.memory_space<vmem>>
        %dma_start3A_118 = arith.constant 0 : i32
        %dma_start3A_119 = arith.constant 0 : i32
        %dma_start3A_120 = tpu.memref_slice %arg3[%dma_start3A_118, %dma_start3A_119] : memref<174080x128xf32, #tpu.memory_space<hbm>> -> memref<174080x128xf32, #tpu.memory_space<hbm>>
        tpu.enqueue_indirect_dma source(%dma_start3A_120 : memref<174080x128xf32, #tpu.memory_space<hbm>>) target(%dma_start3A_117 : memref<128x128xf32, #tpu.memory_space<vmem>>) offsets(%arg6 : memref<128xi32, #tpu.memory_space<vmem>>) semaphore(%arg13 : memref<!tpu.dma_semaphore, #tpu.memory_space<semaphore_mem>>)
      } else {
      }
      %lt3A_87 = arith.cmpi slt, %add3A_80, %select_n3A_7 : i32
      %convert_element_type3A_88 = arith.extui %lt3A_87 : i1 to i32
      %cond3A_89 = arith.constant 0 : i32
      %cond3A_90 = arith.cmpi ne, %convert_element_type3A_88, %cond3A_89 : i32
      scf.if %cond3A_90 {
        %dma_wait3A_97 = arith.constant 0 : i32
        %dma_wait3A_98 = arith.constant 0 : i32
        %dma_wait3A_99 = tpu.memref_slice %arg10[%dma_wait3A_97, %dma_wait3A_98] : memref<256x128xf32, #tpu.memory_space<vmem>> -> memref<128x128xf32, #tpu.memory_space<vmem>>
        %dma_wait3A_100 = arith.constant 0 : i32
        %dma_wait3A_101 = arith.constant 0 : i32
        %dma_wait3A_102 = tpu.memref_slice %arg3[%dma_wait3A_100, %dma_wait3A_101] : memref<174080x128xf32, #tpu.memory_space<hbm>> -> memref<128x128xf32, #tpu.memory_space<hbm>>
        %dma_wait3A_103 = arith.constant 0 : i32
        %dma_wait3A_104 = arith.constant 0 : i32
        %dma_wait3A_105 = tpu.memref_slice %arg10[%dma_wait3A_103, %dma_wait3A_104] : memref<256x128xf32, #tpu.memory_space<vmem>> -> memref<128x128xf32, #tpu.memory_space<vmem>>
        %dma_wait3A_106 = arith.constant 0 : i32
        %dma_wait3A_107 = arith.constant 0 : i32
        %dma_wait3A_108 = tpu.memref_slice %arg3[%dma_wait3A_106, %dma_wait3A_107] : memref<174080x128xf32, #tpu.memory_space<hbm>> -> memref<128x128xf32, #tpu.memory_space<hbm>>
        tpu.wait_dma2 semaphore(%arg14 : memref<!tpu.dma_semaphore, #tpu.memory_space<semaphore_mem>>) src(%dma_wait3A_108 : memref<128x128xf32, #tpu.memory_space<hbm>>) dst(%dma_wait3A_105 : memref<128x128xf32, #tpu.memory_space<vmem>>)
        %dma_wait3A_109 = arith.constant 128 : i32
        %dma_wait3A_110 = arith.constant 0 : i32
        %dma_wait3A_111 = tpu.memref_slice %arg10[%dma_wait3A_109, %dma_wait3A_110] : memref<256x128xf32, #tpu.memory_space<vmem>> -> memref<128x128xf32, #tpu.memory_space<vmem>>
        %dma_wait3A_112 = arith.constant 0 : i32
        %dma_wait3A_113 = arith.constant 0 : i32
        %dma_wait3A_114 = tpu.memref_slice %arg3[%dma_wait3A_112, %dma_wait3A_113] : memref<174080x128xf32, #tpu.memory_space<hbm>> -> memref<128x128xf32, #tpu.memory_space<hbm>>
        %dma_wait3A_115 = arith.constant 128 : i32
        %dma_wait3A_116 = arith.constant 0 : i32
        %dma_wait3A_117 = tpu.memref_slice %arg10[%dma_wait3A_115, %dma_wait3A_116] : memref<256x128xf32, #tpu.memory_space<vmem>> -> memref<128x128xf32, #tpu.memory_space<vmem>>
        %dma_wait3A_118 = arith.constant 0 : i32
        %dma_wait3A_119 = arith.constant 0 : i32
        %dma_wait3A_120 = tpu.memref_slice %arg3[%dma_wait3A_118, %dma_wait3A_119] : memref<174080x128xf32, #tpu.memory_space<hbm>> -> memref<128x128xf32, #tpu.memory_space<hbm>>
        tpu.wait_dma2 semaphore(%arg14 : memref<!tpu.dma_semaphore, #tpu.memory_space<semaphore_mem>>) src(%dma_wait3A_120 : memref<128x128xf32, #tpu.memory_space<hbm>>) dst(%dma_wait3A_117 : memref<128x128xf32, #tpu.memory_space<vmem>>)
        %mul3A_121 = arith.constant 256 : i32
        %mul3A_122 = arith.muli %add3A_80, %mul3A_121 : i32
        %add3A_123 = arith.addi %add3A, %mul3A_122 : i32
        %dma_start3A_124 = arith.constant 0 : i32
        %dma_start3A_125 = tpu.memref_slice %arg4[%add3A_123, %dma_start3A_124] : memref<180224x128xf32, #tpu.memory_space<hbm>> -> memref<256x128xf32, #tpu.memory_space<hbm>>
        %dma_start3A_126 = arith.constant 0 : i32
        %dma_start3A_127 = tpu.memref_slice %arg4[%add3A_123, %dma_start3A_126] : memref<180224x128xf32, #tpu.memory_space<hbm>> -> memref<256x128xf32, #tpu.memory_space<hbm>>
        tpu.enqueue_dma source(%arg10 : memref<256x128xf32, #tpu.memory_space<vmem>>) target(%dma_start3A_127 : memref<256x128xf32, #tpu.memory_space<hbm>>) target_semaphore(%arg16 : memref<!tpu.dma_semaphore, #tpu.memory_space<semaphore_mem>>)
      } else {
      }
      %add3A_91 = arith.constant 2 : i32
      %add3A_92 = arith.addi %add3A_80, %add3A_91 : i32
      %lt3A_93 = arith.cmpi slt, %add3A_92, %select_n3A_7 : i32
      %convert_element_type3A_94 = arith.extui %lt3A_93 : i1 to i32
      %cond3A_95 = arith.constant 0 : i32
      %cond3A_96 = arith.cmpi ne, %convert_element_type3A_94, %cond3A_95 : i32
      scf.if %cond3A_96 {
        %add3A_97 = arith.constant 2 : i32
        %add3A_98 = arith.addi %add3A_80, %add3A_97 : i32
        %mul3A_99 = arith.constant 256 : i32
        %mul3A_100 = arith.muli %add3A_98, %mul3A_99 : i32
        %add3A_101 = arith.addi %add3A, %mul3A_100 : i32
        %dma_start3A_102 = tpu.memref_slice %arg2[%add3A_101] : memref<180224xi32, #tpu.memory_space<hbm>> -> memref<128xi32, #tpu.memory_space<hbm>>
        %dma_start3A_103 = tpu.memref_slice %arg2[%add3A_101] : memref<180224xi32, #tpu.memory_space<hbm>> -> memref<128xi32, #tpu.memory_space<hbm>>
        tpu.enqueue_dma source(%dma_start3A_103 : memref<128xi32, #tpu.memory_space<hbm>>) target(%arg7 : memref<128xi32, #tpu.memory_space<vmem>>) target_semaphore(%arg12 : memref<!tpu.dma_semaphore, #tpu.memory_space<semaphore_mem>>)
        %add3A_104 = arith.constant 128 : i32
        %add3A_105 = arith.addi %add3A_101, %add3A_104 : i32
        %dma_start3A_106 = tpu.memref_slice %arg2[%add3A_105] : memref<180224xi32, #tpu.memory_space<hbm>> -> memref<128xi32, #tpu.memory_space<hbm>>
        %dma_start3A_107 = tpu.memref_slice %arg2[%add3A_105] : memref<180224xi32, #tpu.memory_space<hbm>> -> memref<128xi32, #tpu.memory_space<hbm>>
        tpu.enqueue_dma source(%dma_start3A_107 : memref<128xi32, #tpu.memory_space<hbm>>) target(%arg8 : memref<128xi32, #tpu.memory_space<vmem>>) target_semaphore(%arg12 : memref<!tpu.dma_semaphore, #tpu.memory_space<semaphore_mem>>)
      } else {
      }
    }
    %scan3A_46 = arith.constant 13 : i32
    %dma_wait3A_47 = arith.constant 0 : i32
    %dma_wait3A_48 = arith.constant 0 : i32
    %dma_wait3A_49 = tpu.memref_slice %arg4[%dma_wait3A_47, %dma_wait3A_48] : memref<180224x128xf32, #tpu.memory_space<hbm>> -> memref<256x128xf32, #tpu.memory_space<hbm>>
    %dma_wait3A_50 = arith.constant 0 : i32
    %dma_wait3A_51 = arith.constant 0 : i32
    %dma_wait3A_52 = tpu.memref_slice %arg4[%dma_wait3A_50, %dma_wait3A_51] : memref<180224x128xf32, #tpu.memory_space<hbm>> -> memref<256x128xf32, #tpu.memory_space<hbm>>
    tpu.wait_dma2 semaphore(%arg15 : memref<!tpu.dma_semaphore, #tpu.memory_space<semaphore_mem>>) src(%arg9 : memref<256x128xf32, #tpu.memory_space<vmem>>) dst(%dma_wait3A_52 : memref<256x128xf32, #tpu.memory_space<hbm>>)
    %dma_wait3A_53 = arith.constant 0 : i32
    %dma_wait3A_54 = arith.constant 0 : i32
    %dma_wait3A_55 = tpu.memref_slice %arg4[%dma_wait3A_53, %dma_wait3A_54] : memref<180224x128xf32, #tpu.memory_space<hbm>> -> memref<256x128xf32, #tpu.memory_space<hbm>>
    %dma_wait3A_56 = arith.constant 0 : i32
    %dma_wait3A_57 = arith.constant 0 : i32
    %dma_wait3A_58 = tpu.memref_slice %arg4[%dma_wait3A_56, %dma_wait3A_57] : memref<180224x128xf32, #tpu.memory_space<hbm>> -> memref<256x128xf32, #tpu.memory_space<hbm>>
    tpu.wait_dma2 semaphore(%arg16 : memref<!tpu.dma_semaphore, #tpu.memory_space<semaphore_mem>>) src(%arg10 : memref<256x128xf32, #tpu.memory_space<vmem>>) dst(%dma_wait3A_58 : memref<256x128xf32, #tpu.memory_space<hbm>>)
    return
  }
}

#map = affine_map<(d0, d1) -> (0, 0)>
module attributes {stable_mosaic.version = 14 : i64} {
  func.func @_sort_gather_body(%arg0: i32, %arg1: i32, %arg2: memref<5120x32xi32, #tpu.memory_space<hbm>>, %arg3: memref<10240x128xf32, #tpu.memory_space<hbm>>, %arg4: memref<10240x128xf32, #tpu.memory_space<hbm>>, %arg5: memref<81920x128xf32, #tpu.memory_space<hbm>>, %arg6: memref<81920x128xf32, #tpu.memory_space<hbm>>, %arg7: memref<8x32xi32, #tpu.memory_space<vmem>>, %arg8: memref<8x32xi32, #tpu.memory_space<vmem>>, %arg9: memref<8x32xi32, #tpu.memory_space<vmem>>, %arg10: memref<8x32xi32, #tpu.memory_space<vmem>>, %arg11: memref<128xi32, #tpu.memory_space<vmem>>, %arg12: memref<128xi32, #tpu.memory_space<vmem>>, %arg13: memref<128xi32, #tpu.memory_space<vmem>>, %arg14: memref<128xi32, #tpu.memory_space<vmem>>, %arg15: memref<128x128xf32, #tpu.memory_space<vmem>>, %arg16: memref<128x128xf32, #tpu.memory_space<vmem>>, %arg17: memref<128x128xf32, #tpu.memory_space<vmem>>, %arg18: memref<128x128xf32, #tpu.memory_space<vmem>>, %arg19: memref<!tpu.dma_semaphore, #tpu.memory_space<semaphore_mem>>, %arg20: memref<!tpu.dma_semaphore, #tpu.memory_space<semaphore_mem>>, %arg21: memref<!tpu.dma_semaphore, #tpu.memory_space<semaphore_mem>>, %arg22: memref<!tpu.dma_semaphore, #tpu.memory_space<semaphore_mem>>, %arg23: memref<!tpu.dma_semaphore, #tpu.memory_space<semaphore_mem>>, %arg24: memref<!tpu.dma_semaphore, #tpu.memory_space<semaphore_mem>>, %arg25: memref<!tpu.dma_semaphore, #tpu.memory_space<semaphore_mem>>, %arg26: memref<!tpu.dma_semaphore, #tpu.memory_space<semaphore_mem>>, %arg27: memref<!tpu.dma_semaphore, #tpu.memory_space<semaphore_mem>>, %arg28: memref<!tpu.dma_semaphore, #tpu.memory_space<semaphore_mem>>, %arg29: memref<!tpu.dma_semaphore, #tpu.memory_space<semaphore_mem>>, %arg30: memref<!tpu.dma_semaphore, #tpu.memory_space<semaphore_mem>>) attributes {dimension_semantics = [#tpu.dimension_semantics<core_parallel>, #tpu.dimension_semantics<subcore_parallel>], iteration_bounds = array<i64: 2, 16>, scalar_prefetch = 0 : i64, scratch_operands = 24 : i64, tpu.core_type = #tpu.core_type<sc_vector_subcore>, window_params = [{transform_indices = #map}, {transform_indices = #map}, {transform_indices = #map}, {transform_indices = #map}, {transform_indices = #map}]} {
    %mul3A = arith.constant 320 : i32
    %mul3A_0 = arith.muli %arg1, %mul3A : i32
    %eq3A = arith.constant 1 : i32
    %eq3A_1 = arith.cmpi eq, %arg0, %eq3A : i32
    %jit3A = arith.constant 192 : i32
    %jit3A_2 = arith.constant 0 : i32
    %select_n3A = arith.select %eq3A_1, %jit3A, %jit3A_2 : i32
    %add3A = arith.addi %mul3A_0, %select_n3A : i32
    %eq3A_3 = arith.constant 1 : i32
    %eq3A_4 = arith.cmpi eq, %arg0, %eq3A_3 : i32
    %jit3A_5 = arith.constant 16 : i32
    %jit3A_6 = arith.constant 24 : i32
    %select_n3A_7 = arith.select %eq3A_4, %jit3A_5, %jit3A_6 : i32
    %add3A_8 = arith.constant 0 : i32
    %add3A_9 = arith.addi %add3A, %add3A_8 : i32
    %dma_start3A = arith.constant 0 : i32
    %dma_start3A_10 = tpu.memref_slice %arg2[%add3A_9, %dma_start3A] : memref<5120x32xi32, #tpu.memory_space<hbm>> -> memref<8x32xi32, #tpu.memory_space<hbm>>
    %dma_start3A_11 = arith.constant 0 : i32
    %dma_start3A_12 = tpu.memref_slice %arg2[%add3A_9, %dma_start3A_11] : memref<5120x32xi32, #tpu.memory_space<hbm>> -> memref<8x32xi32, #tpu.memory_space<hbm>>
    tpu.enqueue_dma source(%dma_start3A_12 : memref<8x32xi32, #tpu.memory_space<hbm>>) target(%arg7 : memref<8x32xi32, #tpu.memory_space<vmem>>) target_semaphore(%arg19 : memref<!tpu.dma_semaphore, #tpu.memory_space<semaphore_mem>>)
    %add3A_13 = arith.constant 8 : i32
    %add3A_14 = arith.addi %add3A, %add3A_13 : i32
    %dma_start3A_15 = arith.constant 0 : i32
    %dma_start3A_16 = tpu.memref_slice %arg2[%add3A_14, %dma_start3A_15] : memref<5120x32xi32, #tpu.memory_space<hbm>> -> memref<8x32xi32, #tpu.memory_space<hbm>>
    %dma_start3A_17 = arith.constant 0 : i32
    %dma_start3A_18 = tpu.memref_slice %arg2[%add3A_14, %dma_start3A_17] : memref<5120x32xi32, #tpu.memory_space<hbm>> -> memref<8x32xi32, #tpu.memory_space<hbm>>
    tpu.enqueue_dma source(%dma_start3A_18 : memref<8x32xi32, #tpu.memory_space<hbm>>) target(%arg8 : memref<8x32xi32, #tpu.memory_space<vmem>>) target_semaphore(%arg20 : memref<!tpu.dma_semaphore, #tpu.memory_space<semaphore_mem>>)
    %dma_wait3A = arith.constant 0 : i32
    %dma_wait3A_19 = arith.constant 0 : i32
    %dma_wait3A_20 = tpu.memref_slice %arg2[%dma_wait3A, %dma_wait3A_19] : memref<5120x32xi32, #tpu.memory_space<hbm>> -> memref<8x32xi32, #tpu.memory_space<hbm>>
    %dma_wait3A_21 = arith.constant 0 : i32
    %dma_wait3A_22 = arith.constant 0 : i32
    %dma_wait3A_23 = tpu.memref_slice %arg2[%dma_wait3A_21, %dma_wait3A_22] : memref<5120x32xi32, #tpu.memory_space<hbm>> -> memref<8x32xi32, #tpu.memory_space<hbm>>
    tpu.wait_dma2 semaphore(%arg19 : memref<!tpu.dma_semaphore, #tpu.memory_space<semaphore_mem>>) src(%dma_wait3A_23 : memref<8x32xi32, #tpu.memory_space<hbm>>) dst(%arg7 : memref<8x32xi32, #tpu.memory_space<vmem>>)
    %get3A = arith.constant 0 : i32
    %get3A_24 = arith.index_cast %get3A : i32 to index
    %get3A_25 = arith.constant 0 : index
    %get3A_26 = tpu.vector_load %arg7[%get3A_24, %get3A_25] {strides = array<i32>} : memref<8x32xi32, #tpu.memory_space<vmem>>, vector<16xi32>,
    %bitcast3A = vector.bitcast %get3A_26 : vector<16xi32> to vector<16xf32>
    %get3A_27 = arith.constant 0 : i32
    %get3A_28 = arith.index_cast %get3A_27 : i32 to index
    %get3A_29 = arith.constant 16 : index
    %get3A_30 = tpu.vector_load %arg7[%get3A_28, %get3A_29] {strides = array<i32>} : memref<8x32xi32, #tpu.memory_space<vmem>>, vector<16xi32>,
    %masked_sort3A = arith.constant dense<true> : vector<16xi1>
    %masked_sort3A_31, %masked_sort3A_32, %masked_sort3A_33 = tpu.sort %bitcast3A, %get3A_30 masked %masked_sort3A : (vector<16xf32>, vector<16xi32>, vector<16xi1>) -> (vector<16xi1>, vector<16xf32>, vector<16xi32>)
    %swap3A = arith.constant 0 : index
    %swap3A_34 = tpu.vector_load %arg11[%swap3A] {strides = array<i32>} : memref<128xi32, #tpu.memory_space<vmem>>, vector<16xi32>,
    tpu.vector_store %arg11[%swap3A], %masked_sort3A_33 {strides = array<i32>} : memref<128xi32, #tpu.memory_space<vmem>>, vector<16xi32>,
    %swap3A_35 = arith.constant 0 : index
    %swap3A_36 = tpu.vector_load %arg13[%swap3A_35] {strides = array<i32>} : memref<128xi32, #tpu.memory_space<vmem>>, vector<16xi32>,
    tpu.vector_store %arg13[%swap3A_35], %get3A_30 {strides = array<i32>} : memref<128xi32, #tpu.memory_space<vmem>>, vector<16xi32>,
    %get3A_37 = arith.constant 1 : i32
    %get3A_38 = arith.index_cast %get3A_37 : i32 to index
    %get3A_39 = arith.constant 0 : index
    %get3A_40 = tpu.vector_load %arg7[%get3A_38, %get3A_39] {strides = array<i32>} : memref<8x32xi32, #tpu.memory_space<vmem>>, vector<16xi32>,
    %bitcast3A_41 = vector.bitcast %get3A_40 : vector<16xi32> to vector<16xf32>
    %get3A_42 = arith.constant 1 : i32
    %get3A_43 = arith.index_cast %get3A_42 : i32 to index
    %get3A_44 = arith.constant 16 : index
    %get3A_45 = tpu.vector_load %arg7[%get3A_43, %get3A_44] {strides = array<i32>} : memref<8x32xi32, #tpu.memory_space<vmem>>, vector<16xi32>,
    %masked_sort3A_46 = arith.constant dense<true> : vector<16xi1>
    %masked_sort3A_47, %masked_sort3A_48, %masked_sort3A_49 = tpu.sort %bitcast3A_41, %get3A_45 masked %masked_sort3A_46 : (vector<16xf32>, vector<16xi32>, vector<16xi1>) -> (vector<16xi1>, vector<16xf32>, vector<16xi32>)
    %swap3A_50 = arith.constant 16 : index
    %swap3A_51 = tpu.vector_load %arg11[%swap3A_50] {strides = array<i32>} : memref<128xi32, #tpu.memory_space<vmem>>, vector<16xi32>,
    tpu.vector_store %arg11[%swap3A_50], %masked_sort3A_49 {strides = array<i32>} : memref<128xi32, #tpu.memory_space<vmem>>, vector<16xi32>,
    %swap3A_52 = arith.constant 16 : index
    %swap3A_53 = tpu.vector_load %arg13[%swap3A_52] {strides = array<i32>} : memref<128xi32, #tpu.memory_space<vmem>>, vector<16xi32>,
    tpu.vector_store %arg13[%swap3A_52], %get3A_45 {strides = array<i32>} : memref<128xi32, #tpu.memory_space<vmem>>, vector<16xi32>,
    %get3A_54 = arith.constant 2 : i32
    %get3A_55 = arith.index_cast %get3A_54 : i32 to index
    %get3A_56 = arith.constant 0 : index
    %get3A_57 = tpu.vector_load %arg7[%get3A_55, %get3A_56] {strides = array<i32>} : memref<8x32xi32, #tpu.memory_space<vmem>>, vector<16xi32>,
    %bitcast3A_58 = vector.bitcast %get3A_57 : vector<16xi32> to vector<16xf32>
    %get3A_59 = arith.constant 2 : i32
    %get3A_60 = arith.index_cast %get3A_59 : i32 to index
    %get3A_61 = arith.constant 16 : index
    %get3A_62 = tpu.vector_load %arg7[%get3A_60, %get3A_61] {strides = array<i32>} : memref<8x32xi32, #tpu.memory_space<vmem>>, vector<16xi32>,
    %masked_sort3A_63 = arith.constant dense<true> : vector<16xi1>
    %masked_sort3A_64, %masked_sort3A_65, %masked_sort3A_66 = tpu.sort %bitcast3A_58, %get3A_62 masked %masked_sort3A_63 : (vector<16xf32>, vector<16xi32>, vector<16xi1>) -> (vector<16xi1>, vector<16xf32>, vector<16xi32>)
    %swap3A_67 = arith.constant 32 : index
    %swap3A_68 = tpu.vector_load %arg11[%swap3A_67] {strides = array<i32>} : memref<128xi32, #tpu.memory_space<vmem>>, vector<16xi32>,
    tpu.vector_store %arg11[%swap3A_67], %masked_sort3A_66 {strides = array<i32>} : memref<128xi32, #tpu.memory_space<vmem>>, vector<16xi32>,
    %swap3A_69 = arith.constant 32 : index
    %swap3A_70 = tpu.vector_load %arg13[%swap3A_69] {strides = array<i32>} : memref<128xi32, #tpu.memory_space<vmem>>, vector<16xi32>,
    tpu.vector_store %arg13[%swap3A_69], %get3A_62 {strides = array<i32>} : memref<128xi32, #tpu.memory_space<vmem>>, vector<16xi32>,
    %get3A_71 = arith.constant 3 : i32
    %get3A_72 = arith.index_cast %get3A_71 : i32 to index
    %get3A_73 = arith.constant 0 : index
    %get3A_74 = tpu.vector_load %arg7[%get3A_72, %get3A_73] {strides = array<i32>} : memref<8x32xi32, #tpu.memory_space<vmem>>, vector<16xi32>,
    %bitcast3A_75 = vector.bitcast %get3A_74 : vector<16xi32> to vector<16xf32>
    %get3A_76 = arith.constant 3 : i32
    %get3A_77 = arith.index_cast %get3A_76 : i32 to index
    %get3A_78 = arith.constant 16 : index
    %get3A_79 = tpu.vector_load %arg7[%get3A_77, %get3A_78] {strides = array<i32>} : memref<8x32xi32, #tpu.memory_space<vmem>>, vector<16xi32>,
    %masked_sort3A_80 = arith.constant dense<true> : vector<16xi1>
    %masked_sort3A_81, %masked_sort3A_82, %masked_sort3A_83 = tpu.sort %bitcast3A_75, %get3A_79 masked %masked_sort3A_80 : (vector<16xf32>, vector<16xi32>, vector<16xi1>) -> (vector<16xi1>, vector<16xf32>, vector<16xi32>)
    %swap3A_84 = arith.constant 48 : index
    %swap3A_85 = tpu.vector_load %arg11[%swap3A_84] {strides = array<i32>} : memref<128xi32, #tpu.memory_space<vmem>>, vector<16xi32>,
    tpu.vector_store %arg11[%swap3A_84], %masked_sort3A_83 {strides = array<i32>} : memref<128xi32, #tpu.memory_space<vmem>>, vector<16xi32>,
    %swap3A_86 = arith.constant 48 : index
    %swap3A_87 = tpu.vector_load %arg13[%swap3A_86] {strides = array<i32>} : memref<128xi32, #tpu.memory_space<vmem>>, vector<16xi32>,
    tpu.vector_store %arg13[%swap3A_86], %get3A_79 {strides = array<i32>} : memref<128xi32, #tpu.memory_space<vmem>>, vector<16xi32>,
    %get3A_88 = arith.constant 4 : i32
    %get3A_89 = arith.index_cast %get3A_88 : i32 to index
    %get3A_90 = arith.constant 0 : index
    %get3A_91 = tpu.vector_load %arg7[%get3A_89, %get3A_90] {strides = array<i32>} : memref<8x32xi32, #tpu.memory_space<vmem>>, vector<16xi32>,
    %bitcast3A_92 = vector.bitcast %get3A_91 : vector<16xi32> to vector<16xf32>
    %get3A_93 = arith.constant 4 : i32
    %get3A_94 = arith.index_cast %get3A_93 : i32 to index
    %get3A_95 = arith.constant 16 : index
    %get3A_96 = tpu.vector_load %arg7[%get3A_94, %get3A_95] {strides = array<i32>} : memref<8x32xi32, #tpu.memory_space<vmem>>, vector<16xi32>,
    %masked_sort3A_97 = arith.constant dense<true> : vector<16xi1>
    %masked_sort3A_98, %masked_sort3A_99, %masked_sort3A_100 = tpu.sort %bitcast3A_92, %get3A_96 masked %masked_sort3A_97 : (vector<16xf32>, vector<16xi32>, vector<16xi1>) -> (vector<16xi1>, vector<16xf32>, vector<16xi32>)
    %swap3A_101 = arith.constant 64 : index
    %swap3A_102 = tpu.vector_load %arg11[%swap3A_101] {strides = array<i32>} : memref<128xi32, #tpu.memory_space<vmem>>, vector<16xi32>,
    tpu.vector_store %arg11[%swap3A_101], %masked_sort3A_100 {strides = array<i32>} : memref<128xi32, #tpu.memory_space<vmem>>, vector<16xi32>,
    %swap3A_103 = arith.constant 64 : index
    %swap3A_104 = tpu.vector_load %arg13[%swap3A_103] {strides = array<i32>} : memref<128xi32, #tpu.memory_space<vmem>>, vector<16xi32>,
    tpu.vector_store %arg13[%swap3A_103], %get3A_96 {strides = array<i32>} : memref<128xi32, #tpu.memory_space<vmem>>, vector<16xi32>,
    %get3A_105 = arith.constant 5 : i32
    %get3A_106 = arith.index_cast %get3A_105 : i32 to index
    %get3A_107 = arith.constant 0 : index
    %get3A_108 = tpu.vector_load %arg7[%get3A_106, %get3A_107] {strides = array<i32>} : memref<8x32xi32, #tpu.memory_space<vmem>>, vector<16xi32>,
    %bitcast3A_109 = vector.bitcast %get3A_108 : vector<16xi32> to vector<16xf32>
    %get3A_110 = arith.constant 5 : i32
    %get3A_111 = arith.index_cast %get3A_110 : i32 to index
    %get3A_112 = arith.constant 16 : index
    %get3A_113 = tpu.vector_load %arg7[%get3A_111, %get3A_112] {strides = array<i32>} : memref<8x32xi32, #tpu.memory_space<vmem>>, vector<16xi32>,
    %masked_sort3A_114 = arith.constant dense<true> : vector<16xi1>
    %masked_sort3A_115, %masked_sort3A_116, %masked_sort3A_117 = tpu.sort %bitcast3A_109, %get3A_113 masked %masked_sort3A_114 : (vector<16xf32>, vector<16xi32>, vector<16xi1>) -> (vector<16xi1>, vector<16xf32>, vector<16xi32>)
    %swap3A_118 = arith.constant 80 : index
    %swap3A_119 = tpu.vector_load %arg11[%swap3A_118] {strides = array<i32>} : memref<128xi32, #tpu.memory_space<vmem>>, vector<16xi32>,
    tpu.vector_store %arg11[%swap3A_118], %masked_sort3A_117 {strides = array<i32>} : memref<128xi32, #tpu.memory_space<vmem>>, vector<16xi32>,
    %swap3A_120 = arith.constant 80 : index
    %swap3A_121 = tpu.vector_load %arg13[%swap3A_120] {strides = array<i32>} : memref<128xi32, #tpu.memory_space<vmem>>, vector<16xi32>,
    tpu.vector_store %arg13[%swap3A_120], %get3A_113 {strides = array<i32>} : memref<128xi32, #tpu.memory_space<vmem>>, vector<16xi32>,
    %get3A_122 = arith.constant 6 : i32
    %get3A_123 = arith.index_cast %get3A_122 : i32 to index
    %get3A_124 = arith.constant 0 : index
    %get3A_125 = tpu.vector_load %arg7[%get3A_123, %get3A_124] {strides = array<i32>} : memref<8x32xi32, #tpu.memory_space<vmem>>, vector<16xi32>,
    %bitcast3A_126 = vector.bitcast %get3A_125 : vector<16xi32> to vector<16xf32>
    %get3A_127 = arith.constant 6 : i32
    %get3A_128 = arith.index_cast %get3A_127 : i32 to index
    %get3A_129 = arith.constant 16 : index
    %get3A_130 = tpu.vector_load %arg7[%get3A_128, %get3A_129] {strides = array<i32>} : memref<8x32xi32, #tpu.memory_space<vmem>>, vector<16xi32>,
    %masked_sort3A_131 = arith.constant dense<true> : vector<16xi1>
    %masked_sort3A_132, %masked_sort3A_133, %masked_sort3A_134 = tpu.sort %bitcast3A_126, %get3A_130 masked %masked_sort3A_131 : (vector<16xf32>, vector<16xi32>, vector<16xi1>) -> (vector<16xi1>, vector<16xf32>, vector<16xi32>)
    %swap3A_135 = arith.constant 96 : index
    %swap3A_136 = tpu.vector_load %arg11[%swap3A_135] {strides = array<i32>} : memref<128xi32, #tpu.memory_space<vmem>>, vector<16xi32>,
    tpu.vector_store %arg11[%swap3A_135], %masked_sort3A_134 {strides = array<i32>} : memref<128xi32, #tpu.memory_space<vmem>>, vector<16xi32>,
    %swap3A_137 = arith.constant 96 : index
    %swap3A_138 = tpu.vector_load %arg13[%swap3A_137] {strides = array<i32>} : memref<128xi32, #tpu.memory_space<vmem>>, vector<16xi32>,
    tpu.vector_store %arg13[%swap3A_137], %get3A_130 {strides = array<i32>} : memref<128xi32, #tpu.memory_space<vmem>>, vector<16xi32>,
    %get3A_139 = arith.constant 7 : i32
    %get3A_140 = arith.index_cast %get3A_139 : i32 to index
    %get3A_141 = arith.constant 0 : index
    %get3A_142 = tpu.vector_load %arg7[%get3A_140, %get3A_141] {strides = array<i32>} : memref<8x32xi32, #tpu.memory_space<vmem>>, vector<16xi32>,
    %bitcast3A_143 = vector.bitcast %get3A_142 : vector<16xi32> to vector<16xf32>
    %get3A_144 = arith.constant 7 : i32
    %get3A_145 = arith.index_cast %get3A_144 : i32 to index
    %get3A_146 = arith.constant 16 : index
    %get3A_147 = tpu.vector_load %arg7[%get3A_145, %get3A_146] {strides = array<i32>} : memref<8x32xi32, #tpu.memory_space<vmem>>, vector<16xi32>,
    %masked_sort3A_148 = arith.constant dense<true> : vector<16xi1>
    %masked_sort3A_149, %masked_sort3A_150, %masked_sort3A_151 = tpu.sort %bitcast3A_143, %get3A_147 masked %masked_sort3A_148 : (vector<16xf32>, vector<16xi32>, vector<16xi1>) -> (vector<16xi1>, vector<16xf32>, vector<16xi32>)
    %swap3A_152 = arith.constant 112 : index
    %swap3A_153 = tpu.vector_load %arg11[%swap3A_152] {strides = array<i32>} : memref<128xi32, #tpu.memory_space<vmem>>, vector<16xi32>,
    tpu.vector_store %arg11[%swap3A_152], %masked_sort3A_151 {strides = array<i32>} : memref<128xi32, #tpu.memory_space<vmem>>, vector<16xi32>,
    %swap3A_154 = arith.constant 112 : index
    %swap3A_155 = tpu.vector_load %arg13[%swap3A_154] {strides = array<i32>} : memref<128xi32, #tpu.memory_space<vmem>>, vector<16xi32>,
    tpu.vector_store %arg13[%swap3A_154], %get3A_147 {strides = array<i32>} : memref<128xi32, #tpu.memory_space<vmem>>, vector<16xi32>,
    %dma_start3A_156 = arith.constant 0 : i32
    %dma_start3A_157 = arith.constant 0 : i32
    %dma_start3A_158 = tpu.memref_slice %arg3[%dma_start3A_156, %dma_start3A_157] : memref<10240x128xf32, #tpu.memory_space<hbm>> -> memref<10240x128xf32, #tpu.memory_space<hbm>>
    tpu.enqueue_indirect_dma source(%dma_start3A_158 : memref<10240x128xf32, #tpu.memory_space<hbm>>) target(%arg15 : memref<128x128xf32, #tpu.memory_space<vmem>>) offsets(%arg11 : memref<128xi32, #tpu.memory_space<vmem>>) semaphore(%arg23 : memref<!tpu.dma_semaphore, #tpu.memory_space<semaphore_mem>>)
    %dma_start3A_159 = arith.constant 0 : i32
    %dma_start3A_160 = arith.constant 0 : i32
    %dma_start3A_161 = tpu.memref_slice %arg4[%dma_start3A_159, %dma_start3A_160] : memref<10240x128xf32, #tpu.memory_space<hbm>> -> memref<10240x128xf32, #tpu.memory_space<hbm>>
    tpu.enqueue_indirect_dma source(%dma_start3A_161 : memref<10240x128xf32, #tpu.memory_space<hbm>>) target(%arg17 : memref<128x128xf32, #tpu.memory_space<vmem>>) offsets(%arg13 : memref<128xi32, #tpu.memory_space<vmem>>) semaphore(%arg25 : memref<!tpu.dma_semaphore, #tpu.memory_space<semaphore_mem>>)
    %scan3A = arith.constant 0 : i32
    %scan3A_162 = arith.constant 0 : i32
    %scan3A_163 = arith.constant 6 : i32
    %scan3A_164 = arith.addi %scan3A_162, %scan3A_163 : i32
    %scan3A_165 = arith.constant 1 : i32
    scf.for %scan3A_191 = %scan3A_162 to %scan3A_164 step %scan3A_165  : i32 {
      %mul3A_192 = arith.constant 4 : i32
      %mul3A_193 = arith.muli %scan3A_191, %mul3A_192 : i32
      %add3A_194 = arith.constant 0 : i32
      %add3A_195 = arith.addi %mul3A_193, %add3A_194 : i32
      %add3A_196 = arith.constant 2 : i32
      %add3A_197 = arith.addi %add3A_195, %add3A_196 : i32
      %lt3A = arith.cmpi slt, %add3A_197, %select_n3A_7 : i32
      %convert_element_type3A = arith.extui %lt3A : i1 to i32
      %cond3A = arith.constant 0 : i32
      %cond3A_198 = arith.cmpi ne, %convert_element_type3A, %cond3A : i32
      scf.if %cond3A_198 {
        %add3A_269 = arith.constant 2 : i32
        %add3A_270 = arith.addi %add3A_195, %add3A_269 : i32
        %mul3A_271 = arith.constant 8 : i32
        %mul3A_272 = arith.muli %add3A_270, %mul3A_271 : i32
        %add3A_273 = arith.addi %add3A, %mul3A_272 : i32
        %dma_start3A_274 = arith.constant 0 : i32
        %dma_start3A_275 = tpu.memref_slice %arg2[%add3A_273, %dma_start3A_274] : memref<5120x32xi32, #tpu.memory_space<hbm>> -> memref<8x32xi32, #tpu.memory_space<hbm>>
        %dma_start3A_276 = arith.constant 0 : i32
        %dma_start3A_277 = tpu.memref_slice %arg2[%add3A_273, %dma_start3A_276] : memref<5120x32xi32, #tpu.memory_space<hbm>> -> memref<8x32xi32, #tpu.memory_space<hbm>>
        tpu.enqueue_dma source(%dma_start3A_277 : memref<8x32xi32, #tpu.memory_space<hbm>>) target(%arg9 : memref<8x32xi32, #tpu.memory_space<vmem>>) target_semaphore(%arg21 : memref<!tpu.dma_semaphore, #tpu.memory_space<semaphore_mem>>)
      } else {
      }
      %add3A_199 = arith.constant 1 : i32
      %add3A_200 = arith.addi %add3A_195, %add3A_199 : i32
      %lt3A_201 = arith.cmpi slt, %add3A_200, %select_n3A_7 : i32
      %convert_element_type3A_202 = arith.extui %lt3A_201 : i1 to i32
      %cond3A_203 = arith.constant 0 : i32
      %cond3A_204 = arith.cmpi ne, %convert_element_type3A_202, %cond3A_203 : i32
      scf.if %cond3A_204 {
        %dma_wait3A_269 = arith.constant 0 : i32
        %dma_wait3A_270 = arith.constant 0 : i32
        %dma_wait3A_271 = tpu.memref_slice %arg2[%dma_wait3A_269, %dma_wait3A_270] : memref<5120x32xi32, #tpu.memory_space<hbm>> -> memref<8x32xi32, #tpu.memory_space<hbm>>
        %dma_wait3A_272 = arith.constant 0 : i32
        %dma_wait3A_273 = arith.constant 0 : i32
        %dma_wait3A_274 = tpu.memref_slice %arg2[%dma_wait3A_272, %dma_wait3A_273] : memref<5120x32xi32, #tpu.memory_space<hbm>> -> memref<8x32xi32, #tpu.memory_space<hbm>>
        tpu.wait_dma2 semaphore(%arg20 : memref<!tpu.dma_semaphore, #tpu.memory_space<semaphore_mem>>) src(%dma_wait3A_274 : memref<8x32xi32, #tpu.memory_space<hbm>>) dst(%arg8 : memref<8x32xi32, #tpu.memory_space<vmem>>)
        %get3A_275 = arith.constant 0 : i32
        %get3A_276 = arith.index_cast %get3A_275 : i32 to index
        %get3A_277 = arith.constant 0 : index
        %get3A_278 = tpu.vector_load %arg8[%get3A_276, %get3A_277] {strides = array<i32>} : memref<8x32xi32, #tpu.memory_space<vmem>>, vector<16xi32>,
        %bitcast3A_279 = vector.bitcast %get3A_278 : vector<16xi32> to vector<16xf32>
        %get3A_280 = arith.constant 0 : i32
        %get3A_281 = arith.index_cast %get3A_280 : i32 to index
        %get3A_282 = arith.constant 16 : index
        %get3A_283 = tpu.vector_load %arg8[%get3A_281, %get3A_282] {strides = array<i32>} : memref<8x32xi32, #tpu.memory_space<vmem>>, vector<16xi32>,
        %masked_sort3A_284 = arith.constant dense<true> : vector<16xi1>
        %masked_sort3A_285, %masked_sort3A_286, %masked_sort3A_287 = tpu.sort %bitcast3A_279, %get3A_283 masked %masked_sort3A_284 : (vector<16xf32>, vector<16xi32>, vector<16xi1>) -> (vector<16xi1>, vector<16xf32>, vector<16xi32>)
        %swap3A_288 = arith.constant 0 : index
        %swap3A_289 = tpu.vector_load %arg12[%swap3A_288] {strides = array<i32>} : memref<128xi32, #tpu.memory_space<vmem>>, vector<16xi32>,
        tpu.vector_store %arg12[%swap3A_288], %masked_sort3A_287 {strides = array<i32>} : memref<128xi32, #tpu.memory_space<vmem>>, vector<16xi32>,
        %swap3A_290 = arith.constant 0 : index
        %swap3A_291 = tpu.vector_load %arg14[%swap3A_290] {strides = array<i32>} : memref<128xi32, #tpu.memory_space<vmem>>, vector<16xi32>,
        tpu.vector_store %arg14[%swap3A_290], %get3A_283 {strides = array<i32>} : memref<128xi32, #tpu.memory_space<vmem>>, vector<16xi32>,
        %get3A_292 = arith.constant 1 : i32
        %get3A_293 = arith.index_cast %get3A_292 : i32 to index
        %get3A_294 = arith.constant 0 : index
        %get3A_295 = tpu.vector_load %arg8[%get3A_293, %get3A_294] {strides = array<i32>} : memref<8x32xi32, #tpu.memory_space<vmem>>, vector<16xi32>,
        %bitcast3A_296 = vector.bitcast %get3A_295 : vector<16xi32> to vector<16xf32>
        %get3A_297 = arith.constant 1 : i32
        %get3A_298 = arith.index_cast %get3A_297 : i32 to index
        %get3A_299 = arith.constant 16 : index
        %get3A_300 = tpu.vector_load %arg8[%get3A_298, %get3A_299] {strides = array<i32>} : memref<8x32xi32, #tpu.memory_space<vmem>>, vector<16xi32>,
        %masked_sort3A_301 = arith.constant dense<true> : vector<16xi1>
        %masked_sort3A_302, %masked_sort3A_303, %masked_sort3A_304 = tpu.sort %bitcast3A_296, %get3A_300 masked %masked_sort3A_301 : (vector<16xf32>, vector<16xi32>, vector<16xi1>) -> (vector<16xi1>, vector<16xf32>, vector<16xi32>)
        %swap3A_305 = arith.constant 16 : index
        %swap3A_306 = tpu.vector_load %arg12[%swap3A_305] {strides = array<i32>} : memref<128xi32, #tpu.memory_space<vmem>>, vector<16xi32>,
        tpu.vector_store %arg12[%swap3A_305], %masked_sort3A_304 {strides = array<i32>} : memref<128xi32, #tpu.memory_space<vmem>>, vector<16xi32>,
        %swap3A_307 = arith.constant 16 : index
        %swap3A_308 = tpu.vector_load %arg14[%swap3A_307] {strides = array<i32>} : memref<128xi32, #tpu.memory_space<vmem>>, vector<16xi32>,
        tpu.vector_store %arg14[%swap3A_307], %get3A_300 {strides = array<i32>} : memref<128xi32, #tpu.memory_space<vmem>>, vector<16xi32>,
        %get3A_309 = arith.constant 2 : i32
        %get3A_310 = arith.index_cast %get3A_309 : i32 to index
        %get3A_311 = arith.constant 0 : index
        %get3A_312 = tpu.vector_load %arg8[%get3A_310, %get3A_311] {strides = array<i32>} : memref<8x32xi32, #tpu.memory_space<vmem>>, vector<16xi32>,
        %bitcast3A_313 = vector.bitcast %get3A_312 : vector<16xi32> to vector<16xf32>
        %get3A_314 = arith.constant 2 : i32
        %get3A_315 = arith.index_cast %get3A_314 : i32 to index
        %get3A_316 = arith.constant 16 : index
        %get3A_317 = tpu.vector_load %arg8[%get3A_315, %get3A_316] {strides = array<i32>} : memref<8x32xi32, #tpu.memory_space<vmem>>, vector<16xi32>,
        %masked_sort3A_318 = arith.constant dense<true> : vector<16xi1>
        %masked_sort3A_319, %masked_sort3A_320, %masked_sort3A_321 = tpu.sort %bitcast3A_313, %get3A_317 masked %masked_sort3A_318 : (vector<16xf32>, vector<16xi32>, vector<16xi1>) -> (vector<16xi1>, vector<16xf32>, vector<16xi32>)
        %swap3A_322 = arith.constant 32 : index
        %swap3A_323 = tpu.vector_load %arg12[%swap3A_322] {strides = array<i32>} : memref<128xi32, #tpu.memory_space<vmem>>, vector<16xi32>,
        tpu.vector_store %arg12[%swap3A_322], %masked_sort3A_321 {strides = array<i32>} : memref<128xi32, #tpu.memory_space<vmem>>, vector<16xi32>,
        %swap3A_324 = arith.constant 32 : index
        %swap3A_325 = tpu.vector_load %arg14[%swap3A_324] {strides = array<i32>} : memref<128xi32, #tpu.memory_space<vmem>>, vector<16xi32>,
        tpu.vector_store %arg14[%swap3A_324], %get3A_317 {strides = array<i32>} : memref<128xi32, #tpu.memory_space<vmem>>, vector<16xi32>,
        %get3A_326 = arith.constant 3 : i32
        %get3A_327 = arith.index_cast %get3A_326 : i32 to index
        %get3A_328 = arith.constant 0 : index
        %get3A_329 = tpu.vector_load %arg8[%get3A_327, %get3A_328] {strides = array<i32>} : memref<8x32xi32, #tpu.memory_space<vmem>>, vector<16xi32>,
        %bitcast3A_330 = vector.bitcast %get3A_329 : vector<16xi32> to vector<16xf32>
        %get3A_331 = arith.constant 3 : i32
        %get3A_332 = arith.index_cast %get3A_331 : i32 to index
        %get3A_333 = arith.constant 16 : index
        %get3A_334 = tpu.vector_load %arg8[%get3A_332, %get3A_333] {strides = array<i32>} : memref<8x32xi32, #tpu.memory_space<vmem>>, vector<16xi32>,
        %masked_sort3A_335 = arith.constant dense<true> : vector<16xi1>
        %masked_sort3A_336, %masked_sort3A_337, %masked_sort3A_338 = tpu.sort %bitcast3A_330, %get3A_334 masked %masked_sort3A_335 : (vector<16xf32>, vector<16xi32>, vector<16xi1>) -> (vector<16xi1>, vector<16xf32>, vector<16xi32>)
        %swap3A_339 = arith.constant 48 : index
        %swap3A_340 = tpu.vector_load %arg12[%swap3A_339] {strides = array<i32>} : memref<128xi32, #tpu.memory_space<vmem>>, vector<16xi32>,
        tpu.vector_store %arg12[%swap3A_339], %masked_sort3A_338 {strides = array<i32>} : memref<128xi32, #tpu.memory_space<vmem>>, vector<16xi32>,
        %swap3A_341 = arith.constant 48 : index
        %swap3A_342 = tpu.vector_load %arg14[%swap3A_341] {strides = array<i32>} : memref<128xi32, #tpu.memory_space<vmem>>, vector<16xi32>,
        tpu.vector_store %arg14[%swap3A_341], %get3A_334 {strides = array<i32>} : memref<128xi32, #tpu.memory_space<vmem>>, vector<16xi32>,
        %get3A_343 = arith.constant 4 : i32
        %get3A_344 = arith.index_cast %get3A_343 : i32 to index
        %get3A_345 = arith.constant 0 : index
        %get3A_346 = tpu.vector_load %arg8[%get3A_344, %get3A_345] {strides = array<i32>} : memref<8x32xi32, #tpu.memory_space<vmem>>, vector<16xi32>,
        %bitcast3A_347 = vector.bitcast %get3A_346 : vector<16xi32> to vector<16xf32>
        %get3A_348 = arith.constant 4 : i32
        %get3A_349 = arith.index_cast %get3A_348 : i32 to index
        %get3A_350 = arith.constant 16 : index
        %get3A_351 = tpu.vector_load %arg8[%get3A_349, %get3A_350] {strides = array<i32>} : memref<8x32xi32, #tpu.memory_space<vmem>>, vector<16xi32>,
        %masked_sort3A_352 = arith.constant dense<true> : vector<16xi1>
        %masked_sort3A_353, %masked_sort3A_354, %masked_sort3A_355 = tpu.sort %bitcast3A_347, %get3A_351 masked %masked_sort3A_352 : (vector<16xf32>, vector<16xi32>, vector<16xi1>) -> (vector<16xi1>, vector<16xf32>, vector<16xi32>)
        %swap3A_356 = arith.constant 64 : index
        %swap3A_357 = tpu.vector_load %arg12[%swap3A_356] {strides = array<i32>} : memref<128xi32, #tpu.memory_space<vmem>>, vector<16xi32>,
        tpu.vector_store %arg12[%swap3A_356], %masked_sort3A_355 {strides = array<i32>} : memref<128xi32, #tpu.memory_space<vmem>>, vector<16xi32>,
        %swap3A_358 = arith.constant 64 : index
        %swap3A_359 = tpu.vector_load %arg14[%swap3A_358] {strides = array<i32>} : memref<128xi32, #tpu.memory_space<vmem>>, vector<16xi32>,
        tpu.vector_store %arg14[%swap3A_358], %get3A_351 {strides = array<i32>} : memref<128xi32, #tpu.memory_space<vmem>>, vector<16xi32>,
        %get3A_360 = arith.constant 5 : i32
        %get3A_361 = arith.index_cast %get3A_360 : i32 to index
        %get3A_362 = arith.constant 0 : index
        %get3A_363 = tpu.vector_load %arg8[%get3A_361, %get3A_362] {strides = array<i32>} : memref<8x32xi32, #tpu.memory_space<vmem>>, vector<16xi32>,
        %bitcast3A_364 = vector.bitcast %get3A_363 : vector<16xi32> to vector<16xf32>
        %get3A_365 = arith.constant 5 : i32
        %get3A_366 = arith.index_cast %get3A_365 : i32 to index
        %get3A_367 = arith.constant 16 : index
        %get3A_368 = tpu.vector_load %arg8[%get3A_366, %get3A_367] {strides = array<i32>} : memref<8x32xi32, #tpu.memory_space<vmem>>, vector<16xi32>,
        %masked_sort3A_369 = arith.constant dense<true> : vector<16xi1>
        %masked_sort3A_370, %masked_sort3A_371, %masked_sort3A_372 = tpu.sort %bitcast3A_364, %get3A_368 masked %masked_sort3A_369 : (vector<16xf32>, vector<16xi32>, vector<16xi1>) -> (vector<16xi1>, vector<16xf32>, vector<16xi32>)
        %swap3A_373 = arith.constant 80 : index
        %swap3A_374 = tpu.vector_load %arg12[%swap3A_373] {strides = array<i32>} : memref<128xi32, #tpu.memory_space<vmem>>, vector<16xi32>,
        tpu.vector_store %arg12[%swap3A_373], %masked_sort3A_372 {strides = array<i32>} : memref<128xi32, #tpu.memory_space<vmem>>, vector<16xi32>,
        %swap3A_375 = arith.constant 80 : index
        %swap3A_376 = tpu.vector_load %arg14[%swap3A_375] {strides = array<i32>} : memref<128xi32, #tpu.memory_space<vmem>>, vector<16xi32>,
        tpu.vector_store %arg14[%swap3A_375], %get3A_368 {strides = array<i32>} : memref<128xi32, #tpu.memory_space<vmem>>, vector<16xi32>,
        %get3A_377 = arith.constant 6 : i32
        %get3A_378 = arith.index_cast %get3A_377 : i32 to index
        %get3A_379 = arith.constant 0 : index
        %get3A_380 = tpu.vector_load %arg8[%get3A_378, %get3A_379] {strides = array<i32>} : memref<8x32xi32, #tpu.memory_space<vmem>>, vector<16xi32>,
        %bitcast3A_381 = vector.bitcast %get3A_380 : vector<16xi32> to vector<16xf32>
        %get3A_382 = arith.constant 6 : i32
        %get3A_383 = arith.index_cast %get3A_382 : i32 to index
        %get3A_384 = arith.constant 16 : index
        %get3A_385 = tpu.vector_load %arg8[%get3A_383, %get3A_384] {strides = array<i32>} : memref<8x32xi32, #tpu.memory_space<vmem>>, vector<16xi32>,
        %masked_sort3A_386 = arith.constant dense<true> : vector<16xi1>
        %masked_sort3A_387, %masked_sort3A_388, %masked_sort3A_389 = tpu.sort %bitcast3A_381, %get3A_385 masked %masked_sort3A_386 : (vector<16xf32>, vector<16xi32>, vector<16xi1>) -> (vector<16xi1>, vector<16xf32>, vector<16xi32>)
        %swap3A_390 = arith.constant 96 : index
        %swap3A_391 = tpu.vector_load %arg12[%swap3A_390] {strides = array<i32>} : memref<128xi32, #tpu.memory_space<vmem>>, vector<16xi32>,
        tpu.vector_store %arg12[%swap3A_390], %masked_sort3A_389 {strides = array<i32>} : memref<128xi32, #tpu.memory_space<vmem>>, vector<16xi32>,
        %swap3A_392 = arith.constant 96 : index
        %swap3A_393 = tpu.vector_load %arg14[%swap3A_392] {strides = array<i32>} : memref<128xi32, #tpu.memory_space<vmem>>, vector<16xi32>,
        tpu.vector_store %arg14[%swap3A_392], %get3A_385 {strides = array<i32>} : memref<128xi32, #tpu.memory_space<vmem>>, vector<16xi32>,
        %get3A_394 = arith.constant 7 : i32
        %get3A_395 = arith.index_cast %get3A_394 : i32 to index
        %get3A_396 = arith.constant 0 : index
        %get3A_397 = tpu.vector_load %arg8[%get3A_395, %get3A_396] {strides = array<i32>} : memref<8x32xi32, #tpu.memory_space<vmem>>, vector<16xi32>,
        %bitcast3A_398 = vector.bitcast %get3A_397 : vector<16xi32> to vector<16xf32>
        %get3A_399 = arith.constant 7 : i32
        %get3A_400 = arith.index_cast %get3A_399 : i32 to index
        %get3A_401 = arith.constant 16 : index
        %get3A_402 = tpu.vector_load %arg8[%get3A_400, %get3A_401] {strides = array<i32>} : memref<8x32xi32, #tpu.memory_space<vmem>>, vector<16xi32>,
        %masked_sort3A_403 = arith.constant dense<true> : vector<16xi1>
        %masked_sort3A_404, %masked_sort3A_405, %masked_sort3A_406 = tpu.sort %bitcast3A_398, %get3A_402 masked %masked_sort3A_403 : (vector<16xf32>, vector<16xi32>, vector<16xi1>) -> (vector<16xi1>, vector<16xf32>, vector<16xi32>)
        %swap3A_407 = arith.constant 112 : index
        %swap3A_408 = tpu.vector_load %arg12[%swap3A_407] {strides = array<i32>} : memref<128xi32, #tpu.memory_space<vmem>>, vector<16xi32>,
        tpu.vector_store %arg12[%swap3A_407], %masked_sort3A_406 {strides = array<i32>} : memref<128xi32, #tpu.memory_space<vmem>>, vector<16xi32>,
        %swap3A_409 = arith.constant 112 : index
        %swap3A_410 = tpu.vector_load %arg14[%swap3A_409] {strides = array<i32>} : memref<128xi32, #tpu.memory_space<vmem>>, vector<16xi32>,
        tpu.vector_store %arg14[%swap3A_409], %get3A_402 {strides = array<i32>} : memref<128xi32, #tpu.memory_space<vmem>>, vector<16xi32>,
        %ge3A = arith.constant 1 : i32
        %ge3A_411 = arith.cmpi sge, %add3A_195, %ge3A : i32
        %convert_element_type3A_412 = arith.extui %ge3A_411 : i1 to i32
        %cond3A_413 = arith.constant 0 : i32
        %cond3A_414 = arith.cmpi ne, %convert_element_type3A_412, %cond3A_413 : i32
        scf.if %cond3A_414 {
          %dma_wait3A_421 = arith.constant 0 : i32
          %dma_wait3A_422 = arith.constant 0 : i32
          %dma_wait3A_423 = tpu.memref_slice %arg5[%dma_wait3A_421, %dma_wait3A_422] : memref<81920x128xf32, #tpu.memory_space<hbm>> -> memref<128x128xf32, #tpu.memory_space<hbm>>
          %dma_wait3A_424 = arith.constant 0 : i32
          %dma_wait3A_425 = arith.constant 0 : i32
          %dma_wait3A_426 = tpu.memref_slice %arg5[%dma_wait3A_424, %dma_wait3A_425] : memref<81920x128xf32, #tpu.memory_space<hbm>> -> memref<128x128xf32, #tpu.memory_space<hbm>>
          tpu.wait_dma2 semaphore(%arg28 : memref<!tpu.dma_semaphore, #tpu.memory_space<semaphore_mem>>) src(%arg16 : memref<128x128xf32, #tpu.memory_space<vmem>>) dst(%dma_wait3A_426 : memref<128x128xf32, #tpu.memory_space<hbm>>)
          %dma_wait3A_427 = arith.constant 0 : i32
          %dma_wait3A_428 = arith.constant 0 : i32
          %dma_wait3A_429 = tpu.memref_slice %arg6[%dma_wait3A_427, %dma_wait3A_428] : memref<81920x128xf32, #tpu.memory_space<hbm>> -> memref<128x128xf32, #tpu.memory_space<hbm>>
          %dma_wait3A_430 = arith.constant 0 : i32
          %dma_wait3A_431 = arith.constant 0 : i32
          %dma_wait3A_432 = tpu.memref_slice %arg6[%dma_wait3A_430, %dma_wait3A_431] : memref<81920x128xf32, #tpu.memory_space<hbm>> -> memref<128x128xf32, #tpu.memory_space<hbm>>
          tpu.wait_dma2 semaphore(%arg30 : memref<!tpu.dma_semaphore, #tpu.memory_space<semaphore_mem>>) src(%arg18 : memref<128x128xf32, #tpu.memory_space<vmem>>) dst(%dma_wait3A_432 : memref<128x128xf32, #tpu.memory_space<hbm>>)
        } else {
        }
        %dma_start3A_415 = arith.constant 0 : i32
        %dma_start3A_416 = arith.constant 0 : i32
        %dma_start3A_417 = tpu.memref_slice %arg3[%dma_start3A_415, %dma_start3A_416] : memref<10240x128xf32, #tpu.memory_space<hbm>> -> memref<10240x128xf32, #tpu.memory_space<hbm>>
        tpu.enqueue_indirect_dma source(%dma_start3A_417 : memref<10240x128xf32, #tpu.memory_space<hbm>>) target(%arg16 : memref<128x128xf32, #tpu.memory_space<vmem>>) offsets(%arg12 : memref<128xi32, #tpu.memory_space<vmem>>) semaphore(%arg24 : memref<!tpu.dma_semaphore, #tpu.memory_space<semaphore_mem>>)
        %dma_start3A_418 = arith.constant 0 : i32
        %dma_start3A_419 = arith.constant 0 : i32
        %dma_start3A_420 = tpu.memref_slice %arg4[%dma_start3A_418, %dma_start3A_419] : memref<10240x128xf32, #tpu.memory_space<hbm>> -> memref<10240x128xf32, #tpu.memory_space<hbm>>
        tpu.enqueue_indirect_dma source(%dma_start3A_420 : memref<10240x128xf32, #tpu.memory_space<hbm>>) target(%arg18 : memref<128x128xf32, #tpu.memory_space<vmem>>) offsets(%arg14 : memref<128xi32, #tpu.memory_space<vmem>>) semaphore(%arg26 : memref<!tpu.dma_semaphore, #tpu.memory_space<semaphore_mem>>)
      } else {
      }
      %lt3A_205 = arith.cmpi slt, %add3A_195, %select_n3A_7 : i32
      %convert_element_type3A_206 = arith.extui %lt3A_205 : i1 to i32
      %cond3A_207 = arith.constant 0 : i32
      %cond3A_208 = arith.cmpi ne, %convert_element_type3A_206, %cond3A_207 : i32
      scf.if %cond3A_208 {
        %dma_wait3A_269 = arith.constant 0 : i32
        %dma_wait3A_270 = arith.constant 0 : i32
        %dma_wait3A_271 = tpu.memref_slice %arg3[%dma_wait3A_269, %dma_wait3A_270] : memref<10240x128xf32, #tpu.memory_space<hbm>> -> memref<128x128xf32, #tpu.memory_space<hbm>>
        %dma_wait3A_272 = arith.constant 0 : i32
        %dma_wait3A_273 = arith.constant 0 : i32
        %dma_wait3A_274 = tpu.memref_slice %arg3[%dma_wait3A_272, %dma_wait3A_273] : memref<10240x128xf32, #tpu.memory_space<hbm>> -> memref<128x128xf32, #tpu.memory_space<hbm>>
        tpu.wait_dma2 semaphore(%arg23 : memref<!tpu.dma_semaphore, #tpu.memory_space<semaphore_mem>>) src(%dma_wait3A_274 : memref<128x128xf32, #tpu.memory_space<hbm>>) dst(%arg15 : memref<128x128xf32, #tpu.memory_space<vmem>>)
        %dma_wait3A_275 = arith.constant 0 : i32
        %dma_wait3A_276 = arith.constant 0 : i32
        %dma_wait3A_277 = tpu.memref_slice %arg4[%dma_wait3A_275, %dma_wait3A_276] : memref<10240x128xf32, #tpu.memory_space<hbm>> -> memref<128x128xf32, #tpu.memory_space<hbm>>
        %dma_wait3A_278 = arith.constant 0 : i32
        %dma_wait3A_279 = arith.constant 0 : i32
        %dma_wait3A_280 = tpu.memref_slice %arg4[%dma_wait3A_278, %dma_wait3A_279] : memref<10240x128xf32, #tpu.memory_space<hbm>> -> memref<128x128xf32, #tpu.memory_space<hbm>>
        tpu.wait_dma2 semaphore(%arg25 : memref<!tpu.dma_semaphore, #tpu.memory_space<semaphore_mem>>) src(%dma_wait3A_280 : memref<128x128xf32, #tpu.memory_space<hbm>>) dst(%arg17 : memref<128x128xf32, #tpu.memory_space<vmem>>)
        %mul3A_281 = arith.constant 8 : i32
        %mul3A_282 = arith.muli %add3A_195, %mul3A_281 : i32
        %add3A_283 = arith.addi %add3A, %mul3A_282 : i32
        %mul3A_284 = arith.constant 16 : i32
        %mul3A_285 = arith.muli %add3A_283, %mul3A_284 : i32
        %dma_start3A_286 = arith.constant 0 : i32
        %dma_start3A_287 = tpu.memref_slice %arg5[%mul3A_285, %dma_start3A_286] : memref<81920x128xf32, #tpu.memory_space<hbm>> -> memref<128x128xf32, #tpu.memory_space<hbm>>
        %dma_start3A_288 = arith.constant 0 : i32
        %dma_start3A_289 = tpu.memref_slice %arg5[%mul3A_285, %dma_start3A_288] : memref<81920x128xf32, #tpu.memory_space<hbm>> -> memref<128x128xf32, #tpu.memory_space<hbm>>
        tpu.enqueue_dma source(%arg15 : memref<128x128xf32, #tpu.memory_space<vmem>>) target(%dma_start3A_289 : memref<128x128xf32, #tpu.memory_space<hbm>>) target_semaphore(%arg27 : memref<!tpu.dma_semaphore, #tpu.memory_space<semaphore_mem>>)
        %mul3A_290 = arith.constant 16 : i32
        %mul3A_291 = arith.muli %add3A_283, %mul3A_290 : i32
        %dma_start3A_292 = arith.constant 0 : i32
        %dma_start3A_293 = tpu.memref_slice %arg6[%mul3A_291, %dma_start3A_292] : memref<81920x128xf32, #tpu.memory_space<hbm>> -> memref<128x128xf32, #tpu.memory_space<hbm>>
        %dma_start3A_294 = arith.constant 0 : i32
        %dma_start3A_295 = tpu.memref_slice %arg6[%mul3A_291, %dma_start3A_294] : memref<81920x128xf32, #tpu.memory_space<hbm>> -> memref<128x128xf32, #tpu.memory_space<hbm>>
        tpu.enqueue_dma source(%arg17 : memref<128x128xf32, #tpu.memory_space<vmem>>) target(%dma_start3A_295 : memref<128x128xf32, #tpu.memory_space<hbm>>) target_semaphore(%arg29 : memref<!tpu.dma_semaphore, #tpu.memory_space<semaphore_mem>>)
      } else {
      }
      %mul3A_209 = arith.constant 4 : i32
      %mul3A_210 = arith.muli %scan3A_191, %mul3A_209 : i32
      %add3A_211 = arith.constant 1 : i32
      %add3A_212 = arith.addi %mul3A_210, %add3A_211 : i32
      %add3A_213 = arith.constant 2 : i32
      %add3A_214 = arith.addi %add3A_212, %add3A_213 : i32
      %lt3A_215 = arith.cmpi slt, %add3A_214, %select_n3A_7 : i32
      %convert_element_type3A_216 = arith.extui %lt3A_215 : i1 to i32
      %cond3A_217 = arith.constant 0 : i32
      %cond3A_218 = arith.cmpi ne, %convert_element_type3A_216, %cond3A_217 : i32
      scf.if %cond3A_218 {
        %add3A_269 = arith.constant 2 : i32
        %add3A_270 = arith.addi %add3A_212, %add3A_269 : i32
        %mul3A_271 = arith.constant 8 : i32
        %mul3A_272 = arith.muli %add3A_270, %mul3A_271 : i32
        %add3A_273 = arith.addi %add3A, %mul3A_272 : i32
        %dma_start3A_274 = arith.constant 0 : i32
        %dma_start3A_275 = tpu.memref_slice %arg2[%add3A_273, %dma_start3A_274] : memref<5120x32xi32, #tpu.memory_space<hbm>> -> memref<8x32xi32, #tpu.memory_space<hbm>>
        %dma_start3A_276 = arith.constant 0 : i32
        %dma_start3A_277 = tpu.memref_slice %arg2[%add3A_273, %dma_start3A_276] : memref<5120x32xi32, #tpu.memory_space<hbm>> -> memref<8x32xi32, #tpu.memory_space<hbm>>
        tpu.enqueue_dma source(%dma_start3A_277 : memref<8x32xi32, #tpu.memory_space<hbm>>) target(%arg10 : memref<8x32xi32, #tpu.memory_space<vmem>>) target_semaphore(%arg22 : memref<!tpu.dma_semaphore, #tpu.memory_space<semaphore_mem>>)
      } else {
      }
      %add3A_219 = arith.constant 1 : i32
      %add3A_220 = arith.addi %add3A_212, %add3A_219 : i32
      %lt3A_221 = arith.cmpi slt, %add3A_220, %select_n3A_7 : i32
      %convert_element_type3A_222 = arith.extui %lt3A_221 : i1 to i32
      %cond3A_223 = arith.constant 0 : i32
      %cond3A_224 = arith.cmpi ne, %convert_element_type3A_222, %cond3A_223 : i32
      scf.if %cond3A_224 {
        %dma_wait3A_269 = arith.constant 0 : i32
        %dma_wait3A_270 = arith.constant 0 : i32
        %dma_wait3A_271 = tpu.memref_slice %arg2[%dma_wait3A_269, %dma_wait3A_270] : memref<5120x32xi32, #tpu.memory_space<hbm>> -> memref<8x32xi32, #tpu.memory_space<hbm>>
        %dma_wait3A_272 = arith.constant 0 : i32
        %dma_wait3A_273 = arith.constant 0 : i32
        %dma_wait3A_274 = tpu.memref_slice %arg2[%dma_wait3A_272, %dma_wait3A_273] : memref<5120x32xi32, #tpu.memory_space<hbm>> -> memref<8x32xi32, #tpu.memory_space<hbm>>
        tpu.wait_dma2 semaphore(%arg21 : memref<!tpu.dma_semaphore, #tpu.memory_space<semaphore_mem>>) src(%dma_wait3A_274 : memref<8x32xi32, #tpu.memory_space<hbm>>) dst(%arg9 : memref<8x32xi32, #tpu.memory_space<vmem>>)
        %get3A_275 = arith.constant 0 : i32
        %get3A_276 = arith.index_cast %get3A_275 : i32 to index
        %get3A_277 = arith.constant 0 : index
        %get3A_278 = tpu.vector_load %arg9[%get3A_276, %get3A_277] {strides = array<i32>} : memref<8x32xi32, #tpu.memory_space<vmem>>, vector<16xi32>,
        %bitcast3A_279 = vector.bitcast %get3A_278 : vector<16xi32> to vector<16xf32>
        %get3A_280 = arith.constant 0 : i32
        %get3A_281 = arith.index_cast %get3A_280 : i32 to index
        %get3A_282 = arith.constant 16 : index
        %get3A_283 = tpu.vector_load %arg9[%get3A_281, %get3A_282] {strides = array<i32>} : memref<8x32xi32, #tpu.memory_space<vmem>>, vector<16xi32>,
        %masked_sort3A_284 = arith.constant dense<true> : vector<16xi1>
        %masked_sort3A_285, %masked_sort3A_286, %masked_sort3A_287 = tpu.sort %bitcast3A_279, %get3A_283 masked %masked_sort3A_284 : (vector<16xf32>, vector<16xi32>, vector<16xi1>) -> (vector<16xi1>, vector<16xf32>, vector<16xi32>)
        %swap3A_288 = arith.constant 0 : index
        %swap3A_289 = tpu.vector_load %arg11[%swap3A_288] {strides = array<i32>} : memref<128xi32, #tpu.memory_space<vmem>>, vector<16xi32>,
        tpu.vector_store %arg11[%swap3A_288], %masked_sort3A_287 {strides = array<i32>} : memref<128xi32, #tpu.memory_space<vmem>>, vector<16xi32>,
        %swap3A_290 = arith.constant 0 : index
        %swap3A_291 = tpu.vector_load %arg13[%swap3A_290] {strides = array<i32>} : memref<128xi32, #tpu.memory_space<vmem>>, vector<16xi32>,
        tpu.vector_store %arg13[%swap3A_290], %get3A_283 {strides = array<i32>} : memref<128xi32, #tpu.memory_space<vmem>>, vector<16xi32>,
        %get3A_292 = arith.constant 1 : i32
        %get3A_293 = arith.index_cast %get3A_292 : i32 to index
        %get3A_294 = arith.constant 0 : index
        %get3A_295 = tpu.vector_load %arg9[%get3A_293, %get3A_294] {strides = array<i32>} : memref<8x32xi32, #tpu.memory_space<vmem>>, vector<16xi32>,
        %bitcast3A_296 = vector.bitcast %get3A_295 : vector<16xi32> to vector<16xf32>
        %get3A_297 = arith.constant 1 : i32
        %get3A_298 = arith.index_cast %get3A_297 : i32 to index
        %get3A_299 = arith.constant 16 : index
        %get3A_300 = tpu.vector_load %arg9[%get3A_298, %get3A_299] {strides = array<i32>} : memref<8x32xi32, #tpu.memory_space<vmem>>, vector<16xi32>,
        %masked_sort3A_301 = arith.constant dense<true> : vector<16xi1>
        %masked_sort3A_302, %masked_sort3A_303, %masked_sort3A_304 = tpu.sort %bitcast3A_296, %get3A_300 masked %masked_sort3A_301 : (vector<16xf32>, vector<16xi32>, vector<16xi1>) -> (vector<16xi1>, vector<16xf32>, vector<16xi32>)
        %swap3A_305 = arith.constant 16 : index
        %swap3A_306 = tpu.vector_load %arg11[%swap3A_305] {strides = array<i32>} : memref<128xi32, #tpu.memory_space<vmem>>, vector<16xi32>,
        tpu.vector_store %arg11[%swap3A_305], %masked_sort3A_304 {strides = array<i32>} : memref<128xi32, #tpu.memory_space<vmem>>, vector<16xi32>,
        %swap3A_307 = arith.constant 16 : index
        %swap3A_308 = tpu.vector_load %arg13[%swap3A_307] {strides = array<i32>} : memref<128xi32, #tpu.memory_space<vmem>>, vector<16xi32>,
        tpu.vector_store %arg13[%swap3A_307], %get3A_300 {strides = array<i32>} : memref<128xi32, #tpu.memory_space<vmem>>, vector<16xi32>,
        %get3A_309 = arith.constant 2 : i32
        %get3A_310 = arith.index_cast %get3A_309 : i32 to index
        %get3A_311 = arith.constant 0 : index
        %get3A_312 = tpu.vector_load %arg9[%get3A_310, %get3A_311] {strides = array<i32>} : memref<8x32xi32, #tpu.memory_space<vmem>>, vector<16xi32>,
        %bitcast3A_313 = vector.bitcast %get3A_312 : vector<16xi32> to vector<16xf32>
        %get3A_314 = arith.constant 2 : i32
        %get3A_315 = arith.index_cast %get3A_314 : i32 to index
        %get3A_316 = arith.constant 16 : index
        %get3A_317 = tpu.vector_load %arg9[%get3A_315, %get3A_316] {strides = array<i32>} : memref<8x32xi32, #tpu.memory_space<vmem>>, vector<16xi32>,
        %masked_sort3A_318 = arith.constant dense<true> : vector<16xi1>
        %masked_sort3A_319, %masked_sort3A_320, %masked_sort3A_321 = tpu.sort %bitcast3A_313, %get3A_317 masked %masked_sort3A_318 : (vector<16xf32>, vector<16xi32>, vector<16xi1>) -> (vector<16xi1>, vector<16xf32>, vector<16xi32>)
        %swap3A_322 = arith.constant 32 : index
        %swap3A_323 = tpu.vector_load %arg11[%swap3A_322] {strides = array<i32>} : memref<128xi32, #tpu.memory_space<vmem>>, vector<16xi32>,
        tpu.vector_store %arg11[%swap3A_322], %masked_sort3A_321 {strides = array<i32>} : memref<128xi32, #tpu.memory_space<vmem>>, vector<16xi32>,
        %swap3A_324 = arith.constant 32 : index
        %swap3A_325 = tpu.vector_load %arg13[%swap3A_324] {strides = array<i32>} : memref<128xi32, #tpu.memory_space<vmem>>, vector<16xi32>,
        tpu.vector_store %arg13[%swap3A_324], %get3A_317 {strides = array<i32>} : memref<128xi32, #tpu.memory_space<vmem>>, vector<16xi32>,
        %get3A_326 = arith.constant 3 : i32
        %get3A_327 = arith.index_cast %get3A_326 : i32 to index
        %get3A_328 = arith.constant 0 : index
        %get3A_329 = tpu.vector_load %arg9[%get3A_327, %get3A_328] {strides = array<i32>} : memref<8x32xi32, #tpu.memory_space<vmem>>, vector<16xi32>,
        %bitcast3A_330 = vector.bitcast %get3A_329 : vector<16xi32> to vector<16xf32>
        %get3A_331 = arith.constant 3 : i32
        %get3A_332 = arith.index_cast %get3A_331 : i32 to index
        %get3A_333 = arith.constant 16 : index
        %get3A_334 = tpu.vector_load %arg9[%get3A_332, %get3A_333] {strides = array<i32>} : memref<8x32xi32, #tpu.memory_space<vmem>>, vector<16xi32>,
        %masked_sort3A_335 = arith.constant dense<true> : vector<16xi1>
        %masked_sort3A_336, %masked_sort3A_337, %masked_sort3A_338 = tpu.sort %bitcast3A_330, %get3A_334 masked %masked_sort3A_335 : (vector<16xf32>, vector<16xi32>, vector<16xi1>) -> (vector<16xi1>, vector<16xf32>, vector<16xi32>)
        %swap3A_339 = arith.constant 48 : index
        %swap3A_340 = tpu.vector_load %arg11[%swap3A_339] {strides = array<i32>} : memref<128xi32, #tpu.memory_space<vmem>>, vector<16xi32>,
        tpu.vector_store %arg11[%swap3A_339], %masked_sort3A_338 {strides = array<i32>} : memref<128xi32, #tpu.memory_space<vmem>>, vector<16xi32>,
        %swap3A_341 = arith.constant 48 : index
        %swap3A_342 = tpu.vector_load %arg13[%swap3A_341] {strides = array<i32>} : memref<128xi32, #tpu.memory_space<vmem>>, vector<16xi32>,
        tpu.vector_store %arg13[%swap3A_341], %get3A_334 {strides = array<i32>} : memref<128xi32, #tpu.memory_space<vmem>>, vector<16xi32>,
        %get3A_343 = arith.constant 4 : i32
        %get3A_344 = arith.index_cast %get3A_343 : i32 to index
        %get3A_345 = arith.constant 0 : index
        %get3A_346 = tpu.vector_load %arg9[%get3A_344, %get3A_345] {strides = array<i32>} : memref<8x32xi32, #tpu.memory_space<vmem>>, vector<16xi32>,
        %bitcast3A_347 = vector.bitcast %get3A_346 : vector<16xi32> to vector<16xf32>
        %get3A_348 = arith.constant 4 : i32
        %get3A_349 = arith.index_cast %get3A_348 : i32 to index
        %get3A_350 = arith.constant 16 : index
        %get3A_351 = tpu.vector_load %arg9[%get3A_349, %get3A_350] {strides = array<i32>} : memref<8x32xi32, #tpu.memory_space<vmem>>, vector<16xi32>,
        %masked_sort3A_352 = arith.constant dense<true> : vector<16xi1>
        %masked_sort3A_353, %masked_sort3A_354, %masked_sort3A_355 = tpu.sort %bitcast3A_347, %get3A_351 masked %masked_sort3A_352 : (vector<16xf32>, vector<16xi32>, vector<16xi1>) -> (vector<16xi1>, vector<16xf32>, vector<16xi32>)
        %swap3A_356 = arith.constant 64 : index
        %swap3A_357 = tpu.vector_load %arg11[%swap3A_356] {strides = array<i32>} : memref<128xi32, #tpu.memory_space<vmem>>, vector<16xi32>,
        tpu.vector_store %arg11[%swap3A_356], %masked_sort3A_355 {strides = array<i32>} : memref<128xi32, #tpu.memory_space<vmem>>, vector<16xi32>,
        %swap3A_358 = arith.constant 64 : index
        %swap3A_359 = tpu.vector_load %arg13[%swap3A_358] {strides = array<i32>} : memref<128xi32, #tpu.memory_space<vmem>>, vector<16xi32>,
        tpu.vector_store %arg13[%swap3A_358], %get3A_351 {strides = array<i32>} : memref<128xi32, #tpu.memory_space<vmem>>, vector<16xi32>,
        %get3A_360 = arith.constant 5 : i32
        %get3A_361 = arith.index_cast %get3A_360 : i32 to index
        %get3A_362 = arith.constant 0 : index
        %get3A_363 = tpu.vector_load %arg9[%get3A_361, %get3A_362] {strides = array<i32>} : memref<8x32xi32, #tpu.memory_space<vmem>>, vector<16xi32>,
        %bitcast3A_364 = vector.bitcast %get3A_363 : vector<16xi32> to vector<16xf32>
        %get3A_365 = arith.constant 5 : i32
        %get3A_366 = arith.index_cast %get3A_365 : i32 to index
        %get3A_367 = arith.constant 16 : index
        %get3A_368 = tpu.vector_load %arg9[%get3A_366, %get3A_367] {strides = array<i32>} : memref<8x32xi32, #tpu.memory_space<vmem>>, vector<16xi32>,
        %masked_sort3A_369 = arith.constant dense<true> : vector<16xi1>
        %masked_sort3A_370, %masked_sort3A_371, %masked_sort3A_372 = tpu.sort %bitcast3A_364, %get3A_368 masked %masked_sort3A_369 : (vector<16xf32>, vector<16xi32>, vector<16xi1>) -> (vector<16xi1>, vector<16xf32>, vector<16xi32>)
        %swap3A_373 = arith.constant 80 : index
        %swap3A_374 = tpu.vector_load %arg11[%swap3A_373] {strides = array<i32>} : memref<128xi32, #tpu.memory_space<vmem>>, vector<16xi32>,
        tpu.vector_store %arg11[%swap3A_373], %masked_sort3A_372 {strides = array<i32>} : memref<128xi32, #tpu.memory_space<vmem>>, vector<16xi32>,
        %swap3A_375 = arith.constant 80 : index
        %swap3A_376 = tpu.vector_load %arg13[%swap3A_375] {strides = array<i32>} : memref<128xi32, #tpu.memory_space<vmem>>, vector<16xi32>,
        tpu.vector_store %arg13[%swap3A_375], %get3A_368 {strides = array<i32>} : memref<128xi32, #tpu.memory_space<vmem>>, vector<16xi32>,
        %get3A_377 = arith.constant 6 : i32
        %get3A_378 = arith.index_cast %get3A_377 : i32 to index
        %get3A_379 = arith.constant 0 : index
        %get3A_380 = tpu.vector_load %arg9[%get3A_378, %get3A_379] {strides = array<i32>} : memref<8x32xi32, #tpu.memory_space<vmem>>, vector<16xi32>,
        %bitcast3A_381 = vector.bitcast %get3A_380 : vector<16xi32> to vector<16xf32>
        %get3A_382 = arith.constant 6 : i32
        %get3A_383 = arith.index_cast %get3A_382 : i32 to index
        %get3A_384 = arith.constant 16 : index
        %get3A_385 = tpu.vector_load %arg9[%get3A_383, %get3A_384] {strides = array<i32>} : memref<8x32xi32, #tpu.memory_space<vmem>>, vector<16xi32>,
        %masked_sort3A_386 = arith.constant dense<true> : vector<16xi1>
        %masked_sort3A_387, %masked_sort3A_388, %masked_sort3A_389 = tpu.sort %bitcast3A_381, %get3A_385 masked %masked_sort3A_386 : (vector<16xf32>, vector<16xi32>, vector<16xi1>) -> (vector<16xi1>, vector<16xf32>, vector<16xi32>)
        %swap3A_390 = arith.constant 96 : index
        %swap3A_391 = tpu.vector_load %arg11[%swap3A_390] {strides = array<i32>} : memref<128xi32, #tpu.memory_space<vmem>>, vector<16xi32>,
        tpu.vector_store %arg11[%swap3A_390], %masked_sort3A_389 {strides = array<i32>} : memref<128xi32, #tpu.memory_space<vmem>>, vector<16xi32>,
        %swap3A_392 = arith.constant 96 : index
        %swap3A_393 = tpu.vector_load %arg13[%swap3A_392] {strides = array<i32>} : memref<128xi32, #tpu.memory_space<vmem>>, vector<16xi32>,
        tpu.vector_store %arg13[%swap3A_392], %get3A_385 {strides = array<i32>} : memref<128xi32, #tpu.memory_space<vmem>>, vector<16xi32>,
        %get3A_394 = arith.constant 7 : i32
        %get3A_395 = arith.index_cast %get3A_394 : i32 to index
        %get3A_396 = arith.constant 0 : index
        %get3A_397 = tpu.vector_load %arg9[%get3A_395, %get3A_396] {strides = array<i32>} : memref<8x32xi32, #tpu.memory_space<vmem>>, vector<16xi32>,
        %bitcast3A_398 = vector.bitcast %get3A_397 : vector<16xi32> to vector<16xf32>
        %get3A_399 = arith.constant 7 : i32
        %get3A_400 = arith.index_cast %get3A_399 : i32 to index
        %get3A_401 = arith.constant 16 : index
        %get3A_402 = tpu.vector_load %arg9[%get3A_400, %get3A_401] {strides = array<i32>} : memref<8x32xi32, #tpu.memory_space<vmem>>, vector<16xi32>,
        %masked_sort3A_403 = arith.constant dense<true> : vector<16xi1>
        %masked_sort3A_404, %masked_sort3A_405, %masked_sort3A_406 = tpu.sort %bitcast3A_398, %get3A_402 masked %masked_sort3A_403 : (vector<16xf32>, vector<16xi32>, vector<16xi1>) -> (vector<16xi1>, vector<16xf32>, vector<16xi32>)
        %swap3A_407 = arith.constant 112 : index
        %swap3A_408 = tpu.vector_load %arg11[%swap3A_407] {strides = array<i32>} : memref<128xi32, #tpu.memory_space<vmem>>, vector<16xi32>,
        tpu.vector_store %arg11[%swap3A_407], %masked_sort3A_406 {strides = array<i32>} : memref<128xi32, #tpu.memory_space<vmem>>, vector<16xi32>,
        %swap3A_409 = arith.constant 112 : index
        %swap3A_410 = tpu.vector_load %arg13[%swap3A_409] {strides = array<i32>} : memref<128xi32, #tpu.memory_space<vmem>>, vector<16xi32>,
        tpu.vector_store %arg13[%swap3A_409], %get3A_402 {strides = array<i32>} : memref<128xi32, #tpu.memory_space<vmem>>, vector<16xi32>,
        %ge3A = arith.constant 1 : i32
        %ge3A_411 = arith.cmpi sge, %add3A_212, %ge3A : i32
        %convert_element_type3A_412 = arith.extui %ge3A_411 : i1 to i32
        %cond3A_413 = arith.constant 0 : i32
        %cond3A_414 = arith.cmpi ne, %convert_element_type3A_412, %cond3A_413 : i32
        scf.if %cond3A_414 {
          %dma_wait3A_421 = arith.constant 0 : i32
          %dma_wait3A_422 = arith.constant 0 : i32
          %dma_wait3A_423 = tpu.memref_slice %arg5[%dma_wait3A_421, %dma_wait3A_422] : memref<81920x128xf32, #tpu.memory_space<hbm>> -> memref<128x128xf32, #tpu.memory_space<hbm>>
          %dma_wait3A_424 = arith.constant 0 : i32
          %dma_wait3A_425 = arith.constant 0 : i32
          %dma_wait3A_426 = tpu.memref_slice %arg5[%dma_wait3A_424, %dma_wait3A_425] : memref<81920x128xf32, #tpu.memory_space<hbm>> -> memref<128x128xf32, #tpu.memory_space<hbm>>
          tpu.wait_dma2 semaphore(%arg27 : memref<!tpu.dma_semaphore, #tpu.memory_space<semaphore_mem>>) src(%arg15 : memref<128x128xf32, #tpu.memory_space<vmem>>) dst(%dma_wait3A_426 : memref<128x128xf32, #tpu.memory_space<hbm>>)
          %dma_wait3A_427 = arith.constant 0 : i32
          %dma_wait3A_428 = arith.constant 0 : i32
          %dma_wait3A_429 = tpu.memref_slice %arg6[%dma_wait3A_427, %dma_wait3A_428] : memref<81920x128xf32, #tpu.memory_space<hbm>> -> memref<128x128xf32, #tpu.memory_space<hbm>>
          %dma_wait3A_430 = arith.constant 0 : i32
          %dma_wait3A_431 = arith.constant 0 : i32
          %dma_wait3A_432 = tpu.memref_slice %arg6[%dma_wait3A_430, %dma_wait3A_431] : memref<81920x128xf32, #tpu.memory_space<hbm>> -> memref<128x128xf32, #tpu.memory_space<hbm>>
          tpu.wait_dma2 semaphore(%arg29 : memref<!tpu.dma_semaphore, #tpu.memory_space<semaphore_mem>>) src(%arg17 : memref<128x128xf32, #tpu.memory_space<vmem>>) dst(%dma_wait3A_432 : memref<128x128xf32, #tpu.memory_space<hbm>>)
        } else {
        }
        %dma_start3A_415 = arith.constant 0 : i32
        %dma_start3A_416 = arith.constant 0 : i32
        %dma_start3A_417 = tpu.memref_slice %arg3[%dma_start3A_415, %dma_start3A_416] : memref<10240x128xf32, #tpu.memory_space<hbm>> -> memref<10240x128xf32, #tpu.memory_space<hbm>>
        tpu.enqueue_indirect_dma source(%dma_start3A_417 : memref<10240x128xf32, #tpu.memory_space<hbm>>) target(%arg15 : memref<128x128xf32, #tpu.memory_space<vmem>>) offsets(%arg11 : memref<128xi32, #tpu.memory_space<vmem>>) semaphore(%arg23 : memref<!tpu.dma_semaphore, #tpu.memory_space<semaphore_mem>>)
        %dma_start3A_418 = arith.constant 0 : i32
        %dma_start3A_419 = arith.constant 0 : i32
        %dma_start3A_420 = tpu.memref_slice %arg4[%dma_start3A_418, %dma_start3A_419] : memref<10240x128xf32, #tpu.memory_space<hbm>> -> memref<10240x128xf32, #tpu.memory_space<hbm>>
        tpu.enqueue_indirect_dma source(%dma_start3A_420 : memref<10240x128xf32, #tpu.memory_space<hbm>>) target(%arg17 : memref<128x128xf32, #tpu.memory_space<vmem>>) offsets(%arg13 : memref<128xi32, #tpu.memory_space<vmem>>) semaphore(%arg25 : memref<!tpu.dma_semaphore, #tpu.memory_space<semaphore_mem>>)
      } else {
      }
      %lt3A_225 = arith.cmpi slt, %add3A_212, %select_n3A_7 : i32
      %convert_element_type3A_226 = arith.extui %lt3A_225 : i1 to i32
      %cond3A_227 = arith.constant 0 : i32
      %cond3A_228 = arith.cmpi ne, %convert_element_type3A_226, %cond3A_227 : i32
      scf.if %cond3A_228 {
        %dma_wait3A_269 = arith.constant 0 : i32
        %dma_wait3A_270 = arith.constant 0 : i32
        %dma_wait3A_271 = tpu.memref_slice %arg3[%dma_wait3A_269, %dma_wait3A_270] : memref<10240x128xf32, #tpu.memory_space<hbm>> -> memref<128x128xf32, #tpu.memory_space<hbm>>
        %dma_wait3A_272 = arith.constant 0 : i32
        %dma_wait3A_273 = arith.constant 0 : i32
        %dma_wait3A_274 = tpu.memref_slice %arg3[%dma_wait3A_272, %dma_wait3A_273] : memref<10240x128xf32, #tpu.memory_space<hbm>> -> memref<128x128xf32, #tpu.memory_space<hbm>>
        tpu.wait_dma2 semaphore(%arg24 : memref<!tpu.dma_semaphore, #tpu.memory_space<semaphore_mem>>) src(%dma_wait3A_274 : memref<128x128xf32, #tpu.memory_space<hbm>>) dst(%arg16 : memref<128x128xf32, #tpu.memory_space<vmem>>)
        %dma_wait3A_275 = arith.constant 0 : i32
        %dma_wait3A_276 = arith.constant 0 : i32
        %dma_wait3A_277 = tpu.memref_slice %arg4[%dma_wait3A_275, %dma_wait3A_276] : memref<10240x128xf32, #tpu.memory_space<hbm>> -> memref<128x128xf32, #tpu.memory_space<hbm>>
        %dma_wait3A_278 = arith.constant 0 : i32
        %dma_wait3A_279 = arith.constant 0 : i32
        %dma_wait3A_280 = tpu.memref_slice %arg4[%dma_wait3A_278, %dma_wait3A_279] : memref<10240x128xf32, #tpu.memory_space<hbm>> -> memref<128x128xf32, #tpu.memory_space<hbm>>
        tpu.wait_dma2 semaphore(%arg26 : memref<!tpu.dma_semaphore, #tpu.memory_space<semaphore_mem>>) src(%dma_wait3A_280 : memref<128x128xf32, #tpu.memory_space<hbm>>) dst(%arg18 : memref<128x128xf32, #tpu.memory_space<vmem>>)
        %mul3A_281 = arith.constant 8 : i32
        %mul3A_282 = arith.muli %add3A_212, %mul3A_281 : i32
        %add3A_283 = arith.addi %add3A, %mul3A_282 : i32
        %mul3A_284 = arith.constant 16 : i32
        %mul3A_285 = arith.muli %add3A_283, %mul3A_284 : i32
        %dma_start3A_286 = arith.constant 0 : i32
        %dma_start3A_287 = tpu.memref_slice %arg5[%mul3A_285, %dma_start3A_286] : memref<81920x128xf32, #tpu.memory_space<hbm>> -> memref<128x128xf32, #tpu.memory_space<hbm>>
        %dma_start3A_288 = arith.constant 0 : i32
        %dma_start3A_289 = tpu.memref_slice %arg5[%mul3A_285, %dma_start3A_288] : memref<81920x128xf32, #tpu.memory_space<hbm>> -> memref<128x128xf32, #tpu.memory_space<hbm>>
        tpu.enqueue_dma source(%arg16 : memref<128x128xf32, #tpu.memory_space<vmem>>) target(%dma_start3A_289 : memref<128x128xf32, #tpu.memory_space<hbm>>) target_semaphore(%arg28 : memref<!tpu.dma_semaphore, #tpu.memory_space<semaphore_mem>>)
        %mul3A_290 = arith.constant 16 : i32
        %mul3A_291 = arith.muli %add3A_283, %mul3A_290 : i32
        %dma_start3A_292 = arith.constant 0 : i32
        %dma_start3A_293 = tpu.memref_slice %arg6[%mul3A_291, %dma_start3A_292] : memref<81920x128xf32, #tpu.memory_space<hbm>> -> memref<128x128xf32, #tpu.memory_space<hbm>>
        %dma_start3A_294 = arith.constant 0 : i32
        %dma_start3A_295 = tpu.memref_slice %arg6[%mul3A_291, %dma_start3A_294] : memref<81920x128xf32, #tpu.memory_space<hbm>> -> memref<128x128xf32, #tpu.memory_space<hbm>>
        tpu.enqueue_dma source(%arg18 : memref<128x128xf32, #tpu.memory_space<vmem>>) target(%dma_start3A_295 : memref<128x128xf32, #tpu.memory_space<hbm>>) target_semaphore(%arg30 : memref<!tpu.dma_semaphore, #tpu.memory_space<semaphore_mem>>)
      } else {
      }
      %mul3A_229 = arith.constant 4 : i32
      %mul3A_230 = arith.muli %scan3A_191, %mul3A_229 : i32
      %add3A_231 = arith.constant 2 : i32
      %add3A_232 = arith.addi %mul3A_230, %add3A_231 : i32
      %add3A_233 = arith.constant 2 : i32
      %add3A_234 = arith.addi %add3A_232, %add3A_233 : i32
      %lt3A_235 = arith.cmpi slt, %add3A_234, %select_n3A_7 : i32
      %convert_element_type3A_236 = arith.extui %lt3A_235 : i1 to i32
      %cond3A_237 = arith.constant 0 : i32
      %cond3A_238 = arith.cmpi ne, %convert_element_type3A_236, %cond3A_237 : i32
      scf.if %cond3A_238 {
        %add3A_269 = arith.constant 2 : i32
        %add3A_270 = arith.addi %add3A_232, %add3A_269 : i32
        %mul3A_271 = arith.constant 8 : i32
        %mul3A_272 = arith.muli %add3A_270, %mul3A_271 : i32
        %add3A_273 = arith.addi %add3A, %mul3A_272 : i32
        %dma_start3A_274 = arith.constant 0 : i32
        %dma_start3A_275 = tpu.memref_slice %arg2[%add3A_273, %dma_start3A_274] : memref<5120x32xi32, #tpu.memory_space<hbm>> -> memref<8x32xi32, #tpu.memory_space<hbm>>
        %dma_start3A_276 = arith.constant 0 : i32
        %dma_start3A_277 = tpu.memref_slice %arg2[%add3A_273, %dma_start3A_276] : memref<5120x32xi32, #tpu.memory_space<hbm>> -> memref<8x32xi32, #tpu.memory_space<hbm>>
        tpu.enqueue_dma source(%dma_start3A_277 : memref<8x32xi32, #tpu.memory_space<hbm>>) target(%arg7 : memref<8x32xi32, #tpu.memory_space<vmem>>) target_semaphore(%arg19 : memref<!tpu.dma_semaphore, #tpu.memory_space<semaphore_mem>>)
      } else {
      }
      %add3A_239 = arith.constant 1 : i32
      %add3A_240 = arith.addi %add3A_232, %add3A_239 : i32
      %lt3A_241 = arith.cmpi slt, %add3A_240, %select_n3A_7 : i32
      %convert_element_type3A_242 = arith.extui %lt3A_241 : i1 to i32
      %cond3A_243 = arith.constant 0 : i32
      %cond3A_244 = arith.cmpi ne, %convert_element_type3A_242, %cond3A_243 : i32
      scf.if %cond3A_244 {
        %dma_wait3A_269 = arith.constant 0 : i32
        %dma_wait3A_270 = arith.constant 0 : i32
        %dma_wait3A_271 = tpu.memref_slice %arg2[%dma_wait3A_269, %dma_wait3A_270] : memref<5120x32xi32, #tpu.memory_space<hbm>> -> memref<8x32xi32, #tpu.memory_space<hbm>>
        %dma_wait3A_272 = arith.constant 0 : i32
        %dma_wait3A_273 = arith.constant 0 : i32
        %dma_wait3A_274 = tpu.memref_slice %arg2[%dma_wait3A_272, %dma_wait3A_273] : memref<5120x32xi32, #tpu.memory_space<hbm>> -> memref<8x32xi32, #tpu.memory_space<hbm>>
        tpu.wait_dma2 semaphore(%arg22 : memref<!tpu.dma_semaphore, #tpu.memory_space<semaphore_mem>>) src(%dma_wait3A_274 : memref<8x32xi32, #tpu.memory_space<hbm>>) dst(%arg10 : memref<8x32xi32, #tpu.memory_space<vmem>>)
        %get3A_275 = arith.constant 0 : i32
        %get3A_276 = arith.index_cast %get3A_275 : i32 to index
        %get3A_277 = arith.constant 0 : index
        %get3A_278 = tpu.vector_load %arg10[%get3A_276, %get3A_277] {strides = array<i32>} : memref<8x32xi32, #tpu.memory_space<vmem>>, vector<16xi32>,
        %bitcast3A_279 = vector.bitcast %get3A_278 : vector<16xi32> to vector<16xf32>
        %get3A_280 = arith.constant 0 : i32
        %get3A_281 = arith.index_cast %get3A_280 : i32 to index
        %get3A_282 = arith.constant 16 : index
        %get3A_283 = tpu.vector_load %arg10[%get3A_281, %get3A_282] {strides = array<i32>} : memref<8x32xi32, #tpu.memory_space<vmem>>, vector<16xi32>,
        %masked_sort3A_284 = arith.constant dense<true> : vector<16xi1>
        %masked_sort3A_285, %masked_sort3A_286, %masked_sort3A_287 = tpu.sort %bitcast3A_279, %get3A_283 masked %masked_sort3A_284 : (vector<16xf32>, vector<16xi32>, vector<16xi1>) -> (vector<16xi1>, vector<16xf32>, vector<16xi32>)
        %swap3A_288 = arith.constant 0 : index
        %swap3A_289 = tpu.vector_load %arg12[%swap3A_288] {strides = array<i32>} : memref<128xi32, #tpu.memory_space<vmem>>, vector<16xi32>,
        tpu.vector_store %arg12[%swap3A_288], %masked_sort3A_287 {strides = array<i32>} : memref<128xi32, #tpu.memory_space<vmem>>, vector<16xi32>,
        %swap3A_290 = arith.constant 0 : index
        %swap3A_291 = tpu.vector_load %arg14[%swap3A_290] {strides = array<i32>} : memref<128xi32, #tpu.memory_space<vmem>>, vector<16xi32>,
        tpu.vector_store %arg14[%swap3A_290], %get3A_283 {strides = array<i32>} : memref<128xi32, #tpu.memory_space<vmem>>, vector<16xi32>,
        %get3A_292 = arith.constant 1 : i32
        %get3A_293 = arith.index_cast %get3A_292 : i32 to index
        %get3A_294 = arith.constant 0 : index
        %get3A_295 = tpu.vector_load %arg10[%get3A_293, %get3A_294] {strides = array<i32>} : memref<8x32xi32, #tpu.memory_space<vmem>>, vector<16xi32>,
        %bitcast3A_296 = vector.bitcast %get3A_295 : vector<16xi32> to vector<16xf32>
        %get3A_297 = arith.constant 1 : i32
        %get3A_298 = arith.index_cast %get3A_297 : i32 to index
        %get3A_299 = arith.constant 16 : index
        %get3A_300 = tpu.vector_load %arg10[%get3A_298, %get3A_299] {strides = array<i32>} : memref<8x32xi32, #tpu.memory_space<vmem>>, vector<16xi32>,
        %masked_sort3A_301 = arith.constant dense<true> : vector<16xi1>
        %masked_sort3A_302, %masked_sort3A_303, %masked_sort3A_304 = tpu.sort %bitcast3A_296, %get3A_300 masked %masked_sort3A_301 : (vector<16xf32>, vector<16xi32>, vector<16xi1>) -> (vector<16xi1>, vector<16xf32>, vector<16xi32>)
        %swap3A_305 = arith.constant 16 : index
        %swap3A_306 = tpu.vector_load %arg12[%swap3A_305] {strides = array<i32>} : memref<128xi32, #tpu.memory_space<vmem>>, vector<16xi32>,
        tpu.vector_store %arg12[%swap3A_305], %masked_sort3A_304 {strides = array<i32>} : memref<128xi32, #tpu.memory_space<vmem>>, vector<16xi32>,
        %swap3A_307 = arith.constant 16 : index
        %swap3A_308 = tpu.vector_load %arg14[%swap3A_307] {strides = array<i32>} : memref<128xi32, #tpu.memory_space<vmem>>, vector<16xi32>,
        tpu.vector_store %arg14[%swap3A_307], %get3A_300 {strides = array<i32>} : memref<128xi32, #tpu.memory_space<vmem>>, vector<16xi32>,
        %get3A_309 = arith.constant 2 : i32
        %get3A_310 = arith.index_cast %get3A_309 : i32 to index
        %get3A_311 = arith.constant 0 : index
        %get3A_312 = tpu.vector_load %arg10[%get3A_310, %get3A_311] {strides = array<i32>} : memref<8x32xi32, #tpu.memory_space<vmem>>, vector<16xi32>,
        %bitcast3A_313 = vector.bitcast %get3A_312 : vector<16xi32> to vector<16xf32>
        %get3A_314 = arith.constant 2 : i32
        %get3A_315 = arith.index_cast %get3A_314 : i32 to index
        %get3A_316 = arith.constant 16 : index
        %get3A_317 = tpu.vector_load %arg10[%get3A_315, %get3A_316] {strides = array<i32>} : memref<8x32xi32, #tpu.memory_space<vmem>>, vector<16xi32>,
        %masked_sort3A_318 = arith.constant dense<true> : vector<16xi1>
        %masked_sort3A_319, %masked_sort3A_320, %masked_sort3A_321 = tpu.sort %bitcast3A_313, %get3A_317 masked %masked_sort3A_318 : (vector<16xf32>, vector<16xi32>, vector<16xi1>) -> (vector<16xi1>, vector<16xf32>, vector<16xi32>)
        %swap3A_322 = arith.constant 32 : index
        %swap3A_323 = tpu.vector_load %arg12[%swap3A_322] {strides = array<i32>} : memref<128xi32, #tpu.memory_space<vmem>>, vector<16xi32>,
        tpu.vector_store %arg12[%swap3A_322], %masked_sort3A_321 {strides = array<i32>} : memref<128xi32, #tpu.memory_space<vmem>>, vector<16xi32>,
        %swap3A_324 = arith.constant 32 : index
        %swap3A_325 = tpu.vector_load %arg14[%swap3A_324] {strides = array<i32>} : memref<128xi32, #tpu.memory_space<vmem>>, vector<16xi32>,
        tpu.vector_store %arg14[%swap3A_324], %get3A_317 {strides = array<i32>} : memref<128xi32, #tpu.memory_space<vmem>>, vector<16xi32>,
        %get3A_326 = arith.constant 3 : i32
        %get3A_327 = arith.index_cast %get3A_326 : i32 to index
        %get3A_328 = arith.constant 0 : index
        %get3A_329 = tpu.vector_load %arg10[%get3A_327, %get3A_328] {strides = array<i32>} : memref<8x32xi32, #tpu.memory_space<vmem>>, vector<16xi32>,
        %bitcast3A_330 = vector.bitcast %get3A_329 : vector<16xi32> to vector<16xf32>
        %get3A_331 = arith.constant 3 : i32
        %get3A_332 = arith.index_cast %get3A_331 : i32 to index
        %get3A_333 = arith.constant 16 : index
        %get3A_334 = tpu.vector_load %arg10[%get3A_332, %get3A_333] {strides = array<i32>} : memref<8x32xi32, #tpu.memory_space<vmem>>, vector<16xi32>,
        %masked_sort3A_335 = arith.constant dense<true> : vector<16xi1>
        %masked_sort3A_336, %masked_sort3A_337, %masked_sort3A_338 = tpu.sort %bitcast3A_330, %get3A_334 masked %masked_sort3A_335 : (vector<16xf32>, vector<16xi32>, vector<16xi1>) -> (vector<16xi1>, vector<16xf32>, vector<16xi32>)
        %swap3A_339 = arith.constant 48 : index
        %swap3A_340 = tpu.vector_load %arg12[%swap3A_339] {strides = array<i32>} : memref<128xi32, #tpu.memory_space<vmem>>, vector<16xi32>,
        tpu.vector_store %arg12[%swap3A_339], %masked_sort3A_338 {strides = array<i32>} : memref<128xi32, #tpu.memory_space<vmem>>, vector<16xi32>,
        %swap3A_341 = arith.constant 48 : index
        %swap3A_342 = tpu.vector_load %arg14[%swap3A_341] {strides = array<i32>} : memref<128xi32, #tpu.memory_space<vmem>>, vector<16xi32>,
        tpu.vector_store %arg14[%swap3A_341], %get3A_334 {strides = array<i32>} : memref<128xi32, #tpu.memory_space<vmem>>, vector<16xi32>,
        %get3A_343 = arith.constant 4 : i32
        %get3A_344 = arith.index_cast %get3A_343 : i32 to index
        %get3A_345 = arith.constant 0 : index
        %get3A_346 = tpu.vector_load %arg10[%get3A_344, %get3A_345] {strides = array<i32>} : memref<8x32xi32, #tpu.memory_space<vmem>>, vector<16xi32>,
        %bitcast3A_347 = vector.bitcast %get3A_346 : vector<16xi32> to vector<16xf32>
        %get3A_348 = arith.constant 4 : i32
        %get3A_349 = arith.index_cast %get3A_348 : i32 to index
        %get3A_350 = arith.constant 16 : index
        %get3A_351 = tpu.vector_load %arg10[%get3A_349, %get3A_350] {strides = array<i32>} : memref<8x32xi32, #tpu.memory_space<vmem>>, vector<16xi32>,
        %masked_sort3A_352 = arith.constant dense<true> : vector<16xi1>
        %masked_sort3A_353, %masked_sort3A_354, %masked_sort3A_355 = tpu.sort %bitcast3A_347, %get3A_351 masked %masked_sort3A_352 : (vector<16xf32>, vector<16xi32>, vector<16xi1>) -> (vector<16xi1>, vector<16xf32>, vector<16xi32>)
        %swap3A_356 = arith.constant 64 : index
        %swap3A_357 = tpu.vector_load %arg12[%swap3A_356] {strides = array<i32>} : memref<128xi32, #tpu.memory_space<vmem>>, vector<16xi32>,
        tpu.vector_store %arg12[%swap3A_356], %masked_sort3A_355 {strides = array<i32>} : memref<128xi32, #tpu.memory_space<vmem>>, vector<16xi32>,
        %swap3A_358 = arith.constant 64 : index
        %swap3A_359 = tpu.vector_load %arg14[%swap3A_358] {strides = array<i32>} : memref<128xi32, #tpu.memory_space<vmem>>, vector<16xi32>,
        tpu.vector_store %arg14[%swap3A_358], %get3A_351 {strides = array<i32>} : memref<128xi32, #tpu.memory_space<vmem>>, vector<16xi32>,
        %get3A_360 = arith.constant 5 : i32
        %get3A_361 = arith.index_cast %get3A_360 : i32 to index
        %get3A_362 = arith.constant 0 : index
        %get3A_363 = tpu.vector_load %arg10[%get3A_361, %get3A_362] {strides = array<i32>} : memref<8x32xi32, #tpu.memory_space<vmem>>, vector<16xi32>,
        %bitcast3A_364 = vector.bitcast %get3A_363 : vector<16xi32> to vector<16xf32>
        %get3A_365 = arith.constant 5 : i32
        %get3A_366 = arith.index_cast %get3A_365 : i32 to index
        %get3A_367 = arith.constant 16 : index
        %get3A_368 = tpu.vector_load %arg10[%get3A_366, %get3A_367] {strides = array<i32>} : memref<8x32xi32, #tpu.memory_space<vmem>>, vector<16xi32>,
        %masked_sort3A_369 = arith.constant dense<true> : vector<16xi1>
        %masked_sort3A_370, %masked_sort3A_371, %masked_sort3A_372 = tpu.sort %bitcast3A_364, %get3A_368 masked %masked_sort3A_369 : (vector<16xf32>, vector<16xi32>, vector<16xi1>) -> (vector<16xi1>, vector<16xf32>, vector<16xi32>)
        %swap3A_373 = arith.constant 80 : index
        %swap3A_374 = tpu.vector_load %arg12[%swap3A_373] {strides = array<i32>} : memref<128xi32, #tpu.memory_space<vmem>>, vector<16xi32>,
        tpu.vector_store %arg12[%swap3A_373], %masked_sort3A_372 {strides = array<i32>} : memref<128xi32, #tpu.memory_space<vmem>>, vector<16xi32>,
        %swap3A_375 = arith.constant 80 : index
        %swap3A_376 = tpu.vector_load %arg14[%swap3A_375] {strides = array<i32>} : memref<128xi32, #tpu.memory_space<vmem>>, vector<16xi32>,
        tpu.vector_store %arg14[%swap3A_375], %get3A_368 {strides = array<i32>} : memref<128xi32, #tpu.memory_space<vmem>>, vector<16xi32>,
        %get3A_377 = arith.constant 6 : i32
        %get3A_378 = arith.index_cast %get3A_377 : i32 to index
        %get3A_379 = arith.constant 0 : index
        %get3A_380 = tpu.vector_load %arg10[%get3A_378, %get3A_379] {strides = array<i32>} : memref<8x32xi32, #tpu.memory_space<vmem>>, vector<16xi32>,
        %bitcast3A_381 = vector.bitcast %get3A_380 : vector<16xi32> to vector<16xf32>
        %get3A_382 = arith.constant 6 : i32
        %get3A_383 = arith.index_cast %get3A_382 : i32 to index
        %get3A_384 = arith.constant 16 : index
        %get3A_385 = tpu.vector_load %arg10[%get3A_383, %get3A_384] {strides = array<i32>} : memref<8x32xi32, #tpu.memory_space<vmem>>, vector<16xi32>,
        %masked_sort3A_386 = arith.constant dense<true> : vector<16xi1>
        %masked_sort3A_387, %masked_sort3A_388, %masked_sort3A_389 = tpu.sort %bitcast3A_381, %get3A_385 masked %masked_sort3A_386 : (vector<16xf32>, vector<16xi32>, vector<16xi1>) -> (vector<16xi1>, vector<16xf32>, vector<16xi32>)
        %swap3A_390 = arith.constant 96 : index
        %swap3A_391 = tpu.vector_load %arg12[%swap3A_390] {strides = array<i32>} : memref<128xi32, #tpu.memory_space<vmem>>, vector<16xi32>,
        tpu.vector_store %arg12[%swap3A_390], %masked_sort3A_389 {strides = array<i32>} : memref<128xi32, #tpu.memory_space<vmem>>, vector<16xi32>,
        %swap3A_392 = arith.constant 96 : index
        %swap3A_393 = tpu.vector_load %arg14[%swap3A_392] {strides = array<i32>} : memref<128xi32, #tpu.memory_space<vmem>>, vector<16xi32>,
        tpu.vector_store %arg14[%swap3A_392], %get3A_385 {strides = array<i32>} : memref<128xi32, #tpu.memory_space<vmem>>, vector<16xi32>,
        %get3A_394 = arith.constant 7 : i32
        %get3A_395 = arith.index_cast %get3A_394 : i32 to index
        %get3A_396 = arith.constant 0 : index
        %get3A_397 = tpu.vector_load %arg10[%get3A_395, %get3A_396] {strides = array<i32>} : memref<8x32xi32, #tpu.memory_space<vmem>>, vector<16xi32>,
        %bitcast3A_398 = vector.bitcast %get3A_397 : vector<16xi32> to vector<16xf32>
        %get3A_399 = arith.constant 7 : i32
        %get3A_400 = arith.index_cast %get3A_399 : i32 to index
        %get3A_401 = arith.constant 16 : index
        %get3A_402 = tpu.vector_load %arg10[%get3A_400, %get3A_401] {strides = array<i32>} : memref<8x32xi32, #tpu.memory_space<vmem>>, vector<16xi32>,
        %masked_sort3A_403 = arith.constant dense<true> : vector<16xi1>
        %masked_sort3A_404, %masked_sort3A_405, %masked_sort3A_406 = tpu.sort %bitcast3A_398, %get3A_402 masked %masked_sort3A_403 : (vector<16xf32>, vector<16xi32>, vector<16xi1>) -> (vector<16xi1>, vector<16xf32>, vector<16xi32>)
        %swap3A_407 = arith.constant 112 : index
        %swap3A_408 = tpu.vector_load %arg12[%swap3A_407] {strides = array<i32>} : memref<128xi32, #tpu.memory_space<vmem>>, vector<16xi32>,
        tpu.vector_store %arg12[%swap3A_407], %masked_sort3A_406 {strides = array<i32>} : memref<128xi32, #tpu.memory_space<vmem>>, vector<16xi32>,
        %swap3A_409 = arith.constant 112 : index
        %swap3A_410 = tpu.vector_load %arg14[%swap3A_409] {strides = array<i32>} : memref<128xi32, #tpu.memory_space<vmem>>, vector<16xi32>,
        tpu.vector_store %arg14[%swap3A_409], %get3A_402 {strides = array<i32>} : memref<128xi32, #tpu.memory_space<vmem>>, vector<16xi32>,
        %ge3A = arith.constant 1 : i32
        %ge3A_411 = arith.cmpi sge, %add3A_232, %ge3A : i32
        %convert_element_type3A_412 = arith.extui %ge3A_411 : i1 to i32
        %cond3A_413 = arith.constant 0 : i32
        %cond3A_414 = arith.cmpi ne, %convert_element_type3A_412, %cond3A_413 : i32
        scf.if %cond3A_414 {
          %dma_wait3A_421 = arith.constant 0 : i32
          %dma_wait3A_422 = arith.constant 0 : i32
          %dma_wait3A_423 = tpu.memref_slice %arg5[%dma_wait3A_421, %dma_wait3A_422] : memref<81920x128xf32, #tpu.memory_space<hbm>> -> memref<128x128xf32, #tpu.memory_space<hbm>>
          %dma_wait3A_424 = arith.constant 0 : i32
          %dma_wait3A_425 = arith.constant 0 : i32
          %dma_wait3A_426 = tpu.memref_slice %arg5[%dma_wait3A_424, %dma_wait3A_425] : memref<81920x128xf32, #tpu.memory_space<hbm>> -> memref<128x128xf32, #tpu.memory_space<hbm>>
          tpu.wait_dma2 semaphore(%arg28 : memref<!tpu.dma_semaphore, #tpu.memory_space<semaphore_mem>>) src(%arg16 : memref<128x128xf32, #tpu.memory_space<vmem>>) dst(%dma_wait3A_426 : memref<128x128xf32, #tpu.memory_space<hbm>>)
          %dma_wait3A_427 = arith.constant 0 : i32
          %dma_wait3A_428 = arith.constant 0 : i32
          %dma_wait3A_429 = tpu.memref_slice %arg6[%dma_wait3A_427, %dma_wait3A_428] : memref<81920x128xf32, #tpu.memory_space<hbm>> -> memref<128x128xf32, #tpu.memory_space<hbm>>
          %dma_wait3A_430 = arith.constant 0 : i32
          %dma_wait3A_431 = arith.constant 0 : i32
          %dma_wait3A_432 = tpu.memref_slice %arg6[%dma_wait3A_430, %dma_wait3A_431] : memref<81920x128xf32, #tpu.memory_space<hbm>> -> memref<128x128xf32, #tpu.memory_space<hbm>>
          tpu.wait_dma2 semaphore(%arg30 : memref<!tpu.dma_semaphore, #tpu.memory_space<semaphore_mem>>) src(%arg18 : memref<128x128xf32, #tpu.memory_space<vmem>>) dst(%dma_wait3A_432 : memref<128x128xf32, #tpu.memory_space<hbm>>)
        } else {
        }
        %dma_start3A_415 = arith.constant 0 : i32
        %dma_start3A_416 = arith.constant 0 : i32
        %dma_start3A_417 = tpu.memref_slice %arg3[%dma_start3A_415, %dma_start3A_416] : memref<10240x128xf32, #tpu.memory_space<hbm>> -> memref<10240x128xf32, #tpu.memory_space<hbm>>
        tpu.enqueue_indirect_dma source(%dma_start3A_417 : memref<10240x128xf32, #tpu.memory_space<hbm>>) target(%arg16 : memref<128x128xf32, #tpu.memory_space<vmem>>) offsets(%arg12 : memref<128xi32, #tpu.memory_space<vmem>>) semaphore(%arg24 : memref<!tpu.dma_semaphore, #tpu.memory_space<semaphore_mem>>)
        %dma_start3A_418 = arith.constant 0 : i32
        %dma_start3A_419 = arith.constant 0 : i32
        %dma_start3A_420 = tpu.memref_slice %arg4[%dma_start3A_418, %dma_start3A_419] : memref<10240x128xf32, #tpu.memory_space<hbm>> -> memref<10240x128xf32, #tpu.memory_space<hbm>>
        tpu.enqueue_indirect_dma source(%dma_start3A_420 : memref<10240x128xf32, #tpu.memory_space<hbm>>) target(%arg18 : memref<128x128xf32, #tpu.memory_space<vmem>>) offsets(%arg14 : memref<128xi32, #tpu.memory_space<vmem>>) semaphore(%arg26 : memref<!tpu.dma_semaphore, #tpu.memory_space<semaphore_mem>>)
      } else {
      }
      %lt3A_245 = arith.cmpi slt, %add3A_232, %select_n3A_7 : i32
      %convert_element_type3A_246 = arith.extui %lt3A_245 : i1 to i32
      %cond3A_247 = arith.constant 0 : i32
      %cond3A_248 = arith.cmpi ne, %convert_element_type3A_246, %cond3A_247 : i32
      scf.if %cond3A_248 {
        %dma_wait3A_269 = arith.constant 0 : i32
        %dma_wait3A_270 = arith.constant 0 : i32
        %dma_wait3A_271 = tpu.memref_slice %arg3[%dma_wait3A_269, %dma_wait3A_270] : memref<10240x128xf32, #tpu.memory_space<hbm>> -> memref<128x128xf32, #tpu.memory_space<hbm>>
        %dma_wait3A_272 = arith.constant 0 : i32
        %dma_wait3A_273 = arith.constant 0 : i32
        %dma_wait3A_274 = tpu.memref_slice %arg3[%dma_wait3A_272, %dma_wait3A_273] : memref<10240x128xf32, #tpu.memory_space<hbm>> -> memref<128x128xf32, #tpu.memory_space<hbm>>
        tpu.wait_dma2 semaphore(%arg23 : memref<!tpu.dma_semaphore, #tpu.memory_space<semaphore_mem>>) src(%dma_wait3A_274 : memref<128x128xf32, #tpu.memory_space<hbm>>) dst(%arg15 : memref<128x128xf32, #tpu.memory_space<vmem>>)
        %dma_wait3A_275 = arith.constant 0 : i32
        %dma_wait3A_276 = arith.constant 0 : i32
        %dma_wait3A_277 = tpu.memref_slice %arg4[%dma_wait3A_275, %dma_wait3A_276] : memref<10240x128xf32, #tpu.memory_space<hbm>> -> memref<128x128xf32, #tpu.memory_space<hbm>>
        %dma_wait3A_278 = arith.constant 0 : i32
        %dma_wait3A_279 = arith.constant 0 : i32
        %dma_wait3A_280 = tpu.memref_slice %arg4[%dma_wait3A_278, %dma_wait3A_279] : memref<10240x128xf32, #tpu.memory_space<hbm>> -> memref<128x128xf32, #tpu.memory_space<hbm>>
        tpu.wait_dma2 semaphore(%arg25 : memref<!tpu.dma_semaphore, #tpu.memory_space<semaphore_mem>>) src(%dma_wait3A_280 : memref<128x128xf32, #tpu.memory_space<hbm>>) dst(%arg17 : memref<128x128xf32, #tpu.memory_space<vmem>>)
        %mul3A_281 = arith.constant 8 : i32
        %mul3A_282 = arith.muli %add3A_232, %mul3A_281 : i32
        %add3A_283 = arith.addi %add3A, %mul3A_282 : i32
        %mul3A_284 = arith.constant 16 : i32
        %mul3A_285 = arith.muli %add3A_283, %mul3A_284 : i32
        %dma_start3A_286 = arith.constant 0 : i32
        %dma_start3A_287 = tpu.memref_slice %arg5[%mul3A_285, %dma_start3A_286] : memref<81920x128xf32, #tpu.memory_space<hbm>> -> memref<128x128xf32, #tpu.memory_space<hbm>>
        %dma_start3A_288 = arith.constant 0 : i32
        %dma_start3A_289 = tpu.memref_slice %arg5[%mul3A_285, %dma_start3A_288] : memref<81920x128xf32, #tpu.memory_space<hbm>> -> memref<128x128xf32, #tpu.memory_space<hbm>>
        tpu.enqueue_dma source(%arg15 : memref<128x128xf32, #tpu.memory_space<vmem>>) target(%dma_start3A_289 : memref<128x128xf32, #tpu.memory_space<hbm>>) target_semaphore(%arg27 : memref<!tpu.dma_semaphore, #tpu.memory_space<semaphore_mem>>)
        %mul3A_290 = arith.constant 16 : i32
        %mul3A_291 = arith.muli %add3A_283, %mul3A_290 : i32
        %dma_start3A_292 = arith.constant 0 : i32
        %dma_start3A_293 = tpu.memref_slice %arg6[%mul3A_291, %dma_start3A_292] : memref<81920x128xf32, #tpu.memory_space<hbm>> -> memref<128x128xf32, #tpu.memory_space<hbm>>
        %dma_start3A_294 = arith.constant 0 : i32
        %dma_start3A_295 = tpu.memref_slice %arg6[%mul3A_291, %dma_start3A_294] : memref<81920x128xf32, #tpu.memory_space<hbm>> -> memref<128x128xf32, #tpu.memory_space<hbm>>
        tpu.enqueue_dma source(%arg17 : memref<128x128xf32, #tpu.memory_space<vmem>>) target(%dma_start3A_295 : memref<128x128xf32, #tpu.memory_space<hbm>>) target_semaphore(%arg29 : memref<!tpu.dma_semaphore, #tpu.memory_space<semaphore_mem>>)
      } else {
      }
      %mul3A_249 = arith.constant 4 : i32
      %mul3A_250 = arith.muli %scan3A_191, %mul3A_249 : i32
      %add3A_251 = arith.constant 3 : i32
      %add3A_252 = arith.addi %mul3A_250, %add3A_251 : i32
      %add3A_253 = arith.constant 2 : i32
      %add3A_254 = arith.addi %add3A_252, %add3A_253 : i32
      %lt3A_255 = arith.cmpi slt, %add3A_254, %select_n3A_7 : i32
      %convert_element_type3A_256 = arith.extui %lt3A_255 : i1 to i32
      %cond3A_257 = arith.constant 0 : i32
      %cond3A_258 = arith.cmpi ne, %convert_element_type3A_256, %cond3A_257 : i32
      scf.if %cond3A_258 {
        %add3A_269 = arith.constant 2 : i32
        %add3A_270 = arith.addi %add3A_252, %add3A_269 : i32
        %mul3A_271 = arith.constant 8 : i32
        %mul3A_272 = arith.muli %add3A_270, %mul3A_271 : i32
        %add3A_273 = arith.addi %add3A, %mul3A_272 : i32
        %dma_start3A_274 = arith.constant 0 : i32
        %dma_start3A_275 = tpu.memref_slice %arg2[%add3A_273, %dma_start3A_274] : memref<5120x32xi32, #tpu.memory_space<hbm>> -> memref<8x32xi32, #tpu.memory_space<hbm>>
        %dma_start3A_276 = arith.constant 0 : i32
        %dma_start3A_277 = tpu.memref_slice %arg2[%add3A_273, %dma_start3A_276] : memref<5120x32xi32, #tpu.memory_space<hbm>> -> memref<8x32xi32, #tpu.memory_space<hbm>>
        tpu.enqueue_dma source(%dma_start3A_277 : memref<8x32xi32, #tpu.memory_space<hbm>>) target(%arg8 : memref<8x32xi32, #tpu.memory_space<vmem>>) target_semaphore(%arg20 : memref<!tpu.dma_semaphore, #tpu.memory_space<semaphore_mem>>)
      } else {
      }
      %add3A_259 = arith.constant 1 : i32
      %add3A_260 = arith.addi %add3A_252, %add3A_259 : i32
      %lt3A_261 = arith.cmpi slt, %add3A_260, %select_n3A_7 : i32
      %convert_element_type3A_262 = arith.extui %lt3A_261 : i1 to i32
      %cond3A_263 = arith.constant 0 : i32
      %cond3A_264 = arith.cmpi ne, %convert_element_type3A_262, %cond3A_263 : i32
      scf.if %cond3A_264 {
        %dma_wait3A_269 = arith.constant 0 : i32
        %dma_wait3A_270 = arith.constant 0 : i32
        %dma_wait3A_271 = tpu.memref_slice %arg2[%dma_wait3A_269, %dma_wait3A_270] : memref<5120x32xi32, #tpu.memory_space<hbm>> -> memref<8x32xi32, #tpu.memory_space<hbm>>
        %dma_wait3A_272 = arith.constant 0 : i32
        %dma_wait3A_273 = arith.constant 0 : i32
        %dma_wait3A_274 = tpu.memref_slice %arg2[%dma_wait3A_272, %dma_wait3A_273] : memref<5120x32xi32, #tpu.memory_space<hbm>> -> memref<8x32xi32, #tpu.memory_space<hbm>>
        tpu.wait_dma2 semaphore(%arg19 : memref<!tpu.dma_semaphore, #tpu.memory_space<semaphore_mem>>) src(%dma_wait3A_274 : memref<8x32xi32, #tpu.memory_space<hbm>>) dst(%arg7 : memref<8x32xi32, #tpu.memory_space<vmem>>)
        %get3A_275 = arith.constant 0 : i32
        %get3A_276 = arith.index_cast %get3A_275 : i32 to index
        %get3A_277 = arith.constant 0 : index
        %get3A_278 = tpu.vector_load %arg7[%get3A_276, %get3A_277] {strides = array<i32>} : memref<8x32xi32, #tpu.memory_space<vmem>>, vector<16xi32>,
        %bitcast3A_279 = vector.bitcast %get3A_278 : vector<16xi32> to vector<16xf32>
        %get3A_280 = arith.constant 0 : i32
        %get3A_281 = arith.index_cast %get3A_280 : i32 to index
        %get3A_282 = arith.constant 16 : index
        %get3A_283 = tpu.vector_load %arg7[%get3A_281, %get3A_282] {strides = array<i32>} : memref<8x32xi32, #tpu.memory_space<vmem>>, vector<16xi32>,
        %masked_sort3A_284 = arith.constant dense<true> : vector<16xi1>
        %masked_sort3A_285, %masked_sort3A_286, %masked_sort3A_287 = tpu.sort %bitcast3A_279, %get3A_283 masked %masked_sort3A_284 : (vector<16xf32>, vector<16xi32>, vector<16xi1>) -> (vector<16xi1>, vector<16xf32>, vector<16xi32>)
        %swap3A_288 = arith.constant 0 : index
        %swap3A_289 = tpu.vector_load %arg11[%swap3A_288] {strides = array<i32>} : memref<128xi32, #tpu.memory_space<vmem>>, vector<16xi32>,
        tpu.vector_store %arg11[%swap3A_288], %masked_sort3A_287 {strides = array<i32>} : memref<128xi32, #tpu.memory_space<vmem>>, vector<16xi32>,
        %swap3A_290 = arith.constant 0 : index
        %swap3A_291 = tpu.vector_load %arg13[%swap3A_290] {strides = array<i32>} : memref<128xi32, #tpu.memory_space<vmem>>, vector<16xi32>,
        tpu.vector_store %arg13[%swap3A_290], %get3A_283 {strides = array<i32>} : memref<128xi32, #tpu.memory_space<vmem>>, vector<16xi32>,
        %get3A_292 = arith.constant 1 : i32
        %get3A_293 = arith.index_cast %get3A_292 : i32 to index
        %get3A_294 = arith.constant 0 : index
        %get3A_295 = tpu.vector_load %arg7[%get3A_293, %get3A_294] {strides = array<i32>} : memref<8x32xi32, #tpu.memory_space<vmem>>, vector<16xi32>,
        %bitcast3A_296 = vector.bitcast %get3A_295 : vector<16xi32> to vector<16xf32>
        %get3A_297 = arith.constant 1 : i32
        %get3A_298 = arith.index_cast %get3A_297 : i32 to index
        %get3A_299 = arith.constant 16 : index
        %get3A_300 = tpu.vector_load %arg7[%get3A_298, %get3A_299] {strides = array<i32>} : memref<8x32xi32, #tpu.memory_space<vmem>>, vector<16xi32>,
        %masked_sort3A_301 = arith.constant dense<true> : vector<16xi1>
        %masked_sort3A_302, %masked_sort3A_303, %masked_sort3A_304 = tpu.sort %bitcast3A_296, %get3A_300 masked %masked_sort3A_301 : (vector<16xf32>, vector<16xi32>, vector<16xi1>) -> (vector<16xi1>, vector<16xf32>, vector<16xi32>)
        %swap3A_305 = arith.constant 16 : index
        %swap3A_306 = tpu.vector_load %arg11[%swap3A_305] {strides = array<i32>} : memref<128xi32, #tpu.memory_space<vmem>>, vector<16xi32>,
        tpu.vector_store %arg11[%swap3A_305], %masked_sort3A_304 {strides = array<i32>} : memref<128xi32, #tpu.memory_space<vmem>>, vector<16xi32>,
        %swap3A_307 = arith.constant 16 : index
        %swap3A_308 = tpu.vector_load %arg13[%swap3A_307] {strides = array<i32>} : memref<128xi32, #tpu.memory_space<vmem>>, vector<16xi32>,
        tpu.vector_store %arg13[%swap3A_307], %get3A_300 {strides = array<i32>} : memref<128xi32, #tpu.memory_space<vmem>>, vector<16xi32>,
        %get3A_309 = arith.constant 2 : i32
        %get3A_310 = arith.index_cast %get3A_309 : i32 to index
        %get3A_311 = arith.constant 0 : index
        %get3A_312 = tpu.vector_load %arg7[%get3A_310, %get3A_311] {strides = array<i32>} : memref<8x32xi32, #tpu.memory_space<vmem>>, vector<16xi32>,
        %bitcast3A_313 = vector.bitcast %get3A_312 : vector<16xi32> to vector<16xf32>
        %get3A_314 = arith.constant 2 : i32
        %get3A_315 = arith.index_cast %get3A_314 : i32 to index
        %get3A_316 = arith.constant 16 : index
        %get3A_317 = tpu.vector_load %arg7[%get3A_315, %get3A_316] {strides = array<i32>} : memref<8x32xi32, #tpu.memory_space<vmem>>, vector<16xi32>,
        %masked_sort3A_318 = arith.constant dense<true> : vector<16xi1>
        %masked_sort3A_319, %masked_sort3A_320, %masked_sort3A_321 = tpu.sort %bitcast3A_313, %get3A_317 masked %masked_sort3A_318 : (vector<16xf32>, vector<16xi32>, vector<16xi1>) -> (vector<16xi1>, vector<16xf32>, vector<16xi32>)
        %swap3A_322 = arith.constant 32 : index
        %swap3A_323 = tpu.vector_load %arg11[%swap3A_322] {strides = array<i32>} : memref<128xi32, #tpu.memory_space<vmem>>, vector<16xi32>,
        tpu.vector_store %arg11[%swap3A_322], %masked_sort3A_321 {strides = array<i32>} : memref<128xi32, #tpu.memory_space<vmem>>, vector<16xi32>,
        %swap3A_324 = arith.constant 32 : index
        %swap3A_325 = tpu.vector_load %arg13[%swap3A_324] {strides = array<i32>} : memref<128xi32, #tpu.memory_space<vmem>>, vector<16xi32>,
        tpu.vector_store %arg13[%swap3A_324], %get3A_317 {strides = array<i32>} : memref<128xi32, #tpu.memory_space<vmem>>, vector<16xi32>,
        %get3A_326 = arith.constant 3 : i32
        %get3A_327 = arith.index_cast %get3A_326 : i32 to index
        %get3A_328 = arith.constant 0 : index
        %get3A_329 = tpu.vector_load %arg7[%get3A_327, %get3A_328] {strides = array<i32>} : memref<8x32xi32, #tpu.memory_space<vmem>>, vector<16xi32>,
        %bitcast3A_330 = vector.bitcast %get3A_329 : vector<16xi32> to vector<16xf32>
        %get3A_331 = arith.constant 3 : i32
        %get3A_332 = arith.index_cast %get3A_331 : i32 to index
        %get3A_333 = arith.constant 16 : index
        %get3A_334 = tpu.vector_load %arg7[%get3A_332, %get3A_333] {strides = array<i32>} : memref<8x32xi32, #tpu.memory_space<vmem>>, vector<16xi32>,
        %masked_sort3A_335 = arith.constant dense<true> : vector<16xi1>
        %masked_sort3A_336, %masked_sort3A_337, %masked_sort3A_338 = tpu.sort %bitcast3A_330, %get3A_334 masked %masked_sort3A_335 : (vector<16xf32>, vector<16xi32>, vector<16xi1>) -> (vector<16xi1>, vector<16xf32>, vector<16xi32>)
        %swap3A_339 = arith.constant 48 : index
        %swap3A_340 = tpu.vector_load %arg11[%swap3A_339] {strides = array<i32>} : memref<128xi32, #tpu.memory_space<vmem>>, vector<16xi32>,
        tpu.vector_store %arg11[%swap3A_339], %masked_sort3A_338 {strides = array<i32>} : memref<128xi32, #tpu.memory_space<vmem>>, vector<16xi32>,
        %swap3A_341 = arith.constant 48 : index
        %swap3A_342 = tpu.vector_load %arg13[%swap3A_341] {strides = array<i32>} : memref<128xi32, #tpu.memory_space<vmem>>, vector<16xi32>,
        tpu.vector_store %arg13[%swap3A_341], %get3A_334 {strides = array<i32>} : memref<128xi32, #tpu.memory_space<vmem>>, vector<16xi32>,
        %get3A_343 = arith.constant 4 : i32
        %get3A_344 = arith.index_cast %get3A_343 : i32 to index
        %get3A_345 = arith.constant 0 : index
        %get3A_346 = tpu.vector_load %arg7[%get3A_344, %get3A_345] {strides = array<i32>} : memref<8x32xi32, #tpu.memory_space<vmem>>, vector<16xi32>,
        %bitcast3A_347 = vector.bitcast %get3A_346 : vector<16xi32> to vector<16xf32>
        %get3A_348 = arith.constant 4 : i32
        %get3A_349 = arith.index_cast %get3A_348 : i32 to index
        %get3A_350 = arith.constant 16 : index
        %get3A_351 = tpu.vector_load %arg7[%get3A_349, %get3A_350] {strides = array<i32>} : memref<8x32xi32, #tpu.memory_space<vmem>>, vector<16xi32>,
        %masked_sort3A_352 = arith.constant dense<true> : vector<16xi1>
        %masked_sort3A_353, %masked_sort3A_354, %masked_sort3A_355 = tpu.sort %bitcast3A_347, %get3A_351 masked %masked_sort3A_352 : (vector<16xf32>, vector<16xi32>, vector<16xi1>) -> (vector<16xi1>, vector<16xf32>, vector<16xi32>)
        %swap3A_356 = arith.constant 64 : index
        %swap3A_357 = tpu.vector_load %arg11[%swap3A_356] {strides = array<i32>} : memref<128xi32, #tpu.memory_space<vmem>>, vector<16xi32>,
        tpu.vector_store %arg11[%swap3A_356], %masked_sort3A_355 {strides = array<i32>} : memref<128xi32, #tpu.memory_space<vmem>>, vector<16xi32>,
        %swap3A_358 = arith.constant 64 : index
        %swap3A_359 = tpu.vector_load %arg13[%swap3A_358] {strides = array<i32>} : memref<128xi32, #tpu.memory_space<vmem>>, vector<16xi32>,
        tpu.vector_store %arg13[%swap3A_358], %get3A_351 {strides = array<i32>} : memref<128xi32, #tpu.memory_space<vmem>>, vector<16xi32>,
        %get3A_360 = arith.constant 5 : i32
        %get3A_361 = arith.index_cast %get3A_360 : i32 to index
        %get3A_362 = arith.constant 0 : index
        %get3A_363 = tpu.vector_load %arg7[%get3A_361, %get3A_362] {strides = array<i32>} : memref<8x32xi32, #tpu.memory_space<vmem>>, vector<16xi32>,
        %bitcast3A_364 = vector.bitcast %get3A_363 : vector<16xi32> to vector<16xf32>
        %get3A_365 = arith.constant 5 : i32
        %get3A_366 = arith.index_cast %get3A_365 : i32 to index
        %get3A_367 = arith.constant 16 : index
        %get3A_368 = tpu.vector_load %arg7[%get3A_366, %get3A_367] {strides = array<i32>} : memref<8x32xi32, #tpu.memory_space<vmem>>, vector<16xi32>,
        %masked_sort3A_369 = arith.constant dense<true> : vector<16xi1>
        %masked_sort3A_370, %masked_sort3A_371, %masked_sort3A_372 = tpu.sort %bitcast3A_364, %get3A_368 masked %masked_sort3A_369 : (vector<16xf32>, vector<16xi32>, vector<16xi1>) -> (vector<16xi1>, vector<16xf32>, vector<16xi32>)
        %swap3A_373 = arith.constant 80 : index
        %swap3A_374 = tpu.vector_load %arg11[%swap3A_373] {strides = array<i32>} : memref<128xi32, #tpu.memory_space<vmem>>, vector<16xi32>,
        tpu.vector_store %arg11[%swap3A_373], %masked_sort3A_372 {strides = array<i32>} : memref<128xi32, #tpu.memory_space<vmem>>, vector<16xi32>,
        %swap3A_375 = arith.constant 80 : index
        %swap3A_376 = tpu.vector_load %arg13[%swap3A_375] {strides = array<i32>} : memref<128xi32, #tpu.memory_space<vmem>>, vector<16xi32>,
        tpu.vector_store %arg13[%swap3A_375], %get3A_368 {strides = array<i32>} : memref<128xi32, #tpu.memory_space<vmem>>, vector<16xi32>,
        %get3A_377 = arith.constant 6 : i32
        %get3A_378 = arith.index_cast %get3A_377 : i32 to index
        %get3A_379 = arith.constant 0 : index
        %get3A_380 = tpu.vector_load %arg7[%get3A_378, %get3A_379] {strides = array<i32>} : memref<8x32xi32, #tpu.memory_space<vmem>>, vector<16xi32>,
        %bitcast3A_381 = vector.bitcast %get3A_380 : vector<16xi32> to vector<16xf32>
        %get3A_382 = arith.constant 6 : i32
        %get3A_383 = arith.index_cast %get3A_382 : i32 to index
        %get3A_384 = arith.constant 16 : index
        %get3A_385 = tpu.vector_load %arg7[%get3A_383, %get3A_384] {strides = array<i32>} : memref<8x32xi32, #tpu.memory_space<vmem>>, vector<16xi32>,
        %masked_sort3A_386 = arith.constant dense<true> : vector<16xi1>
        %masked_sort3A_387, %masked_sort3A_388, %masked_sort3A_389 = tpu.sort %bitcast3A_381, %get3A_385 masked %masked_sort3A_386 : (vector<16xf32>, vector<16xi32>, vector<16xi1>) -> (vector<16xi1>, vector<16xf32>, vector<16xi32>)
        %swap3A_390 = arith.constant 96 : index
        %swap3A_391 = tpu.vector_load %arg11[%swap3A_390] {strides = array<i32>} : memref<128xi32, #tpu.memory_space<vmem>>, vector<16xi32>,
        tpu.vector_store %arg11[%swap3A_390], %masked_sort3A_389 {strides = array<i32>} : memref<128xi32, #tpu.memory_space<vmem>>, vector<16xi32>,
        %swap3A_392 = arith.constant 96 : index
        %swap3A_393 = tpu.vector_load %arg13[%swap3A_392] {strides = array<i32>} : memref<128xi32, #tpu.memory_space<vmem>>, vector<16xi32>,
        tpu.vector_store %arg13[%swap3A_392], %get3A_385 {strides = array<i32>} : memref<128xi32, #tpu.memory_space<vmem>>, vector<16xi32>,
        %get3A_394 = arith.constant 7 : i32
        %get3A_395 = arith.index_cast %get3A_394 : i32 to index
        %get3A_396 = arith.constant 0 : index
        %get3A_397 = tpu.vector_load %arg7[%get3A_395, %get3A_396] {strides = array<i32>} : memref<8x32xi32, #tpu.memory_space<vmem>>, vector<16xi32>,
        %bitcast3A_398 = vector.bitcast %get3A_397 : vector<16xi32> to vector<16xf32>
        %get3A_399 = arith.constant 7 : i32
        %get3A_400 = arith.index_cast %get3A_399 : i32 to index
        %get3A_401 = arith.constant 16 : index
        %get3A_402 = tpu.vector_load %arg7[%get3A_400, %get3A_401] {strides = array<i32>} : memref<8x32xi32, #tpu.memory_space<vmem>>, vector<16xi32>,
        %masked_sort3A_403 = arith.constant dense<true> : vector<16xi1>
        %masked_sort3A_404, %masked_sort3A_405, %masked_sort3A_406 = tpu.sort %bitcast3A_398, %get3A_402 masked %masked_sort3A_403 : (vector<16xf32>, vector<16xi32>, vector<16xi1>) -> (vector<16xi1>, vector<16xf32>, vector<16xi32>)
        %swap3A_407 = arith.constant 112 : index
        %swap3A_408 = tpu.vector_load %arg11[%swap3A_407] {strides = array<i32>} : memref<128xi32, #tpu.memory_space<vmem>>, vector<16xi32>,
        tpu.vector_store %arg11[%swap3A_407], %masked_sort3A_406 {strides = array<i32>} : memref<128xi32, #tpu.memory_space<vmem>>, vector<16xi32>,
        %swap3A_409 = arith.constant 112 : index
        %swap3A_410 = tpu.vector_load %arg13[%swap3A_409] {strides = array<i32>} : memref<128xi32, #tpu.memory_space<vmem>>, vector<16xi32>,
        tpu.vector_store %arg13[%swap3A_409], %get3A_402 {strides = array<i32>} : memref<128xi32, #tpu.memory_space<vmem>>, vector<16xi32>,
        %ge3A = arith.constant 1 : i32
        %ge3A_411 = arith.cmpi sge, %add3A_252, %ge3A : i32
        %convert_element_type3A_412 = arith.extui %ge3A_411 : i1 to i32
        %cond3A_413 = arith.constant 0 : i32
        %cond3A_414 = arith.cmpi ne, %convert_element_type3A_412, %cond3A_413 : i32
        scf.if %cond3A_414 {
          %dma_wait3A_421 = arith.constant 0 : i32
          %dma_wait3A_422 = arith.constant 0 : i32
          %dma_wait3A_423 = tpu.memref_slice %arg5[%dma_wait3A_421, %dma_wait3A_422] : memref<81920x128xf32, #tpu.memory_space<hbm>> -> memref<128x128xf32, #tpu.memory_space<hbm>>
          %dma_wait3A_424 = arith.constant 0 : i32
          %dma_wait3A_425 = arith.constant 0 : i32
          %dma_wait3A_426 = tpu.memref_slice %arg5[%dma_wait3A_424, %dma_wait3A_425] : memref<81920x128xf32, #tpu.memory_space<hbm>> -> memref<128x128xf32, #tpu.memory_space<hbm>>
          tpu.wait_dma2 semaphore(%arg27 : memref<!tpu.dma_semaphore, #tpu.memory_space<semaphore_mem>>) src(%arg15 : memref<128x128xf32, #tpu.memory_space<vmem>>) dst(%dma_wait3A_426 : memref<128x128xf32, #tpu.memory_space<hbm>>)
          %dma_wait3A_427 = arith.constant 0 : i32
          %dma_wait3A_428 = arith.constant 0 : i32
          %dma_wait3A_429 = tpu.memref_slice %arg6[%dma_wait3A_427, %dma_wait3A_428] : memref<81920x128xf32, #tpu.memory_space<hbm>> -> memref<128x128xf32, #tpu.memory_space<hbm>>
          %dma_wait3A_430 = arith.constant 0 : i32
          %dma_wait3A_431 = arith.constant 0 : i32
          %dma_wait3A_432 = tpu.memref_slice %arg6[%dma_wait3A_430, %dma_wait3A_431] : memref<81920x128xf32, #tpu.memory_space<hbm>> -> memref<128x128xf32, #tpu.memory_space<hbm>>
          tpu.wait_dma2 semaphore(%arg29 : memref<!tpu.dma_semaphore, #tpu.memory_space<semaphore_mem>>) src(%arg17 : memref<128x128xf32, #tpu.memory_space<vmem>>) dst(%dma_wait3A_432 : memref<128x128xf32, #tpu.memory_space<hbm>>)
        } else {
        }
        %dma_start3A_415 = arith.constant 0 : i32
        %dma_start3A_416 = arith.constant 0 : i32
        %dma_start3A_417 = tpu.memref_slice %arg3[%dma_start3A_415, %dma_start3A_416] : memref<10240x128xf32, #tpu.memory_space<hbm>> -> memref<10240x128xf32, #tpu.memory_space<hbm>>
        tpu.enqueue_indirect_dma source(%dma_start3A_417 : memref<10240x128xf32, #tpu.memory_space<hbm>>) target(%arg15 : memref<128x128xf32, #tpu.memory_space<vmem>>) offsets(%arg11 : memref<128xi32, #tpu.memory_space<vmem>>) semaphore(%arg23 : memref<!tpu.dma_semaphore, #tpu.memory_space<semaphore_mem>>)
        %dma_start3A_418 = arith.constant 0 : i32
        %dma_start3A_419 = arith.constant 0 : i32
        %dma_start3A_420 = tpu.memref_slice %arg4[%dma_start3A_418, %dma_start3A_419] : memref<10240x128xf32, #tpu.memory_space<hbm>> -> memref<10240x128xf32, #tpu.memory_space<hbm>>
        tpu.enqueue_indirect_dma source(%dma_start3A_420 : memref<10240x128xf32, #tpu.memory_space<hbm>>) target(%arg17 : memref<128x128xf32, #tpu.memory_space<vmem>>) offsets(%arg13 : memref<128xi32, #tpu.memory_space<vmem>>) semaphore(%arg25 : memref<!tpu.dma_semaphore, #tpu.memory_space<semaphore_mem>>)
      } else {
      }
      %lt3A_265 = arith.cmpi slt, %add3A_252, %select_n3A_7 : i32
      %convert_element_type3A_266 = arith.extui %lt3A_265 : i1 to i32
      %cond3A_267 = arith.constant 0 : i32
      %cond3A_268 = arith.cmpi ne, %convert_element_type3A_266, %cond3A_267 : i32
      scf.if %cond3A_268 {
        %dma_wait3A_269 = arith.constant 0 : i32
        %dma_wait3A_270 = arith.constant 0 : i32
        %dma_wait3A_271 = tpu.memref_slice %arg3[%dma_wait3A_269, %dma_wait3A_270] : memref<10240x128xf32, #tpu.memory_space<hbm>> -> memref<128x128xf32, #tpu.memory_space<hbm>>
        %dma_wait3A_272 = arith.constant 0 : i32
        %dma_wait3A_273 = arith.constant 0 : i32
        %dma_wait3A_274 = tpu.memref_slice %arg3[%dma_wait3A_272, %dma_wait3A_273] : memref<10240x128xf32, #tpu.memory_space<hbm>> -> memref<128x128xf32, #tpu.memory_space<hbm>>
        tpu.wait_dma2 semaphore(%arg24 : memref<!tpu.dma_semaphore, #tpu.memory_space<semaphore_mem>>) src(%dma_wait3A_274 : memref<128x128xf32, #tpu.memory_space<hbm>>) dst(%arg16 : memref<128x128xf32, #tpu.memory_space<vmem>>)
        %dma_wait3A_275 = arith.constant 0 : i32
        %dma_wait3A_276 = arith.constant 0 : i32
        %dma_wait3A_277 = tpu.memref_slice %arg4[%dma_wait3A_275, %dma_wait3A_276] : memref<10240x128xf32, #tpu.memory_space<hbm>> -> memref<128x128xf32, #tpu.memory_space<hbm>>
        %dma_wait3A_278 = arith.constant 0 : i32
        %dma_wait3A_279 = arith.constant 0 : i32
        %dma_wait3A_280 = tpu.memref_slice %arg4[%dma_wait3A_278, %dma_wait3A_279] : memref<10240x128xf32, #tpu.memory_space<hbm>> -> memref<128x128xf32, #tpu.memory_space<hbm>>
        tpu.wait_dma2 semaphore(%arg26 : memref<!tpu.dma_semaphore, #tpu.memory_space<semaphore_mem>>) src(%dma_wait3A_280 : memref<128x128xf32, #tpu.memory_space<hbm>>) dst(%arg18 : memref<128x128xf32, #tpu.memory_space<vmem>>)
        %mul3A_281 = arith.constant 8 : i32
        %mul3A_282 = arith.muli %add3A_252, %mul3A_281 : i32
        %add3A_283 = arith.addi %add3A, %mul3A_282 : i32
        %mul3A_284 = arith.constant 16 : i32
        %mul3A_285 = arith.muli %add3A_283, %mul3A_284 : i32
        %dma_start3A_286 = arith.constant 0 : i32
        %dma_start3A_287 = tpu.memref_slice %arg5[%mul3A_285, %dma_start3A_286] : memref<81920x128xf32, #tpu.memory_space<hbm>> -> memref<128x128xf32, #tpu.memory_space<hbm>>
        %dma_start3A_288 = arith.constant 0 : i32
        %dma_start3A_289 = tpu.memref_slice %arg5[%mul3A_285, %dma_start3A_288] : memref<81920x128xf32, #tpu.memory_space<hbm>> -> memref<128x128xf32, #tpu.memory_space<hbm>>
        tpu.enqueue_dma source(%arg16 : memref<128x128xf32, #tpu.memory_space<vmem>>) target(%dma_start3A_289 : memref<128x128xf32, #tpu.memory_space<hbm>>) target_semaphore(%arg28 : memref<!tpu.dma_semaphore, #tpu.memory_space<semaphore_mem>>)
        %mul3A_290 = arith.constant 16 : i32
        %mul3A_291 = arith.muli %add3A_283, %mul3A_290 : i32
        %dma_start3A_292 = arith.constant 0 : i32
        %dma_start3A_293 = tpu.memref_slice %arg6[%mul3A_291, %dma_start3A_292] : memref<81920x128xf32, #tpu.memory_space<hbm>> -> memref<128x128xf32, #tpu.memory_space<hbm>>
        %dma_start3A_294 = arith.constant 0 : i32
        %dma_start3A_295 = tpu.memref_slice %arg6[%mul3A_291, %dma_start3A_294] : memref<81920x128xf32, #tpu.memory_space<hbm>> -> memref<128x128xf32, #tpu.memory_space<hbm>>
        tpu.enqueue_dma source(%arg18 : memref<128x128xf32, #tpu.memory_space<vmem>>) target(%dma_start3A_295 : memref<128x128xf32, #tpu.memory_space<hbm>>) target_semaphore(%arg30 : memref<!tpu.dma_semaphore, #tpu.memory_space<semaphore_mem>>)
      } else {
      }
    }
    %scan3A_166 = arith.constant 6 : i32
    %dma_wait3A_167 = arith.constant 0 : i32
    %dma_wait3A_168 = arith.constant 0 : i32
    %dma_wait3A_169 = tpu.memref_slice %arg5[%dma_wait3A_167, %dma_wait3A_168] : memref<81920x128xf32, #tpu.memory_space<hbm>> -> memref<128x128xf32, #tpu.memory_space<hbm>>
    %dma_wait3A_170 = arith.constant 0 : i32
    %dma_wait3A_171 = arith.constant 0 : i32
    %dma_wait3A_172 = tpu.memref_slice %arg5[%dma_wait3A_170, %dma_wait3A_171] : memref<81920x128xf32, #tpu.memory_space<hbm>> -> memref<128x128xf32, #tpu.memory_space<hbm>>
    tpu.wait_dma2 semaphore(%arg27 : memref<!tpu.dma_semaphore, #tpu.memory_space<semaphore_mem>>) src(%arg15 : memref<128x128xf32, #tpu.memory_space<vmem>>) dst(%dma_wait3A_172 : memref<128x128xf32, #tpu.memory_space<hbm>>)
    %dma_wait3A_173 = arith.constant 0 : i32
    %dma_wait3A_174 = arith.constant 0 : i32
    %dma_wait3A_175 = tpu.memref_slice %arg6[%dma_wait3A_173, %dma_wait3A_174] : memref<81920x128xf32, #tpu.memory_space<hbm>> -> memref<128x128xf32, #tpu.memory_space<hbm>>
    %dma_wait3A_176 = arith.constant 0 : i32
    %dma_wait3A_177 = arith.constant 0 : i32
    %dma_wait3A_178 = tpu.memref_slice %arg6[%dma_wait3A_176, %dma_wait3A_177] : memref<81920x128xf32, #tpu.memory_space<hbm>> -> memref<128x128xf32, #tpu.memory_space<hbm>>
    tpu.wait_dma2 semaphore(%arg29 : memref<!tpu.dma_semaphore, #tpu.memory_space<semaphore_mem>>) src(%arg17 : memref<128x128xf32, #tpu.memory_space<vmem>>) dst(%dma_wait3A_178 : memref<128x128xf32, #tpu.memory_space<hbm>>)
    %dma_wait3A_179 = arith.constant 0 : i32
    %dma_wait3A_180 = arith.constant 0 : i32
    %dma_wait3A_181 = tpu.memref_slice %arg5[%dma_wait3A_179, %dma_wait3A_180] : memref<81920x128xf32, #tpu.memory_space<hbm>> -> memref<128x128xf32, #tpu.memory_space<hbm>>
    %dma_wait3A_182 = arith.constant 0 : i32
    %dma_wait3A_183 = arith.constant 0 : i32
    %dma_wait3A_184 = tpu.memref_slice %arg5[%dma_wait3A_182, %dma_wait3A_183] : memref<81920x128xf32, #tpu.memory_space<hbm>> -> memref<128x128xf32, #tpu.memory_space<hbm>>
    tpu.wait_dma2 semaphore(%arg28 : memref<!tpu.dma_semaphore, #tpu.memory_space<semaphore_mem>>) src(%arg16 : memref<128x128xf32, #tpu.memory_space<vmem>>) dst(%dma_wait3A_184 : memref<128x128xf32, #tpu.memory_space<hbm>>)
    %dma_wait3A_185 = arith.constant 0 : i32
    %dma_wait3A_186 = arith.constant 0 : i32
    %dma_wait3A_187 = tpu.memref_slice %arg6[%dma_wait3A_185, %dma_wait3A_186] : memref<81920x128xf32, #tpu.memory_space<hbm>> -> memref<128x128xf32, #tpu.memory_space<hbm>>
    %dma_wait3A_188 = arith.constant 0 : i32
    %dma_wait3A_189 = arith.constant 0 : i32
    %dma_wait3A_190 = tpu.memref_slice %arg6[%dma_wait3A_188, %dma_wait3A_189] : memref<81920x128xf32, #tpu.memory_space<hbm>> -> memref<128x128xf32, #tpu.memory_space<hbm>>
    tpu.wait_dma2 semaphore(%arg30 : memref<!tpu.dma_semaphore, #tpu.memory_space<semaphore_mem>>) src(%arg18 : memref<128x128xf32, #tpu.memory_space<vmem>>) dst(%dma_wait3A_190 : memref<128x128xf32, #tpu.memory_space<hbm>>)
    return
  }
}

#map = affine_map<(d0, d1) -> (0, 0)>
module attributes {stable_mosaic.version = 14 : i64} {
  func.func @_sort_gather_body(%arg0: i32, %arg1: i32, %arg2: memref<5120x32xi32, #tpu.memory_space<hbm>>, %arg3: memref<10240x128xf32, #tpu.memory_space<hbm>>, %arg4: memref<10240x128xf32, #tpu.memory_space<hbm>>, %arg5: memref<81920x128xf32, #tpu.memory_space<hbm>>, %arg6: memref<81920x128xf32, #tpu.memory_space<hbm>>, %arg7: memref<8x32xi32, #tpu.memory_space<vmem>>, %arg8: memref<8x32xi32, #tpu.memory_space<vmem>>, %arg9: memref<8x32xi32, #tpu.memory_space<vmem>>, %arg10: memref<8x32xi32, #tpu.memory_space<vmem>>, %arg11: memref<128xi32, #tpu.memory_space<vmem>>, %arg12: memref<128xi32, #tpu.memory_space<vmem>>, %arg13: memref<128xi32, #tpu.memory_space<vmem>>, %arg14: memref<128xi32, #tpu.memory_space<vmem>>, %arg15: memref<128x128xf32, #tpu.memory_space<vmem>>, %arg16: memref<128x128xf32, #tpu.memory_space<vmem>>, %arg17: memref<128x128xf32, #tpu.memory_space<vmem>>, %arg18: memref<128x128xf32, #tpu.memory_space<vmem>>, %arg19: memref<!tpu.dma_semaphore, #tpu.memory_space<semaphore_mem>>, %arg20: memref<!tpu.dma_semaphore, #tpu.memory_space<semaphore_mem>>, %arg21: memref<!tpu.dma_semaphore, #tpu.memory_space<semaphore_mem>>, %arg22: memref<!tpu.dma_semaphore, #tpu.memory_space<semaphore_mem>>, %arg23: memref<!tpu.dma_semaphore, #tpu.memory_space<semaphore_mem>>, %arg24: memref<!tpu.dma_semaphore, #tpu.memory_space<semaphore_mem>>, %arg25: memref<!tpu.dma_semaphore, #tpu.memory_space<semaphore_mem>>, %arg26: memref<!tpu.dma_semaphore, #tpu.memory_space<semaphore_mem>>, %arg27: memref<!tpu.dma_semaphore, #tpu.memory_space<semaphore_mem>>, %arg28: memref<!tpu.dma_semaphore, #tpu.memory_space<semaphore_mem>>, %arg29: memref<!tpu.dma_semaphore, #tpu.memory_space<semaphore_mem>>, %arg30: memref<!tpu.dma_semaphore, #tpu.memory_space<semaphore_mem>>) attributes {dimension_semantics = [#tpu.dimension_semantics<core_parallel>, #tpu.dimension_semantics<subcore_parallel>], iteration_bounds = array<i64: 2, 16>, scalar_prefetch = 0 : i64, scratch_operands = 24 : i64, tpu.core_type = #tpu.core_type<sc_vector_subcore>, window_params = [{transform_indices = #map}, {transform_indices = #map}, {transform_indices = #map}, {transform_indices = #map}, {transform_indices = #map}]} {
    %mul3A = arith.constant 320 : i32
    %mul3A_0 = arith.muli %arg1, %mul3A : i32
    %eq3A = arith.constant 1 : i32
    %eq3A_1 = arith.cmpi eq, %arg0, %eq3A : i32
    %jit3A = arith.constant 192 : i32
    %jit3A_2 = arith.constant 0 : i32
    %select_n3A = arith.select %eq3A_1, %jit3A, %jit3A_2 : i32
    %add3A = arith.addi %mul3A_0, %select_n3A : i32
    %eq3A_3 = arith.constant 1 : i32
    %eq3A_4 = arith.cmpi eq, %arg0, %eq3A_3 : i32
    %jit3A_5 = arith.constant 16 : i32
    %jit3A_6 = arith.constant 24 : i32
    %select_n3A_7 = arith.select %eq3A_4, %jit3A_5, %jit3A_6 : i32
    %add3A_8 = arith.constant 0 : i32
    %add3A_9 = arith.addi %add3A, %add3A_8 : i32
    %dma_start3A = arith.constant 0 : i32
    %dma_start3A_10 = tpu.memref_slice %arg2[%add3A_9, %dma_start3A] : memref<5120x32xi32, #tpu.memory_space<hbm>> -> memref<8x32xi32, #tpu.memory_space<hbm>>
    %dma_start3A_11 = arith.constant 0 : i32
    %dma_start3A_12 = tpu.memref_slice %arg2[%add3A_9, %dma_start3A_11] : memref<5120x32xi32, #tpu.memory_space<hbm>> -> memref<8x32xi32, #tpu.memory_space<hbm>>
    tpu.enqueue_dma source(%dma_start3A_12 : memref<8x32xi32, #tpu.memory_space<hbm>>) target(%arg7 : memref<8x32xi32, #tpu.memory_space<vmem>>) target_semaphore(%arg19 : memref<!tpu.dma_semaphore, #tpu.memory_space<semaphore_mem>>)
    %add3A_13 = arith.constant 8 : i32
    %add3A_14 = arith.addi %add3A, %add3A_13 : i32
    %dma_start3A_15 = arith.constant 0 : i32
    %dma_start3A_16 = tpu.memref_slice %arg2[%add3A_14, %dma_start3A_15] : memref<5120x32xi32, #tpu.memory_space<hbm>> -> memref<8x32xi32, #tpu.memory_space<hbm>>
    %dma_start3A_17 = arith.constant 0 : i32
    %dma_start3A_18 = tpu.memref_slice %arg2[%add3A_14, %dma_start3A_17] : memref<5120x32xi32, #tpu.memory_space<hbm>> -> memref<8x32xi32, #tpu.memory_space<hbm>>
    tpu.enqueue_dma source(%dma_start3A_18 : memref<8x32xi32, #tpu.memory_space<hbm>>) target(%arg8 : memref<8x32xi32, #tpu.memory_space<vmem>>) target_semaphore(%arg20 : memref<!tpu.dma_semaphore, #tpu.memory_space<semaphore_mem>>)
    %dma_wait3A = arith.constant 0 : i32
    %dma_wait3A_19 = arith.constant 0 : i32
    %dma_wait3A_20 = tpu.memref_slice %arg2[%dma_wait3A, %dma_wait3A_19] : memref<5120x32xi32, #tpu.memory_space<hbm>> -> memref<8x32xi32, #tpu.memory_space<hbm>>
    %dma_wait3A_21 = arith.constant 0 : i32
    %dma_wait3A_22 = arith.constant 0 : i32
    %dma_wait3A_23 = tpu.memref_slice %arg2[%dma_wait3A_21, %dma_wait3A_22] : memref<5120x32xi32, #tpu.memory_space<hbm>> -> memref<8x32xi32, #tpu.memory_space<hbm>>
    tpu.wait_dma2 semaphore(%arg19 : memref<!tpu.dma_semaphore, #tpu.memory_space<semaphore_mem>>) src(%dma_wait3A_23 : memref<8x32xi32, #tpu.memory_space<hbm>>) dst(%arg7 : memref<8x32xi32, #tpu.memory_space<vmem>>)
    %get3A = arith.constant 0 : i32
    %get3A_24 = arith.index_cast %get3A : i32 to index
    %get3A_25 = arith.constant 0 : index
    %get3A_26 = tpu.vector_load %arg7[%get3A_24, %get3A_25] {strides = array<i32>} : memref<8x32xi32, #tpu.memory_space<vmem>>, vector<16xi32>,
    %bitcast3A = vector.bitcast %get3A_26 : vector<16xi32> to vector<16xf32>
    %get3A_27 = arith.constant 0 : i32
    %get3A_28 = arith.index_cast %get3A_27 : i32 to index
    %get3A_29 = arith.constant 16 : index
    %get3A_30 = tpu.vector_load %arg7[%get3A_28, %get3A_29] {strides = array<i32>} : memref<8x32xi32, #tpu.memory_space<vmem>>, vector<16xi32>,
    %masked_sort3A = arith.constant dense<true> : vector<16xi1>
    %masked_sort3A_31, %masked_sort3A_32, %masked_sort3A_33 = tpu.sort %bitcast3A, %get3A_30 masked %masked_sort3A : (vector<16xf32>, vector<16xi32>, vector<16xi1>) -> (vector<16xi1>, vector<16xf32>, vector<16xi32>)
    %swap3A = arith.constant 0 : index
    %swap3A_34 = tpu.vector_load %arg11[%swap3A] {strides = array<i32>} : memref<128xi32, #tpu.memory_space<vmem>>, vector<16xi32>,
    tpu.vector_store %arg11[%swap3A], %masked_sort3A_33 {strides = array<i32>} : memref<128xi32, #tpu.memory_space<vmem>>, vector<16xi32>,
    %swap3A_35 = arith.constant 0 : index
    %swap3A_36 = tpu.vector_load %arg13[%swap3A_35] {strides = array<i32>} : memref<128xi32, #tpu.memory_space<vmem>>, vector<16xi32>,
    tpu.vector_store %arg13[%swap3A_35], %get3A_30 {strides = array<i32>} : memref<128xi32, #tpu.memory_space<vmem>>, vector<16xi32>,
    %get3A_37 = arith.constant 1 : i32
    %get3A_38 = arith.index_cast %get3A_37 : i32 to index
    %get3A_39 = arith.constant 0 : index
    %get3A_40 = tpu.vector_load %arg7[%get3A_38, %get3A_39] {strides = array<i32>} : memref<8x32xi32, #tpu.memory_space<vmem>>, vector<16xi32>,
    %bitcast3A_41 = vector.bitcast %get3A_40 : vector<16xi32> to vector<16xf32>
    %get3A_42 = arith.constant 1 : i32
    %get3A_43 = arith.index_cast %get3A_42 : i32 to index
    %get3A_44 = arith.constant 16 : index
    %get3A_45 = tpu.vector_load %arg7[%get3A_43, %get3A_44] {strides = array<i32>} : memref<8x32xi32, #tpu.memory_space<vmem>>, vector<16xi32>,
    %masked_sort3A_46 = arith.constant dense<true> : vector<16xi1>
    %masked_sort3A_47, %masked_sort3A_48, %masked_sort3A_49 = tpu.sort %bitcast3A_41, %get3A_45 masked %masked_sort3A_46 : (vector<16xf32>, vector<16xi32>, vector<16xi1>) -> (vector<16xi1>, vector<16xf32>, vector<16xi32>)
    %swap3A_50 = arith.constant 16 : index
    %swap3A_51 = tpu.vector_load %arg11[%swap3A_50] {strides = array<i32>} : memref<128xi32, #tpu.memory_space<vmem>>, vector<16xi32>,
    tpu.vector_store %arg11[%swap3A_50], %masked_sort3A_49 {strides = array<i32>} : memref<128xi32, #tpu.memory_space<vmem>>, vector<16xi32>,
    %swap3A_52 = arith.constant 16 : index
    %swap3A_53 = tpu.vector_load %arg13[%swap3A_52] {strides = array<i32>} : memref<128xi32, #tpu.memory_space<vmem>>, vector<16xi32>,
    tpu.vector_store %arg13[%swap3A_52], %get3A_45 {strides = array<i32>} : memref<128xi32, #tpu.memory_space<vmem>>, vector<16xi32>,
    %get3A_54 = arith.constant 2 : i32
    %get3A_55 = arith.index_cast %get3A_54 : i32 to index
    %get3A_56 = arith.constant 0 : index
    %get3A_57 = tpu.vector_load %arg7[%get3A_55, %get3A_56] {strides = array<i32>} : memref<8x32xi32, #tpu.memory_space<vmem>>, vector<16xi32>,
    %bitcast3A_58 = vector.bitcast %get3A_57 : vector<16xi32> to vector<16xf32>
    %get3A_59 = arith.constant 2 : i32
    %get3A_60 = arith.index_cast %get3A_59 : i32 to index
    %get3A_61 = arith.constant 16 : index
    %get3A_62 = tpu.vector_load %arg7[%get3A_60, %get3A_61] {strides = array<i32>} : memref<8x32xi32, #tpu.memory_space<vmem>>, vector<16xi32>,
    %masked_sort3A_63 = arith.constant dense<true> : vector<16xi1>
    %masked_sort3A_64, %masked_sort3A_65, %masked_sort3A_66 = tpu.sort %bitcast3A_58, %get3A_62 masked %masked_sort3A_63 : (vector<16xf32>, vector<16xi32>, vector<16xi1>) -> (vector<16xi1>, vector<16xf32>, vector<16xi32>)
    %swap3A_67 = arith.constant 32 : index
    %swap3A_68 = tpu.vector_load %arg11[%swap3A_67] {strides = array<i32>} : memref<128xi32, #tpu.memory_space<vmem>>, vector<16xi32>,
    tpu.vector_store %arg11[%swap3A_67], %masked_sort3A_66 {strides = array<i32>} : memref<128xi32, #tpu.memory_space<vmem>>, vector<16xi32>,
    %swap3A_69 = arith.constant 32 : index
    %swap3A_70 = tpu.vector_load %arg13[%swap3A_69] {strides = array<i32>} : memref<128xi32, #tpu.memory_space<vmem>>, vector<16xi32>,
    tpu.vector_store %arg13[%swap3A_69], %get3A_62 {strides = array<i32>} : memref<128xi32, #tpu.memory_space<vmem>>, vector<16xi32>,
    %get3A_71 = arith.constant 3 : i32
    %get3A_72 = arith.index_cast %get3A_71 : i32 to index
    %get3A_73 = arith.constant 0 : index
    %get3A_74 = tpu.vector_load %arg7[%get3A_72, %get3A_73] {strides = array<i32>} : memref<8x32xi32, #tpu.memory_space<vmem>>, vector<16xi32>,
    %bitcast3A_75 = vector.bitcast %get3A_74 : vector<16xi32> to vector<16xf32>
    %get3A_76 = arith.constant 3 : i32
    %get3A_77 = arith.index_cast %get3A_76 : i32 to index
    %get3A_78 = arith.constant 16 : index
    %get3A_79 = tpu.vector_load %arg7[%get3A_77, %get3A_78] {strides = array<i32>} : memref<8x32xi32, #tpu.memory_space<vmem>>, vector<16xi32>,
    %masked_sort3A_80 = arith.constant dense<true> : vector<16xi1>
    %masked_sort3A_81, %masked_sort3A_82, %masked_sort3A_83 = tpu.sort %bitcast3A_75, %get3A_79 masked %masked_sort3A_80 : (vector<16xf32>, vector<16xi32>, vector<16xi1>) -> (vector<16xi1>, vector<16xf32>, vector<16xi32>)
    %swap3A_84 = arith.constant 48 : index
    %swap3A_85 = tpu.vector_load %arg11[%swap3A_84] {strides = array<i32>} : memref<128xi32, #tpu.memory_space<vmem>>, vector<16xi32>,
    tpu.vector_store %arg11[%swap3A_84], %masked_sort3A_83 {strides = array<i32>} : memref<128xi32, #tpu.memory_space<vmem>>, vector<16xi32>,
    %swap3A_86 = arith.constant 48 : index
    %swap3A_87 = tpu.vector_load %arg13[%swap3A_86] {strides = array<i32>} : memref<128xi32, #tpu.memory_space<vmem>>, vector<16xi32>,
    tpu.vector_store %arg13[%swap3A_86], %get3A_79 {strides = array<i32>} : memref<128xi32, #tpu.memory_space<vmem>>, vector<16xi32>,
    %get3A_88 = arith.constant 4 : i32
    %get3A_89 = arith.index_cast %get3A_88 : i32 to index
    %get3A_90 = arith.constant 0 : index
    %get3A_91 = tpu.vector_load %arg7[%get3A_89, %get3A_90] {strides = array<i32>} : memref<8x32xi32, #tpu.memory_space<vmem>>, vector<16xi32>,
    %bitcast3A_92 = vector.bitcast %get3A_91 : vector<16xi32> to vector<16xf32>
    %get3A_93 = arith.constant 4 : i32
    %get3A_94 = arith.index_cast %get3A_93 : i32 to index
    %get3A_95 = arith.constant 16 : index
    %get3A_96 = tpu.vector_load %arg7[%get3A_94, %get3A_95] {strides = array<i32>} : memref<8x32xi32, #tpu.memory_space<vmem>>, vector<16xi32>,
    %masked_sort3A_97 = arith.constant dense<true> : vector<16xi1>
    %masked_sort3A_98, %masked_sort3A_99, %masked_sort3A_100 = tpu.sort %bitcast3A_92, %get3A_96 masked %masked_sort3A_97 : (vector<16xf32>, vector<16xi32>, vector<16xi1>) -> (vector<16xi1>, vector<16xf32>, vector<16xi32>)
    %swap3A_101 = arith.constant 64 : index
    %swap3A_102 = tpu.vector_load %arg11[%swap3A_101] {strides = array<i32>} : memref<128xi32, #tpu.memory_space<vmem>>, vector<16xi32>,
    tpu.vector_store %arg11[%swap3A_101], %masked_sort3A_100 {strides = array<i32>} : memref<128xi32, #tpu.memory_space<vmem>>, vector<16xi32>,
    %swap3A_103 = arith.constant 64 : index
    %swap3A_104 = tpu.vector_load %arg13[%swap3A_103] {strides = array<i32>} : memref<128xi32, #tpu.memory_space<vmem>>, vector<16xi32>,
    tpu.vector_store %arg13[%swap3A_103], %get3A_96 {strides = array<i32>} : memref<128xi32, #tpu.memory_space<vmem>>, vector<16xi32>,
    %get3A_105 = arith.constant 5 : i32
    %get3A_106 = arith.index_cast %get3A_105 : i32 to index
    %get3A_107 = arith.constant 0 : index
    %get3A_108 = tpu.vector_load %arg7[%get3A_106, %get3A_107] {strides = array<i32>} : memref<8x32xi32, #tpu.memory_space<vmem>>, vector<16xi32>,
    %bitcast3A_109 = vector.bitcast %get3A_108 : vector<16xi32> to vector<16xf32>
    %get3A_110 = arith.constant 5 : i32
    %get3A_111 = arith.index_cast %get3A_110 : i32 to index
    %get3A_112 = arith.constant 16 : index
    %get3A_113 = tpu.vector_load %arg7[%get3A_111, %get3A_112] {strides = array<i32>} : memref<8x32xi32, #tpu.memory_space<vmem>>, vector<16xi32>,
    %masked_sort3A_114 = arith.constant dense<true> : vector<16xi1>
    %masked_sort3A_115, %masked_sort3A_116, %masked_sort3A_117 = tpu.sort %bitcast3A_109, %get3A_113 masked %masked_sort3A_114 : (vector<16xf32>, vector<16xi32>, vector<16xi1>) -> (vector<16xi1>, vector<16xf32>, vector<16xi32>)
    %swap3A_118 = arith.constant 80 : index
    %swap3A_119 = tpu.vector_load %arg11[%swap3A_118] {strides = array<i32>} : memref<128xi32, #tpu.memory_space<vmem>>, vector<16xi32>,
    tpu.vector_store %arg11[%swap3A_118], %masked_sort3A_117 {strides = array<i32>} : memref<128xi32, #tpu.memory_space<vmem>>, vector<16xi32>,
    %swap3A_120 = arith.constant 80 : index
    %swap3A_121 = tpu.vector_load %arg13[%swap3A_120] {strides = array<i32>} : memref<128xi32, #tpu.memory_space<vmem>>, vector<16xi32>,
    tpu.vector_store %arg13[%swap3A_120], %get3A_113 {strides = array<i32>} : memref<128xi32, #tpu.memory_space<vmem>>, vector<16xi32>,
    %get3A_122 = arith.constant 6 : i32
    %get3A_123 = arith.index_cast %get3A_122 : i32 to index
    %get3A_124 = arith.constant 0 : index
    %get3A_125 = tpu.vector_load %arg7[%get3A_123, %get3A_124] {strides = array<i32>} : memref<8x32xi32, #tpu.memory_space<vmem>>, vector<16xi32>,
    %bitcast3A_126 = vector.bitcast %get3A_125 : vector<16xi32> to vector<16xf32>
    %get3A_127 = arith.constant 6 : i32
    %get3A_128 = arith.index_cast %get3A_127 : i32 to index
    %get3A_129 = arith.constant 16 : index
    %get3A_130 = tpu.vector_load %arg7[%get3A_128, %get3A_129] {strides = array<i32>} : memref<8x32xi32, #tpu.memory_space<vmem>>, vector<16xi32>,
    %masked_sort3A_131 = arith.constant dense<true> : vector<16xi1>
    %masked_sort3A_132, %masked_sort3A_133, %masked_sort3A_134 = tpu.sort %bitcast3A_126, %get3A_130 masked %masked_sort3A_131 : (vector<16xf32>, vector<16xi32>, vector<16xi1>) -> (vector<16xi1>, vector<16xf32>, vector<16xi32>)
    %swap3A_135 = arith.constant 96 : index
    %swap3A_136 = tpu.vector_load %arg11[%swap3A_135] {strides = array<i32>} : memref<128xi32, #tpu.memory_space<vmem>>, vector<16xi32>,
    tpu.vector_store %arg11[%swap3A_135], %masked_sort3A_134 {strides = array<i32>} : memref<128xi32, #tpu.memory_space<vmem>>, vector<16xi32>,
    %swap3A_137 = arith.constant 96 : index
    %swap3A_138 = tpu.vector_load %arg13[%swap3A_137] {strides = array<i32>} : memref<128xi32, #tpu.memory_space<vmem>>, vector<16xi32>,
    tpu.vector_store %arg13[%swap3A_137], %get3A_130 {strides = array<i32>} : memref<128xi32, #tpu.memory_space<vmem>>, vector<16xi32>,
    %get3A_139 = arith.constant 7 : i32
    %get3A_140 = arith.index_cast %get3A_139 : i32 to index
    %get3A_141 = arith.constant 0 : index
    %get3A_142 = tpu.vector_load %arg7[%get3A_140, %get3A_141] {strides = array<i32>} : memref<8x32xi32, #tpu.memory_space<vmem>>, vector<16xi32>,
    %bitcast3A_143 = vector.bitcast %get3A_142 : vector<16xi32> to vector<16xf32>
    %get3A_144 = arith.constant 7 : i32
    %get3A_145 = arith.index_cast %get3A_144 : i32 to index
    %get3A_146 = arith.constant 16 : index
    %get3A_147 = tpu.vector_load %arg7[%get3A_145, %get3A_146] {strides = array<i32>} : memref<8x32xi32, #tpu.memory_space<vmem>>, vector<16xi32>,
    %masked_sort3A_148 = arith.constant dense<true> : vector<16xi1>
    %masked_sort3A_149, %masked_sort3A_150, %masked_sort3A_151 = tpu.sort %bitcast3A_143, %get3A_147 masked %masked_sort3A_148 : (vector<16xf32>, vector<16xi32>, vector<16xi1>) -> (vector<16xi1>, vector<16xf32>, vector<16xi32>)
    %swap3A_152 = arith.constant 112 : index
    %swap3A_153 = tpu.vector_load %arg11[%swap3A_152] {strides = array<i32>} : memref<128xi32, #tpu.memory_space<vmem>>, vector<16xi32>,
    tpu.vector_store %arg11[%swap3A_152], %masked_sort3A_151 {strides = array<i32>} : memref<128xi32, #tpu.memory_space<vmem>>, vector<16xi32>,
    %swap3A_154 = arith.constant 112 : index
    %swap3A_155 = tpu.vector_load %arg13[%swap3A_154] {strides = array<i32>} : memref<128xi32, #tpu.memory_space<vmem>>, vector<16xi32>,
    tpu.vector_store %arg13[%swap3A_154], %get3A_147 {strides = array<i32>} : memref<128xi32, #tpu.memory_space<vmem>>, vector<16xi32>,
    %dma_start3A_156 = arith.constant 0 : i32
    %dma_start3A_157 = arith.constant 0 : i32
    %dma_start3A_158 = tpu.memref_slice %arg3[%dma_start3A_156, %dma_start3A_157] : memref<10240x128xf32, #tpu.memory_space<hbm>> -> memref<10240x128xf32, #tpu.memory_space<hbm>>
    tpu.enqueue_indirect_dma source(%dma_start3A_158 : memref<10240x128xf32, #tpu.memory_space<hbm>>) target(%arg15 : memref<128x128xf32, #tpu.memory_space<vmem>>) offsets(%arg11 : memref<128xi32, #tpu.memory_space<vmem>>) semaphore(%arg23 : memref<!tpu.dma_semaphore, #tpu.memory_space<semaphore_mem>>)
    %dma_start3A_159 = arith.constant 0 : i32
    %dma_start3A_160 = arith.constant 0 : i32
    %dma_start3A_161 = tpu.memref_slice %arg4[%dma_start3A_159, %dma_start3A_160] : memref<10240x128xf32, #tpu.memory_space<hbm>> -> memref<10240x128xf32, #tpu.memory_space<hbm>>
    tpu.enqueue_indirect_dma source(%dma_start3A_161 : memref<10240x128xf32, #tpu.memory_space<hbm>>) target(%arg17 : memref<128x128xf32, #tpu.memory_space<vmem>>) offsets(%arg13 : memref<128xi32, #tpu.memory_space<vmem>>) semaphore(%arg25 : memref<!tpu.dma_semaphore, #tpu.memory_space<semaphore_mem>>)
    %scan3A = arith.constant 0 : i32
    %scan3A_162 = arith.constant 0 : i32
    %scan3A_163 = arith.constant 6 : i32
    %scan3A_164 = arith.addi %scan3A_162, %scan3A_163 : i32
    %scan3A_165 = arith.constant 1 : i32
    scf.for %scan3A_191 = %scan3A_162 to %scan3A_164 step %scan3A_165  : i32 {
      %mul3A_192 = arith.constant 4 : i32
      %mul3A_193 = arith.muli %scan3A_191, %mul3A_192 : i32
      %add3A_194 = arith.constant 0 : i32
      %add3A_195 = arith.addi %mul3A_193, %add3A_194 : i32
      %add3A_196 = arith.constant 2 : i32
      %add3A_197 = arith.addi %add3A_195, %add3A_196 : i32
      %lt3A = arith.cmpi slt, %add3A_197, %select_n3A_7 : i32
      %convert_element_type3A = arith.extui %lt3A : i1 to i32
      %cond3A = arith.constant 0 : i32
      %cond3A_198 = arith.cmpi ne, %convert_element_type3A, %cond3A : i32
      scf.if %cond3A_198 {
        %add3A_269 = arith.constant 2 : i32
        %add3A_270 = arith.addi %add3A_195, %add3A_269 : i32
        %mul3A_271 = arith.constant 8 : i32
        %mul3A_272 = arith.muli %add3A_270, %mul3A_271 : i32
        %add3A_273 = arith.addi %add3A, %mul3A_272 : i32
        %dma_start3A_274 = arith.constant 0 : i32
        %dma_start3A_275 = tpu.memref_slice %arg2[%add3A_273, %dma_start3A_274] : memref<5120x32xi32, #tpu.memory_space<hbm>> -> memref<8x32xi32, #tpu.memory_space<hbm>>
        %dma_start3A_276 = arith.constant 0 : i32
        %dma_start3A_277 = tpu.memref_slice %arg2[%add3A_273, %dma_start3A_276] : memref<5120x32xi32, #tpu.memory_space<hbm>> -> memref<8x32xi32, #tpu.memory_space<hbm>>
        tpu.enqueue_dma source(%dma_start3A_277 : memref<8x32xi32, #tpu.memory_space<hbm>>) target(%arg9 : memref<8x32xi32, #tpu.memory_space<vmem>>) target_semaphore(%arg21 : memref<!tpu.dma_semaphore, #tpu.memory_space<semaphore_mem>>)
      } else {
      }
      %add3A_199 = arith.constant 1 : i32
      %add3A_200 = arith.addi %add3A_195, %add3A_199 : i32
      %lt3A_201 = arith.cmpi slt, %add3A_200, %select_n3A_7 : i32
      %convert_element_type3A_202 = arith.extui %lt3A_201 : i1 to i32
      %cond3A_203 = arith.constant 0 : i32
      %cond3A_204 = arith.cmpi ne, %convert_element_type3A_202, %cond3A_203 : i32
      scf.if %cond3A_204 {
        %dma_wait3A_269 = arith.constant 0 : i32
        %dma_wait3A_270 = arith.constant 0 : i32
        %dma_wait3A_271 = tpu.memref_slice %arg2[%dma_wait3A_269, %dma_wait3A_270] : memref<5120x32xi32, #tpu.memory_space<hbm>> -> memref<8x32xi32, #tpu.memory_space<hbm>>
        %dma_wait3A_272 = arith.constant 0 : i32
        %dma_wait3A_273 = arith.constant 0 : i32
        %dma_wait3A_274 = tpu.memref_slice %arg2[%dma_wait3A_272, %dma_wait3A_273] : memref<5120x32xi32, #tpu.memory_space<hbm>> -> memref<8x32xi32, #tpu.memory_space<hbm>>
        tpu.wait_dma2 semaphore(%arg20 : memref<!tpu.dma_semaphore, #tpu.memory_space<semaphore_mem>>) src(%dma_wait3A_274 : memref<8x32xi32, #tpu.memory_space<hbm>>) dst(%arg8 : memref<8x32xi32, #tpu.memory_space<vmem>>)
        %get3A_275 = arith.constant 0 : i32
        %get3A_276 = arith.index_cast %get3A_275 : i32 to index
        %get3A_277 = arith.constant 0 : index
        %get3A_278 = tpu.vector_load %arg8[%get3A_276, %get3A_277] {strides = array<i32>} : memref<8x32xi32, #tpu.memory_space<vmem>>, vector<16xi32>,
        %bitcast3A_279 = vector.bitcast %get3A_278 : vector<16xi32> to vector<16xf32>
        %get3A_280 = arith.constant 0 : i32
        %get3A_281 = arith.index_cast %get3A_280 : i32 to index
        %get3A_282 = arith.constant 16 : index
        %get3A_283 = tpu.vector_load %arg8[%get3A_281, %get3A_282] {strides = array<i32>} : memref<8x32xi32, #tpu.memory_space<vmem>>, vector<16xi32>,
        %masked_sort3A_284 = arith.constant dense<true> : vector<16xi1>
        %masked_sort3A_285, %masked_sort3A_286, %masked_sort3A_287 = tpu.sort %bitcast3A_279, %get3A_283 masked %masked_sort3A_284 : (vector<16xf32>, vector<16xi32>, vector<16xi1>) -> (vector<16xi1>, vector<16xf32>, vector<16xi32>)
        %swap3A_288 = arith.constant 0 : index
        %swap3A_289 = tpu.vector_load %arg12[%swap3A_288] {strides = array<i32>} : memref<128xi32, #tpu.memory_space<vmem>>, vector<16xi32>,
        tpu.vector_store %arg12[%swap3A_288], %masked_sort3A_287 {strides = array<i32>} : memref<128xi32, #tpu.memory_space<vmem>>, vector<16xi32>,
        %swap3A_290 = arith.constant 0 : index
        %swap3A_291 = tpu.vector_load %arg14[%swap3A_290] {strides = array<i32>} : memref<128xi32, #tpu.memory_space<vmem>>, vector<16xi32>,
        tpu.vector_store %arg14[%swap3A_290], %get3A_283 {strides = array<i32>} : memref<128xi32, #tpu.memory_space<vmem>>, vector<16xi32>,
        %get3A_292 = arith.constant 1 : i32
        %get3A_293 = arith.index_cast %get3A_292 : i32 to index
        %get3A_294 = arith.constant 0 : index
        %get3A_295 = tpu.vector_load %arg8[%get3A_293, %get3A_294] {strides = array<i32>} : memref<8x32xi32, #tpu.memory_space<vmem>>, vector<16xi32>,
        %bitcast3A_296 = vector.bitcast %get3A_295 : vector<16xi32> to vector<16xf32>
        %get3A_297 = arith.constant 1 : i32
        %get3A_298 = arith.index_cast %get3A_297 : i32 to index
        %get3A_299 = arith.constant 16 : index
        %get3A_300 = tpu.vector_load %arg8[%get3A_298, %get3A_299] {strides = array<i32>} : memref<8x32xi32, #tpu.memory_space<vmem>>, vector<16xi32>,
        %masked_sort3A_301 = arith.constant dense<true> : vector<16xi1>
        %masked_sort3A_302, %masked_sort3A_303, %masked_sort3A_304 = tpu.sort %bitcast3A_296, %get3A_300 masked %masked_sort3A_301 : (vector<16xf32>, vector<16xi32>, vector<16xi1>) -> (vector<16xi1>, vector<16xf32>, vector<16xi32>)
        %swap3A_305 = arith.constant 16 : index
        %swap3A_306 = tpu.vector_load %arg12[%swap3A_305] {strides = array<i32>} : memref<128xi32, #tpu.memory_space<vmem>>, vector<16xi32>,
        tpu.vector_store %arg12[%swap3A_305], %masked_sort3A_304 {strides = array<i32>} : memref<128xi32, #tpu.memory_space<vmem>>, vector<16xi32>,
        %swap3A_307 = arith.constant 16 : index
        %swap3A_308 = tpu.vector_load %arg14[%swap3A_307] {strides = array<i32>} : memref<128xi32, #tpu.memory_space<vmem>>, vector<16xi32>,
        tpu.vector_store %arg14[%swap3A_307], %get3A_300 {strides = array<i32>} : memref<128xi32, #tpu.memory_space<vmem>>, vector<16xi32>,
        %get3A_309 = arith.constant 2 : i32
        %get3A_310 = arith.index_cast %get3A_309 : i32 to index
        %get3A_311 = arith.constant 0 : index
        %get3A_312 = tpu.vector_load %arg8[%get3A_310, %get3A_311] {strides = array<i32>} : memref<8x32xi32, #tpu.memory_space<vmem>>, vector<16xi32>,
        %bitcast3A_313 = vector.bitcast %get3A_312 : vector<16xi32> to vector<16xf32>
        %get3A_314 = arith.constant 2 : i32
        %get3A_315 = arith.index_cast %get3A_314 : i32 to index
        %get3A_316 = arith.constant 16 : index
        %get3A_317 = tpu.vector_load %arg8[%get3A_315, %get3A_316] {strides = array<i32>} : memref<8x32xi32, #tpu.memory_space<vmem>>, vector<16xi32>,
        %masked_sort3A_318 = arith.constant dense<true> : vector<16xi1>
        %masked_sort3A_319, %masked_sort3A_320, %masked_sort3A_321 = tpu.sort %bitcast3A_313, %get3A_317 masked %masked_sort3A_318 : (vector<16xf32>, vector<16xi32>, vector<16xi1>) -> (vector<16xi1>, vector<16xf32>, vector<16xi32>)
        %swap3A_322 = arith.constant 32 : index
        %swap3A_323 = tpu.vector_load %arg12[%swap3A_322] {strides = array<i32>} : memref<128xi32, #tpu.memory_space<vmem>>, vector<16xi32>,
        tpu.vector_store %arg12[%swap3A_322], %masked_sort3A_321 {strides = array<i32>} : memref<128xi32, #tpu.memory_space<vmem>>, vector<16xi32>,
        %swap3A_324 = arith.constant 32 : index
        %swap3A_325 = tpu.vector_load %arg14[%swap3A_324] {strides = array<i32>} : memref<128xi32, #tpu.memory_space<vmem>>, vector<16xi32>,
        tpu.vector_store %arg14[%swap3A_324], %get3A_317 {strides = array<i32>} : memref<128xi32, #tpu.memory_space<vmem>>, vector<16xi32>,
        %get3A_326 = arith.constant 3 : i32
        %get3A_327 = arith.index_cast %get3A_326 : i32 to index
        %get3A_328 = arith.constant 0 : index
        %get3A_329 = tpu.vector_load %arg8[%get3A_327, %get3A_328] {strides = array<i32>} : memref<8x32xi32, #tpu.memory_space<vmem>>, vector<16xi32>,
        %bitcast3A_330 = vector.bitcast %get3A_329 : vector<16xi32> to vector<16xf32>
        %get3A_331 = arith.constant 3 : i32
        %get3A_332 = arith.index_cast %get3A_331 : i32 to index
        %get3A_333 = arith.constant 16 : index
        %get3A_334 = tpu.vector_load %arg8[%get3A_332, %get3A_333] {strides = array<i32>} : memref<8x32xi32, #tpu.memory_space<vmem>>, vector<16xi32>,
        %masked_sort3A_335 = arith.constant dense<true> : vector<16xi1>
        %masked_sort3A_336, %masked_sort3A_337, %masked_sort3A_338 = tpu.sort %bitcast3A_330, %get3A_334 masked %masked_sort3A_335 : (vector<16xf32>, vector<16xi32>, vector<16xi1>) -> (vector<16xi1>, vector<16xf32>, vector<16xi32>)
        %swap3A_339 = arith.constant 48 : index
        %swap3A_340 = tpu.vector_load %arg12[%swap3A_339] {strides = array<i32>} : memref<128xi32, #tpu.memory_space<vmem>>, vector<16xi32>,
        tpu.vector_store %arg12[%swap3A_339], %masked_sort3A_338 {strides = array<i32>} : memref<128xi32, #tpu.memory_space<vmem>>, vector<16xi32>,
        %swap3A_341 = arith.constant 48 : index
        %swap3A_342 = tpu.vector_load %arg14[%swap3A_341] {strides = array<i32>} : memref<128xi32, #tpu.memory_space<vmem>>, vector<16xi32>,
        tpu.vector_store %arg14[%swap3A_341], %get3A_334 {strides = array<i32>} : memref<128xi32, #tpu.memory_space<vmem>>, vector<16xi32>,
        %get3A_343 = arith.constant 4 : i32
        %get3A_344 = arith.index_cast %get3A_343 : i32 to index
        %get3A_345 = arith.constant 0 : index
        %get3A_346 = tpu.vector_load %arg8[%get3A_344, %get3A_345] {strides = array<i32>} : memref<8x32xi32, #tpu.memory_space<vmem>>, vector<16xi32>,
        %bitcast3A_347 = vector.bitcast %get3A_346 : vector<16xi32> to vector<16xf32>
        %get3A_348 = arith.constant 4 : i32
        %get3A_349 = arith.index_cast %get3A_348 : i32 to index
        %get3A_350 = arith.constant 16 : index
        %get3A_351 = tpu.vector_load %arg8[%get3A_349, %get3A_350] {strides = array<i32>} : memref<8x32xi32, #tpu.memory_space<vmem>>, vector<16xi32>,
        %masked_sort3A_352 = arith.constant dense<true> : vector<16xi1>
        %masked_sort3A_353, %masked_sort3A_354, %masked_sort3A_355 = tpu.sort %bitcast3A_347, %get3A_351 masked %masked_sort3A_352 : (vector<16xf32>, vector<16xi32>, vector<16xi1>) -> (vector<16xi1>, vector<16xf32>, vector<16xi32>)
        %swap3A_356 = arith.constant 64 : index
        %swap3A_357 = tpu.vector_load %arg12[%swap3A_356] {strides = array<i32>} : memref<128xi32, #tpu.memory_space<vmem>>, vector<16xi32>,
        tpu.vector_store %arg12[%swap3A_356], %masked_sort3A_355 {strides = array<i32>} : memref<128xi32, #tpu.memory_space<vmem>>, vector<16xi32>,
        %swap3A_358 = arith.constant 64 : index
        %swap3A_359 = tpu.vector_load %arg14[%swap3A_358] {strides = array<i32>} : memref<128xi32, #tpu.memory_space<vmem>>, vector<16xi32>,
        tpu.vector_store %arg14[%swap3A_358], %get3A_351 {strides = array<i32>} : memref<128xi32, #tpu.memory_space<vmem>>, vector<16xi32>,
        %get3A_360 = arith.constant 5 : i32
        %get3A_361 = arith.index_cast %get3A_360 : i32 to index
        %get3A_362 = arith.constant 0 : index
        %get3A_363 = tpu.vector_load %arg8[%get3A_361, %get3A_362] {strides = array<i32>} : memref<8x32xi32, #tpu.memory_space<vmem>>, vector<16xi32>,
        %bitcast3A_364 = vector.bitcast %get3A_363 : vector<16xi32> to vector<16xf32>
        %get3A_365 = arith.constant 5 : i32
        %get3A_366 = arith.index_cast %get3A_365 : i32 to index
        %get3A_367 = arith.constant 16 : index
        %get3A_368 = tpu.vector_load %arg8[%get3A_366, %get3A_367] {strides = array<i32>} : memref<8x32xi32, #tpu.memory_space<vmem>>, vector<16xi32>,
        %masked_sort3A_369 = arith.constant dense<true> : vector<16xi1>
        %masked_sort3A_370, %masked_sort3A_371, %masked_sort3A_372 = tpu.sort %bitcast3A_364, %get3A_368 masked %masked_sort3A_369 : (vector<16xf32>, vector<16xi32>, vector<16xi1>) -> (vector<16xi1>, vector<16xf32>, vector<16xi32>)
        %swap3A_373 = arith.constant 80 : index
        %swap3A_374 = tpu.vector_load %arg12[%swap3A_373] {strides = array<i32>} : memref<128xi32, #tpu.memory_space<vmem>>, vector<16xi32>,
        tpu.vector_store %arg12[%swap3A_373], %masked_sort3A_372 {strides = array<i32>} : memref<128xi32, #tpu.memory_space<vmem>>, vector<16xi32>,
        %swap3A_375 = arith.constant 80 : index
        %swap3A_376 = tpu.vector_load %arg14[%swap3A_375] {strides = array<i32>} : memref<128xi32, #tpu.memory_space<vmem>>, vector<16xi32>,
        tpu.vector_store %arg14[%swap3A_375], %get3A_368 {strides = array<i32>} : memref<128xi32, #tpu.memory_space<vmem>>, vector<16xi32>,
        %get3A_377 = arith.constant 6 : i32
        %get3A_378 = arith.index_cast %get3A_377 : i32 to index
        %get3A_379 = arith.constant 0 : index
        %get3A_380 = tpu.vector_load %arg8[%get3A_378, %get3A_379] {strides = array<i32>} : memref<8x32xi32, #tpu.memory_space<vmem>>, vector<16xi32>,
        %bitcast3A_381 = vector.bitcast %get3A_380 : vector<16xi32> to vector<16xf32>
        %get3A_382 = arith.constant 6 : i32
        %get3A_383 = arith.index_cast %get3A_382 : i32 to index
        %get3A_384 = arith.constant 16 : index
        %get3A_385 = tpu.vector_load %arg8[%get3A_383, %get3A_384] {strides = array<i32>} : memref<8x32xi32, #tpu.memory_space<vmem>>, vector<16xi32>,
        %masked_sort3A_386 = arith.constant dense<true> : vector<16xi1>
        %masked_sort3A_387, %masked_sort3A_388, %masked_sort3A_389 = tpu.sort %bitcast3A_381, %get3A_385 masked %masked_sort3A_386 : (vector<16xf32>, vector<16xi32>, vector<16xi1>) -> (vector<16xi1>, vector<16xf32>, vector<16xi32>)
        %swap3A_390 = arith.constant 96 : index
        %swap3A_391 = tpu.vector_load %arg12[%swap3A_390] {strides = array<i32>} : memref<128xi32, #tpu.memory_space<vmem>>, vector<16xi32>,
        tpu.vector_store %arg12[%swap3A_390], %masked_sort3A_389 {strides = array<i32>} : memref<128xi32, #tpu.memory_space<vmem>>, vector<16xi32>,
        %swap3A_392 = arith.constant 96 : index
        %swap3A_393 = tpu.vector_load %arg14[%swap3A_392] {strides = array<i32>} : memref<128xi32, #tpu.memory_space<vmem>>, vector<16xi32>,
        tpu.vector_store %arg14[%swap3A_392], %get3A_385 {strides = array<i32>} : memref<128xi32, #tpu.memory_space<vmem>>, vector<16xi32>,
        %get3A_394 = arith.constant 7 : i32
        %get3A_395 = arith.index_cast %get3A_394 : i32 to index
        %get3A_396 = arith.constant 0 : index
        %get3A_397 = tpu.vector_load %arg8[%get3A_395, %get3A_396] {strides = array<i32>} : memref<8x32xi32, #tpu.memory_space<vmem>>, vector<16xi32>,
        %bitcast3A_398 = vector.bitcast %get3A_397 : vector<16xi32> to vector<16xf32>
        %get3A_399 = arith.constant 7 : i32
        %get3A_400 = arith.index_cast %get3A_399 : i32 to index
        %get3A_401 = arith.constant 16 : index
        %get3A_402 = tpu.vector_load %arg8[%get3A_400, %get3A_401] {strides = array<i32>} : memref<8x32xi32, #tpu.memory_space<vmem>>, vector<16xi32>,
        %masked_sort3A_403 = arith.constant dense<true> : vector<16xi1>
        %masked_sort3A_404, %masked_sort3A_405, %masked_sort3A_406 = tpu.sort %bitcast3A_398, %get3A_402 masked %masked_sort3A_403 : (vector<16xf32>, vector<16xi32>, vector<16xi1>) -> (vector<16xi1>, vector<16xf32>, vector<16xi32>)
        %swap3A_407 = arith.constant 112 : index
        %swap3A_408 = tpu.vector_load %arg12[%swap3A_407] {strides = array<i32>} : memref<128xi32, #tpu.memory_space<vmem>>, vector<16xi32>,
        tpu.vector_store %arg12[%swap3A_407], %masked_sort3A_406 {strides = array<i32>} : memref<128xi32, #tpu.memory_space<vmem>>, vector<16xi32>,
        %swap3A_409 = arith.constant 112 : index
        %swap3A_410 = tpu.vector_load %arg14[%swap3A_409] {strides = array<i32>} : memref<128xi32, #tpu.memory_space<vmem>>, vector<16xi32>,
        tpu.vector_store %arg14[%swap3A_409], %get3A_402 {strides = array<i32>} : memref<128xi32, #tpu.memory_space<vmem>>, vector<16xi32>,
        %ge3A = arith.constant 1 : i32
        %ge3A_411 = arith.cmpi sge, %add3A_195, %ge3A : i32
        %convert_element_type3A_412 = arith.extui %ge3A_411 : i1 to i32
        %cond3A_413 = arith.constant 0 : i32
        %cond3A_414 = arith.cmpi ne, %convert_element_type3A_412, %cond3A_413 : i32
        scf.if %cond3A_414 {
          %dma_wait3A_421 = arith.constant 0 : i32
          %dma_wait3A_422 = arith.constant 0 : i32
          %dma_wait3A_423 = tpu.memref_slice %arg5[%dma_wait3A_421, %dma_wait3A_422] : memref<81920x128xf32, #tpu.memory_space<hbm>> -> memref<128x128xf32, #tpu.memory_space<hbm>>
          %dma_wait3A_424 = arith.constant 0 : i32
          %dma_wait3A_425 = arith.constant 0 : i32
          %dma_wait3A_426 = tpu.memref_slice %arg5[%dma_wait3A_424, %dma_wait3A_425] : memref<81920x128xf32, #tpu.memory_space<hbm>> -> memref<128x128xf32, #tpu.memory_space<hbm>>
          tpu.wait_dma2 semaphore(%arg28 : memref<!tpu.dma_semaphore, #tpu.memory_space<semaphore_mem>>) src(%arg16 : memref<128x128xf32, #tpu.memory_space<vmem>>) dst(%dma_wait3A_426 : memref<128x128xf32, #tpu.memory_space<hbm>>)
          %dma_wait3A_427 = arith.constant 0 : i32
          %dma_wait3A_428 = arith.constant 0 : i32
          %dma_wait3A_429 = tpu.memref_slice %arg6[%dma_wait3A_427, %dma_wait3A_428] : memref<81920x128xf32, #tpu.memory_space<hbm>> -> memref<128x128xf32, #tpu.memory_space<hbm>>
          %dma_wait3A_430 = arith.constant 0 : i32
          %dma_wait3A_431 = arith.constant 0 : i32
          %dma_wait3A_432 = tpu.memref_slice %arg6[%dma_wait3A_430, %dma_wait3A_431] : memref<81920x128xf32, #tpu.memory_space<hbm>> -> memref<128x128xf32, #tpu.memory_space<hbm>>
          tpu.wait_dma2 semaphore(%arg30 : memref<!tpu.dma_semaphore, #tpu.memory_space<semaphore_mem>>) src(%arg18 : memref<128x128xf32, #tpu.memory_space<vmem>>) dst(%dma_wait3A_432 : memref<128x128xf32, #tpu.memory_space<hbm>>)
        } else {
        }
        %dma_start3A_415 = arith.constant 0 : i32
        %dma_start3A_416 = arith.constant 0 : i32
        %dma_start3A_417 = tpu.memref_slice %arg3[%dma_start3A_415, %dma_start3A_416] : memref<10240x128xf32, #tpu.memory_space<hbm>> -> memref<10240x128xf32, #tpu.memory_space<hbm>>
        tpu.enqueue_indirect_dma source(%dma_start3A_417 : memref<10240x128xf32, #tpu.memory_space<hbm>>) target(%arg16 : memref<128x128xf32, #tpu.memory_space<vmem>>) offsets(%arg12 : memref<128xi32, #tpu.memory_space<vmem>>) semaphore(%arg24 : memref<!tpu.dma_semaphore, #tpu.memory_space<semaphore_mem>>)
        %dma_start3A_418 = arith.constant 0 : i32
        %dma_start3A_419 = arith.constant 0 : i32
        %dma_start3A_420 = tpu.memref_slice %arg4[%dma_start3A_418, %dma_start3A_419] : memref<10240x128xf32, #tpu.memory_space<hbm>> -> memref<10240x128xf32, #tpu.memory_space<hbm>>
        tpu.enqueue_indirect_dma source(%dma_start3A_420 : memref<10240x128xf32, #tpu.memory_space<hbm>>) target(%arg18 : memref<128x128xf32, #tpu.memory_space<vmem>>) offsets(%arg14 : memref<128xi32, #tpu.memory_space<vmem>>) semaphore(%arg26 : memref<!tpu.dma_semaphore, #tpu.memory_space<semaphore_mem>>)
      } else {
      }
      %lt3A_205 = arith.cmpi slt, %add3A_195, %select_n3A_7 : i32
      %convert_element_type3A_206 = arith.extui %lt3A_205 : i1 to i32
      %cond3A_207 = arith.constant 0 : i32
      %cond3A_208 = arith.cmpi ne, %convert_element_type3A_206, %cond3A_207 : i32
      scf.if %cond3A_208 {
        %dma_wait3A_269 = arith.constant 0 : i32
        %dma_wait3A_270 = arith.constant 0 : i32
        %dma_wait3A_271 = tpu.memref_slice %arg3[%dma_wait3A_269, %dma_wait3A_270] : memref<10240x128xf32, #tpu.memory_space<hbm>> -> memref<128x128xf32, #tpu.memory_space<hbm>>
        %dma_wait3A_272 = arith.constant 0 : i32
        %dma_wait3A_273 = arith.constant 0 : i32
        %dma_wait3A_274 = tpu.memref_slice %arg3[%dma_wait3A_272, %dma_wait3A_273] : memref<10240x128xf32, #tpu.memory_space<hbm>> -> memref<128x128xf32, #tpu.memory_space<hbm>>
        tpu.wait_dma2 semaphore(%arg23 : memref<!tpu.dma_semaphore, #tpu.memory_space<semaphore_mem>>) src(%dma_wait3A_274 : memref<128x128xf32, #tpu.memory_space<hbm>>) dst(%arg15 : memref<128x128xf32, #tpu.memory_space<vmem>>)
        %dma_wait3A_275 = arith.constant 0 : i32
        %dma_wait3A_276 = arith.constant 0 : i32
        %dma_wait3A_277 = tpu.memref_slice %arg4[%dma_wait3A_275, %dma_wait3A_276] : memref<10240x128xf32, #tpu.memory_space<hbm>> -> memref<128x128xf32, #tpu.memory_space<hbm>>
        %dma_wait3A_278 = arith.constant 0 : i32
        %dma_wait3A_279 = arith.constant 0 : i32
        %dma_wait3A_280 = tpu.memref_slice %arg4[%dma_wait3A_278, %dma_wait3A_279] : memref<10240x128xf32, #tpu.memory_space<hbm>> -> memref<128x128xf32, #tpu.memory_space<hbm>>
        tpu.wait_dma2 semaphore(%arg25 : memref<!tpu.dma_semaphore, #tpu.memory_space<semaphore_mem>>) src(%dma_wait3A_280 : memref<128x128xf32, #tpu.memory_space<hbm>>) dst(%arg17 : memref<128x128xf32, #tpu.memory_space<vmem>>)
        %mul3A_281 = arith.constant 8 : i32
        %mul3A_282 = arith.muli %add3A_195, %mul3A_281 : i32
        %add3A_283 = arith.addi %add3A, %mul3A_282 : i32
        %mul3A_284 = arith.constant 16 : i32
        %mul3A_285 = arith.muli %add3A_283, %mul3A_284 : i32
        %dma_start3A_286 = arith.constant 0 : i32
        %dma_start3A_287 = tpu.memref_slice %arg5[%mul3A_285, %dma_start3A_286] : memref<81920x128xf32, #tpu.memory_space<hbm>> -> memref<128x128xf32, #tpu.memory_space<hbm>>
        %dma_start3A_288 = arith.constant 0 : i32
        %dma_start3A_289 = tpu.memref_slice %arg5[%mul3A_285, %dma_start3A_288] : memref<81920x128xf32, #tpu.memory_space<hbm>> -> memref<128x128xf32, #tpu.memory_space<hbm>>
        tpu.enqueue_dma source(%arg15 : memref<128x128xf32, #tpu.memory_space<vmem>>) target(%dma_start3A_289 : memref<128x128xf32, #tpu.memory_space<hbm>>) target_semaphore(%arg27 : memref<!tpu.dma_semaphore, #tpu.memory_space<semaphore_mem>>)
        %mul3A_290 = arith.constant 16 : i32
        %mul3A_291 = arith.muli %add3A_283, %mul3A_290 : i32
        %dma_start3A_292 = arith.constant 0 : i32
        %dma_start3A_293 = tpu.memref_slice %arg6[%mul3A_291, %dma_start3A_292] : memref<81920x128xf32, #tpu.memory_space<hbm>> -> memref<128x128xf32, #tpu.memory_space<hbm>>
        %dma_start3A_294 = arith.constant 0 : i32
        %dma_start3A_295 = tpu.memref_slice %arg6[%mul3A_291, %dma_start3A_294] : memref<81920x128xf32, #tpu.memory_space<hbm>> -> memref<128x128xf32, #tpu.memory_space<hbm>>
        tpu.enqueue_dma source(%arg17 : memref<128x128xf32, #tpu.memory_space<vmem>>) target(%dma_start3A_295 : memref<128x128xf32, #tpu.memory_space<hbm>>) target_semaphore(%arg29 : memref<!tpu.dma_semaphore, #tpu.memory_space<semaphore_mem>>)
      } else {
      }
      %mul3A_209 = arith.constant 4 : i32
      %mul3A_210 = arith.muli %scan3A_191, %mul3A_209 : i32
      %add3A_211 = arith.constant 1 : i32
      %add3A_212 = arith.addi %mul3A_210, %add3A_211 : i32
      %add3A_213 = arith.constant 2 : i32
      %add3A_214 = arith.addi %add3A_212, %add3A_213 : i32
      %lt3A_215 = arith.cmpi slt, %add3A_214, %select_n3A_7 : i32
      %convert_element_type3A_216 = arith.extui %lt3A_215 : i1 to i32
      %cond3A_217 = arith.constant 0 : i32
      %cond3A_218 = arith.cmpi ne, %convert_element_type3A_216, %cond3A_217 : i32
      scf.if %cond3A_218 {
        %add3A_269 = arith.constant 2 : i32
        %add3A_270 = arith.addi %add3A_212, %add3A_269 : i32
        %mul3A_271 = arith.constant 8 : i32
        %mul3A_272 = arith.muli %add3A_270, %mul3A_271 : i32
        %add3A_273 = arith.addi %add3A, %mul3A_272 : i32
        %dma_start3A_274 = arith.constant 0 : i32
        %dma_start3A_275 = tpu.memref_slice %arg2[%add3A_273, %dma_start3A_274] : memref<5120x32xi32, #tpu.memory_space<hbm>> -> memref<8x32xi32, #tpu.memory_space<hbm>>
        %dma_start3A_276 = arith.constant 0 : i32
        %dma_start3A_277 = tpu.memref_slice %arg2[%add3A_273, %dma_start3A_276] : memref<5120x32xi32, #tpu.memory_space<hbm>> -> memref<8x32xi32, #tpu.memory_space<hbm>>
        tpu.enqueue_dma source(%dma_start3A_277 : memref<8x32xi32, #tpu.memory_space<hbm>>) target(%arg10 : memref<8x32xi32, #tpu.memory_space<vmem>>) target_semaphore(%arg22 : memref<!tpu.dma_semaphore, #tpu.memory_space<semaphore_mem>>)
      } else {
      }
      %add3A_219 = arith.constant 1 : i32
      %add3A_220 = arith.addi %add3A_212, %add3A_219 : i32
      %lt3A_221 = arith.cmpi slt, %add3A_220, %select_n3A_7 : i32
      %convert_element_type3A_222 = arith.extui %lt3A_221 : i1 to i32
      %cond3A_223 = arith.constant 0 : i32
      %cond3A_224 = arith.cmpi ne, %convert_element_type3A_222, %cond3A_223 : i32
      scf.if %cond3A_224 {
        %dma_wait3A_269 = arith.constant 0 : i32
        %dma_wait3A_270 = arith.constant 0 : i32
        %dma_wait3A_271 = tpu.memref_slice %arg2[%dma_wait3A_269, %dma_wait3A_270] : memref<5120x32xi32, #tpu.memory_space<hbm>> -> memref<8x32xi32, #tpu.memory_space<hbm>>
        %dma_wait3A_272 = arith.constant 0 : i32
        %dma_wait3A_273 = arith.constant 0 : i32
        %dma_wait3A_274 = tpu.memref_slice %arg2[%dma_wait3A_272, %dma_wait3A_273] : memref<5120x32xi32, #tpu.memory_space<hbm>> -> memref<8x32xi32, #tpu.memory_space<hbm>>
        tpu.wait_dma2 semaphore(%arg21 : memref<!tpu.dma_semaphore, #tpu.memory_space<semaphore_mem>>) src(%dma_wait3A_274 : memref<8x32xi32, #tpu.memory_space<hbm>>) dst(%arg9 : memref<8x32xi32, #tpu.memory_space<vmem>>)
        %get3A_275 = arith.constant 0 : i32
        %get3A_276 = arith.index_cast %get3A_275 : i32 to index
        %get3A_277 = arith.constant 0 : index
        %get3A_278 = tpu.vector_load %arg9[%get3A_276, %get3A_277] {strides = array<i32>} : memref<8x32xi32, #tpu.memory_space<vmem>>, vector<16xi32>,
        %bitcast3A_279 = vector.bitcast %get3A_278 : vector<16xi32> to vector<16xf32>
        %get3A_280 = arith.constant 0 : i32
        %get3A_281 = arith.index_cast %get3A_280 : i32 to index
        %get3A_282 = arith.constant 16 : index
        %get3A_283 = tpu.vector_load %arg9[%get3A_281, %get3A_282] {strides = array<i32>} : memref<8x32xi32, #tpu.memory_space<vmem>>, vector<16xi32>,
        %masked_sort3A_284 = arith.constant dense<true> : vector<16xi1>
        %masked_sort3A_285, %masked_sort3A_286, %masked_sort3A_287 = tpu.sort %bitcast3A_279, %get3A_283 masked %masked_sort3A_284 : (vector<16xf32>, vector<16xi32>, vector<16xi1>) -> (vector<16xi1>, vector<16xf32>, vector<16xi32>)
        %swap3A_288 = arith.constant 0 : index
        %swap3A_289 = tpu.vector_load %arg11[%swap3A_288] {strides = array<i32>} : memref<128xi32, #tpu.memory_space<vmem>>, vector<16xi32>,
        tpu.vector_store %arg11[%swap3A_288], %masked_sort3A_287 {strides = array<i32>} : memref<128xi32, #tpu.memory_space<vmem>>, vector<16xi32>,
        %swap3A_290 = arith.constant 0 : index
        %swap3A_291 = tpu.vector_load %arg13[%swap3A_290] {strides = array<i32>} : memref<128xi32, #tpu.memory_space<vmem>>, vector<16xi32>,
        tpu.vector_store %arg13[%swap3A_290], %get3A_283 {strides = array<i32>} : memref<128xi32, #tpu.memory_space<vmem>>, vector<16xi32>,
        %get3A_292 = arith.constant 1 : i32
        %get3A_293 = arith.index_cast %get3A_292 : i32 to index
        %get3A_294 = arith.constant 0 : index
        %get3A_295 = tpu.vector_load %arg9[%get3A_293, %get3A_294] {strides = array<i32>} : memref<8x32xi32, #tpu.memory_space<vmem>>, vector<16xi32>,
        %bitcast3A_296 = vector.bitcast %get3A_295 : vector<16xi32> to vector<16xf32>
        %get3A_297 = arith.constant 1 : i32
        %get3A_298 = arith.index_cast %get3A_297 : i32 to index
        %get3A_299 = arith.constant 16 : index
        %get3A_300 = tpu.vector_load %arg9[%get3A_298, %get3A_299] {strides = array<i32>} : memref<8x32xi32, #tpu.memory_space<vmem>>, vector<16xi32>,
        %masked_sort3A_301 = arith.constant dense<true> : vector<16xi1>
        %masked_sort3A_302, %masked_sort3A_303, %masked_sort3A_304 = tpu.sort %bitcast3A_296, %get3A_300 masked %masked_sort3A_301 : (vector<16xf32>, vector<16xi32>, vector<16xi1>) -> (vector<16xi1>, vector<16xf32>, vector<16xi32>)
        %swap3A_305 = arith.constant 16 : index
        %swap3A_306 = tpu.vector_load %arg11[%swap3A_305] {strides = array<i32>} : memref<128xi32, #tpu.memory_space<vmem>>, vector<16xi32>,
        tpu.vector_store %arg11[%swap3A_305], %masked_sort3A_304 {strides = array<i32>} : memref<128xi32, #tpu.memory_space<vmem>>, vector<16xi32>,
        %swap3A_307 = arith.constant 16 : index
        %swap3A_308 = tpu.vector_load %arg13[%swap3A_307] {strides = array<i32>} : memref<128xi32, #tpu.memory_space<vmem>>, vector<16xi32>,
        tpu.vector_store %arg13[%swap3A_307], %get3A_300 {strides = array<i32>} : memref<128xi32, #tpu.memory_space<vmem>>, vector<16xi32>,
        %get3A_309 = arith.constant 2 : i32
        %get3A_310 = arith.index_cast %get3A_309 : i32 to index
        %get3A_311 = arith.constant 0 : index
        %get3A_312 = tpu.vector_load %arg9[%get3A_310, %get3A_311] {strides = array<i32>} : memref<8x32xi32, #tpu.memory_space<vmem>>, vector<16xi32>,
        %bitcast3A_313 = vector.bitcast %get3A_312 : vector<16xi32> to vector<16xf32>
        %get3A_314 = arith.constant 2 : i32
        %get3A_315 = arith.index_cast %get3A_314 : i32 to index
        %get3A_316 = arith.constant 16 : index
        %get3A_317 = tpu.vector_load %arg9[%get3A_315, %get3A_316] {strides = array<i32>} : memref<8x32xi32, #tpu.memory_space<vmem>>, vector<16xi32>,
        %masked_sort3A_318 = arith.constant dense<true> : vector<16xi1>
        %masked_sort3A_319, %masked_sort3A_320, %masked_sort3A_321 = tpu.sort %bitcast3A_313, %get3A_317 masked %masked_sort3A_318 : (vector<16xf32>, vector<16xi32>, vector<16xi1>) -> (vector<16xi1>, vector<16xf32>, vector<16xi32>)
        %swap3A_322 = arith.constant 32 : index
        %swap3A_323 = tpu.vector_load %arg11[%swap3A_322] {strides = array<i32>} : memref<128xi32, #tpu.memory_space<vmem>>, vector<16xi32>,
        tpu.vector_store %arg11[%swap3A_322], %masked_sort3A_321 {strides = array<i32>} : memref<128xi32, #tpu.memory_space<vmem>>, vector<16xi32>,
        %swap3A_324 = arith.constant 32 : index
        %swap3A_325 = tpu.vector_load %arg13[%swap3A_324] {strides = array<i32>} : memref<128xi32, #tpu.memory_space<vmem>>, vector<16xi32>,
        tpu.vector_store %arg13[%swap3A_324], %get3A_317 {strides = array<i32>} : memref<128xi32, #tpu.memory_space<vmem>>, vector<16xi32>,
        %get3A_326 = arith.constant 3 : i32
        %get3A_327 = arith.index_cast %get3A_326 : i32 to index
        %get3A_328 = arith.constant 0 : index
        %get3A_329 = tpu.vector_load %arg9[%get3A_327, %get3A_328] {strides = array<i32>} : memref<8x32xi32, #tpu.memory_space<vmem>>, vector<16xi32>,
        %bitcast3A_330 = vector.bitcast %get3A_329 : vector<16xi32> to vector<16xf32>
        %get3A_331 = arith.constant 3 : i32
        %get3A_332 = arith.index_cast %get3A_331 : i32 to index
        %get3A_333 = arith.constant 16 : index
        %get3A_334 = tpu.vector_load %arg9[%get3A_332, %get3A_333] {strides = array<i32>} : memref<8x32xi32, #tpu.memory_space<vmem>>, vector<16xi32>,
        %masked_sort3A_335 = arith.constant dense<true> : vector<16xi1>
        %masked_sort3A_336, %masked_sort3A_337, %masked_sort3A_338 = tpu.sort %bitcast3A_330, %get3A_334 masked %masked_sort3A_335 : (vector<16xf32>, vector<16xi32>, vector<16xi1>) -> (vector<16xi1>, vector<16xf32>, vector<16xi32>)
        %swap3A_339 = arith.constant 48 : index
        %swap3A_340 = tpu.vector_load %arg11[%swap3A_339] {strides = array<i32>} : memref<128xi32, #tpu.memory_space<vmem>>, vector<16xi32>,
        tpu.vector_store %arg11[%swap3A_339], %masked_sort3A_338 {strides = array<i32>} : memref<128xi32, #tpu.memory_space<vmem>>, vector<16xi32>,
        %swap3A_341 = arith.constant 48 : index
        %swap3A_342 = tpu.vector_load %arg13[%swap3A_341] {strides = array<i32>} : memref<128xi32, #tpu.memory_space<vmem>>, vector<16xi32>,
        tpu.vector_store %arg13[%swap3A_341], %get3A_334 {strides = array<i32>} : memref<128xi32, #tpu.memory_space<vmem>>, vector<16xi32>,
        %get3A_343 = arith.constant 4 : i32
        %get3A_344 = arith.index_cast %get3A_343 : i32 to index
        %get3A_345 = arith.constant 0 : index
        %get3A_346 = tpu.vector_load %arg9[%get3A_344, %get3A_345] {strides = array<i32>} : memref<8x32xi32, #tpu.memory_space<vmem>>, vector<16xi32>,
        %bitcast3A_347 = vector.bitcast %get3A_346 : vector<16xi32> to vector<16xf32>
        %get3A_348 = arith.constant 4 : i32
        %get3A_349 = arith.index_cast %get3A_348 : i32 to index
        %get3A_350 = arith.constant 16 : index
        %get3A_351 = tpu.vector_load %arg9[%get3A_349, %get3A_350] {strides = array<i32>} : memref<8x32xi32, #tpu.memory_space<vmem>>, vector<16xi32>,
        %masked_sort3A_352 = arith.constant dense<true> : vector<16xi1>
        %masked_sort3A_353, %masked_sort3A_354, %masked_sort3A_355 = tpu.sort %bitcast3A_347, %get3A_351 masked %masked_sort3A_352 : (vector<16xf32>, vector<16xi32>, vector<16xi1>) -> (vector<16xi1>, vector<16xf32>, vector<16xi32>)
        %swap3A_356 = arith.constant 64 : index
        %swap3A_357 = tpu.vector_load %arg11[%swap3A_356] {strides = array<i32>} : memref<128xi32, #tpu.memory_space<vmem>>, vector<16xi32>,
        tpu.vector_store %arg11[%swap3A_356], %masked_sort3A_355 {strides = array<i32>} : memref<128xi32, #tpu.memory_space<vmem>>, vector<16xi32>,
        %swap3A_358 = arith.constant 64 : index
        %swap3A_359 = tpu.vector_load %arg13[%swap3A_358] {strides = array<i32>} : memref<128xi32, #tpu.memory_space<vmem>>, vector<16xi32>,
        tpu.vector_store %arg13[%swap3A_358], %get3A_351 {strides = array<i32>} : memref<128xi32, #tpu.memory_space<vmem>>, vector<16xi32>,
        %get3A_360 = arith.constant 5 : i32
        %get3A_361 = arith.index_cast %get3A_360 : i32 to index
        %get3A_362 = arith.constant 0 : index
        %get3A_363 = tpu.vector_load %arg9[%get3A_361, %get3A_362] {strides = array<i32>} : memref<8x32xi32, #tpu.memory_space<vmem>>, vector<16xi32>,
        %bitcast3A_364 = vector.bitcast %get3A_363 : vector<16xi32> to vector<16xf32>
        %get3A_365 = arith.constant 5 : i32
        %get3A_366 = arith.index_cast %get3A_365 : i32 to index
        %get3A_367 = arith.constant 16 : index
        %get3A_368 = tpu.vector_load %arg9[%get3A_366, %get3A_367] {strides = array<i32>} : memref<8x32xi32, #tpu.memory_space<vmem>>, vector<16xi32>,
        %masked_sort3A_369 = arith.constant dense<true> : vector<16xi1>
        %masked_sort3A_370, %masked_sort3A_371, %masked_sort3A_372 = tpu.sort %bitcast3A_364, %get3A_368 masked %masked_sort3A_369 : (vector<16xf32>, vector<16xi32>, vector<16xi1>) -> (vector<16xi1>, vector<16xf32>, vector<16xi32>)
        %swap3A_373 = arith.constant 80 : index
        %swap3A_374 = tpu.vector_load %arg11[%swap3A_373] {strides = array<i32>} : memref<128xi32, #tpu.memory_space<vmem>>, vector<16xi32>,
        tpu.vector_store %arg11[%swap3A_373], %masked_sort3A_372 {strides = array<i32>} : memref<128xi32, #tpu.memory_space<vmem>>, vector<16xi32>,
        %swap3A_375 = arith.constant 80 : index
        %swap3A_376 = tpu.vector_load %arg13[%swap3A_375] {strides = array<i32>} : memref<128xi32, #tpu.memory_space<vmem>>, vector<16xi32>,
        tpu.vector_store %arg13[%swap3A_375], %get3A_368 {strides = array<i32>} : memref<128xi32, #tpu.memory_space<vmem>>, vector<16xi32>,
        %get3A_377 = arith.constant 6 : i32
        %get3A_378 = arith.index_cast %get3A_377 : i32 to index
        %get3A_379 = arith.constant 0 : index
        %get3A_380 = tpu.vector_load %arg9[%get3A_378, %get3A_379] {strides = array<i32>} : memref<8x32xi32, #tpu.memory_space<vmem>>, vector<16xi32>,
        %bitcast3A_381 = vector.bitcast %get3A_380 : vector<16xi32> to vector<16xf32>
        %get3A_382 = arith.constant 6 : i32
        %get3A_383 = arith.index_cast %get3A_382 : i32 to index
        %get3A_384 = arith.constant 16 : index
        %get3A_385 = tpu.vector_load %arg9[%get3A_383, %get3A_384] {strides = array<i32>} : memref<8x32xi32, #tpu.memory_space<vmem>>, vector<16xi32>,
        %masked_sort3A_386 = arith.constant dense<true> : vector<16xi1>
        %masked_sort3A_387, %masked_sort3A_388, %masked_sort3A_389 = tpu.sort %bitcast3A_381, %get3A_385 masked %masked_sort3A_386 : (vector<16xf32>, vector<16xi32>, vector<16xi1>) -> (vector<16xi1>, vector<16xf32>, vector<16xi32>)
        %swap3A_390 = arith.constant 96 : index
        %swap3A_391 = tpu.vector_load %arg11[%swap3A_390] {strides = array<i32>} : memref<128xi32, #tpu.memory_space<vmem>>, vector<16xi32>,
        tpu.vector_store %arg11[%swap3A_390], %masked_sort3A_389 {strides = array<i32>} : memref<128xi32, #tpu.memory_space<vmem>>, vector<16xi32>,
        %swap3A_392 = arith.constant 96 : index
        %swap3A_393 = tpu.vector_load %arg13[%swap3A_392] {strides = array<i32>} : memref<128xi32, #tpu.memory_space<vmem>>, vector<16xi32>,
        tpu.vector_store %arg13[%swap3A_392], %get3A_385 {strides = array<i32>} : memref<128xi32, #tpu.memory_space<vmem>>, vector<16xi32>,
        %get3A_394 = arith.constant 7 : i32
        %get3A_395 = arith.index_cast %get3A_394 : i32 to index
        %get3A_396 = arith.constant 0 : index
        %get3A_397 = tpu.vector_load %arg9[%get3A_395, %get3A_396] {strides = array<i32>} : memref<8x32xi32, #tpu.memory_space<vmem>>, vector<16xi32>,
        %bitcast3A_398 = vector.bitcast %get3A_397 : vector<16xi32> to vector<16xf32>
        %get3A_399 = arith.constant 7 : i32
        %get3A_400 = arith.index_cast %get3A_399 : i32 to index
        %get3A_401 = arith.constant 16 : index
        %get3A_402 = tpu.vector_load %arg9[%get3A_400, %get3A_401] {strides = array<i32>} : memref<8x32xi32, #tpu.memory_space<vmem>>, vector<16xi32>,
        %masked_sort3A_403 = arith.constant dense<true> : vector<16xi1>
        %masked_sort3A_404, %masked_sort3A_405, %masked_sort3A_406 = tpu.sort %bitcast3A_398, %get3A_402 masked %masked_sort3A_403 : (vector<16xf32>, vector<16xi32>, vector<16xi1>) -> (vector<16xi1>, vector<16xf32>, vector<16xi32>)
        %swap3A_407 = arith.constant 112 : index
        %swap3A_408 = tpu.vector_load %arg11[%swap3A_407] {strides = array<i32>} : memref<128xi32, #tpu.memory_space<vmem>>, vector<16xi32>,
        tpu.vector_store %arg11[%swap3A_407], %masked_sort3A_406 {strides = array<i32>} : memref<128xi32, #tpu.memory_space<vmem>>, vector<16xi32>,
        %swap3A_409 = arith.constant 112 : index
        %swap3A_410 = tpu.vector_load %arg13[%swap3A_409] {strides = array<i32>} : memref<128xi32, #tpu.memory_space<vmem>>, vector<16xi32>,
        tpu.vector_store %arg13[%swap3A_409], %get3A_402 {strides = array<i32>} : memref<128xi32, #tpu.memory_space<vmem>>, vector<16xi32>,
        %ge3A = arith.constant 1 : i32
        %ge3A_411 = arith.cmpi sge, %add3A_212, %ge3A : i32
        %convert_element_type3A_412 = arith.extui %ge3A_411 : i1 to i32
        %cond3A_413 = arith.constant 0 : i32
        %cond3A_414 = arith.cmpi ne, %convert_element_type3A_412, %cond3A_413 : i32
        scf.if %cond3A_414 {
          %dma_wait3A_421 = arith.constant 0 : i32
          %dma_wait3A_422 = arith.constant 0 : i32
          %dma_wait3A_423 = tpu.memref_slice %arg5[%dma_wait3A_421, %dma_wait3A_422] : memref<81920x128xf32, #tpu.memory_space<hbm>> -> memref<128x128xf32, #tpu.memory_space<hbm>>
          %dma_wait3A_424 = arith.constant 0 : i32
          %dma_wait3A_425 = arith.constant 0 : i32
          %dma_wait3A_426 = tpu.memref_slice %arg5[%dma_wait3A_424, %dma_wait3A_425] : memref<81920x128xf32, #tpu.memory_space<hbm>> -> memref<128x128xf32, #tpu.memory_space<hbm>>
          tpu.wait_dma2 semaphore(%arg27 : memref<!tpu.dma_semaphore, #tpu.memory_space<semaphore_mem>>) src(%arg15 : memref<128x128xf32, #tpu.memory_space<vmem>>) dst(%dma_wait3A_426 : memref<128x128xf32, #tpu.memory_space<hbm>>)
          %dma_wait3A_427 = arith.constant 0 : i32
          %dma_wait3A_428 = arith.constant 0 : i32
          %dma_wait3A_429 = tpu.memref_slice %arg6[%dma_wait3A_427, %dma_wait3A_428] : memref<81920x128xf32, #tpu.memory_space<hbm>> -> memref<128x128xf32, #tpu.memory_space<hbm>>
          %dma_wait3A_430 = arith.constant 0 : i32
          %dma_wait3A_431 = arith.constant 0 : i32
          %dma_wait3A_432 = tpu.memref_slice %arg6[%dma_wait3A_430, %dma_wait3A_431] : memref<81920x128xf32, #tpu.memory_space<hbm>> -> memref<128x128xf32, #tpu.memory_space<hbm>>
          tpu.wait_dma2 semaphore(%arg29 : memref<!tpu.dma_semaphore, #tpu.memory_space<semaphore_mem>>) src(%arg17 : memref<128x128xf32, #tpu.memory_space<vmem>>) dst(%dma_wait3A_432 : memref<128x128xf32, #tpu.memory_space<hbm>>)
        } else {
        }
        %dma_start3A_415 = arith.constant 0 : i32
        %dma_start3A_416 = arith.constant 0 : i32
        %dma_start3A_417 = tpu.memref_slice %arg3[%dma_start3A_415, %dma_start3A_416] : memref<10240x128xf32, #tpu.memory_space<hbm>> -> memref<10240x128xf32, #tpu.memory_space<hbm>>
        tpu.enqueue_indirect_dma source(%dma_start3A_417 : memref<10240x128xf32, #tpu.memory_space<hbm>>) target(%arg15 : memref<128x128xf32, #tpu.memory_space<vmem>>) offsets(%arg11 : memref<128xi32, #tpu.memory_space<vmem>>) semaphore(%arg23 : memref<!tpu.dma_semaphore, #tpu.memory_space<semaphore_mem>>)
        %dma_start3A_418 = arith.constant 0 : i32
        %dma_start3A_419 = arith.constant 0 : i32
        %dma_start3A_420 = tpu.memref_slice %arg4[%dma_start3A_418, %dma_start3A_419] : memref<10240x128xf32, #tpu.memory_space<hbm>> -> memref<10240x128xf32, #tpu.memory_space<hbm>>
        tpu.enqueue_indirect_dma source(%dma_start3A_420 : memref<10240x128xf32, #tpu.memory_space<hbm>>) target(%arg17 : memref<128x128xf32, #tpu.memory_space<vmem>>) offsets(%arg13 : memref<128xi32, #tpu.memory_space<vmem>>) semaphore(%arg25 : memref<!tpu.dma_semaphore, #tpu.memory_space<semaphore_mem>>)
      } else {
      }
      %lt3A_225 = arith.cmpi slt, %add3A_212, %select_n3A_7 : i32
      %convert_element_type3A_226 = arith.extui %lt3A_225 : i1 to i32
      %cond3A_227 = arith.constant 0 : i32
      %cond3A_228 = arith.cmpi ne, %convert_element_type3A_226, %cond3A_227 : i32
      scf.if %cond3A_228 {
        %dma_wait3A_269 = arith.constant 0 : i32
        %dma_wait3A_270 = arith.constant 0 : i32
        %dma_wait3A_271 = tpu.memref_slice %arg3[%dma_wait3A_269, %dma_wait3A_270] : memref<10240x128xf32, #tpu.memory_space<hbm>> -> memref<128x128xf32, #tpu.memory_space<hbm>>
        %dma_wait3A_272 = arith.constant 0 : i32
        %dma_wait3A_273 = arith.constant 0 : i32
        %dma_wait3A_274 = tpu.memref_slice %arg3[%dma_wait3A_272, %dma_wait3A_273] : memref<10240x128xf32, #tpu.memory_space<hbm>> -> memref<128x128xf32, #tpu.memory_space<hbm>>
        tpu.wait_dma2 semaphore(%arg24 : memref<!tpu.dma_semaphore, #tpu.memory_space<semaphore_mem>>) src(%dma_wait3A_274 : memref<128x128xf32, #tpu.memory_space<hbm>>) dst(%arg16 : memref<128x128xf32, #tpu.memory_space<vmem>>)
        %dma_wait3A_275 = arith.constant 0 : i32
        %dma_wait3A_276 = arith.constant 0 : i32
        %dma_wait3A_277 = tpu.memref_slice %arg4[%dma_wait3A_275, %dma_wait3A_276] : memref<10240x128xf32, #tpu.memory_space<hbm>> -> memref<128x128xf32, #tpu.memory_space<hbm>>
        %dma_wait3A_278 = arith.constant 0 : i32
        %dma_wait3A_279 = arith.constant 0 : i32
        %dma_wait3A_280 = tpu.memref_slice %arg4[%dma_wait3A_278, %dma_wait3A_279] : memref<10240x128xf32, #tpu.memory_space<hbm>> -> memref<128x128xf32, #tpu.memory_space<hbm>>
        tpu.wait_dma2 semaphore(%arg26 : memref<!tpu.dma_semaphore, #tpu.memory_space<semaphore_mem>>) src(%dma_wait3A_280 : memref<128x128xf32, #tpu.memory_space<hbm>>) dst(%arg18 : memref<128x128xf32, #tpu.memory_space<vmem>>)
        %mul3A_281 = arith.constant 8 : i32
        %mul3A_282 = arith.muli %add3A_212, %mul3A_281 : i32
        %add3A_283 = arith.addi %add3A, %mul3A_282 : i32
        %mul3A_284 = arith.constant 16 : i32
        %mul3A_285 = arith.muli %add3A_283, %mul3A_284 : i32
        %dma_start3A_286 = arith.constant 0 : i32
        %dma_start3A_287 = tpu.memref_slice %arg5[%mul3A_285, %dma_start3A_286] : memref<81920x128xf32, #tpu.memory_space<hbm>> -> memref<128x128xf32, #tpu.memory_space<hbm>>
        %dma_start3A_288 = arith.constant 0 : i32
        %dma_start3A_289 = tpu.memref_slice %arg5[%mul3A_285, %dma_start3A_288] : memref<81920x128xf32, #tpu.memory_space<hbm>> -> memref<128x128xf32, #tpu.memory_space<hbm>>
        tpu.enqueue_dma source(%arg16 : memref<128x128xf32, #tpu.memory_space<vmem>>) target(%dma_start3A_289 : memref<128x128xf32, #tpu.memory_space<hbm>>) target_semaphore(%arg28 : memref<!tpu.dma_semaphore, #tpu.memory_space<semaphore_mem>>)
        %mul3A_290 = arith.constant 16 : i32
        %mul3A_291 = arith.muli %add3A_283, %mul3A_290 : i32
        %dma_start3A_292 = arith.constant 0 : i32
        %dma_start3A_293 = tpu.memref_slice %arg6[%mul3A_291, %dma_start3A_292] : memref<81920x128xf32, #tpu.memory_space<hbm>> -> memref<128x128xf32, #tpu.memory_space<hbm>>
        %dma_start3A_294 = arith.constant 0 : i32
        %dma_start3A_295 = tpu.memref_slice %arg6[%mul3A_291, %dma_start3A_294] : memref<81920x128xf32, #tpu.memory_space<hbm>> -> memref<128x128xf32, #tpu.memory_space<hbm>>
        tpu.enqueue_dma source(%arg18 : memref<128x128xf32, #tpu.memory_space<vmem>>) target(%dma_start3A_295 : memref<128x128xf32, #tpu.memory_space<hbm>>) target_semaphore(%arg30 : memref<!tpu.dma_semaphore, #tpu.memory_space<semaphore_mem>>)
      } else {
      }
      %mul3A_229 = arith.constant 4 : i32
      %mul3A_230 = arith.muli %scan3A_191, %mul3A_229 : i32
      %add3A_231 = arith.constant 2 : i32
      %add3A_232 = arith.addi %mul3A_230, %add3A_231 : i32
      %add3A_233 = arith.constant 2 : i32
      %add3A_234 = arith.addi %add3A_232, %add3A_233 : i32
      %lt3A_235 = arith.cmpi slt, %add3A_234, %select_n3A_7 : i32
      %convert_element_type3A_236 = arith.extui %lt3A_235 : i1 to i32
      %cond3A_237 = arith.constant 0 : i32
      %cond3A_238 = arith.cmpi ne, %convert_element_type3A_236, %cond3A_237 : i32
      scf.if %cond3A_238 {
        %add3A_269 = arith.constant 2 : i32
        %add3A_270 = arith.addi %add3A_232, %add3A_269 : i32
        %mul3A_271 = arith.constant 8 : i32
        %mul3A_272 = arith.muli %add3A_270, %mul3A_271 : i32
        %add3A_273 = arith.addi %add3A, %mul3A_272 : i32
        %dma_start3A_274 = arith.constant 0 : i32
        %dma_start3A_275 = tpu.memref_slice %arg2[%add3A_273, %dma_start3A_274] : memref<5120x32xi32, #tpu.memory_space<hbm>> -> memref<8x32xi32, #tpu.memory_space<hbm>>
        %dma_start3A_276 = arith.constant 0 : i32
        %dma_start3A_277 = tpu.memref_slice %arg2[%add3A_273, %dma_start3A_276] : memref<5120x32xi32, #tpu.memory_space<hbm>> -> memref<8x32xi32, #tpu.memory_space<hbm>>
        tpu.enqueue_dma source(%dma_start3A_277 : memref<8x32xi32, #tpu.memory_space<hbm>>) target(%arg7 : memref<8x32xi32, #tpu.memory_space<vmem>>) target_semaphore(%arg19 : memref<!tpu.dma_semaphore, #tpu.memory_space<semaphore_mem>>)
      } else {
      }
      %add3A_239 = arith.constant 1 : i32
      %add3A_240 = arith.addi %add3A_232, %add3A_239 : i32
      %lt3A_241 = arith.cmpi slt, %add3A_240, %select_n3A_7 : i32
      %convert_element_type3A_242 = arith.extui %lt3A_241 : i1 to i32
      %cond3A_243 = arith.constant 0 : i32
      %cond3A_244 = arith.cmpi ne, %convert_element_type3A_242, %cond3A_243 : i32
      scf.if %cond3A_244 {
        %dma_wait3A_269 = arith.constant 0 : i32
        %dma_wait3A_270 = arith.constant 0 : i32
        %dma_wait3A_271 = tpu.memref_slice %arg2[%dma_wait3A_269, %dma_wait3A_270] : memref<5120x32xi32, #tpu.memory_space<hbm>> -> memref<8x32xi32, #tpu.memory_space<hbm>>
        %dma_wait3A_272 = arith.constant 0 : i32
        %dma_wait3A_273 = arith.constant 0 : i32
        %dma_wait3A_274 = tpu.memref_slice %arg2[%dma_wait3A_272, %dma_wait3A_273] : memref<5120x32xi32, #tpu.memory_space<hbm>> -> memref<8x32xi32, #tpu.memory_space<hbm>>
        tpu.wait_dma2 semaphore(%arg22 : memref<!tpu.dma_semaphore, #tpu.memory_space<semaphore_mem>>) src(%dma_wait3A_274 : memref<8x32xi32, #tpu.memory_space<hbm>>) dst(%arg10 : memref<8x32xi32, #tpu.memory_space<vmem>>)
        %get3A_275 = arith.constant 0 : i32
        %get3A_276 = arith.index_cast %get3A_275 : i32 to index
        %get3A_277 = arith.constant 0 : index
        %get3A_278 = tpu.vector_load %arg10[%get3A_276, %get3A_277] {strides = array<i32>} : memref<8x32xi32, #tpu.memory_space<vmem>>, vector<16xi32>,
        %bitcast3A_279 = vector.bitcast %get3A_278 : vector<16xi32> to vector<16xf32>
        %get3A_280 = arith.constant 0 : i32
        %get3A_281 = arith.index_cast %get3A_280 : i32 to index
        %get3A_282 = arith.constant 16 : index
        %get3A_283 = tpu.vector_load %arg10[%get3A_281, %get3A_282] {strides = array<i32>} : memref<8x32xi32, #tpu.memory_space<vmem>>, vector<16xi32>,
        %masked_sort3A_284 = arith.constant dense<true> : vector<16xi1>
        %masked_sort3A_285, %masked_sort3A_286, %masked_sort3A_287 = tpu.sort %bitcast3A_279, %get3A_283 masked %masked_sort3A_284 : (vector<16xf32>, vector<16xi32>, vector<16xi1>) -> (vector<16xi1>, vector<16xf32>, vector<16xi32>)
        %swap3A_288 = arith.constant 0 : index
        %swap3A_289 = tpu.vector_load %arg12[%swap3A_288] {strides = array<i32>} : memref<128xi32, #tpu.memory_space<vmem>>, vector<16xi32>,
        tpu.vector_store %arg12[%swap3A_288], %masked_sort3A_287 {strides = array<i32>} : memref<128xi32, #tpu.memory_space<vmem>>, vector<16xi32>,
        %swap3A_290 = arith.constant 0 : index
        %swap3A_291 = tpu.vector_load %arg14[%swap3A_290] {strides = array<i32>} : memref<128xi32, #tpu.memory_space<vmem>>, vector<16xi32>,
        tpu.vector_store %arg14[%swap3A_290], %get3A_283 {strides = array<i32>} : memref<128xi32, #tpu.memory_space<vmem>>, vector<16xi32>,
        %get3A_292 = arith.constant 1 : i32
        %get3A_293 = arith.index_cast %get3A_292 : i32 to index
        %get3A_294 = arith.constant 0 : index
        %get3A_295 = tpu.vector_load %arg10[%get3A_293, %get3A_294] {strides = array<i32>} : memref<8x32xi32, #tpu.memory_space<vmem>>, vector<16xi32>,
        %bitcast3A_296 = vector.bitcast %get3A_295 : vector<16xi32> to vector<16xf32>
        %get3A_297 = arith.constant 1 : i32
        %get3A_298 = arith.index_cast %get3A_297 : i32 to index
        %get3A_299 = arith.constant 16 : index
        %get3A_300 = tpu.vector_load %arg10[%get3A_298, %get3A_299] {strides = array<i32>} : memref<8x32xi32, #tpu.memory_space<vmem>>, vector<16xi32>,
        %masked_sort3A_301 = arith.constant dense<true> : vector<16xi1>
        %masked_sort3A_302, %masked_sort3A_303, %masked_sort3A_304 = tpu.sort %bitcast3A_296, %get3A_300 masked %masked_sort3A_301 : (vector<16xf32>, vector<16xi32>, vector<16xi1>) -> (vector<16xi1>, vector<16xf32>, vector<16xi32>)
        %swap3A_305 = arith.constant 16 : index
        %swap3A_306 = tpu.vector_load %arg12[%swap3A_305] {strides = array<i32>} : memref<128xi32, #tpu.memory_space<vmem>>, vector<16xi32>,
        tpu.vector_store %arg12[%swap3A_305], %masked_sort3A_304 {strides = array<i32>} : memref<128xi32, #tpu.memory_space<vmem>>, vector<16xi32>,
        %swap3A_307 = arith.constant 16 : index
        %swap3A_308 = tpu.vector_load %arg14[%swap3A_307] {strides = array<i32>} : memref<128xi32, #tpu.memory_space<vmem>>, vector<16xi32>,
        tpu.vector_store %arg14[%swap3A_307], %get3A_300 {strides = array<i32>} : memref<128xi32, #tpu.memory_space<vmem>>, vector<16xi32>,
        %get3A_309 = arith.constant 2 : i32
        %get3A_310 = arith.index_cast %get3A_309 : i32 to index
        %get3A_311 = arith.constant 0 : index
        %get3A_312 = tpu.vector_load %arg10[%get3A_310, %get3A_311] {strides = array<i32>} : memref<8x32xi32, #tpu.memory_space<vmem>>, vector<16xi32>,
        %bitcast3A_313 = vector.bitcast %get3A_312 : vector<16xi32> to vector<16xf32>
        %get3A_314 = arith.constant 2 : i32
        %get3A_315 = arith.index_cast %get3A_314 : i32 to index
        %get3A_316 = arith.constant 16 : index
        %get3A_317 = tpu.vector_load %arg10[%get3A_315, %get3A_316] {strides = array<i32>} : memref<8x32xi32, #tpu.memory_space<vmem>>, vector<16xi32>,
        %masked_sort3A_318 = arith.constant dense<true> : vector<16xi1>
        %masked_sort3A_319, %masked_sort3A_320, %masked_sort3A_321 = tpu.sort %bitcast3A_313, %get3A_317 masked %masked_sort3A_318 : (vector<16xf32>, vector<16xi32>, vector<16xi1>) -> (vector<16xi1>, vector<16xf32>, vector<16xi32>)
        %swap3A_322 = arith.constant 32 : index
        %swap3A_323 = tpu.vector_load %arg12[%swap3A_322] {strides = array<i32>} : memref<128xi32, #tpu.memory_space<vmem>>, vector<16xi32>,
        tpu.vector_store %arg12[%swap3A_322], %masked_sort3A_321 {strides = array<i32>} : memref<128xi32, #tpu.memory_space<vmem>>, vector<16xi32>,
        %swap3A_324 = arith.constant 32 : index
        %swap3A_325 = tpu.vector_load %arg14[%swap3A_324] {strides = array<i32>} : memref<128xi32, #tpu.memory_space<vmem>>, vector<16xi32>,
        tpu.vector_store %arg14[%swap3A_324], %get3A_317 {strides = array<i32>} : memref<128xi32, #tpu.memory_space<vmem>>, vector<16xi32>,
        %get3A_326 = arith.constant 3 : i32
        %get3A_327 = arith.index_cast %get3A_326 : i32 to index
        %get3A_328 = arith.constant 0 : index
        %get3A_329 = tpu.vector_load %arg10[%get3A_327, %get3A_328] {strides = array<i32>} : memref<8x32xi32, #tpu.memory_space<vmem>>, vector<16xi32>,
        %bitcast3A_330 = vector.bitcast %get3A_329 : vector<16xi32> to vector<16xf32>
        %get3A_331 = arith.constant 3 : i32
        %get3A_332 = arith.index_cast %get3A_331 : i32 to index
        %get3A_333 = arith.constant 16 : index
        %get3A_334 = tpu.vector_load %arg10[%get3A_332, %get3A_333] {strides = array<i32>} : memref<8x32xi32, #tpu.memory_space<vmem>>, vector<16xi32>,
        %masked_sort3A_335 = arith.constant dense<true> : vector<16xi1>
        %masked_sort3A_336, %masked_sort3A_337, %masked_sort3A_338 = tpu.sort %bitcast3A_330, %get3A_334 masked %masked_sort3A_335 : (vector<16xf32>, vector<16xi32>, vector<16xi1>) -> (vector<16xi1>, vector<16xf32>, vector<16xi32>)
        %swap3A_339 = arith.constant 48 : index
        %swap3A_340 = tpu.vector_load %arg12[%swap3A_339] {strides = array<i32>} : memref<128xi32, #tpu.memory_space<vmem>>, vector<16xi32>,
        tpu.vector_store %arg12[%swap3A_339], %masked_sort3A_338 {strides = array<i32>} : memref<128xi32, #tpu.memory_space<vmem>>, vector<16xi32>,
        %swap3A_341 = arith.constant 48 : index
        %swap3A_342 = tpu.vector_load %arg14[%swap3A_341] {strides = array<i32>} : memref<128xi32, #tpu.memory_space<vmem>>, vector<16xi32>,
        tpu.vector_store %arg14[%swap3A_341], %get3A_334 {strides = array<i32>} : memref<128xi32, #tpu.memory_space<vmem>>, vector<16xi32>,
        %get3A_343 = arith.constant 4 : i32
        %get3A_344 = arith.index_cast %get3A_343 : i32 to index
        %get3A_345 = arith.constant 0 : index
        %get3A_346 = tpu.vector_load %arg10[%get3A_344, %get3A_345] {strides = array<i32>} : memref<8x32xi32, #tpu.memory_space<vmem>>, vector<16xi32>,
        %bitcast3A_347 = vector.bitcast %get3A_346 : vector<16xi32> to vector<16xf32>
        %get3A_348 = arith.constant 4 : i32
        %get3A_349 = arith.index_cast %get3A_348 : i32 to index
        %get3A_350 = arith.constant 16 : index
        %get3A_351 = tpu.vector_load %arg10[%get3A_349, %get3A_350] {strides = array<i32>} : memref<8x32xi32, #tpu.memory_space<vmem>>, vector<16xi32>,
        %masked_sort3A_352 = arith.constant dense<true> : vector<16xi1>
        %masked_sort3A_353, %masked_sort3A_354, %masked_sort3A_355 = tpu.sort %bitcast3A_347, %get3A_351 masked %masked_sort3A_352 : (vector<16xf32>, vector<16xi32>, vector<16xi1>) -> (vector<16xi1>, vector<16xf32>, vector<16xi32>)
        %swap3A_356 = arith.constant 64 : index
        %swap3A_357 = tpu.vector_load %arg12[%swap3A_356] {strides = array<i32>} : memref<128xi32, #tpu.memory_space<vmem>>, vector<16xi32>,
        tpu.vector_store %arg12[%swap3A_356], %masked_sort3A_355 {strides = array<i32>} : memref<128xi32, #tpu.memory_space<vmem>>, vector<16xi32>,
        %swap3A_358 = arith.constant 64 : index
        %swap3A_359 = tpu.vector_load %arg14[%swap3A_358] {strides = array<i32>} : memref<128xi32, #tpu.memory_space<vmem>>, vector<16xi32>,
        tpu.vector_store %arg14[%swap3A_358], %get3A_351 {strides = array<i32>} : memref<128xi32, #tpu.memory_space<vmem>>, vector<16xi32>,
        %get3A_360 = arith.constant 5 : i32
        %get3A_361 = arith.index_cast %get3A_360 : i32 to index
        %get3A_362 = arith.constant 0 : index
        %get3A_363 = tpu.vector_load %arg10[%get3A_361, %get3A_362] {strides = array<i32>} : memref<8x32xi32, #tpu.memory_space<vmem>>, vector<16xi32>,
        %bitcast3A_364 = vector.bitcast %get3A_363 : vector<16xi32> to vector<16xf32>
        %get3A_365 = arith.constant 5 : i32
        %get3A_366 = arith.index_cast %get3A_365 : i32 to index
        %get3A_367 = arith.constant 16 : index
        %get3A_368 = tpu.vector_load %arg10[%get3A_366, %get3A_367] {strides = array<i32>} : memref<8x32xi32, #tpu.memory_space<vmem>>, vector<16xi32>,
        %masked_sort3A_369 = arith.constant dense<true> : vector<16xi1>
        %masked_sort3A_370, %masked_sort3A_371, %masked_sort3A_372 = tpu.sort %bitcast3A_364, %get3A_368 masked %masked_sort3A_369 : (vector<16xf32>, vector<16xi32>, vector<16xi1>) -> (vector<16xi1>, vector<16xf32>, vector<16xi32>)
        %swap3A_373 = arith.constant 80 : index
        %swap3A_374 = tpu.vector_load %arg12[%swap3A_373] {strides = array<i32>} : memref<128xi32, #tpu.memory_space<vmem>>, vector<16xi32>,
        tpu.vector_store %arg12[%swap3A_373], %masked_sort3A_372 {strides = array<i32>} : memref<128xi32, #tpu.memory_space<vmem>>, vector<16xi32>,
        %swap3A_375 = arith.constant 80 : index
        %swap3A_376 = tpu.vector_load %arg14[%swap3A_375] {strides = array<i32>} : memref<128xi32, #tpu.memory_space<vmem>>, vector<16xi32>,
        tpu.vector_store %arg14[%swap3A_375], %get3A_368 {strides = array<i32>} : memref<128xi32, #tpu.memory_space<vmem>>, vector<16xi32>,
        %get3A_377 = arith.constant 6 : i32
        %get3A_378 = arith.index_cast %get3A_377 : i32 to index
        %get3A_379 = arith.constant 0 : index
        %get3A_380 = tpu.vector_load %arg10[%get3A_378, %get3A_379] {strides = array<i32>} : memref<8x32xi32, #tpu.memory_space<vmem>>, vector<16xi32>,
        %bitcast3A_381 = vector.bitcast %get3A_380 : vector<16xi32> to vector<16xf32>
        %get3A_382 = arith.constant 6 : i32
        %get3A_383 = arith.index_cast %get3A_382 : i32 to index
        %get3A_384 = arith.constant 16 : index
        %get3A_385 = tpu.vector_load %arg10[%get3A_383, %get3A_384] {strides = array<i32>} : memref<8x32xi32, #tpu.memory_space<vmem>>, vector<16xi32>,
        %masked_sort3A_386 = arith.constant dense<true> : vector<16xi1>
        %masked_sort3A_387, %masked_sort3A_388, %masked_sort3A_389 = tpu.sort %bitcast3A_381, %get3A_385 masked %masked_sort3A_386 : (vector<16xf32>, vector<16xi32>, vector<16xi1>) -> (vector<16xi1>, vector<16xf32>, vector<16xi32>)
        %swap3A_390 = arith.constant 96 : index
        %swap3A_391 = tpu.vector_load %arg12[%swap3A_390] {strides = array<i32>} : memref<128xi32, #tpu.memory_space<vmem>>, vector<16xi32>,
        tpu.vector_store %arg12[%swap3A_390], %masked_sort3A_389 {strides = array<i32>} : memref<128xi32, #tpu.memory_space<vmem>>, vector<16xi32>,
        %swap3A_392 = arith.constant 96 : index
        %swap3A_393 = tpu.vector_load %arg14[%swap3A_392] {strides = array<i32>} : memref<128xi32, #tpu.memory_space<vmem>>, vector<16xi32>,
        tpu.vector_store %arg14[%swap3A_392], %get3A_385 {strides = array<i32>} : memref<128xi32, #tpu.memory_space<vmem>>, vector<16xi32>,
        %get3A_394 = arith.constant 7 : i32
        %get3A_395 = arith.index_cast %get3A_394 : i32 to index
        %get3A_396 = arith.constant 0 : index
        %get3A_397 = tpu.vector_load %arg10[%get3A_395, %get3A_396] {strides = array<i32>} : memref<8x32xi32, #tpu.memory_space<vmem>>, vector<16xi32>,
        %bitcast3A_398 = vector.bitcast %get3A_397 : vector<16xi32> to vector<16xf32>
        %get3A_399 = arith.constant 7 : i32
        %get3A_400 = arith.index_cast %get3A_399 : i32 to index
        %get3A_401 = arith.constant 16 : index
        %get3A_402 = tpu.vector_load %arg10[%get3A_400, %get3A_401] {strides = array<i32>} : memref<8x32xi32, #tpu.memory_space<vmem>>, vector<16xi32>,
        %masked_sort3A_403 = arith.constant dense<true> : vector<16xi1>
        %masked_sort3A_404, %masked_sort3A_405, %masked_sort3A_406 = tpu.sort %bitcast3A_398, %get3A_402 masked %masked_sort3A_403 : (vector<16xf32>, vector<16xi32>, vector<16xi1>) -> (vector<16xi1>, vector<16xf32>, vector<16xi32>)
        %swap3A_407 = arith.constant 112 : index
        %swap3A_408 = tpu.vector_load %arg12[%swap3A_407] {strides = array<i32>} : memref<128xi32, #tpu.memory_space<vmem>>, vector<16xi32>,
        tpu.vector_store %arg12[%swap3A_407], %masked_sort3A_406 {strides = array<i32>} : memref<128xi32, #tpu.memory_space<vmem>>, vector<16xi32>,
        %swap3A_409 = arith.constant 112 : index
        %swap3A_410 = tpu.vector_load %arg14[%swap3A_409] {strides = array<i32>} : memref<128xi32, #tpu.memory_space<vmem>>, vector<16xi32>,
        tpu.vector_store %arg14[%swap3A_409], %get3A_402 {strides = array<i32>} : memref<128xi32, #tpu.memory_space<vmem>>, vector<16xi32>,
        %ge3A = arith.constant 1 : i32
        %ge3A_411 = arith.cmpi sge, %add3A_232, %ge3A : i32
        %convert_element_type3A_412 = arith.extui %ge3A_411 : i1 to i32
        %cond3A_413 = arith.constant 0 : i32
        %cond3A_414 = arith.cmpi ne, %convert_element_type3A_412, %cond3A_413 : i32
        scf.if %cond3A_414 {
          %dma_wait3A_421 = arith.constant 0 : i32
          %dma_wait3A_422 = arith.constant 0 : i32
          %dma_wait3A_423 = tpu.memref_slice %arg5[%dma_wait3A_421, %dma_wait3A_422] : memref<81920x128xf32, #tpu.memory_space<hbm>> -> memref<128x128xf32, #tpu.memory_space<hbm>>
          %dma_wait3A_424 = arith.constant 0 : i32
          %dma_wait3A_425 = arith.constant 0 : i32
          %dma_wait3A_426 = tpu.memref_slice %arg5[%dma_wait3A_424, %dma_wait3A_425] : memref<81920x128xf32, #tpu.memory_space<hbm>> -> memref<128x128xf32, #tpu.memory_space<hbm>>
          tpu.wait_dma2 semaphore(%arg28 : memref<!tpu.dma_semaphore, #tpu.memory_space<semaphore_mem>>) src(%arg16 : memref<128x128xf32, #tpu.memory_space<vmem>>) dst(%dma_wait3A_426 : memref<128x128xf32, #tpu.memory_space<hbm>>)
          %dma_wait3A_427 = arith.constant 0 : i32
          %dma_wait3A_428 = arith.constant 0 : i32
          %dma_wait3A_429 = tpu.memref_slice %arg6[%dma_wait3A_427, %dma_wait3A_428] : memref<81920x128xf32, #tpu.memory_space<hbm>> -> memref<128x128xf32, #tpu.memory_space<hbm>>
          %dma_wait3A_430 = arith.constant 0 : i32
          %dma_wait3A_431 = arith.constant 0 : i32
          %dma_wait3A_432 = tpu.memref_slice %arg6[%dma_wait3A_430, %dma_wait3A_431] : memref<81920x128xf32, #tpu.memory_space<hbm>> -> memref<128x128xf32, #tpu.memory_space<hbm>>
          tpu.wait_dma2 semaphore(%arg30 : memref<!tpu.dma_semaphore, #tpu.memory_space<semaphore_mem>>) src(%arg18 : memref<128x128xf32, #tpu.memory_space<vmem>>) dst(%dma_wait3A_432 : memref<128x128xf32, #tpu.memory_space<hbm>>)
        } else {
        }
        %dma_start3A_415 = arith.constant 0 : i32
        %dma_start3A_416 = arith.constant 0 : i32
        %dma_start3A_417 = tpu.memref_slice %arg3[%dma_start3A_415, %dma_start3A_416] : memref<10240x128xf32, #tpu.memory_space<hbm>> -> memref<10240x128xf32, #tpu.memory_space<hbm>>
        tpu.enqueue_indirect_dma source(%dma_start3A_417 : memref<10240x128xf32, #tpu.memory_space<hbm>>) target(%arg16 : memref<128x128xf32, #tpu.memory_space<vmem>>) offsets(%arg12 : memref<128xi32, #tpu.memory_space<vmem>>) semaphore(%arg24 : memref<!tpu.dma_semaphore, #tpu.memory_space<semaphore_mem>>)
        %dma_start3A_418 = arith.constant 0 : i32
        %dma_start3A_419 = arith.constant 0 : i32
        %dma_start3A_420 = tpu.memref_slice %arg4[%dma_start3A_418, %dma_start3A_419] : memref<10240x128xf32, #tpu.memory_space<hbm>> -> memref<10240x128xf32, #tpu.memory_space<hbm>>
        tpu.enqueue_indirect_dma source(%dma_start3A_420 : memref<10240x128xf32, #tpu.memory_space<hbm>>) target(%arg18 : memref<128x128xf32, #tpu.memory_space<vmem>>) offsets(%arg14 : memref<128xi32, #tpu.memory_space<vmem>>) semaphore(%arg26 : memref<!tpu.dma_semaphore, #tpu.memory_space<semaphore_mem>>)
      } else {
      }
      %lt3A_245 = arith.cmpi slt, %add3A_232, %select_n3A_7 : i32
      %convert_element_type3A_246 = arith.extui %lt3A_245 : i1 to i32
      %cond3A_247 = arith.constant 0 : i32
      %cond3A_248 = arith.cmpi ne, %convert_element_type3A_246, %cond3A_247 : i32
      scf.if %cond3A_248 {
        %dma_wait3A_269 = arith.constant 0 : i32
        %dma_wait3A_270 = arith.constant 0 : i32
        %dma_wait3A_271 = tpu.memref_slice %arg3[%dma_wait3A_269, %dma_wait3A_270] : memref<10240x128xf32, #tpu.memory_space<hbm>> -> memref<128x128xf32, #tpu.memory_space<hbm>>
        %dma_wait3A_272 = arith.constant 0 : i32
        %dma_wait3A_273 = arith.constant 0 : i32
        %dma_wait3A_274 = tpu.memref_slice %arg3[%dma_wait3A_272, %dma_wait3A_273] : memref<10240x128xf32, #tpu.memory_space<hbm>> -> memref<128x128xf32, #tpu.memory_space<hbm>>
        tpu.wait_dma2 semaphore(%arg23 : memref<!tpu.dma_semaphore, #tpu.memory_space<semaphore_mem>>) src(%dma_wait3A_274 : memref<128x128xf32, #tpu.memory_space<hbm>>) dst(%arg15 : memref<128x128xf32, #tpu.memory_space<vmem>>)
        %dma_wait3A_275 = arith.constant 0 : i32
        %dma_wait3A_276 = arith.constant 0 : i32
        %dma_wait3A_277 = tpu.memref_slice %arg4[%dma_wait3A_275, %dma_wait3A_276] : memref<10240x128xf32, #tpu.memory_space<hbm>> -> memref<128x128xf32, #tpu.memory_space<hbm>>
        %dma_wait3A_278 = arith.constant 0 : i32
        %dma_wait3A_279 = arith.constant 0 : i32
        %dma_wait3A_280 = tpu.memref_slice %arg4[%dma_wait3A_278, %dma_wait3A_279] : memref<10240x128xf32, #tpu.memory_space<hbm>> -> memref<128x128xf32, #tpu.memory_space<hbm>>
        tpu.wait_dma2 semaphore(%arg25 : memref<!tpu.dma_semaphore, #tpu.memory_space<semaphore_mem>>) src(%dma_wait3A_280 : memref<128x128xf32, #tpu.memory_space<hbm>>) dst(%arg17 : memref<128x128xf32, #tpu.memory_space<vmem>>)
        %mul3A_281 = arith.constant 8 : i32
        %mul3A_282 = arith.muli %add3A_232, %mul3A_281 : i32
        %add3A_283 = arith.addi %add3A, %mul3A_282 : i32
        %mul3A_284 = arith.constant 16 : i32
        %mul3A_285 = arith.muli %add3A_283, %mul3A_284 : i32
        %dma_start3A_286 = arith.constant 0 : i32
        %dma_start3A_287 = tpu.memref_slice %arg5[%mul3A_285, %dma_start3A_286] : memref<81920x128xf32, #tpu.memory_space<hbm>> -> memref<128x128xf32, #tpu.memory_space<hbm>>
        %dma_start3A_288 = arith.constant 0 : i32
        %dma_start3A_289 = tpu.memref_slice %arg5[%mul3A_285, %dma_start3A_288] : memref<81920x128xf32, #tpu.memory_space<hbm>> -> memref<128x128xf32, #tpu.memory_space<hbm>>
        tpu.enqueue_dma source(%arg15 : memref<128x128xf32, #tpu.memory_space<vmem>>) target(%dma_start3A_289 : memref<128x128xf32, #tpu.memory_space<hbm>>) target_semaphore(%arg27 : memref<!tpu.dma_semaphore, #tpu.memory_space<semaphore_mem>>)
        %mul3A_290 = arith.constant 16 : i32
        %mul3A_291 = arith.muli %add3A_283, %mul3A_290 : i32
        %dma_start3A_292 = arith.constant 0 : i32
        %dma_start3A_293 = tpu.memref_slice %arg6[%mul3A_291, %dma_start3A_292] : memref<81920x128xf32, #tpu.memory_space<hbm>> -> memref<128x128xf32, #tpu.memory_space<hbm>>
        %dma_start3A_294 = arith.constant 0 : i32
        %dma_start3A_295 = tpu.memref_slice %arg6[%mul3A_291, %dma_start3A_294] : memref<81920x128xf32, #tpu.memory_space<hbm>> -> memref<128x128xf32, #tpu.memory_space<hbm>>
        tpu.enqueue_dma source(%arg17 : memref<128x128xf32, #tpu.memory_space<vmem>>) target(%dma_start3A_295 : memref<128x128xf32, #tpu.memory_space<hbm>>) target_semaphore(%arg29 : memref<!tpu.dma_semaphore, #tpu.memory_space<semaphore_mem>>)
      } else {
      }
      %mul3A_249 = arith.constant 4 : i32
      %mul3A_250 = arith.muli %scan3A_191, %mul3A_249 : i32
      %add3A_251 = arith.constant 3 : i32
      %add3A_252 = arith.addi %mul3A_250, %add3A_251 : i32
      %add3A_253 = arith.constant 2 : i32
      %add3A_254 = arith.addi %add3A_252, %add3A_253 : i32
      %lt3A_255 = arith.cmpi slt, %add3A_254, %select_n3A_7 : i32
      %convert_element_type3A_256 = arith.extui %lt3A_255 : i1 to i32
      %cond3A_257 = arith.constant 0 : i32
      %cond3A_258 = arith.cmpi ne, %convert_element_type3A_256, %cond3A_257 : i32
      scf.if %cond3A_258 {
        %add3A_269 = arith.constant 2 : i32
        %add3A_270 = arith.addi %add3A_252, %add3A_269 : i32
        %mul3A_271 = arith.constant 8 : i32
        %mul3A_272 = arith.muli %add3A_270, %mul3A_271 : i32
        %add3A_273 = arith.addi %add3A, %mul3A_272 : i32
        %dma_start3A_274 = arith.constant 0 : i32
        %dma_start3A_275 = tpu.memref_slice %arg2[%add3A_273, %dma_start3A_274] : memref<5120x32xi32, #tpu.memory_space<hbm>> -> memref<8x32xi32, #tpu.memory_space<hbm>>
        %dma_start3A_276 = arith.constant 0 : i32
        %dma_start3A_277 = tpu.memref_slice %arg2[%add3A_273, %dma_start3A_276] : memref<5120x32xi32, #tpu.memory_space<hbm>> -> memref<8x32xi32, #tpu.memory_space<hbm>>
        tpu.enqueue_dma source(%dma_start3A_277 : memref<8x32xi32, #tpu.memory_space<hbm>>) target(%arg8 : memref<8x32xi32, #tpu.memory_space<vmem>>) target_semaphore(%arg20 : memref<!tpu.dma_semaphore, #tpu.memory_space<semaphore_mem>>)
      } else {
      }
      %add3A_259 = arith.constant 1 : i32
      %add3A_260 = arith.addi %add3A_252, %add3A_259 : i32
      %lt3A_261 = arith.cmpi slt, %add3A_260, %select_n3A_7 : i32
      %convert_element_type3A_262 = arith.extui %lt3A_261 : i1 to i32
      %cond3A_263 = arith.constant 0 : i32
      %cond3A_264 = arith.cmpi ne, %convert_element_type3A_262, %cond3A_263 : i32
      scf.if %cond3A_264 {
        %dma_wait3A_269 = arith.constant 0 : i32
        %dma_wait3A_270 = arith.constant 0 : i32
        %dma_wait3A_271 = tpu.memref_slice %arg2[%dma_wait3A_269, %dma_wait3A_270] : memref<5120x32xi32, #tpu.memory_space<hbm>> -> memref<8x32xi32, #tpu.memory_space<hbm>>
        %dma_wait3A_272 = arith.constant 0 : i32
        %dma_wait3A_273 = arith.constant 0 : i32
        %dma_wait3A_274 = tpu.memref_slice %arg2[%dma_wait3A_272, %dma_wait3A_273] : memref<5120x32xi32, #tpu.memory_space<hbm>> -> memref<8x32xi32, #tpu.memory_space<hbm>>
        tpu.wait_dma2 semaphore(%arg19 : memref<!tpu.dma_semaphore, #tpu.memory_space<semaphore_mem>>) src(%dma_wait3A_274 : memref<8x32xi32, #tpu.memory_space<hbm>>) dst(%arg7 : memref<8x32xi32, #tpu.memory_space<vmem>>)
        %get3A_275 = arith.constant 0 : i32
        %get3A_276 = arith.index_cast %get3A_275 : i32 to index
        %get3A_277 = arith.constant 0 : index
        %get3A_278 = tpu.vector_load %arg7[%get3A_276, %get3A_277] {strides = array<i32>} : memref<8x32xi32, #tpu.memory_space<vmem>>, vector<16xi32>,
        %bitcast3A_279 = vector.bitcast %get3A_278 : vector<16xi32> to vector<16xf32>
        %get3A_280 = arith.constant 0 : i32
        %get3A_281 = arith.index_cast %get3A_280 : i32 to index
        %get3A_282 = arith.constant 16 : index
        %get3A_283 = tpu.vector_load %arg7[%get3A_281, %get3A_282] {strides = array<i32>} : memref<8x32xi32, #tpu.memory_space<vmem>>, vector<16xi32>,
        %masked_sort3A_284 = arith.constant dense<true> : vector<16xi1>
        %masked_sort3A_285, %masked_sort3A_286, %masked_sort3A_287 = tpu.sort %bitcast3A_279, %get3A_283 masked %masked_sort3A_284 : (vector<16xf32>, vector<16xi32>, vector<16xi1>) -> (vector<16xi1>, vector<16xf32>, vector<16xi32>)
        %swap3A_288 = arith.constant 0 : index
        %swap3A_289 = tpu.vector_load %arg11[%swap3A_288] {strides = array<i32>} : memref<128xi32, #tpu.memory_space<vmem>>, vector<16xi32>,
        tpu.vector_store %arg11[%swap3A_288], %masked_sort3A_287 {strides = array<i32>} : memref<128xi32, #tpu.memory_space<vmem>>, vector<16xi32>,
        %swap3A_290 = arith.constant 0 : index
        %swap3A_291 = tpu.vector_load %arg13[%swap3A_290] {strides = array<i32>} : memref<128xi32, #tpu.memory_space<vmem>>, vector<16xi32>,
        tpu.vector_store %arg13[%swap3A_290], %get3A_283 {strides = array<i32>} : memref<128xi32, #tpu.memory_space<vmem>>, vector<16xi32>,
        %get3A_292 = arith.constant 1 : i32
        %get3A_293 = arith.index_cast %get3A_292 : i32 to index
        %get3A_294 = arith.constant 0 : index
        %get3A_295 = tpu.vector_load %arg7[%get3A_293, %get3A_294] {strides = array<i32>} : memref<8x32xi32, #tpu.memory_space<vmem>>, vector<16xi32>,
        %bitcast3A_296 = vector.bitcast %get3A_295 : vector<16xi32> to vector<16xf32>
        %get3A_297 = arith.constant 1 : i32
        %get3A_298 = arith.index_cast %get3A_297 : i32 to index
        %get3A_299 = arith.constant 16 : index
        %get3A_300 = tpu.vector_load %arg7[%get3A_298, %get3A_299] {strides = array<i32>} : memref<8x32xi32, #tpu.memory_space<vmem>>, vector<16xi32>,
        %masked_sort3A_301 = arith.constant dense<true> : vector<16xi1>
        %masked_sort3A_302, %masked_sort3A_303, %masked_sort3A_304 = tpu.sort %bitcast3A_296, %get3A_300 masked %masked_sort3A_301 : (vector<16xf32>, vector<16xi32>, vector<16xi1>) -> (vector<16xi1>, vector<16xf32>, vector<16xi32>)
        %swap3A_305 = arith.constant 16 : index
        %swap3A_306 = tpu.vector_load %arg11[%swap3A_305] {strides = array<i32>} : memref<128xi32, #tpu.memory_space<vmem>>, vector<16xi32>,
        tpu.vector_store %arg11[%swap3A_305], %masked_sort3A_304 {strides = array<i32>} : memref<128xi32, #tpu.memory_space<vmem>>, vector<16xi32>,
        %swap3A_307 = arith.constant 16 : index
        %swap3A_308 = tpu.vector_load %arg13[%swap3A_307] {strides = array<i32>} : memref<128xi32, #tpu.memory_space<vmem>>, vector<16xi32>,
        tpu.vector_store %arg13[%swap3A_307], %get3A_300 {strides = array<i32>} : memref<128xi32, #tpu.memory_space<vmem>>, vector<16xi32>,
        %get3A_309 = arith.constant 2 : i32
        %get3A_310 = arith.index_cast %get3A_309 : i32 to index
        %get3A_311 = arith.constant 0 : index
        %get3A_312 = tpu.vector_load %arg7[%get3A_310, %get3A_311] {strides = array<i32>} : memref<8x32xi32, #tpu.memory_space<vmem>>, vector<16xi32>,
        %bitcast3A_313 = vector.bitcast %get3A_312 : vector<16xi32> to vector<16xf32>
        %get3A_314 = arith.constant 2 : i32
        %get3A_315 = arith.index_cast %get3A_314 : i32 to index
        %get3A_316 = arith.constant 16 : index
        %get3A_317 = tpu.vector_load %arg7[%get3A_315, %get3A_316] {strides = array<i32>} : memref<8x32xi32, #tpu.memory_space<vmem>>, vector<16xi32>,
        %masked_sort3A_318 = arith.constant dense<true> : vector<16xi1>
        %masked_sort3A_319, %masked_sort3A_320, %masked_sort3A_321 = tpu.sort %bitcast3A_313, %get3A_317 masked %masked_sort3A_318 : (vector<16xf32>, vector<16xi32>, vector<16xi1>) -> (vector<16xi1>, vector<16xf32>, vector<16xi32>)
        %swap3A_322 = arith.constant 32 : index
        %swap3A_323 = tpu.vector_load %arg11[%swap3A_322] {strides = array<i32>} : memref<128xi32, #tpu.memory_space<vmem>>, vector<16xi32>,
        tpu.vector_store %arg11[%swap3A_322], %masked_sort3A_321 {strides = array<i32>} : memref<128xi32, #tpu.memory_space<vmem>>, vector<16xi32>,
        %swap3A_324 = arith.constant 32 : index
        %swap3A_325 = tpu.vector_load %arg13[%swap3A_324] {strides = array<i32>} : memref<128xi32, #tpu.memory_space<vmem>>, vector<16xi32>,
        tpu.vector_store %arg13[%swap3A_324], %get3A_317 {strides = array<i32>} : memref<128xi32, #tpu.memory_space<vmem>>, vector<16xi32>,
        %get3A_326 = arith.constant 3 : i32
        %get3A_327 = arith.index_cast %get3A_326 : i32 to index
        %get3A_328 = arith.constant 0 : index
        %get3A_329 = tpu.vector_load %arg7[%get3A_327, %get3A_328] {strides = array<i32>} : memref<8x32xi32, #tpu.memory_space<vmem>>, vector<16xi32>,
        %bitcast3A_330 = vector.bitcast %get3A_329 : vector<16xi32> to vector<16xf32>
        %get3A_331 = arith.constant 3 : i32
        %get3A_332 = arith.index_cast %get3A_331 : i32 to index
        %get3A_333 = arith.constant 16 : index
        %get3A_334 = tpu.vector_load %arg7[%get3A_332, %get3A_333] {strides = array<i32>} : memref<8x32xi32, #tpu.memory_space<vmem>>, vector<16xi32>,
        %masked_sort3A_335 = arith.constant dense<true> : vector<16xi1>
        %masked_sort3A_336, %masked_sort3A_337, %masked_sort3A_338 = tpu.sort %bitcast3A_330, %get3A_334 masked %masked_sort3A_335 : (vector<16xf32>, vector<16xi32>, vector<16xi1>) -> (vector<16xi1>, vector<16xf32>, vector<16xi32>)
        %swap3A_339 = arith.constant 48 : index
        %swap3A_340 = tpu.vector_load %arg11[%swap3A_339] {strides = array<i32>} : memref<128xi32, #tpu.memory_space<vmem>>, vector<16xi32>,
        tpu.vector_store %arg11[%swap3A_339], %masked_sort3A_338 {strides = array<i32>} : memref<128xi32, #tpu.memory_space<vmem>>, vector<16xi32>,
        %swap3A_341 = arith.constant 48 : index
        %swap3A_342 = tpu.vector_load %arg13[%swap3A_341] {strides = array<i32>} : memref<128xi32, #tpu.memory_space<vmem>>, vector<16xi32>,
        tpu.vector_store %arg13[%swap3A_341], %get3A_334 {strides = array<i32>} : memref<128xi32, #tpu.memory_space<vmem>>, vector<16xi32>,
        %get3A_343 = arith.constant 4 : i32
        %get3A_344 = arith.index_cast %get3A_343 : i32 to index
        %get3A_345 = arith.constant 0 : index
        %get3A_346 = tpu.vector_load %arg7[%get3A_344, %get3A_345] {strides = array<i32>} : memref<8x32xi32, #tpu.memory_space<vmem>>, vector<16xi32>,
        %bitcast3A_347 = vector.bitcast %get3A_346 : vector<16xi32> to vector<16xf32>
        %get3A_348 = arith.constant 4 : i32
        %get3A_349 = arith.index_cast %get3A_348 : i32 to index
        %get3A_350 = arith.constant 16 : index
        %get3A_351 = tpu.vector_load %arg7[%get3A_349, %get3A_350] {strides = array<i32>} : memref<8x32xi32, #tpu.memory_space<vmem>>, vector<16xi32>,
        %masked_sort3A_352 = arith.constant dense<true> : vector<16xi1>
        %masked_sort3A_353, %masked_sort3A_354, %masked_sort3A_355 = tpu.sort %bitcast3A_347, %get3A_351 masked %masked_sort3A_352 : (vector<16xf32>, vector<16xi32>, vector<16xi1>) -> (vector<16xi1>, vector<16xf32>, vector<16xi32>)
        %swap3A_356 = arith.constant 64 : index
        %swap3A_357 = tpu.vector_load %arg11[%swap3A_356] {strides = array<i32>} : memref<128xi32, #tpu.memory_space<vmem>>, vector<16xi32>,
        tpu.vector_store %arg11[%swap3A_356], %masked_sort3A_355 {strides = array<i32>} : memref<128xi32, #tpu.memory_space<vmem>>, vector<16xi32>,
        %swap3A_358 = arith.constant 64 : index
        %swap3A_359 = tpu.vector_load %arg13[%swap3A_358] {strides = array<i32>} : memref<128xi32, #tpu.memory_space<vmem>>, vector<16xi32>,
        tpu.vector_store %arg13[%swap3A_358], %get3A_351 {strides = array<i32>} : memref<128xi32, #tpu.memory_space<vmem>>, vector<16xi32>,
        %get3A_360 = arith.constant 5 : i32
        %get3A_361 = arith.index_cast %get3A_360 : i32 to index
        %get3A_362 = arith.constant 0 : index
        %get3A_363 = tpu.vector_load %arg7[%get3A_361, %get3A_362] {strides = array<i32>} : memref<8x32xi32, #tpu.memory_space<vmem>>, vector<16xi32>,
        %bitcast3A_364 = vector.bitcast %get3A_363 : vector<16xi32> to vector<16xf32>
        %get3A_365 = arith.constant 5 : i32
        %get3A_366 = arith.index_cast %get3A_365 : i32 to index
        %get3A_367 = arith.constant 16 : index
        %get3A_368 = tpu.vector_load %arg7[%get3A_366, %get3A_367] {strides = array<i32>} : memref<8x32xi32, #tpu.memory_space<vmem>>, vector<16xi32>,
        %masked_sort3A_369 = arith.constant dense<true> : vector<16xi1>
        %masked_sort3A_370, %masked_sort3A_371, %masked_sort3A_372 = tpu.sort %bitcast3A_364, %get3A_368 masked %masked_sort3A_369 : (vector<16xf32>, vector<16xi32>, vector<16xi1>) -> (vector<16xi1>, vector<16xf32>, vector<16xi32>)
        %swap3A_373 = arith.constant 80 : index
        %swap3A_374 = tpu.vector_load %arg11[%swap3A_373] {strides = array<i32>} : memref<128xi32, #tpu.memory_space<vmem>>, vector<16xi32>,
        tpu.vector_store %arg11[%swap3A_373], %masked_sort3A_372 {strides = array<i32>} : memref<128xi32, #tpu.memory_space<vmem>>, vector<16xi32>,
        %swap3A_375 = arith.constant 80 : index
        %swap3A_376 = tpu.vector_load %arg13[%swap3A_375] {strides = array<i32>} : memref<128xi32, #tpu.memory_space<vmem>>, vector<16xi32>,
        tpu.vector_store %arg13[%swap3A_375], %get3A_368 {strides = array<i32>} : memref<128xi32, #tpu.memory_space<vmem>>, vector<16xi32>,
        %get3A_377 = arith.constant 6 : i32
        %get3A_378 = arith.index_cast %get3A_377 : i32 to index
        %get3A_379 = arith.constant 0 : index
        %get3A_380 = tpu.vector_load %arg7[%get3A_378, %get3A_379] {strides = array<i32>} : memref<8x32xi32, #tpu.memory_space<vmem>>, vector<16xi32>,
        %bitcast3A_381 = vector.bitcast %get3A_380 : vector<16xi32> to vector<16xf32>
        %get3A_382 = arith.constant 6 : i32
        %get3A_383 = arith.index_cast %get3A_382 : i32 to index
        %get3A_384 = arith.constant 16 : index
        %get3A_385 = tpu.vector_load %arg7[%get3A_383, %get3A_384] {strides = array<i32>} : memref<8x32xi32, #tpu.memory_space<vmem>>, vector<16xi32>,
        %masked_sort3A_386 = arith.constant dense<true> : vector<16xi1>
        %masked_sort3A_387, %masked_sort3A_388, %masked_sort3A_389 = tpu.sort %bitcast3A_381, %get3A_385 masked %masked_sort3A_386 : (vector<16xf32>, vector<16xi32>, vector<16xi1>) -> (vector<16xi1>, vector<16xf32>, vector<16xi32>)
        %swap3A_390 = arith.constant 96 : index
        %swap3A_391 = tpu.vector_load %arg11[%swap3A_390] {strides = array<i32>} : memref<128xi32, #tpu.memory_space<vmem>>, vector<16xi32>,
        tpu.vector_store %arg11[%swap3A_390], %masked_sort3A_389 {strides = array<i32>} : memref<128xi32, #tpu.memory_space<vmem>>, vector<16xi32>,
        %swap3A_392 = arith.constant 96 : index
        %swap3A_393 = tpu.vector_load %arg13[%swap3A_392] {strides = array<i32>} : memref<128xi32, #tpu.memory_space<vmem>>, vector<16xi32>,
        tpu.vector_store %arg13[%swap3A_392], %get3A_385 {strides = array<i32>} : memref<128xi32, #tpu.memory_space<vmem>>, vector<16xi32>,
        %get3A_394 = arith.constant 7 : i32
        %get3A_395 = arith.index_cast %get3A_394 : i32 to index
        %get3A_396 = arith.constant 0 : index
        %get3A_397 = tpu.vector_load %arg7[%get3A_395, %get3A_396] {strides = array<i32>} : memref<8x32xi32, #tpu.memory_space<vmem>>, vector<16xi32>,
        %bitcast3A_398 = vector.bitcast %get3A_397 : vector<16xi32> to vector<16xf32>
        %get3A_399 = arith.constant 7 : i32
        %get3A_400 = arith.index_cast %get3A_399 : i32 to index
        %get3A_401 = arith.constant 16 : index
        %get3A_402 = tpu.vector_load %arg7[%get3A_400, %get3A_401] {strides = array<i32>} : memref<8x32xi32, #tpu.memory_space<vmem>>, vector<16xi32>,
        %masked_sort3A_403 = arith.constant dense<true> : vector<16xi1>
        %masked_sort3A_404, %masked_sort3A_405, %masked_sort3A_406 = tpu.sort %bitcast3A_398, %get3A_402 masked %masked_sort3A_403 : (vector<16xf32>, vector<16xi32>, vector<16xi1>) -> (vector<16xi1>, vector<16xf32>, vector<16xi32>)
        %swap3A_407 = arith.constant 112 : index
        %swap3A_408 = tpu.vector_load %arg11[%swap3A_407] {strides = array<i32>} : memref<128xi32, #tpu.memory_space<vmem>>, vector<16xi32>,
        tpu.vector_store %arg11[%swap3A_407], %masked_sort3A_406 {strides = array<i32>} : memref<128xi32, #tpu.memory_space<vmem>>, vector<16xi32>,
        %swap3A_409 = arith.constant 112 : index
        %swap3A_410 = tpu.vector_load %arg13[%swap3A_409] {strides = array<i32>} : memref<128xi32, #tpu.memory_space<vmem>>, vector<16xi32>,
        tpu.vector_store %arg13[%swap3A_409], %get3A_402 {strides = array<i32>} : memref<128xi32, #tpu.memory_space<vmem>>, vector<16xi32>,
        %ge3A = arith.constant 1 : i32
        %ge3A_411 = arith.cmpi sge, %add3A_252, %ge3A : i32
        %convert_element_type3A_412 = arith.extui %ge3A_411 : i1 to i32
        %cond3A_413 = arith.constant 0 : i32
        %cond3A_414 = arith.cmpi ne, %convert_element_type3A_412, %cond3A_413 : i32
        scf.if %cond3A_414 {
          %dma_wait3A_421 = arith.constant 0 : i32
          %dma_wait3A_422 = arith.constant 0 : i32
          %dma_wait3A_423 = tpu.memref_slice %arg5[%dma_wait3A_421, %dma_wait3A_422] : memref<81920x128xf32, #tpu.memory_space<hbm>> -> memref<128x128xf32, #tpu.memory_space<hbm>>
          %dma_wait3A_424 = arith.constant 0 : i32
          %dma_wait3A_425 = arith.constant 0 : i32
          %dma_wait3A_426 = tpu.memref_slice %arg5[%dma_wait3A_424, %dma_wait3A_425] : memref<81920x128xf32, #tpu.memory_space<hbm>> -> memref<128x128xf32, #tpu.memory_space<hbm>>
          tpu.wait_dma2 semaphore(%arg27 : memref<!tpu.dma_semaphore, #tpu.memory_space<semaphore_mem>>) src(%arg15 : memref<128x128xf32, #tpu.memory_space<vmem>>) dst(%dma_wait3A_426 : memref<128x128xf32, #tpu.memory_space<hbm>>)
          %dma_wait3A_427 = arith.constant 0 : i32
          %dma_wait3A_428 = arith.constant 0 : i32
          %dma_wait3A_429 = tpu.memref_slice %arg6[%dma_wait3A_427, %dma_wait3A_428] : memref<81920x128xf32, #tpu.memory_space<hbm>> -> memref<128x128xf32, #tpu.memory_space<hbm>>
          %dma_wait3A_430 = arith.constant 0 : i32
          %dma_wait3A_431 = arith.constant 0 : i32
          %dma_wait3A_432 = tpu.memref_slice %arg6[%dma_wait3A_430, %dma_wait3A_431] : memref<81920x128xf32, #tpu.memory_space<hbm>> -> memref<128x128xf32, #tpu.memory_space<hbm>>
          tpu.wait_dma2 semaphore(%arg29 : memref<!tpu.dma_semaphore, #tpu.memory_space<semaphore_mem>>) src(%arg17 : memref<128x128xf32, #tpu.memory_space<vmem>>) dst(%dma_wait3A_432 : memref<128x128xf32, #tpu.memory_space<hbm>>)
        } else {
        }
        %dma_start3A_415 = arith.constant 0 : i32
        %dma_start3A_416 = arith.constant 0 : i32
        %dma_start3A_417 = tpu.memref_slice %arg3[%dma_start3A_415, %dma_start3A_416] : memref<10240x128xf32, #tpu.memory_space<hbm>> -> memref<10240x128xf32, #tpu.memory_space<hbm>>
        tpu.enqueue_indirect_dma source(%dma_start3A_417 : memref<10240x128xf32, #tpu.memory_space<hbm>>) target(%arg15 : memref<128x128xf32, #tpu.memory_space<vmem>>) offsets(%arg11 : memref<128xi32, #tpu.memory_space<vmem>>) semaphore(%arg23 : memref<!tpu.dma_semaphore, #tpu.memory_space<semaphore_mem>>)
        %dma_start3A_418 = arith.constant 0 : i32
        %dma_start3A_419 = arith.constant 0 : i32
        %dma_start3A_420 = tpu.memref_slice %arg4[%dma_start3A_418, %dma_start3A_419] : memref<10240x128xf32, #tpu.memory_space<hbm>> -> memref<10240x128xf32, #tpu.memory_space<hbm>>
        tpu.enqueue_indirect_dma source(%dma_start3A_420 : memref<10240x128xf32, #tpu.memory_space<hbm>>) target(%arg17 : memref<128x128xf32, #tpu.memory_space<vmem>>) offsets(%arg13 : memref<128xi32, #tpu.memory_space<vmem>>) semaphore(%arg25 : memref<!tpu.dma_semaphore, #tpu.memory_space<semaphore_mem>>)
      } else {
      }
      %lt3A_265 = arith.cmpi slt, %add3A_252, %select_n3A_7 : i32
      %convert_element_type3A_266 = arith.extui %lt3A_265 : i1 to i32
      %cond3A_267 = arith.constant 0 : i32
      %cond3A_268 = arith.cmpi ne, %convert_element_type3A_266, %cond3A_267 : i32
      scf.if %cond3A_268 {
        %dma_wait3A_269 = arith.constant 0 : i32
        %dma_wait3A_270 = arith.constant 0 : i32
        %dma_wait3A_271 = tpu.memref_slice %arg3[%dma_wait3A_269, %dma_wait3A_270] : memref<10240x128xf32, #tpu.memory_space<hbm>> -> memref<128x128xf32, #tpu.memory_space<hbm>>
        %dma_wait3A_272 = arith.constant 0 : i32
        %dma_wait3A_273 = arith.constant 0 : i32
        %dma_wait3A_274 = tpu.memref_slice %arg3[%dma_wait3A_272, %dma_wait3A_273] : memref<10240x128xf32, #tpu.memory_space<hbm>> -> memref<128x128xf32, #tpu.memory_space<hbm>>
        tpu.wait_dma2 semaphore(%arg24 : memref<!tpu.dma_semaphore, #tpu.memory_space<semaphore_mem>>) src(%dma_wait3A_274 : memref<128x128xf32, #tpu.memory_space<hbm>>) dst(%arg16 : memref<128x128xf32, #tpu.memory_space<vmem>>)
        %dma_wait3A_275 = arith.constant 0 : i32
        %dma_wait3A_276 = arith.constant 0 : i32
        %dma_wait3A_277 = tpu.memref_slice %arg4[%dma_wait3A_275, %dma_wait3A_276] : memref<10240x128xf32, #tpu.memory_space<hbm>> -> memref<128x128xf32, #tpu.memory_space<hbm>>
        %dma_wait3A_278 = arith.constant 0 : i32
        %dma_wait3A_279 = arith.constant 0 : i32
        %dma_wait3A_280 = tpu.memref_slice %arg4[%dma_wait3A_278, %dma_wait3A_279] : memref<10240x128xf32, #tpu.memory_space<hbm>> -> memref<128x128xf32, #tpu.memory_space<hbm>>
        tpu.wait_dma2 semaphore(%arg26 : memref<!tpu.dma_semaphore, #tpu.memory_space<semaphore_mem>>) src(%dma_wait3A_280 : memref<128x128xf32, #tpu.memory_space<hbm>>) dst(%arg18 : memref<128x128xf32, #tpu.memory_space<vmem>>)
        %mul3A_281 = arith.constant 8 : i32
        %mul3A_282 = arith.muli %add3A_252, %mul3A_281 : i32
        %add3A_283 = arith.addi %add3A, %mul3A_282 : i32
        %mul3A_284 = arith.constant 16 : i32
        %mul3A_285 = arith.muli %add3A_283, %mul3A_284 : i32
        %dma_start3A_286 = arith.constant 0 : i32
        %dma_start3A_287 = tpu.memref_slice %arg5[%mul3A_285, %dma_start3A_286] : memref<81920x128xf32, #tpu.memory_space<hbm>> -> memref<128x128xf32, #tpu.memory_space<hbm>>
        %dma_start3A_288 = arith.constant 0 : i32
        %dma_start3A_289 = tpu.memref_slice %arg5[%mul3A_285, %dma_start3A_288] : memref<81920x128xf32, #tpu.memory_space<hbm>> -> memref<128x128xf32, #tpu.memory_space<hbm>>
        tpu.enqueue_dma source(%arg16 : memref<128x128xf32, #tpu.memory_space<vmem>>) target(%dma_start3A_289 : memref<128x128xf32, #tpu.memory_space<hbm>>) target_semaphore(%arg28 : memref<!tpu.dma_semaphore, #tpu.memory_space<semaphore_mem>>)
        %mul3A_290 = arith.constant 16 : i32
        %mul3A_291 = arith.muli %add3A_283, %mul3A_290 : i32
        %dma_start3A_292 = arith.constant 0 : i32
        %dma_start3A_293 = tpu.memref_slice %arg6[%mul3A_291, %dma_start3A_292] : memref<81920x128xf32, #tpu.memory_space<hbm>> -> memref<128x128xf32, #tpu.memory_space<hbm>>
        %dma_start3A_294 = arith.constant 0 : i32
        %dma_start3A_295 = tpu.memref_slice %arg6[%mul3A_291, %dma_start3A_294] : memref<81920x128xf32, #tpu.memory_space<hbm>> -> memref<128x128xf32, #tpu.memory_space<hbm>>
        tpu.enqueue_dma source(%arg18 : memref<128x128xf32, #tpu.memory_space<vmem>>) target(%dma_start3A_295 : memref<128x128xf32, #tpu.memory_space<hbm>>) target_semaphore(%arg30 : memref<!tpu.dma_semaphore, #tpu.memory_space<semaphore_mem>>)
      } else {
      }
    }
    %scan3A_166 = arith.constant 6 : i32
    %dma_wait3A_167 = arith.constant 0 : i32
    %dma_wait3A_168 = arith.constant 0 : i32
    %dma_wait3A_169 = tpu.memref_slice %arg5[%dma_wait3A_167, %dma_wait3A_168] : memref<81920x128xf32, #tpu.memory_space<hbm>> -> memref<128x128xf32, #tpu.memory_space<hbm>>
    %dma_wait3A_170 = arith.constant 0 : i32
    %dma_wait3A_171 = arith.constant 0 : i32
    %dma_wait3A_172 = tpu.memref_slice %arg5[%dma_wait3A_170, %dma_wait3A_171] : memref<81920x128xf32, #tpu.memory_space<hbm>> -> memref<128x128xf32, #tpu.memory_space<hbm>>
    tpu.wait_dma2 semaphore(%arg27 : memref<!tpu.dma_semaphore, #tpu.memory_space<semaphore_mem>>) src(%arg15 : memref<128x128xf32, #tpu.memory_space<vmem>>) dst(%dma_wait3A_172 : memref<128x128xf32, #tpu.memory_space<hbm>>)
    %dma_wait3A_173 = arith.constant 0 : i32
    %dma_wait3A_174 = arith.constant 0 : i32
    %dma_wait3A_175 = tpu.memref_slice %arg6[%dma_wait3A_173, %dma_wait3A_174] : memref<81920x128xf32, #tpu.memory_space<hbm>> -> memref<128x128xf32, #tpu.memory_space<hbm>>
    %dma_wait3A_176 = arith.constant 0 : i32
    %dma_wait3A_177 = arith.constant 0 : i32
    %dma_wait3A_178 = tpu.memref_slice %arg6[%dma_wait3A_176, %dma_wait3A_177] : memref<81920x128xf32, #tpu.memory_space<hbm>> -> memref<128x128xf32, #tpu.memory_space<hbm>>
    tpu.wait_dma2 semaphore(%arg29 : memref<!tpu.dma_semaphore, #tpu.memory_space<semaphore_mem>>) src(%arg17 : memref<128x128xf32, #tpu.memory_space<vmem>>) dst(%dma_wait3A_178 : memref<128x128xf32, #tpu.memory_space<hbm>>)
    %dma_wait3A_179 = arith.constant 0 : i32
    %dma_wait3A_180 = arith.constant 0 : i32
    %dma_wait3A_181 = tpu.memref_slice %arg5[%dma_wait3A_179, %dma_wait3A_180] : memref<81920x128xf32, #tpu.memory_space<hbm>> -> memref<128x128xf32, #tpu.memory_space<hbm>>
    %dma_wait3A_182 = arith.constant 0 : i32
    %dma_wait3A_183 = arith.constant 0 : i32
    %dma_wait3A_184 = tpu.memref_slice %arg5[%dma_wait3A_182, %dma_wait3A_183] : memref<81920x128xf32, #tpu.memory_space<hbm>> -> memref<128x128xf32, #tpu.memory_space<hbm>>
    tpu.wait_dma2 semaphore(%arg28 : memref<!tpu.dma_semaphore, #tpu.memory_space<semaphore_mem>>) src(%arg16 : memref<128x128xf32, #tpu.memory_space<vmem>>) dst(%dma_wait3A_184 : memref<128x128xf32, #tpu.memory_space<hbm>>)
    %dma_wait3A_185 = arith.constant 0 : i32
    %dma_wait3A_186 = arith.constant 0 : i32
    %dma_wait3A_187 = tpu.memref_slice %arg6[%dma_wait3A_185, %dma_wait3A_186] : memref<81920x128xf32, #tpu.memory_space<hbm>> -> memref<128x128xf32, #tpu.memory_space<hbm>>
    %dma_wait3A_188 = arith.constant 0 : i32
    %dma_wait3A_189 = arith.constant 0 : i32
    %dma_wait3A_190 = tpu.memref_slice %arg6[%dma_wait3A_188, %dma_wait3A_189] : memref<81920x128xf32, #tpu.memory_space<hbm>> -> memref<128x128xf32, #tpu.memory_space<hbm>>
    tpu.wait_dma2 semaphore(%arg30 : memref<!tpu.dma_semaphore, #tpu.memory_space<semaphore_mem>>) src(%arg18 : memref<128x128xf32, #tpu.memory_space<vmem>>) dst(%dma_wait3A_190 : memref<128x128xf32, #tpu.memory_space<hbm>>)
    return
  }
}

module attributes {stable_mosaic.version = 14 : i64} {
  func.func @body(%arg0: i32, %arg1: memref<2048x128xf32, #tpu.memory_space<vmem>>, %arg2: memref<128x128xf32, #tpu.memory_space<vmem>>, %arg3: memref<2048x128xf32, #tpu.memory_space<vmem>>, %arg4: memref<128x16xf32, #tpu.memory_space<vmem>>, %arg5: memref<128x1xf32, #tpu.memory_space<vmem>>, %arg6: memref<2048x1xf32, #tpu.memory_space<vmem>>, %arg7: memref<2048x1xi32, #tpu.memory_space<vmem>>, %arg8: memref<17x128x128xf32, #tpu.memory_space<vmem>>, %arg9: memref<2048x1xi32, #tpu.memory_space<vmem>>, %arg10: memref<128x1xi32, #tpu.memory_space<vmem>>) attributes {dimension_semantics = [#tpu.dimension_semantics<arbitrary>], iteration_bounds = array<i64: 40>, scalar_prefetch = 0 : i64, scratch_operands = 0 : i64, tpu.core_type = #tpu.core_type<tc>, window_params = [{transform_indices = @transform_0, window_bounds = array<i64: 2048, 128>}, {transform_indices = @transform_1, window_bounds = array<i64: 128, 128>}, {transform_indices = @transform_2, window_bounds = array<i64: 2048, 128>}, {transform_indices = @transform_3, window_bounds = array<i64: 128, 16>}, {transform_indices = @transform_4, window_bounds = array<i64: 128, 1>}, {transform_indices = @transform_5, window_bounds = array<i64: 2048, 1>}, {transform_indices = @transform_6, window_bounds = array<i64: 2048, 1>}, {transform_indices = @transform_7, window_bounds = array<i64: 17, 128, 128>}, {transform_indices = @transform_8, window_bounds = array<i64: 2048, 1>}, {transform_indices = @transform_9, window_bounds = array<i64: 128, 1>}]} {
    %get3A = arith.constant 0 : index
    %get3A_0 = arith.constant 0 : index
    %get3A_1 = vector.load %arg1[%get3A, %get3A_0] : memref<2048x128xf32, #tpu.memory_space<vmem>>, vector<2048x128xf32>
    %reshape3A = vector.shape_cast %get3A_1 : vector<2048x128xf32> to vector<128x16x128xf32>
    %get3A_2 = arith.constant 0 : index
    %get3A_3 = arith.constant 0 : index
    %get3A_4 = vector.load %arg2[%get3A_2, %get3A_3] : memref<128x128xf32, #tpu.memory_space<vmem>>, vector<128x128xf32>
    %swap3A = arith.constant 0 : index
    %swap3A_5 = arith.constant 0 : index
    %swap3A_6 = arith.constant 0 : index
    %swap3A_7 = vector.load %arg8[%swap3A, %swap3A_5, %swap3A_6] : memref<17x128x128xf32, #tpu.memory_space<vmem>>, vector<1x128x128xf32>
    %swap3A_8 = vector.shape_cast %swap3A_7 : vector<1x128x128xf32> to vector<128x128xf32>
    %swap3A_9 = vector.shape_cast %get3A_4 : vector<128x128xf32> to vector<1x128x128xf32>
    tpu.vector_store %arg8[%swap3A, %swap3A_5, %swap3A_6], %swap3A_9 {strides = array<i32>} : memref<17x128x128xf32, #tpu.memory_space<vmem>>, vector<1x128x128xf32>,
    %slice3A = vector.extract_strided_slice %reshape3A {offsets = [0, 0, 0], sizes = [128, 1, 128], strides = [1, 1, 1]} : vector<128x16x128xf32> to vector<128x1x128xf32>
    %squeeze3A = vector.shape_cast %slice3A : vector<128x1x128xf32> to vector<128x128xf32>
    %add3A = arith.addf %get3A_4, %squeeze3A : vector<128x128xf32>
    %mul3A = arith.constant 5.000000e-01 : f32
    %mul3A_10 = vector.broadcast %mul3A : f32 to vector<128x128xf32>
    %mul3A_11 = arith.mulf %add3A, %mul3A_10 : vector<128x128xf32>
    %swap3A_12 = arith.constant 1 : index
    %swap3A_13 = arith.constant 0 : index
    %swap3A_14 = arith.constant 0 : index
    %swap3A_15 = vector.load %arg8[%swap3A_12, %swap3A_13, %swap3A_14] : memref<17x128x128xf32, #tpu.memory_space<vmem>>, vector<1x128x128xf32>
    %swap3A_16 = vector.shape_cast %swap3A_15 : vector<1x128x128xf32> to vector<128x128xf32>
    %swap3A_17 = vector.shape_cast %mul3A_11 : vector<128x128xf32> to vector<1x128x128xf32>
    tpu.vector_store %arg8[%swap3A_12, %swap3A_13, %swap3A_14], %swap3A_17 {strides = array<i32>} : memref<17x128x128xf32, #tpu.memory_space<vmem>>, vector<1x128x128xf32>,
    %slice3A_18 = vector.extract_strided_slice %reshape3A {offsets = [0, 1, 0], sizes = [128, 1, 128], strides = [1, 1, 1]} : vector<128x16x128xf32> to vector<128x1x128xf32>
    %squeeze3A_19 = vector.shape_cast %slice3A_18 : vector<128x1x128xf32> to vector<128x128xf32>
    %add3A_20 = arith.addf %add3A, %squeeze3A_19 : vector<128x128xf32>
    %mul3A_21 = arith.constant 0.333333343 : f32
    %mul3A_22 = vector.broadcast %mul3A_21 : f32 to vector<128x128xf32>
    %mul3A_23 = arith.mulf %add3A_20, %mul3A_22 : vector<128x128xf32>
    %swap3A_24 = arith.constant 2 : index
    %swap3A_25 = arith.constant 0 : index
    %swap3A_26 = arith.constant 0 : index
    %swap3A_27 = vector.load %arg8[%swap3A_24, %swap3A_25, %swap3A_26] : memref<17x128x128xf32, #tpu.memory_space<vmem>>, vector<1x128x128xf32>
    %swap3A_28 = vector.shape_cast %swap3A_27 : vector<1x128x128xf32> to vector<128x128xf32>
    %swap3A_29 = vector.shape_cast %mul3A_23 : vector<128x128xf32> to vector<1x128x128xf32>
    tpu.vector_store %arg8[%swap3A_24, %swap3A_25, %swap3A_26], %swap3A_29 {strides = array<i32>} : memref<17x128x128xf32, #tpu.memory_space<vmem>>, vector<1x128x128xf32>,
    %slice3A_30 = vector.extract_strided_slice %reshape3A {offsets = [0, 2, 0], sizes = [128, 1, 128], strides = [1, 1, 1]} : vector<128x16x128xf32> to vector<128x1x128xf32>
    %squeeze3A_31 = vector.shape_cast %slice3A_30 : vector<128x1x128xf32> to vector<128x128xf32>
    %add3A_32 = arith.addf %add3A_20, %squeeze3A_31 : vector<128x128xf32>
    %mul3A_33 = arith.constant 2.500000e-01 : f32
    %mul3A_34 = vector.broadcast %mul3A_33 : f32 to vector<128x128xf32>
    %mul3A_35 = arith.mulf %add3A_32, %mul3A_34 : vector<128x128xf32>
    %swap3A_36 = arith.constant 3 : index
    %swap3A_37 = arith.constant 0 : index
    %swap3A_38 = arith.constant 0 : index
    %swap3A_39 = vector.load %arg8[%swap3A_36, %swap3A_37, %swap3A_38] : memref<17x128x128xf32, #tpu.memory_space<vmem>>, vector<1x128x128xf32>
    %swap3A_40 = vector.shape_cast %swap3A_39 : vector<1x128x128xf32> to vector<128x128xf32>
    %swap3A_41 = vector.shape_cast %mul3A_35 : vector<128x128xf32> to vector<1x128x128xf32>
    tpu.vector_store %arg8[%swap3A_36, %swap3A_37, %swap3A_38], %swap3A_41 {strides = array<i32>} : memref<17x128x128xf32, #tpu.memory_space<vmem>>, vector<1x128x128xf32>,
    %slice3A_42 = vector.extract_strided_slice %reshape3A {offsets = [0, 3, 0], sizes = [128, 1, 128], strides = [1, 1, 1]} : vector<128x16x128xf32> to vector<128x1x128xf32>
    %squeeze3A_43 = vector.shape_cast %slice3A_42 : vector<128x1x128xf32> to vector<128x128xf32>
    %add3A_44 = arith.addf %add3A_32, %squeeze3A_43 : vector<128x128xf32>
    %mul3A_45 = arith.constant 2.000000e-01 : f32
    %mul3A_46 = vector.broadcast %mul3A_45 : f32 to vector<128x128xf32>
    %mul3A_47 = arith.mulf %add3A_44, %mul3A_46 : vector<128x128xf32>
    %swap3A_48 = arith.constant 4 : index
    %swap3A_49 = arith.constant 0 : index
    %swap3A_50 = arith.constant 0 : index
    %swap3A_51 = vector.load %arg8[%swap3A_48, %swap3A_49, %swap3A_50] : memref<17x128x128xf32, #tpu.memory_space<vmem>>, vector<1x128x128xf32>
    %swap3A_52 = vector.shape_cast %swap3A_51 : vector<1x128x128xf32> to vector<128x128xf32>
    %swap3A_53 = vector.shape_cast %mul3A_47 : vector<128x128xf32> to vector<1x128x128xf32>
    tpu.vector_store %arg8[%swap3A_48, %swap3A_49, %swap3A_50], %swap3A_53 {strides = array<i32>} : memref<17x128x128xf32, #tpu.memory_space<vmem>>, vector<1x128x128xf32>,
    %slice3A_54 = vector.extract_strided_slice %reshape3A {offsets = [0, 4, 0], sizes = [128, 1, 128], strides = [1, 1, 1]} : vector<128x16x128xf32> to vector<128x1x128xf32>
    %squeeze3A_55 = vector.shape_cast %slice3A_54 : vector<128x1x128xf32> to vector<128x128xf32>
    %add3A_56 = arith.addf %add3A_44, %squeeze3A_55 : vector<128x128xf32>
    %mul3A_57 = arith.constant 0.166666672 : f32
    %mul3A_58 = vector.broadcast %mul3A_57 : f32 to vector<128x128xf32>
    %mul3A_59 = arith.mulf %add3A_56, %mul3A_58 : vector<128x128xf32>
    %swap3A_60 = arith.constant 5 : index
    %swap3A_61 = arith.constant 0 : index
    %swap3A_62 = arith.constant 0 : index
    %swap3A_63 = vector.load %arg8[%swap3A_60, %swap3A_61, %swap3A_62] : memref<17x128x128xf32, #tpu.memory_space<vmem>>, vector<1x128x128xf32>
    %swap3A_64 = vector.shape_cast %swap3A_63 : vector<1x128x128xf32> to vector<128x128xf32>
    %swap3A_65 = vector.shape_cast %mul3A_59 : vector<128x128xf32> to vector<1x128x128xf32>
    tpu.vector_store %arg8[%swap3A_60, %swap3A_61, %swap3A_62], %swap3A_65 {strides = array<i32>} : memref<17x128x128xf32, #tpu.memory_space<vmem>>, vector<1x128x128xf32>,
    %slice3A_66 = vector.extract_strided_slice %reshape3A {offsets = [0, 5, 0], sizes = [128, 1, 128], strides = [1, 1, 1]} : vector<128x16x128xf32> to vector<128x1x128xf32>
    %squeeze3A_67 = vector.shape_cast %slice3A_66 : vector<128x1x128xf32> to vector<128x128xf32>
    %add3A_68 = arith.addf %add3A_56, %squeeze3A_67 : vector<128x128xf32>
    %mul3A_69 = arith.constant 0.142857149 : f32
    %mul3A_70 = vector.broadcast %mul3A_69 : f32 to vector<128x128xf32>
    %mul3A_71 = arith.mulf %add3A_68, %mul3A_70 : vector<128x128xf32>
    %swap3A_72 = arith.constant 6 : index
    %swap3A_73 = arith.constant 0 : index
    %swap3A_74 = arith.constant 0 : index
    %swap3A_75 = vector.load %arg8[%swap3A_72, %swap3A_73, %swap3A_74] : memref<17x128x128xf32, #tpu.memory_space<vmem>>, vector<1x128x128xf32>
    %swap3A_76 = vector.shape_cast %swap3A_75 : vector<1x128x128xf32> to vector<128x128xf32>
    %swap3A_77 = vector.shape_cast %mul3A_71 : vector<128x128xf32> to vector<1x128x128xf32>
    tpu.vector_store %arg8[%swap3A_72, %swap3A_73, %swap3A_74], %swap3A_77 {strides = array<i32>} : memref<17x128x128xf32, #tpu.memory_space<vmem>>, vector<1x128x128xf32>,
    %slice3A_78 = vector.extract_strided_slice %reshape3A {offsets = [0, 6, 0], sizes = [128, 1, 128], strides = [1, 1, 1]} : vector<128x16x128xf32> to vector<128x1x128xf32>
    %squeeze3A_79 = vector.shape_cast %slice3A_78 : vector<128x1x128xf32> to vector<128x128xf32>
    %add3A_80 = arith.addf %add3A_68, %squeeze3A_79 : vector<128x128xf32>
    %mul3A_81 = arith.constant 1.250000e-01 : f32
    %mul3A_82 = vector.broadcast %mul3A_81 : f32 to vector<128x128xf32>
    %mul3A_83 = arith.mulf %add3A_80, %mul3A_82 : vector<128x128xf32>
    %swap3A_84 = arith.constant 7 : index
    %swap3A_85 = arith.constant 0 : index
    %swap3A_86 = arith.constant 0 : index
    %swap3A_87 = vector.load %arg8[%swap3A_84, %swap3A_85, %swap3A_86] : memref<17x128x128xf32, #tpu.memory_space<vmem>>, vector<1x128x128xf32>
    %swap3A_88 = vector.shape_cast %swap3A_87 : vector<1x128x128xf32> to vector<128x128xf32>
    %swap3A_89 = vector.shape_cast %mul3A_83 : vector<128x128xf32> to vector<1x128x128xf32>
    tpu.vector_store %arg8[%swap3A_84, %swap3A_85, %swap3A_86], %swap3A_89 {strides = array<i32>} : memref<17x128x128xf32, #tpu.memory_space<vmem>>, vector<1x128x128xf32>,
    %slice3A_90 = vector.extract_strided_slice %reshape3A {offsets = [0, 7, 0], sizes = [128, 1, 128], strides = [1, 1, 1]} : vector<128x16x128xf32> to vector<128x1x128xf32>
    %squeeze3A_91 = vector.shape_cast %slice3A_90 : vector<128x1x128xf32> to vector<128x128xf32>
    %add3A_92 = arith.addf %add3A_80, %squeeze3A_91 : vector<128x128xf32>
    %mul3A_93 = arith.constant 0.111111112 : f32
    %mul3A_94 = vector.broadcast %mul3A_93 : f32 to vector<128x128xf32>
    %mul3A_95 = arith.mulf %add3A_92, %mul3A_94 : vector<128x128xf32>
    %swap3A_96 = arith.constant 8 : index
    %swap3A_97 = arith.constant 0 : index
    %swap3A_98 = arith.constant 0 : index
    %swap3A_99 = vector.load %arg8[%swap3A_96, %swap3A_97, %swap3A_98] : memref<17x128x128xf32, #tpu.memory_space<vmem>>, vector<1x128x128xf32>
    %swap3A_100 = vector.shape_cast %swap3A_99 : vector<1x128x128xf32> to vector<128x128xf32>
    %swap3A_101 = vector.shape_cast %mul3A_95 : vector<128x128xf32> to vector<1x128x128xf32>
    tpu.vector_store %arg8[%swap3A_96, %swap3A_97, %swap3A_98], %swap3A_101 {strides = array<i32>} : memref<17x128x128xf32, #tpu.memory_space<vmem>>, vector<1x128x128xf32>,
    %slice3A_102 = vector.extract_strided_slice %reshape3A {offsets = [0, 8, 0], sizes = [128, 1, 128], strides = [1, 1, 1]} : vector<128x16x128xf32> to vector<128x1x128xf32>
    %squeeze3A_103 = vector.shape_cast %slice3A_102 : vector<128x1x128xf32> to vector<128x128xf32>
    %add3A_104 = arith.addf %add3A_92, %squeeze3A_103 : vector<128x128xf32>
    %mul3A_105 = arith.constant 1.000000e-01 : f32
    %mul3A_106 = vector.broadcast %mul3A_105 : f32 to vector<128x128xf32>
    %mul3A_107 = arith.mulf %add3A_104, %mul3A_106 : vector<128x128xf32>
    %swap3A_108 = arith.constant 9 : index
    %swap3A_109 = arith.constant 0 : index
    %swap3A_110 = arith.constant 0 : index
    %swap3A_111 = vector.load %arg8[%swap3A_108, %swap3A_109, %swap3A_110] : memref<17x128x128xf32, #tpu.memory_space<vmem>>, vector<1x128x128xf32>
    %swap3A_112 = vector.shape_cast %swap3A_111 : vector<1x128x128xf32> to vector<128x128xf32>
    %swap3A_113 = vector.shape_cast %mul3A_107 : vector<128x128xf32> to vector<1x128x128xf32>
    tpu.vector_store %arg8[%swap3A_108, %swap3A_109, %swap3A_110], %swap3A_113 {strides = array<i32>} : memref<17x128x128xf32, #tpu.memory_space<vmem>>, vector<1x128x128xf32>,
    %slice3A_114 = vector.extract_strided_slice %reshape3A {offsets = [0, 9, 0], sizes = [128, 1, 128], strides = [1, 1, 1]} : vector<128x16x128xf32> to vector<128x1x128xf32>
    %squeeze3A_115 = vector.shape_cast %slice3A_114 : vector<128x1x128xf32> to vector<128x128xf32>
    %add3A_116 = arith.addf %add3A_104, %squeeze3A_115 : vector<128x128xf32>
    %mul3A_117 = arith.constant 0.0909090936 : f32
    %mul3A_118 = vector.broadcast %mul3A_117 : f32 to vector<128x128xf32>
    %mul3A_119 = arith.mulf %add3A_116, %mul3A_118 : vector<128x128xf32>
    %swap3A_120 = arith.constant 10 : index
    %swap3A_121 = arith.constant 0 : index
    %swap3A_122 = arith.constant 0 : index
    %swap3A_123 = vector.load %arg8[%swap3A_120, %swap3A_121, %swap3A_122] : memref<17x128x128xf32, #tpu.memory_space<vmem>>, vector<1x128x128xf32>
    %swap3A_124 = vector.shape_cast %swap3A_123 : vector<1x128x128xf32> to vector<128x128xf32>
    %swap3A_125 = vector.shape_cast %mul3A_119 : vector<128x128xf32> to vector<1x128x128xf32>
    tpu.vector_store %arg8[%swap3A_120, %swap3A_121, %swap3A_122], %swap3A_125 {strides = array<i32>} : memref<17x128x128xf32, #tpu.memory_space<vmem>>, vector<1x128x128xf32>,
    %slice3A_126 = vector.extract_strided_slice %reshape3A {offsets = [0, 10, 0], sizes = [128, 1, 128], strides = [1, 1, 1]} : vector<128x16x128xf32> to vector<128x1x128xf32>
    %squeeze3A_127 = vector.shape_cast %slice3A_126 : vector<128x1x128xf32> to vector<128x128xf32>
    %add3A_128 = arith.addf %add3A_116, %squeeze3A_127 : vector<128x128xf32>
    %mul3A_129 = arith.constant 0.0833333358 : f32
    %mul3A_130 = vector.broadcast %mul3A_129 : f32 to vector<128x128xf32>
    %mul3A_131 = arith.mulf %add3A_128, %mul3A_130 : vector<128x128xf32>
    %swap3A_132 = arith.constant 11 : index
    %swap3A_133 = arith.constant 0 : index
    %swap3A_134 = arith.constant 0 : index
    %swap3A_135 = vector.load %arg8[%swap3A_132, %swap3A_133, %swap3A_134] : memref<17x128x128xf32, #tpu.memory_space<vmem>>, vector<1x128x128xf32>
    %swap3A_136 = vector.shape_cast %swap3A_135 : vector<1x128x128xf32> to vector<128x128xf32>
    %swap3A_137 = vector.shape_cast %mul3A_131 : vector<128x128xf32> to vector<1x128x128xf32>
    tpu.vector_store %arg8[%swap3A_132, %swap3A_133, %swap3A_134], %swap3A_137 {strides = array<i32>} : memref<17x128x128xf32, #tpu.memory_space<vmem>>, vector<1x128x128xf32>,
    %slice3A_138 = vector.extract_strided_slice %reshape3A {offsets = [0, 11, 0], sizes = [128, 1, 128], strides = [1, 1, 1]} : vector<128x16x128xf32> to vector<128x1x128xf32>
    %squeeze3A_139 = vector.shape_cast %slice3A_138 : vector<128x1x128xf32> to vector<128x128xf32>
    %add3A_140 = arith.addf %add3A_128, %squeeze3A_139 : vector<128x128xf32>
    %mul3A_141 = arith.constant 0.0769230798 : f32
    %mul3A_142 = vector.broadcast %mul3A_141 : f32 to vector<128x128xf32>
    %mul3A_143 = arith.mulf %add3A_140, %mul3A_142 : vector<128x128xf32>
    %swap3A_144 = arith.constant 12 : index
    %swap3A_145 = arith.constant 0 : index
    %swap3A_146 = arith.constant 0 : index
    %swap3A_147 = vector.load %arg8[%swap3A_144, %swap3A_145, %swap3A_146] : memref<17x128x128xf32, #tpu.memory_space<vmem>>, vector<1x128x128xf32>
    %swap3A_148 = vector.shape_cast %swap3A_147 : vector<1x128x128xf32> to vector<128x128xf32>
    %swap3A_149 = vector.shape_cast %mul3A_143 : vector<128x128xf32> to vector<1x128x128xf32>
    tpu.vector_store %arg8[%swap3A_144, %swap3A_145, %swap3A_146], %swap3A_149 {strides = array<i32>} : memref<17x128x128xf32, #tpu.memory_space<vmem>>, vector<1x128x128xf32>,
    %slice3A_150 = vector.extract_strided_slice %reshape3A {offsets = [0, 12, 0], sizes = [128, 1, 128], strides = [1, 1, 1]} : vector<128x16x128xf32> to vector<128x1x128xf32>
    %squeeze3A_151 = vector.shape_cast %slice3A_150 : vector<128x1x128xf32> to vector<128x128xf32>
    %add3A_152 = arith.addf %add3A_140, %squeeze3A_151 : vector<128x128xf32>
    %mul3A_153 = arith.constant 0.0714285746 : f32
    %mul3A_154 = vector.broadcast %mul3A_153 : f32 to vector<128x128xf32>
    %mul3A_155 = arith.mulf %add3A_152, %mul3A_154 : vector<128x128xf32>
    %swap3A_156 = arith.constant 13 : index
    %swap3A_157 = arith.constant 0 : index
    %swap3A_158 = arith.constant 0 : index
    %swap3A_159 = vector.load %arg8[%swap3A_156, %swap3A_157, %swap3A_158] : memref<17x128x128xf32, #tpu.memory_space<vmem>>, vector<1x128x128xf32>
    %swap3A_160 = vector.shape_cast %swap3A_159 : vector<1x128x128xf32> to vector<128x128xf32>
    %swap3A_161 = vector.shape_cast %mul3A_155 : vector<128x128xf32> to vector<1x128x128xf32>
    tpu.vector_store %arg8[%swap3A_156, %swap3A_157, %swap3A_158], %swap3A_161 {strides = array<i32>} : memref<17x128x128xf32, #tpu.memory_space<vmem>>, vector<1x128x128xf32>,
    %slice3A_162 = vector.extract_strided_slice %reshape3A {offsets = [0, 13, 0], sizes = [128, 1, 128], strides = [1, 1, 1]} : vector<128x16x128xf32> to vector<128x1x128xf32>
    %squeeze3A_163 = vector.shape_cast %slice3A_162 : vector<128x1x128xf32> to vector<128x128xf32>
    %add3A_164 = arith.addf %add3A_152, %squeeze3A_163 : vector<128x128xf32>
    %mul3A_165 = arith.constant 0.0666666701 : f32
    %mul3A_166 = vector.broadcast %mul3A_165 : f32 to vector<128x128xf32>
    %mul3A_167 = arith.mulf %add3A_164, %mul3A_166 : vector<128x128xf32>
    %swap3A_168 = arith.constant 14 : index
    %swap3A_169 = arith.constant 0 : index
    %swap3A_170 = arith.constant 0 : index
    %swap3A_171 = vector.load %arg8[%swap3A_168, %swap3A_169, %swap3A_170] : memref<17x128x128xf32, #tpu.memory_space<vmem>>, vector<1x128x128xf32>
    %swap3A_172 = vector.shape_cast %swap3A_171 : vector<1x128x128xf32> to vector<128x128xf32>
    %swap3A_173 = vector.shape_cast %mul3A_167 : vector<128x128xf32> to vector<1x128x128xf32>
    tpu.vector_store %arg8[%swap3A_168, %swap3A_169, %swap3A_170], %swap3A_173 {strides = array<i32>} : memref<17x128x128xf32, #tpu.memory_space<vmem>>, vector<1x128x128xf32>,
    %slice3A_174 = vector.extract_strided_slice %reshape3A {offsets = [0, 14, 0], sizes = [128, 1, 128], strides = [1, 1, 1]} : vector<128x16x128xf32> to vector<128x1x128xf32>
    %squeeze3A_175 = vector.shape_cast %slice3A_174 : vector<128x1x128xf32> to vector<128x128xf32>
    %add3A_176 = arith.addf %add3A_164, %squeeze3A_175 : vector<128x128xf32>
    %mul3A_177 = arith.constant 6.250000e-02 : f32
    %mul3A_178 = vector.broadcast %mul3A_177 : f32 to vector<128x128xf32>
    %mul3A_179 = arith.mulf %add3A_176, %mul3A_178 : vector<128x128xf32>
    %swap3A_180 = arith.constant 15 : index
    %swap3A_181 = arith.constant 0 : index
    %swap3A_182 = arith.constant 0 : index
    %swap3A_183 = vector.load %arg8[%swap3A_180, %swap3A_181, %swap3A_182] : memref<17x128x128xf32, #tpu.memory_space<vmem>>, vector<1x128x128xf32>
    %swap3A_184 = vector.shape_cast %swap3A_183 : vector<1x128x128xf32> to vector<128x128xf32>
    %swap3A_185 = vector.shape_cast %mul3A_179 : vector<128x128xf32> to vector<1x128x128xf32>
    tpu.vector_store %arg8[%swap3A_180, %swap3A_181, %swap3A_182], %swap3A_185 {strides = array<i32>} : memref<17x128x128xf32, #tpu.memory_space<vmem>>, vector<1x128x128xf32>,
    %slice3A_186 = vector.extract_strided_slice %reshape3A {offsets = [0, 15, 0], sizes = [128, 1, 128], strides = [1, 1, 1]} : vector<128x16x128xf32> to vector<128x1x128xf32>
    %squeeze3A_187 = vector.shape_cast %slice3A_186 : vector<128x1x128xf32> to vector<128x128xf32>
    %add3A_188 = arith.addf %add3A_176, %squeeze3A_187 : vector<128x128xf32>
    %mul3A_189 = arith.constant 0.0588235296 : f32
    %mul3A_190 = vector.broadcast %mul3A_189 : f32 to vector<128x128xf32>
    %mul3A_191 = arith.mulf %add3A_188, %mul3A_190 : vector<128x128xf32>
    %swap3A_192 = arith.constant 16 : index
    %swap3A_193 = arith.constant 0 : index
    %swap3A_194 = arith.constant 0 : index
    %swap3A_195 = vector.load %arg8[%swap3A_192, %swap3A_193, %swap3A_194] : memref<17x128x128xf32, #tpu.memory_space<vmem>>, vector<1x128x128xf32>
    %swap3A_196 = vector.shape_cast %swap3A_195 : vector<1x128x128xf32> to vector<128x128xf32>
    %swap3A_197 = vector.shape_cast %mul3A_191 : vector<128x128xf32> to vector<1x128x128xf32>
    tpu.vector_store %arg8[%swap3A_192, %swap3A_193, %swap3A_194], %swap3A_197 {strides = array<i32>} : memref<17x128x128xf32, #tpu.memory_space<vmem>>, vector<1x128x128xf32>,
    %get3A_198 = arith.constant 0 : index
    %get3A_199 = arith.constant 0 : index
    %get3A_200 = vector.load %arg3[%get3A_198, %get3A_199] : memref<2048x128xf32, #tpu.memory_space<vmem>>, vector<2048x128xf32>
    %slice3A_201 = vector.extract_strided_slice %get3A_200 {offsets = [0, 0], sizes = [2048, 16], strides = [1, 1]} : vector<2048x128xf32> to vector<2048x16xf32>
    %get3A_202 = arith.constant 0 : index
    %get3A_203 = arith.constant 0 : index
    %get3A_204 = vector.load %arg6[%get3A_202, %get3A_203] : memref<2048x1xf32, #tpu.memory_space<vmem>>, vector<2048x1xf32>
    %le3A = vector.broadcast %get3A_204 : vector<2048x1xf32> to vector<2048x16xf32>
    %le3A_205 = arith.cmpf ole, %slice3A_201, %le3A : vector<2048x16xf32>
    %convert_element_type3A = arith.extui %le3A_205 : vector<2048x16xi1> to vector<2048x16xi32>
    %convert_element_type3A_206 = arith.sitofp %convert_element_type3A : vector<2048x16xi32> to vector<2048x16xf32>
    %broadcast_in_dim3A = arith.constant 1.024000e+04 : f32
    %broadcast_in_dim3A_207 = vector.broadcast %broadcast_in_dim3A : f32 to vector<16x128xf32>
    %dot_general3A = arith.constant dense<0.000000e+00> : vector<2048x128xf32>
    %dot_general3A_208 = tpu.matmul %convert_element_type3A_206, %broadcast_in_dim3A_207, %dot_general3A {dimension_numbers = #tpu.dot_dimension_numbers<[1], [0], [0], [1], [0, 0, 1, 1], [], []>, transpose_lhs_hint = false} : vector<2048x16xf32>, vector<16x128xf32>, vector<2048x128xf32> -> vector<2048x128xf32>
    %slice3A_209 = vector.extract_strided_slice %dot_general3A_208 {offsets = [0, 0], sizes = [2048, 1], strides = [1, 1]} : vector<2048x128xf32> to vector<2048x1xf32>
    %convert_element_type3A_210 = arith.fptosi %slice3A_209 : vector<2048x1xf32> to vector<2048x1xi32>
    %get3A_211 = arith.constant 0 : index
    %get3A_212 = arith.constant 0 : index
    %get3A_213 = vector.load %arg7[%get3A_211, %get3A_212] : memref<2048x1xi32, #tpu.memory_space<vmem>>, vector<2048x1xi32>
    %add3A_214 = arith.addi %convert_element_type3A_210, %get3A_213 : vector<2048x1xi32>
    %swap3A_215 = arith.constant 0 : index
    %swap3A_216 = arith.constant 0 : index
    %swap3A_217 = vector.load %arg9[%swap3A_215, %swap3A_216] : memref<2048x1xi32, #tpu.memory_space<vmem>>, vector<2048x1xi32>
    tpu.vector_store %arg9[%swap3A_215, %swap3A_216], %add3A_214 {strides = array<i32>} : memref<2048x1xi32, #tpu.memory_space<vmem>>, vector<2048x1xi32>,
    %get3A_218 = arith.constant 0 : index
    %get3A_219 = arith.constant 0 : index
    %get3A_220 = vector.load %arg4[%get3A_218, %get3A_219] : memref<128x16xf32, #tpu.memory_space<vmem>>, vector<128x16xf32>
    %get3A_221 = arith.constant 0 : index
    %get3A_222 = arith.constant 0 : index
    %get3A_223 = vector.load %arg5[%get3A_221, %get3A_222] : memref<128x1xf32, #tpu.memory_space<vmem>>, vector<128x1xf32>
    %le3A_224 = vector.broadcast %get3A_223 : vector<128x1xf32> to vector<128x16xf32>
    %le3A_225 = arith.cmpf ole, %get3A_220, %le3A_224 : vector<128x16xf32>
    %convert_element_type3A_226 = arith.extui %le3A_225 : vector<128x16xi1> to vector<128x16xi32>
    %reduce_sum3A = arith.constant dense<0> : vector<128xi32>
    %reduce_sum3A_227 = vector.multi_reduction <add>, %convert_element_type3A_226, %reduce_sum3A [1] : vector<128x16xi32> to vector<128xi32>
    %broadcast_in_dim3A_228 = vector.shape_cast %reduce_sum3A_227 : vector<128xi32> to vector<128x1xi32>
    %iota3A = tpu.iota {dimensions = array<i32: 0>} : vector<128x1xi32>
    %mul3A_229 = arith.constant 128 : i32
    %mul3A_230 = arith.muli %arg0, %mul3A_229 : i32
    %add3A_231 = vector.broadcast %mul3A_230 : i32 to vector<128x1xi32>
    %add3A_232 = arith.addi %iota3A, %add3A_231 : vector<128x1xi32>
    %add3A_233 = arith.constant 0 : i32
    %add3A_234 = vector.broadcast %add3A_233 : i32 to vector<128x1xi32>
    %add3A_235 = arith.addi %add3A_232, %add3A_234 : vector<128x1xi32>
    %mul3A_236 = arith.constant 10240 : i32
    %mul3A_237 = vector.broadcast %mul3A_236 : i32 to vector<128x1xi32>
    %mul3A_238 = arith.muli %broadcast_in_dim3A_228, %mul3A_237 : vector<128x1xi32>
    %add3A_239 = arith.addi %mul3A_238, %add3A_235 : vector<128x1xi32>
    %swap3A_240 = arith.constant 0 : index
    %swap3A_241 = arith.constant 0 : index
    %swap3A_242 = vector.load %arg10[%swap3A_240, %swap3A_241] : memref<128x1xi32, #tpu.memory_space<vmem>>, vector<128x1xi32>
    tpu.vector_store %arg10[%swap3A_240, %swap3A_241], %add3A_239 {strides = array<i32>} : memref<128x1xi32, #tpu.memory_space<vmem>>, vector<128x1xi32>,
    return
  }
  func.func @transform_0(%arg0: i32) -> (i32, i32) {
    %c0_i32 = arith.constant 0 : i32
    %c0_i32_0 = arith.constant 0 : i32
    return %arg0, %c0_i32 : i32, i32
  }
  func.func @transform_1(%arg0: i32) -> (i32, i32) {
    %add3A = arith.constant 0 : i32
    %add3A_0 = arith.addi %add3A, %arg0 : i32
    %c0_i32 = arith.constant 0 : i32
    %c0_i32_1 = arith.constant 0 : i32
    return %add3A_0, %c0_i32 : i32, i32
  }
  func.func @transform_2(%arg0: i32) -> (i32, i32) {
    %c0_i32 = arith.constant 0 : i32
    %c0_i32_0 = arith.constant 0 : i32
    return %arg0, %c0_i32 : i32, i32
  }
  func.func @transform_3(%arg0: i32) -> (i32, i32) {
    %add3A = arith.constant 0 : i32
    %add3A_0 = arith.addi %add3A, %arg0 : i32
    %c0_i32 = arith.constant 0 : i32
    %c0_i32_1 = arith.constant 0 : i32
    return %add3A_0, %c0_i32 : i32, i32
  }
  func.func @transform_4(%arg0: i32) -> (i32, i32) {
    %add3A = arith.constant 0 : i32
    %add3A_0 = arith.addi %add3A, %arg0 : i32
    %c0_i32 = arith.constant 0 : i32
    %c0_i32_1 = arith.constant 0 : i32
    return %add3A_0, %c0_i32 : i32, i32
  }
  func.func @transform_5(%arg0: i32) -> (i32, i32) {
    %add3A = arith.constant 0 : i32
    %add3A_0 = arith.addi %add3A, %arg0 : i32
    %c0_i32 = arith.constant 0 : i32
    %c0_i32_1 = arith.constant 0 : i32
    return %add3A_0, %c0_i32 : i32, i32
  }
  func.func @transform_6(%arg0: i32) -> (i32, i32) {
    %add3A = arith.constant 0 : i32
    %add3A_0 = arith.addi %add3A, %arg0 : i32
    %c0_i32 = arith.constant 0 : i32
    %c0_i32_1 = arith.constant 0 : i32
    return %add3A_0, %c0_i32 : i32, i32
  }
  func.func @transform_7(%arg0: i32) -> (i32, i32, i32) {
    %add3A = arith.constant 0 : i32
    %add3A_0 = arith.addi %add3A, %arg0 : i32
    %c0_i32 = arith.constant 0 : i32
    %c0_i32_1 = arith.constant 0 : i32
    %c0_i32_2 = arith.constant 0 : i32
    return %c0_i32, %add3A_0, %c0_i32_1 : i32, i32, i32
  }
  func.func @transform_8(%arg0: i32) -> (i32, i32) {
    %add3A = arith.constant 0 : i32
    %add3A_0 = arith.addi %add3A, %arg0 : i32
    %c0_i32 = arith.constant 0 : i32
    %c0_i32_1 = arith.constant 0 : i32
    return %add3A_0, %c0_i32 : i32, i32
  }
  func.func @transform_9(%arg0: i32) -> (i32, i32) {
    %add3A = arith.constant 0 : i32
    %add3A_0 = arith.addi %add3A, %arg0 : i32
    %c0_i32 = arith.constant 0 : i32
    %c0_i32_1 = arith.constant 0 : i32
    return %add3A_0, %c0_i32 : i32, i32
  }
}

module attributes {stable_mosaic.version = 14 : i64} {
  func.func @body(%arg0: i32, %arg1: memref<2048x128xf32, #tpu.memory_space<vmem>>, %arg2: memref<128x128xf32, #tpu.memory_space<vmem>>, %arg3: memref<2048x128xf32, #tpu.memory_space<vmem>>, %arg4: memref<128x16xf32, #tpu.memory_space<vmem>>, %arg5: memref<128x1xf32, #tpu.memory_space<vmem>>, %arg6: memref<2048x1xf32, #tpu.memory_space<vmem>>, %arg7: memref<2048x1xi32, #tpu.memory_space<vmem>>, %arg8: memref<17x10240x128xf32, #tpu.memory_space<any>>, %arg9: memref<163840x1xi32, #tpu.memory_space<any>>, %arg10: memref<10240x1xi32, #tpu.memory_space<any>>, %arg11: memref<17x128x128xf32, #tpu.memory_space<vmem>>, %arg12: memref<2048x1xi32, #tpu.memory_space<vmem>>, %arg13: memref<128x1xi32, #tpu.memory_space<vmem>>) attributes {dimension_semantics = [#tpu.dimension_semantics<arbitrary>], iteration_bounds = array<i64: 40>, scalar_prefetch = 0 : i64, scratch_operands = 0 : i64, tpu.core_type = #tpu.core_type<tc>, window_params = [{transform_indices = @transform_0, window_bounds = array<i64: 2048, 128>}, {transform_indices = @transform_1, window_bounds = array<i64: 128, 128>}, {transform_indices = @transform_2, window_bounds = array<i64: 2048, 128>}, {transform_indices = @transform_3, window_bounds = array<i64: 128, 16>}, {transform_indices = @transform_4, window_bounds = array<i64: 128, 1>}, {transform_indices = @transform_5, window_bounds = array<i64: 2048, 1>}, {transform_indices = @transform_6, window_bounds = array<i64: 2048, 1>}, {}, {}, {}, {transform_indices = @transform_10, window_bounds = array<i64: 17, 128, 128>}, {transform_indices = @transform_11, window_bounds = array<i64: 2048, 1>}, {transform_indices = @transform_12, window_bounds = array<i64: 128, 1>}]} {
    %get3A = arith.constant 0 : index
    %get3A_0 = arith.constant 0 : index
    %get3A_1 = vector.load %arg1[%get3A, %get3A_0] : memref<2048x128xf32, #tpu.memory_space<vmem>>, vector<2048x128xf32>
    %reshape3A = vector.shape_cast %get3A_1 : vector<2048x128xf32> to vector<128x16x128xf32>
    %get3A_2 = arith.constant 0 : index
    %get3A_3 = arith.constant 0 : index
    %get3A_4 = vector.load %arg2[%get3A_2, %get3A_3] : memref<128x128xf32, #tpu.memory_space<vmem>>, vector<128x128xf32>
    %swap3A = arith.constant 0 : index
    %swap3A_5 = arith.constant 0 : index
    %swap3A_6 = arith.constant 0 : index
    %swap3A_7 = vector.load %arg11[%swap3A, %swap3A_5, %swap3A_6] : memref<17x128x128xf32, #tpu.memory_space<vmem>>, vector<1x128x128xf32>
    %swap3A_8 = vector.shape_cast %swap3A_7 : vector<1x128x128xf32> to vector<128x128xf32>
    %swap3A_9 = vector.shape_cast %get3A_4 : vector<128x128xf32> to vector<1x128x128xf32>
    tpu.vector_store %arg11[%swap3A, %swap3A_5, %swap3A_6], %swap3A_9 {strides = array<i32>} : memref<17x128x128xf32, #tpu.memory_space<vmem>>, vector<1x128x128xf32>,
    %slice3A = vector.extract_strided_slice %reshape3A {offsets = [0, 0, 0], sizes = [128, 1, 128], strides = [1, 1, 1]} : vector<128x16x128xf32> to vector<128x1x128xf32>
    %squeeze3A = vector.shape_cast %slice3A : vector<128x1x128xf32> to vector<128x128xf32>
    %add3A = arith.addf %get3A_4, %squeeze3A : vector<128x128xf32>
    %mul3A = arith.constant 5.000000e-01 : f32
    %mul3A_10 = vector.broadcast %mul3A : f32 to vector<128x128xf32>
    %mul3A_11 = arith.mulf %add3A, %mul3A_10 : vector<128x128xf32>
    %swap3A_12 = arith.constant 1 : index
    %swap3A_13 = arith.constant 0 : index
    %swap3A_14 = arith.constant 0 : index
    %swap3A_15 = vector.load %arg11[%swap3A_12, %swap3A_13, %swap3A_14] : memref<17x128x128xf32, #tpu.memory_space<vmem>>, vector<1x128x128xf32>
    %swap3A_16 = vector.shape_cast %swap3A_15 : vector<1x128x128xf32> to vector<128x128xf32>
    %swap3A_17 = vector.shape_cast %mul3A_11 : vector<128x128xf32> to vector<1x128x128xf32>
    tpu.vector_store %arg11[%swap3A_12, %swap3A_13, %swap3A_14], %swap3A_17 {strides = array<i32>} : memref<17x128x128xf32, #tpu.memory_space<vmem>>, vector<1x128x128xf32>,
    %slice3A_18 = vector.extract_strided_slice %reshape3A {offsets = [0, 1, 0], sizes = [128, 1, 128], strides = [1, 1, 1]} : vector<128x16x128xf32> to vector<128x1x128xf32>
    %squeeze3A_19 = vector.shape_cast %slice3A_18 : vector<128x1x128xf32> to vector<128x128xf32>
    %add3A_20 = arith.addf %add3A, %squeeze3A_19 : vector<128x128xf32>
    %mul3A_21 = arith.constant 0.333333343 : f32
    %mul3A_22 = vector.broadcast %mul3A_21 : f32 to vector<128x128xf32>
    %mul3A_23 = arith.mulf %add3A_20, %mul3A_22 : vector<128x128xf32>
    %swap3A_24 = arith.constant 2 : index
    %swap3A_25 = arith.constant 0 : index
    %swap3A_26 = arith.constant 0 : index
    %swap3A_27 = vector.load %arg11[%swap3A_24, %swap3A_25, %swap3A_26] : memref<17x128x128xf32, #tpu.memory_space<vmem>>, vector<1x128x128xf32>
    %swap3A_28 = vector.shape_cast %swap3A_27 : vector<1x128x128xf32> to vector<128x128xf32>
    %swap3A_29 = vector.shape_cast %mul3A_23 : vector<128x128xf32> to vector<1x128x128xf32>
    tpu.vector_store %arg11[%swap3A_24, %swap3A_25, %swap3A_26], %swap3A_29 {strides = array<i32>} : memref<17x128x128xf32, #tpu.memory_space<vmem>>, vector<1x128x128xf32>,
    %slice3A_30 = vector.extract_strided_slice %reshape3A {offsets = [0, 2, 0], sizes = [128, 1, 128], strides = [1, 1, 1]} : vector<128x16x128xf32> to vector<128x1x128xf32>
    %squeeze3A_31 = vector.shape_cast %slice3A_30 : vector<128x1x128xf32> to vector<128x128xf32>
    %add3A_32 = arith.addf %add3A_20, %squeeze3A_31 : vector<128x128xf32>
    %mul3A_33 = arith.constant 2.500000e-01 : f32
    %mul3A_34 = vector.broadcast %mul3A_33 : f32 to vector<128x128xf32>
    %mul3A_35 = arith.mulf %add3A_32, %mul3A_34 : vector<128x128xf32>
    %swap3A_36 = arith.constant 3 : index
    %swap3A_37 = arith.constant 0 : index
    %swap3A_38 = arith.constant 0 : index
    %swap3A_39 = vector.load %arg11[%swap3A_36, %swap3A_37, %swap3A_38] : memref<17x128x128xf32, #tpu.memory_space<vmem>>, vector<1x128x128xf32>
    %swap3A_40 = vector.shape_cast %swap3A_39 : vector<1x128x128xf32> to vector<128x128xf32>
    %swap3A_41 = vector.shape_cast %mul3A_35 : vector<128x128xf32> to vector<1x128x128xf32>
    tpu.vector_store %arg11[%swap3A_36, %swap3A_37, %swap3A_38], %swap3A_41 {strides = array<i32>} : memref<17x128x128xf32, #tpu.memory_space<vmem>>, vector<1x128x128xf32>,
    %slice3A_42 = vector.extract_strided_slice %reshape3A {offsets = [0, 3, 0], sizes = [128, 1, 128], strides = [1, 1, 1]} : vector<128x16x128xf32> to vector<128x1x128xf32>
    %squeeze3A_43 = vector.shape_cast %slice3A_42 : vector<128x1x128xf32> to vector<128x128xf32>
    %add3A_44 = arith.addf %add3A_32, %squeeze3A_43 : vector<128x128xf32>
    %mul3A_45 = arith.constant 2.000000e-01 : f32
    %mul3A_46 = vector.broadcast %mul3A_45 : f32 to vector<128x128xf32>
    %mul3A_47 = arith.mulf %add3A_44, %mul3A_46 : vector<128x128xf32>
    %swap3A_48 = arith.constant 4 : index
    %swap3A_49 = arith.constant 0 : index
    %swap3A_50 = arith.constant 0 : index
    %swap3A_51 = vector.load %arg11[%swap3A_48, %swap3A_49, %swap3A_50] : memref<17x128x128xf32, #tpu.memory_space<vmem>>, vector<1x128x128xf32>
    %swap3A_52 = vector.shape_cast %swap3A_51 : vector<1x128x128xf32> to vector<128x128xf32>
    %swap3A_53 = vector.shape_cast %mul3A_47 : vector<128x128xf32> to vector<1x128x128xf32>
    tpu.vector_store %arg11[%swap3A_48, %swap3A_49, %swap3A_50], %swap3A_53 {strides = array<i32>} : memref<17x128x128xf32, #tpu.memory_space<vmem>>, vector<1x128x128xf32>,
    %slice3A_54 = vector.extract_strided_slice %reshape3A {offsets = [0, 4, 0], sizes = [128, 1, 128], strides = [1, 1, 1]} : vector<128x16x128xf32> to vector<128x1x128xf32>
    %squeeze3A_55 = vector.shape_cast %slice3A_54 : vector<128x1x128xf32> to vector<128x128xf32>
    %add3A_56 = arith.addf %add3A_44, %squeeze3A_55 : vector<128x128xf32>
    %mul3A_57 = arith.constant 0.166666672 : f32
    %mul3A_58 = vector.broadcast %mul3A_57 : f32 to vector<128x128xf32>
    %mul3A_59 = arith.mulf %add3A_56, %mul3A_58 : vector<128x128xf32>
    %swap3A_60 = arith.constant 5 : index
    %swap3A_61 = arith.constant 0 : index
    %swap3A_62 = arith.constant 0 : index
    %swap3A_63 = vector.load %arg11[%swap3A_60, %swap3A_61, %swap3A_62] : memref<17x128x128xf32, #tpu.memory_space<vmem>>, vector<1x128x128xf32>
    %swap3A_64 = vector.shape_cast %swap3A_63 : vector<1x128x128xf32> to vector<128x128xf32>
    %swap3A_65 = vector.shape_cast %mul3A_59 : vector<128x128xf32> to vector<1x128x128xf32>
    tpu.vector_store %arg11[%swap3A_60, %swap3A_61, %swap3A_62], %swap3A_65 {strides = array<i32>} : memref<17x128x128xf32, #tpu.memory_space<vmem>>, vector<1x128x128xf32>,
    %slice3A_66 = vector.extract_strided_slice %reshape3A {offsets = [0, 5, 0], sizes = [128, 1, 128], strides = [1, 1, 1]} : vector<128x16x128xf32> to vector<128x1x128xf32>
    %squeeze3A_67 = vector.shape_cast %slice3A_66 : vector<128x1x128xf32> to vector<128x128xf32>
    %add3A_68 = arith.addf %add3A_56, %squeeze3A_67 : vector<128x128xf32>
    %mul3A_69 = arith.constant 0.142857149 : f32
    %mul3A_70 = vector.broadcast %mul3A_69 : f32 to vector<128x128xf32>
    %mul3A_71 = arith.mulf %add3A_68, %mul3A_70 : vector<128x128xf32>
    %swap3A_72 = arith.constant 6 : index
    %swap3A_73 = arith.constant 0 : index
    %swap3A_74 = arith.constant 0 : index
    %swap3A_75 = vector.load %arg11[%swap3A_72, %swap3A_73, %swap3A_74] : memref<17x128x128xf32, #tpu.memory_space<vmem>>, vector<1x128x128xf32>
    %swap3A_76 = vector.shape_cast %swap3A_75 : vector<1x128x128xf32> to vector<128x128xf32>
    %swap3A_77 = vector.shape_cast %mul3A_71 : vector<128x128xf32> to vector<1x128x128xf32>
    tpu.vector_store %arg11[%swap3A_72, %swap3A_73, %swap3A_74], %swap3A_77 {strides = array<i32>} : memref<17x128x128xf32, #tpu.memory_space<vmem>>, vector<1x128x128xf32>,
    %slice3A_78 = vector.extract_strided_slice %reshape3A {offsets = [0, 6, 0], sizes = [128, 1, 128], strides = [1, 1, 1]} : vector<128x16x128xf32> to vector<128x1x128xf32>
    %squeeze3A_79 = vector.shape_cast %slice3A_78 : vector<128x1x128xf32> to vector<128x128xf32>
    %add3A_80 = arith.addf %add3A_68, %squeeze3A_79 : vector<128x128xf32>
    %mul3A_81 = arith.constant 1.250000e-01 : f32
    %mul3A_82 = vector.broadcast %mul3A_81 : f32 to vector<128x128xf32>
    %mul3A_83 = arith.mulf %add3A_80, %mul3A_82 : vector<128x128xf32>
    %swap3A_84 = arith.constant 7 : index
    %swap3A_85 = arith.constant 0 : index
    %swap3A_86 = arith.constant 0 : index
    %swap3A_87 = vector.load %arg11[%swap3A_84, %swap3A_85, %swap3A_86] : memref<17x128x128xf32, #tpu.memory_space<vmem>>, vector<1x128x128xf32>
    %swap3A_88 = vector.shape_cast %swap3A_87 : vector<1x128x128xf32> to vector<128x128xf32>
    %swap3A_89 = vector.shape_cast %mul3A_83 : vector<128x128xf32> to vector<1x128x128xf32>
    tpu.vector_store %arg11[%swap3A_84, %swap3A_85, %swap3A_86], %swap3A_89 {strides = array<i32>} : memref<17x128x128xf32, #tpu.memory_space<vmem>>, vector<1x128x128xf32>,
    %slice3A_90 = vector.extract_strided_slice %reshape3A {offsets = [0, 7, 0], sizes = [128, 1, 128], strides = [1, 1, 1]} : vector<128x16x128xf32> to vector<128x1x128xf32>
    %squeeze3A_91 = vector.shape_cast %slice3A_90 : vector<128x1x128xf32> to vector<128x128xf32>
    %add3A_92 = arith.addf %add3A_80, %squeeze3A_91 : vector<128x128xf32>
    %mul3A_93 = arith.constant 0.111111112 : f32
    %mul3A_94 = vector.broadcast %mul3A_93 : f32 to vector<128x128xf32>
    %mul3A_95 = arith.mulf %add3A_92, %mul3A_94 : vector<128x128xf32>
    %swap3A_96 = arith.constant 8 : index
    %swap3A_97 = arith.constant 0 : index
    %swap3A_98 = arith.constant 0 : index
    %swap3A_99 = vector.load %arg11[%swap3A_96, %swap3A_97, %swap3A_98] : memref<17x128x128xf32, #tpu.memory_space<vmem>>, vector<1x128x128xf32>
    %swap3A_100 = vector.shape_cast %swap3A_99 : vector<1x128x128xf32> to vector<128x128xf32>
    %swap3A_101 = vector.shape_cast %mul3A_95 : vector<128x128xf32> to vector<1x128x128xf32>
    tpu.vector_store %arg11[%swap3A_96, %swap3A_97, %swap3A_98], %swap3A_101 {strides = array<i32>} : memref<17x128x128xf32, #tpu.memory_space<vmem>>, vector<1x128x128xf32>,
    %slice3A_102 = vector.extract_strided_slice %reshape3A {offsets = [0, 8, 0], sizes = [128, 1, 128], strides = [1, 1, 1]} : vector<128x16x128xf32> to vector<128x1x128xf32>
    %squeeze3A_103 = vector.shape_cast %slice3A_102 : vector<128x1x128xf32> to vector<128x128xf32>
    %add3A_104 = arith.addf %add3A_92, %squeeze3A_103 : vector<128x128xf32>
    %mul3A_105 = arith.constant 1.000000e-01 : f32
    %mul3A_106 = vector.broadcast %mul3A_105 : f32 to vector<128x128xf32>
    %mul3A_107 = arith.mulf %add3A_104, %mul3A_106 : vector<128x128xf32>
    %swap3A_108 = arith.constant 9 : index
    %swap3A_109 = arith.constant 0 : index
    %swap3A_110 = arith.constant 0 : index
    %swap3A_111 = vector.load %arg11[%swap3A_108, %swap3A_109, %swap3A_110] : memref<17x128x128xf32, #tpu.memory_space<vmem>>, vector<1x128x128xf32>
    %swap3A_112 = vector.shape_cast %swap3A_111 : vector<1x128x128xf32> to vector<128x128xf32>
    %swap3A_113 = vector.shape_cast %mul3A_107 : vector<128x128xf32> to vector<1x128x128xf32>
    tpu.vector_store %arg11[%swap3A_108, %swap3A_109, %swap3A_110], %swap3A_113 {strides = array<i32>} : memref<17x128x128xf32, #tpu.memory_space<vmem>>, vector<1x128x128xf32>,
    %slice3A_114 = vector.extract_strided_slice %reshape3A {offsets = [0, 9, 0], sizes = [128, 1, 128], strides = [1, 1, 1]} : vector<128x16x128xf32> to vector<128x1x128xf32>
    %squeeze3A_115 = vector.shape_cast %slice3A_114 : vector<128x1x128xf32> to vector<128x128xf32>
    %add3A_116 = arith.addf %add3A_104, %squeeze3A_115 : vector<128x128xf32>
    %mul3A_117 = arith.constant 0.0909090936 : f32
    %mul3A_118 = vector.broadcast %mul3A_117 : f32 to vector<128x128xf32>
    %mul3A_119 = arith.mulf %add3A_116, %mul3A_118 : vector<128x128xf32>
    %swap3A_120 = arith.constant 10 : index
    %swap3A_121 = arith.constant 0 : index
    %swap3A_122 = arith.constant 0 : index
    %swap3A_123 = vector.load %arg11[%swap3A_120, %swap3A_121, %swap3A_122] : memref<17x128x128xf32, #tpu.memory_space<vmem>>, vector<1x128x128xf32>
    %swap3A_124 = vector.shape_cast %swap3A_123 : vector<1x128x128xf32> to vector<128x128xf32>
    %swap3A_125 = vector.shape_cast %mul3A_119 : vector<128x128xf32> to vector<1x128x128xf32>
    tpu.vector_store %arg11[%swap3A_120, %swap3A_121, %swap3A_122], %swap3A_125 {strides = array<i32>} : memref<17x128x128xf32, #tpu.memory_space<vmem>>, vector<1x128x128xf32>,
    %slice3A_126 = vector.extract_strided_slice %reshape3A {offsets = [0, 10, 0], sizes = [128, 1, 128], strides = [1, 1, 1]} : vector<128x16x128xf32> to vector<128x1x128xf32>
    %squeeze3A_127 = vector.shape_cast %slice3A_126 : vector<128x1x128xf32> to vector<128x128xf32>
    %add3A_128 = arith.addf %add3A_116, %squeeze3A_127 : vector<128x128xf32>
    %mul3A_129 = arith.constant 0.0833333358 : f32
    %mul3A_130 = vector.broadcast %mul3A_129 : f32 to vector<128x128xf32>
    %mul3A_131 = arith.mulf %add3A_128, %mul3A_130 : vector<128x128xf32>
    %swap3A_132 = arith.constant 11 : index
    %swap3A_133 = arith.constant 0 : index
    %swap3A_134 = arith.constant 0 : index
    %swap3A_135 = vector.load %arg11[%swap3A_132, %swap3A_133, %swap3A_134] : memref<17x128x128xf32, #tpu.memory_space<vmem>>, vector<1x128x128xf32>
    %swap3A_136 = vector.shape_cast %swap3A_135 : vector<1x128x128xf32> to vector<128x128xf32>
    %swap3A_137 = vector.shape_cast %mul3A_131 : vector<128x128xf32> to vector<1x128x128xf32>
    tpu.vector_store %arg11[%swap3A_132, %swap3A_133, %swap3A_134], %swap3A_137 {strides = array<i32>} : memref<17x128x128xf32, #tpu.memory_space<vmem>>, vector<1x128x128xf32>,
    %slice3A_138 = vector.extract_strided_slice %reshape3A {offsets = [0, 11, 0], sizes = [128, 1, 128], strides = [1, 1, 1]} : vector<128x16x128xf32> to vector<128x1x128xf32>
    %squeeze3A_139 = vector.shape_cast %slice3A_138 : vector<128x1x128xf32> to vector<128x128xf32>
    %add3A_140 = arith.addf %add3A_128, %squeeze3A_139 : vector<128x128xf32>
    %mul3A_141 = arith.constant 0.0769230798 : f32
    %mul3A_142 = vector.broadcast %mul3A_141 : f32 to vector<128x128xf32>
    %mul3A_143 = arith.mulf %add3A_140, %mul3A_142 : vector<128x128xf32>
    %swap3A_144 = arith.constant 12 : index
    %swap3A_145 = arith.constant 0 : index
    %swap3A_146 = arith.constant 0 : index
    %swap3A_147 = vector.load %arg11[%swap3A_144, %swap3A_145, %swap3A_146] : memref<17x128x128xf32, #tpu.memory_space<vmem>>, vector<1x128x128xf32>
    %swap3A_148 = vector.shape_cast %swap3A_147 : vector<1x128x128xf32> to vector<128x128xf32>
    %swap3A_149 = vector.shape_cast %mul3A_143 : vector<128x128xf32> to vector<1x128x128xf32>
    tpu.vector_store %arg11[%swap3A_144, %swap3A_145, %swap3A_146], %swap3A_149 {strides = array<i32>} : memref<17x128x128xf32, #tpu.memory_space<vmem>>, vector<1x128x128xf32>,
    %slice3A_150 = vector.extract_strided_slice %reshape3A {offsets = [0, 12, 0], sizes = [128, 1, 128], strides = [1, 1, 1]} : vector<128x16x128xf32> to vector<128x1x128xf32>
    %squeeze3A_151 = vector.shape_cast %slice3A_150 : vector<128x1x128xf32> to vector<128x128xf32>
    %add3A_152 = arith.addf %add3A_140, %squeeze3A_151 : vector<128x128xf32>
    %mul3A_153 = arith.constant 0.0714285746 : f32
    %mul3A_154 = vector.broadcast %mul3A_153 : f32 to vector<128x128xf32>
    %mul3A_155 = arith.mulf %add3A_152, %mul3A_154 : vector<128x128xf32>
    %swap3A_156 = arith.constant 13 : index
    %swap3A_157 = arith.constant 0 : index
    %swap3A_158 = arith.constant 0 : index
    %swap3A_159 = vector.load %arg11[%swap3A_156, %swap3A_157, %swap3A_158] : memref<17x128x128xf32, #tpu.memory_space<vmem>>, vector<1x128x128xf32>
    %swap3A_160 = vector.shape_cast %swap3A_159 : vector<1x128x128xf32> to vector<128x128xf32>
    %swap3A_161 = vector.shape_cast %mul3A_155 : vector<128x128xf32> to vector<1x128x128xf32>
    tpu.vector_store %arg11[%swap3A_156, %swap3A_157, %swap3A_158], %swap3A_161 {strides = array<i32>} : memref<17x128x128xf32, #tpu.memory_space<vmem>>, vector<1x128x128xf32>,
    %slice3A_162 = vector.extract_strided_slice %reshape3A {offsets = [0, 13, 0], sizes = [128, 1, 128], strides = [1, 1, 1]} : vector<128x16x128xf32> to vector<128x1x128xf32>
    %squeeze3A_163 = vector.shape_cast %slice3A_162 : vector<128x1x128xf32> to vector<128x128xf32>
    %add3A_164 = arith.addf %add3A_152, %squeeze3A_163 : vector<128x128xf32>
    %mul3A_165 = arith.constant 0.0666666701 : f32
    %mul3A_166 = vector.broadcast %mul3A_165 : f32 to vector<128x128xf32>
    %mul3A_167 = arith.mulf %add3A_164, %mul3A_166 : vector<128x128xf32>
    %swap3A_168 = arith.constant 14 : index
    %swap3A_169 = arith.constant 0 : index
    %swap3A_170 = arith.constant 0 : index
    %swap3A_171 = vector.load %arg11[%swap3A_168, %swap3A_169, %swap3A_170] : memref<17x128x128xf32, #tpu.memory_space<vmem>>, vector<1x128x128xf32>
    %swap3A_172 = vector.shape_cast %swap3A_171 : vector<1x128x128xf32> to vector<128x128xf32>
    %swap3A_173 = vector.shape_cast %mul3A_167 : vector<128x128xf32> to vector<1x128x128xf32>
    tpu.vector_store %arg11[%swap3A_168, %swap3A_169, %swap3A_170], %swap3A_173 {strides = array<i32>} : memref<17x128x128xf32, #tpu.memory_space<vmem>>, vector<1x128x128xf32>,
    %slice3A_174 = vector.extract_strided_slice %reshape3A {offsets = [0, 14, 0], sizes = [128, 1, 128], strides = [1, 1, 1]} : vector<128x16x128xf32> to vector<128x1x128xf32>
    %squeeze3A_175 = vector.shape_cast %slice3A_174 : vector<128x1x128xf32> to vector<128x128xf32>
    %add3A_176 = arith.addf %add3A_164, %squeeze3A_175 : vector<128x128xf32>
    %mul3A_177 = arith.constant 6.250000e-02 : f32
    %mul3A_178 = vector.broadcast %mul3A_177 : f32 to vector<128x128xf32>
    %mul3A_179 = arith.mulf %add3A_176, %mul3A_178 : vector<128x128xf32>
    %swap3A_180 = arith.constant 15 : index
    %swap3A_181 = arith.constant 0 : index
    %swap3A_182 = arith.constant 0 : index
    %swap3A_183 = vector.load %arg11[%swap3A_180, %swap3A_181, %swap3A_182] : memref<17x128x128xf32, #tpu.memory_space<vmem>>, vector<1x128x128xf32>
    %swap3A_184 = vector.shape_cast %swap3A_183 : vector<1x128x128xf32> to vector<128x128xf32>
    %swap3A_185 = vector.shape_cast %mul3A_179 : vector<128x128xf32> to vector<1x128x128xf32>
    tpu.vector_store %arg11[%swap3A_180, %swap3A_181, %swap3A_182], %swap3A_185 {strides = array<i32>} : memref<17x128x128xf32, #tpu.memory_space<vmem>>, vector<1x128x128xf32>,
    %slice3A_186 = vector.extract_strided_slice %reshape3A {offsets = [0, 15, 0], sizes = [128, 1, 128], strides = [1, 1, 1]} : vector<128x16x128xf32> to vector<128x1x128xf32>
    %squeeze3A_187 = vector.shape_cast %slice3A_186 : vector<128x1x128xf32> to vector<128x128xf32>
    %add3A_188 = arith.addf %add3A_176, %squeeze3A_187 : vector<128x128xf32>
    %mul3A_189 = arith.constant 0.0588235296 : f32
    %mul3A_190 = vector.broadcast %mul3A_189 : f32 to vector<128x128xf32>
    %mul3A_191 = arith.mulf %add3A_188, %mul3A_190 : vector<128x128xf32>
    %swap3A_192 = arith.constant 16 : index
    %swap3A_193 = arith.constant 0 : index
    %swap3A_194 = arith.constant 0 : index
    %swap3A_195 = vector.load %arg11[%swap3A_192, %swap3A_193, %swap3A_194] : memref<17x128x128xf32, #tpu.memory_space<vmem>>, vector<1x128x128xf32>
    %swap3A_196 = vector.shape_cast %swap3A_195 : vector<1x128x128xf32> to vector<128x128xf32>
    %swap3A_197 = vector.shape_cast %mul3A_191 : vector<128x128xf32> to vector<1x128x128xf32>
    tpu.vector_store %arg11[%swap3A_192, %swap3A_193, %swap3A_194], %swap3A_197 {strides = array<i32>} : memref<17x128x128xf32, #tpu.memory_space<vmem>>, vector<1x128x128xf32>,
    %get3A_198 = arith.constant 0 : index
    %get3A_199 = arith.constant 0 : index
    %get3A_200 = vector.load %arg3[%get3A_198, %get3A_199] : memref<2048x128xf32, #tpu.memory_space<vmem>>, vector<2048x128xf32>
    %slice3A_201 = vector.extract_strided_slice %get3A_200 {offsets = [0, 0], sizes = [2048, 16], strides = [1, 1]} : vector<2048x128xf32> to vector<2048x16xf32>
    %get3A_202 = arith.constant 0 : index
    %get3A_203 = arith.constant 0 : index
    %get3A_204 = vector.load %arg6[%get3A_202, %get3A_203] : memref<2048x1xf32, #tpu.memory_space<vmem>>, vector<2048x1xf32>
    %le3A = vector.broadcast %get3A_204 : vector<2048x1xf32> to vector<2048x16xf32>
    %le3A_205 = arith.cmpf ole, %slice3A_201, %le3A : vector<2048x16xf32>
    %convert_element_type3A = arith.extui %le3A_205 : vector<2048x16xi1> to vector<2048x16xi32>
    %convert_element_type3A_206 = arith.sitofp %convert_element_type3A : vector<2048x16xi32> to vector<2048x16xf32>
    %broadcast_in_dim3A = arith.constant 1.024000e+04 : f32
    %broadcast_in_dim3A_207 = vector.broadcast %broadcast_in_dim3A : f32 to vector<16x128xf32>
    %dot_general3A = arith.constant dense<0.000000e+00> : vector<2048x128xf32>
    %dot_general3A_208 = tpu.matmul %convert_element_type3A_206, %broadcast_in_dim3A_207, %dot_general3A {dimension_numbers = #tpu.dot_dimension_numbers<[1], [0], [0], [1], [0, 0, 1, 1], [], []>, transpose_lhs_hint = false} : vector<2048x16xf32>, vector<16x128xf32>, vector<2048x128xf32> -> vector<2048x128xf32>
    %slice3A_209 = vector.extract_strided_slice %dot_general3A_208 {offsets = [0, 0], sizes = [2048, 1], strides = [1, 1]} : vector<2048x128xf32> to vector<2048x1xf32>
    %convert_element_type3A_210 = arith.fptosi %slice3A_209 : vector<2048x1xf32> to vector<2048x1xi32>
    %get3A_211 = arith.constant 0 : index
    %get3A_212 = arith.constant 0 : index
    %get3A_213 = vector.load %arg7[%get3A_211, %get3A_212] : memref<2048x1xi32, #tpu.memory_space<vmem>>, vector<2048x1xi32>
    %add3A_214 = arith.addi %convert_element_type3A_210, %get3A_213 : vector<2048x1xi32>
    %swap3A_215 = arith.constant 0 : index
    %swap3A_216 = arith.constant 0 : index
    %swap3A_217 = vector.load %arg12[%swap3A_215, %swap3A_216] : memref<2048x1xi32, #tpu.memory_space<vmem>>, vector<2048x1xi32>
    tpu.vector_store %arg12[%swap3A_215, %swap3A_216], %add3A_214 {strides = array<i32>} : memref<2048x1xi32, #tpu.memory_space<vmem>>, vector<2048x1xi32>,
    %get3A_218 = arith.constant 0 : index
    %get3A_219 = arith.constant 0 : index
    %get3A_220 = vector.load %arg4[%get3A_218, %get3A_219] : memref<128x16xf32, #tpu.memory_space<vmem>>, vector<128x16xf32>
    %get3A_221 = arith.constant 0 : index
    %get3A_222 = arith.constant 0 : index
    %get3A_223 = vector.load %arg5[%get3A_221, %get3A_222] : memref<128x1xf32, #tpu.memory_space<vmem>>, vector<128x1xf32>
    %le3A_224 = vector.broadcast %get3A_223 : vector<128x1xf32> to vector<128x16xf32>
    %le3A_225 = arith.cmpf ole, %get3A_220, %le3A_224 : vector<128x16xf32>
    %convert_element_type3A_226 = arith.extui %le3A_225 : vector<128x16xi1> to vector<128x16xi32>
    %reduce_sum3A = arith.constant dense<0> : vector<128xi32>
    %reduce_sum3A_227 = vector.multi_reduction <add>, %convert_element_type3A_226, %reduce_sum3A [1] : vector<128x16xi32> to vector<128xi32>
    %broadcast_in_dim3A_228 = vector.shape_cast %reduce_sum3A_227 : vector<128xi32> to vector<128x1xi32>
    %iota3A = tpu.iota {dimensions = array<i32: 0>} : vector<128x1xi32>
    %mul3A_229 = arith.constant 128 : i32
    %mul3A_230 = arith.muli %arg0, %mul3A_229 : i32
    %add3A_231 = vector.broadcast %mul3A_230 : i32 to vector<128x1xi32>
    %add3A_232 = arith.addi %iota3A, %add3A_231 : vector<128x1xi32>
    %add3A_233 = arith.constant 5120 : i32
    %add3A_234 = vector.broadcast %add3A_233 : i32 to vector<128x1xi32>
    %add3A_235 = arith.addi %add3A_232, %add3A_234 : vector<128x1xi32>
    %mul3A_236 = arith.constant 10240 : i32
    %mul3A_237 = vector.broadcast %mul3A_236 : i32 to vector<128x1xi32>
    %mul3A_238 = arith.muli %broadcast_in_dim3A_228, %mul3A_237 : vector<128x1xi32>
    %add3A_239 = arith.addi %mul3A_238, %add3A_235 : vector<128x1xi32>
    %swap3A_240 = arith.constant 0 : index
    %swap3A_241 = arith.constant 0 : index
    %swap3A_242 = vector.load %arg13[%swap3A_240, %swap3A_241] : memref<128x1xi32, #tpu.memory_space<vmem>>, vector<128x1xi32>
    tpu.vector_store %arg13[%swap3A_240, %swap3A_241], %add3A_239 {strides = array<i32>} : memref<128x1xi32, #tpu.memory_space<vmem>>, vector<128x1xi32>,
    return
  }
  func.func @transform_0(%arg0: i32) -> (i32, i32) {
    %c0_i32 = arith.constant 0 : i32
    %c0_i32_0 = arith.constant 0 : i32
    return %arg0, %c0_i32 : i32, i32
  }
  func.func @transform_1(%arg0: i32) -> (i32, i32) {
    %add3A = arith.constant 40 : i32
    %add3A_0 = arith.addi %add3A, %arg0 : i32
    %c0_i32 = arith.constant 0 : i32
    %c0_i32_1 = arith.constant 0 : i32
    return %add3A_0, %c0_i32 : i32, i32
  }
  func.func @transform_2(%arg0: i32) -> (i32, i32) {
    %c0_i32 = arith.constant 0 : i32
    %c0_i32_0 = arith.constant 0 : i32
    return %arg0, %c0_i32 : i32, i32
  }
  func.func @transform_3(%arg0: i32) -> (i32, i32) {
    %add3A = arith.constant 40 : i32
    %add3A_0 = arith.addi %add3A, %arg0 : i32
    %c0_i32 = arith.constant 0 : i32
    %c0_i32_1 = arith.constant 0 : i32
    return %add3A_0, %c0_i32 : i32, i32
  }
  func.func @transform_4(%arg0: i32) -> (i32, i32) {
    %add3A = arith.constant 40 : i32
    %add3A_0 = arith.addi %add3A, %arg0 : i32
    %c0_i32 = arith.constant 0 : i32
    %c0_i32_1 = arith.constant 0 : i32
    return %add3A_0, %c0_i32 : i32, i32
  }
  func.func @transform_5(%arg0: i32) -> (i32, i32) {
    %add3A = arith.constant 40 : i32
    %add3A_0 = arith.addi %add3A, %arg0 : i32
    %c0_i32 = arith.constant 0 : i32
    %c0_i32_1 = arith.constant 0 : i32
    return %add3A_0, %c0_i32 : i32, i32
  }
  func.func @transform_6(%arg0: i32) -> (i32, i32) {
    %add3A = arith.constant 40 : i32
    %add3A_0 = arith.addi %add3A, %arg0 : i32
    %c0_i32 = arith.constant 0 : i32
    %c0_i32_1 = arith.constant 0 : i32
    return %add3A_0, %c0_i32 : i32, i32
  }
  func.func @transform_10(%arg0: i32) -> (i32, i32, i32) {
    %add3A = arith.constant 40 : i32
    %add3A_0 = arith.addi %add3A, %arg0 : i32
    %c0_i32 = arith.constant 0 : i32
    %c0_i32_1 = arith.constant 0 : i32
    %c0_i32_2 = arith.constant 0 : i32
    return %c0_i32, %add3A_0, %c0_i32_1 : i32, i32, i32
  }
  func.func @transform_11(%arg0: i32) -> (i32, i32) {
    %add3A = arith.constant 40 : i32
    %add3A_0 = arith.addi %add3A, %arg0 : i32
    %c0_i32 = arith.constant 0 : i32
    %c0_i32_1 = arith.constant 0 : i32
    return %add3A_0, %c0_i32 : i32, i32
  }
  func.func @transform_12(%arg0: i32) -> (i32, i32) {
    %add3A = arith.constant 40 : i32
    %add3A_0 = arith.addi %add3A, %arg0 : i32
    %c0_i32 = arith.constant 0 : i32
    %c0_i32_1 = arith.constant 0 : i32
    return %add3A_0, %c0_i32 : i32, i32
  }
}

module attributes {stable_mosaic.version = 14 : i64} {
  func.func @_mm1_body(%arg0: i32, %arg1: memref<4096x128xf32, #tpu.memory_space<vmem>>, %arg2: memref<128x128xf32, #tpu.memory_space<vmem>>, %arg3: memref<1x128xf32, #tpu.memory_space<vmem>>, %arg4: memref<4096x1xf32, #tpu.memory_space<vmem>>, %arg5: memref<4096x128xf32, #tpu.memory_space<vmem>>, %arg6: memref<8x128xf32, #tpu.memory_space<vmem>>, %arg7: memref<8x128xf32, #tpu.memory_space<vmem>>) attributes {dimension_semantics = [#tpu.dimension_semantics<arbitrary>], iteration_bounds = array<i64: 44>, scalar_prefetch = 0 : i64, scratch_operands = 1 : i64, tpu.core_type = #tpu.core_type<tc>, window_params = [{transform_indices = @transform_0, window_bounds = array<i64: 4096, 128>}, {pipeline_mode = #tpu.pipeline_mode<synchronous>, transform_indices = @transform_1, window_bounds = array<i64: 128, 128>}, {pipeline_mode = #tpu.pipeline_mode<synchronous>, transform_indices = @transform_2, window_bounds = array<i64: 1, 128>}, {transform_indices = @transform_3, window_bounds = array<i64: 4096, 1>}, {transform_indices = @transform_4, window_bounds = array<i64: 4096, 128>}, {pipeline_mode = #tpu.pipeline_mode<synchronous>, transform_indices = @transform_5, window_bounds = array<i64: 8, 128>}]} {
    %eq3A = arith.constant 0 : i32
    %eq3A_0 = arith.cmpi eq, %arg0, %eq3A : i32
    %convert_element_type3A = arith.extui %eq3A_0 : i1 to i32
    %cond3A = arith.constant 0 : i32
    %cond3A_1 = arith.cmpi ne, %convert_element_type3A, %cond3A : i32
    scf.if %cond3A_1 {
      %broadcast_in_dim3A_56 = arith.constant 0.000000e+00 : f32
      %broadcast_in_dim3A_57 = vector.broadcast %broadcast_in_dim3A_56 : f32 to vector<8x128xf32>
      %swap3A_58 = arith.constant 0 : index
      %swap3A_59 = arith.constant 0 : index
      %swap3A_60 = vector.load %arg7[%swap3A_58, %swap3A_59] : memref<8x128xf32, #tpu.memory_space<vmem>>, vector<8x128xf32>
      tpu.vector_store %arg7[%swap3A_58, %swap3A_59], %broadcast_in_dim3A_57 {strides = array<i32>} : memref<8x128xf32, #tpu.memory_space<vmem>>, vector<8x128xf32>,
    } else {
    }
    %get3A = arith.constant 0 : index
    %get3A_2 = arith.constant 0 : index
    %get3A_3 = vector.load %arg1[%get3A, %get3A_2] : memref<4096x128xf32, #tpu.memory_space<vmem>>, vector<4096x128xf32>
    %get3A_4 = arith.constant 0 : index
    %get3A_5 = arith.constant 0 : index
    %get3A_6 = vector.load %arg2[%get3A_4, %get3A_5] : memref<128x128xf32, #tpu.memory_space<vmem>>, vector<128x128xf32>
    %dot_general3A = arith.constant dense<0.000000e+00> : vector<4096x128xf32>
    %dot_general3A_7 = tpu.matmul %get3A_3, %get3A_6, %dot_general3A {dimension_numbers = #tpu.dot_dimension_numbers<[1], [0], [0], [1], [0, 0, 1, 1], [], []>, transpose_lhs_hint = false} : vector<4096x128xf32>, vector<128x128xf32>, vector<4096x128xf32> -> vector<4096x128xf32>
    %get3A_8 = arith.constant 0 : index
    %get3A_9 = arith.constant 0 : index
    %get3A_10 = vector.load %arg3[%get3A_8, %get3A_9] : memref<1x128xf32, #tpu.memory_space<vmem>>, vector<1x128xf32>
    %add3A = vector.broadcast %get3A_10 : vector<1x128xf32> to vector<4096x128xf32>
    %add3A_11 = arith.addf %dot_general3A_7, %add3A : vector<4096x128xf32>
    %swap3A = arith.constant 0 : index
    %swap3A_12 = arith.constant 0 : index
    %swap3A_13 = vector.load %arg5[%swap3A, %swap3A_12] : memref<4096x128xf32, #tpu.memory_space<vmem>>, vector<4096x128xf32>
    tpu.vector_store %arg5[%swap3A, %swap3A_12], %add3A_11 {strides = array<i32>} : memref<4096x128xf32, #tpu.memory_space<vmem>>, vector<4096x128xf32>,
    %get3A_14 = arith.constant 0 : index
    %get3A_15 = arith.constant 0 : index
    %get3A_16 = vector.load %arg4[%get3A_14, %get3A_15] : memref<4096x1xf32, #tpu.memory_space<vmem>>, vector<4096x1xf32>
    %mul3A = vector.broadcast %get3A_16 : vector<4096x1xf32> to vector<4096x128xf32>
    %mul3A_17 = arith.mulf %add3A_11, %mul3A : vector<4096x128xf32>
    %reduce_sum3A = arith.constant dense<0.000000e+00> : vector<128xf32>
    %reduce_sum3A_18 = vector.multi_reduction <add>, %mul3A_17, %reduce_sum3A [0] : vector<4096x128xf32> to vector<128xf32>
    %broadcast_in_dim3A = vector.shape_cast %reduce_sum3A_18 : vector<128xf32> to vector<1x128xf32>
    %mul3A_19 = arith.mulf %add3A_11, %mul3A_17 : vector<4096x128xf32>
    %reduce_sum3A_20 = arith.constant dense<0.000000e+00> : vector<128xf32>
    %reduce_sum3A_21 = vector.multi_reduction <add>, %mul3A_19, %reduce_sum3A_20 [0] : vector<4096x128xf32> to vector<128xf32>
    %broadcast_in_dim3A_22 = vector.shape_cast %reduce_sum3A_21 : vector<128xf32> to vector<1x128xf32>
    %reduce_sum3A_23 = vector.shape_cast %get3A_16 : vector<4096x1xf32> to vector<1x4096x1xf32>
    %reduce_sum3A_24 = arith.constant dense<0.000000e+00> : vector<1xf32>
    %reduce_sum3A_25 = vector.multi_reduction <add>, %reduce_sum3A_23, %reduce_sum3A_24 [1, 2] : vector<1x4096x1xf32> to vector<1xf32>
    %reduce_sum3A_26 = vector.shape_cast %reduce_sum3A_25 : vector<1xf32> to vector<1x1x1xf32>
    %reduce_sum3A_27 = vector.extract %reduce_sum3A_26[0, 0, 0] : f32 from vector<1x1x1xf32>
    %get3A_28 = arith.constant 0 : index
    %get3A_29 = arith.constant 0 : index
    %get3A_30 = vector.load %arg7[%get3A_28, %get3A_29] : memref<8x128xf32, #tpu.memory_space<vmem>>, vector<1x128xf32>
    %add3A_31 = arith.addf %get3A_30, %broadcast_in_dim3A : vector<1x128xf32>
    %swap3A_32 = arith.constant 0 : index
    %swap3A_33 = arith.constant 0 : index
    %swap3A_34 = vector.load %arg7[%swap3A_32, %swap3A_33] : memref<8x128xf32, #tpu.memory_space<vmem>>, vector<1x128xf32>
    tpu.vector_store %arg7[%swap3A_32, %swap3A_33], %add3A_31 {strides = array<i32>} : memref<8x128xf32, #tpu.memory_space<vmem>>, vector<1x128xf32>,
    %get3A_35 = arith.constant 1 : index
    %get3A_36 = arith.constant 0 : index
    %get3A_37 = vector.load %arg7[%get3A_35, %get3A_36] : memref<8x128xf32, #tpu.memory_space<vmem>>, vector<1x128xf32>
    %add3A_38 = arith.addf %get3A_37, %broadcast_in_dim3A_22 : vector<1x128xf32>
    %swap3A_39 = arith.constant 1 : index
    %swap3A_40 = arith.constant 0 : index
    %swap3A_41 = vector.load %arg7[%swap3A_39, %swap3A_40] : memref<8x128xf32, #tpu.memory_space<vmem>>, vector<1x128xf32>
    tpu.vector_store %arg7[%swap3A_39, %swap3A_40], %add3A_38 {strides = array<i32>} : memref<8x128xf32, #tpu.memory_space<vmem>>, vector<1x128xf32>,
    %get3A_42 = arith.constant 2 : index
    %get3A_43 = arith.constant 0 : index
    %get3A_44 = vector.load %arg7[%get3A_42, %get3A_43] : memref<8x128xf32, #tpu.memory_space<vmem>>, vector<1x128xf32>
    %broadcast_in_dim3A_45 = vector.broadcast %reduce_sum3A_27 : f32 to vector<1x128xf32>
    %add3A_46 = arith.addf %get3A_44, %broadcast_in_dim3A_45 : vector<1x128xf32>
    %swap3A_47 = arith.constant 2 : index
    %swap3A_48 = arith.constant 0 : index
    %swap3A_49 = vector.load %arg7[%swap3A_47, %swap3A_48] : memref<8x128xf32, #tpu.memory_space<vmem>>, vector<1x128xf32>
    tpu.vector_store %arg7[%swap3A_47, %swap3A_48], %add3A_46 {strides = array<i32>} : memref<8x128xf32, #tpu.memory_space<vmem>>, vector<1x128xf32>,
    %get3A_50 = arith.constant 0 : index
    %get3A_51 = arith.constant 0 : index
    %get3A_52 = vector.load %arg7[%get3A_50, %get3A_51] : memref<8x128xf32, #tpu.memory_space<vmem>>, vector<8x128xf32>
    %swap3A_53 = arith.constant 0 : index
    %swap3A_54 = arith.constant 0 : index
    %swap3A_55 = vector.load %arg6[%swap3A_53, %swap3A_54] : memref<8x128xf32, #tpu.memory_space<vmem>>, vector<8x128xf32>
    tpu.vector_store %arg6[%swap3A_53, %swap3A_54], %get3A_52 {strides = array<i32>} : memref<8x128xf32, #tpu.memory_space<vmem>>, vector<8x128xf32>,
    return
  }
  func.func @transform_0(%arg0: i32) -> (i32, i32) {
    %c0_i32 = arith.constant 0 : i32
    %c0_i32_0 = arith.constant 0 : i32
    return %arg0, %c0_i32 : i32, i32
  }
  func.func @transform_1(%arg0: i32) -> (i32, i32) {
    %c0_i32 = arith.constant 0 : i32
    %c0_i32_0 = arith.constant 0 : i32
    %c0_i32_1 = arith.constant 0 : i32
    return %c0_i32, %c0_i32_0 : i32, i32
  }
  func.func @transform_2(%arg0: i32) -> (i32, i32) {
    %c0_i32 = arith.constant 0 : i32
    %c0_i32_0 = arith.constant 0 : i32
    %c0_i32_1 = arith.constant 0 : i32
    return %c0_i32, %c0_i32_0 : i32, i32
  }
  func.func @transform_3(%arg0: i32) -> (i32, i32) {
    %c0_i32 = arith.constant 0 : i32
    %c0_i32_0 = arith.constant 0 : i32
    return %arg0, %c0_i32 : i32, i32
  }
  func.func @transform_4(%arg0: i32) -> (i32, i32) {
    %c0_i32 = arith.constant 0 : i32
    %c0_i32_0 = arith.constant 0 : i32
    return %arg0, %c0_i32 : i32, i32
  }
  func.func @transform_5(%arg0: i32) -> (i32, i32) {
    %c0_i32 = arith.constant 0 : i32
    %c0_i32_0 = arith.constant 0 : i32
    %c0_i32_1 = arith.constant 0 : i32
    return %c0_i32, %c0_i32_0 : i32, i32
  }
}

module attributes {stable_mosaic.version = 14 : i64} {
  func.func @_layer2_body(%arg0: i32, %arg1: memref<4096x128xf32, #tpu.memory_space<vmem>>, %arg2: memref<256x128xf32, #tpu.memory_space<vmem>>, %arg3: memref<4096x1xf32, #tpu.memory_space<vmem>>, %arg4: memref<256x16xf32, #tpu.memory_space<vmem>>, %arg5: memref<8x128xf32, #tpu.memory_space<vmem>>, %arg6: memref<1x128xf32, #tpu.memory_space<vmem>>, %arg7: memref<1x128xf32, #tpu.memory_space<vmem>>, %arg8: memref<128x128xf32, #tpu.memory_space<vmem>>, %arg9: memref<1x128xf32, #tpu.memory_space<vmem>>, %arg10: memref<256x128xf32, #tpu.memory_space<vmem>>, %arg11: memref<8x128xf32, #tpu.memory_space<vmem>>, %arg12: memref<8x128xf32, #tpu.memory_space<vmem>>, %arg13: memref<256x16x128xf32, #tpu.memory_space<vmem>>) attributes {dimension_semantics = [#tpu.dimension_semantics<arbitrary>], iteration_bounds = array<i64: 40>, scalar_prefetch = 0 : i64, scratch_operands = 2 : i64, tpu.core_type = #tpu.core_type<tc>, window_params = [{transform_indices = @transform_0, window_bounds = array<i64: 4096, 128>}, {transform_indices = @transform_1, window_bounds = array<i64: 256, 128>}, {transform_indices = @transform_2, window_bounds = array<i64: 4096, 1>}, {transform_indices = @transform_3, window_bounds = array<i64: 256, 16>}, {pipeline_mode = #tpu.pipeline_mode<synchronous>, transform_indices = @transform_4, window_bounds = array<i64: 8, 128>}, {pipeline_mode = #tpu.pipeline_mode<synchronous>, transform_indices = @transform_5, window_bounds = array<i64: 1, 128>}, {pipeline_mode = #tpu.pipeline_mode<synchronous>, transform_indices = @transform_6, window_bounds = array<i64: 1, 128>}, {pipeline_mode = #tpu.pipeline_mode<synchronous>, transform_indices = @transform_7, window_bounds = array<i64: 128, 128>}, {pipeline_mode = #tpu.pipeline_mode<synchronous>, transform_indices = @transform_8, window_bounds = array<i64: 1, 128>}, {transform_indices = @transform_9, window_bounds = array<i64: 256, 128>}, {pipeline_mode = #tpu.pipeline_mode<synchronous>, transform_indices = @transform_10, window_bounds = array<i64: 8, 128>}]} {
    %eq3A = arith.constant 0 : i32
    %eq3A_0 = arith.cmpi eq, %arg0, %eq3A : i32
    %convert_element_type3A = arith.extui %eq3A_0 : i1 to i32
    %cond3A = arith.constant 0 : i32
    %cond3A_1 = arith.cmpi ne, %convert_element_type3A, %cond3A : i32
    scf.if %cond3A_1 {
      %broadcast_in_dim3A_219 = arith.constant 0.000000e+00 : f32
      %broadcast_in_dim3A_220 = vector.broadcast %broadcast_in_dim3A_219 : f32 to vector<8x128xf32>
      %swap3A_221 = arith.constant 0 : index
      %swap3A_222 = arith.constant 0 : index
      %swap3A_223 = vector.load %arg12[%swap3A_221, %swap3A_222] : memref<8x128xf32, #tpu.memory_space<vmem>>, vector<8x128xf32>
      tpu.vector_store %arg12[%swap3A_221, %swap3A_222], %broadcast_in_dim3A_220 {strides = array<i32>} : memref<8x128xf32, #tpu.memory_space<vmem>>, vector<8x128xf32>,
    } else {
    }
    %get3A = arith.constant 2 : index
    %get3A_2 = arith.constant 0 : index
    %get3A_3 = vector.load %arg5[%get3A, %get3A_2] : memref<8x128xf32, #tpu.memory_space<vmem>>, vector<1x128xf32>
    %max3A = arith.constant 1.000000e+00 : f32
    %max3A_4 = vector.broadcast %max3A : f32 to vector<1x128xf32>
    %max3A_5 = arith.maximumf %get3A_3, %max3A_4 : vector<1x128xf32>
    %get3A_6 = arith.constant 0 : index
    %get3A_7 = arith.constant 0 : index
    %get3A_8 = vector.load %arg5[%get3A_6, %get3A_7] : memref<8x128xf32, #tpu.memory_space<vmem>>, vector<1x128xf32>
    %div3A = arith.divf %get3A_8, %max3A_5 : vector<1x128xf32>
    %get3A_9 = arith.constant 1 : index
    %get3A_10 = arith.constant 0 : index
    %get3A_11 = vector.load %arg5[%get3A_9, %get3A_10] : memref<8x128xf32, #tpu.memory_space<vmem>>, vector<1x128xf32>
    %div3A_12 = arith.divf %get3A_11, %max3A_5 : vector<1x128xf32>
    %mul3A = arith.mulf %div3A, %div3A : vector<1x128xf32>
    %sub3A = arith.subf %div3A_12, %mul3A : vector<1x128xf32>
    %get3A_13 = arith.constant 0 : index
    %get3A_14 = arith.constant 0 : index
    %get3A_15 = vector.load %arg6[%get3A_13, %get3A_14] : memref<1x128xf32, #tpu.memory_space<vmem>>, vector<1x128xf32>
    %add3A = arith.constant 9.99999974E-6 : f32
    %add3A_16 = vector.broadcast %add3A : f32 to vector<1x128xf32>
    %add3A_17 = arith.addf %sub3A, %add3A_16 : vector<1x128xf32>
    %rsqrt3A = math.rsqrt %add3A_17 : vector<1x128xf32>
    %mul3A_18 = arith.mulf %get3A_15, %rsqrt3A : vector<1x128xf32>
    %get3A_19 = arith.constant 0 : index
    %get3A_20 = arith.constant 0 : index
    %get3A_21 = vector.load %arg7[%get3A_19, %get3A_20] : memref<1x128xf32, #tpu.memory_space<vmem>>, vector<1x128xf32>
    %mul3A_22 = arith.mulf %div3A, %mul3A_18 : vector<1x128xf32>
    %sub3A_23 = arith.subf %get3A_21, %mul3A_22 : vector<1x128xf32>
    %get3A_24 = arith.constant 0 : index
    %get3A_25 = arith.constant 0 : index
    %get3A_26 = vector.load %arg1[%get3A_24, %get3A_25] : memref<4096x128xf32, #tpu.memory_space<vmem>>, vector<4096x128xf32>
    %mul3A_27 = vector.broadcast %mul3A_18 : vector<1x128xf32> to vector<4096x128xf32>
    %mul3A_28 = arith.mulf %get3A_26, %mul3A_27 : vector<4096x128xf32>
    %add3A_29 = vector.broadcast %sub3A_23 : vector<1x128xf32> to vector<4096x128xf32>
    %add3A_30 = arith.addf %mul3A_28, %add3A_29 : vector<4096x128xf32>
    %max3A_31 = arith.constant 0.000000e+00 : f32
    %max3A_32 = vector.broadcast %max3A_31 : f32 to vector<4096x128xf32>
    %max3A_33 = arith.maximumf %add3A_30, %max3A_32 : vector<4096x128xf32>
    %get3A_34 = arith.constant 0 : index
    %get3A_35 = arith.constant 0 : index
    %get3A_36 = vector.load %arg3[%get3A_34, %get3A_35] : memref<4096x1xf32, #tpu.memory_space<vmem>>, vector<4096x1xf32>
    %mul3A_37 = vector.broadcast %get3A_36 : vector<4096x1xf32> to vector<4096x128xf32>
    %mul3A_38 = arith.mulf %max3A_33, %mul3A_37 : vector<4096x128xf32>
    %reshape3A = vector.shape_cast %mul3A_38 : vector<4096x128xf32> to vector<256x16x128xf32>
    %swap3A = arith.constant 0 : index
    %swap3A_39 = arith.constant 0 : index
    %swap3A_40 = arith.constant 0 : index
    %swap3A_41 = vector.load %arg13[%swap3A, %swap3A_39, %swap3A_40] : memref<256x16x128xf32, #tpu.memory_space<vmem>>, vector<256x16x128xf32>
    tpu.vector_store %arg13[%swap3A, %swap3A_39, %swap3A_40], %reshape3A {strides = array<i32>} : memref<256x16x128xf32, #tpu.memory_space<vmem>>, vector<256x16x128xf32>,
    %get3A_42 = arith.constant 0 : index
    %get3A_43 = arith.constant 0 : index
    %get3A_44 = vector.load %arg2[%get3A_42, %get3A_43] : memref<256x128xf32, #tpu.memory_space<vmem>>, vector<256x128xf32>
    %mul3A_45 = vector.broadcast %mul3A_18 : vector<1x128xf32> to vector<256x128xf32>
    %mul3A_46 = arith.mulf %get3A_44, %mul3A_45 : vector<256x128xf32>
    %add3A_47 = vector.broadcast %sub3A_23 : vector<1x128xf32> to vector<256x128xf32>
    %add3A_48 = arith.addf %mul3A_46, %add3A_47 : vector<256x128xf32>
    %max3A_49 = arith.constant 0.000000e+00 : f32
    %max3A_50 = vector.broadcast %max3A_49 : f32 to vector<256x128xf32>
    %max3A_51 = arith.maximumf %add3A_48, %max3A_50 : vector<256x128xf32>
    %get3A_52 = arith.constant 0 : index
    %get3A_53 = arith.constant 0 : index
    %get3A_54 = arith.constant 0 : index
    %get3A_55 = vector.load %arg13[%get3A_52, %get3A_53, %get3A_54] : memref<256x16x128xf32, #tpu.memory_space<vmem>>, vector<256x1x128xf32>
    %get3A_56 = vector.shape_cast %get3A_55 : vector<256x1x128xf32> to vector<256x128xf32>
    %add3A_57 = arith.addf %max3A_51, %get3A_56 : vector<256x128xf32>
    %get3A_58 = arith.constant 0 : index
    %get3A_59 = arith.constant 1 : index
    %get3A_60 = arith.constant 0 : index
    %get3A_61 = vector.load %arg13[%get3A_58, %get3A_59, %get3A_60] : memref<256x16x128xf32, #tpu.memory_space<vmem>>, vector<256x1x128xf32>
    %get3A_62 = vector.shape_cast %get3A_61 : vector<256x1x128xf32> to vector<256x128xf32>
    %add3A_63 = arith.addf %add3A_57, %get3A_62 : vector<256x128xf32>
    %get3A_64 = arith.constant 0 : index
    %get3A_65 = arith.constant 2 : index
    %get3A_66 = arith.constant 0 : index
    %get3A_67 = vector.load %arg13[%get3A_64, %get3A_65, %get3A_66] : memref<256x16x128xf32, #tpu.memory_space<vmem>>, vector<256x1x128xf32>
    %get3A_68 = vector.shape_cast %get3A_67 : vector<256x1x128xf32> to vector<256x128xf32>
    %add3A_69 = arith.addf %add3A_63, %get3A_68 : vector<256x128xf32>
    %get3A_70 = arith.constant 0 : index
    %get3A_71 = arith.constant 3 : index
    %get3A_72 = arith.constant 0 : index
    %get3A_73 = vector.load %arg13[%get3A_70, %get3A_71, %get3A_72] : memref<256x16x128xf32, #tpu.memory_space<vmem>>, vector<256x1x128xf32>
    %get3A_74 = vector.shape_cast %get3A_73 : vector<256x1x128xf32> to vector<256x128xf32>
    %add3A_75 = arith.addf %add3A_69, %get3A_74 : vector<256x128xf32>
    %get3A_76 = arith.constant 0 : index
    %get3A_77 = arith.constant 4 : index
    %get3A_78 = arith.constant 0 : index
    %get3A_79 = vector.load %arg13[%get3A_76, %get3A_77, %get3A_78] : memref<256x16x128xf32, #tpu.memory_space<vmem>>, vector<256x1x128xf32>
    %get3A_80 = vector.shape_cast %get3A_79 : vector<256x1x128xf32> to vector<256x128xf32>
    %add3A_81 = arith.addf %add3A_75, %get3A_80 : vector<256x128xf32>
    %get3A_82 = arith.constant 0 : index
    %get3A_83 = arith.constant 5 : index
    %get3A_84 = arith.constant 0 : index
    %get3A_85 = vector.load %arg13[%get3A_82, %get3A_83, %get3A_84] : memref<256x16x128xf32, #tpu.memory_space<vmem>>, vector<256x1x128xf32>
    %get3A_86 = vector.shape_cast %get3A_85 : vector<256x1x128xf32> to vector<256x128xf32>
    %add3A_87 = arith.addf %add3A_81, %get3A_86 : vector<256x128xf32>
    %get3A_88 = arith.constant 0 : index
    %get3A_89 = arith.constant 6 : index
    %get3A_90 = arith.constant 0 : index
    %get3A_91 = vector.load %arg13[%get3A_88, %get3A_89, %get3A_90] : memref<256x16x128xf32, #tpu.memory_space<vmem>>, vector<256x1x128xf32>
    %get3A_92 = vector.shape_cast %get3A_91 : vector<256x1x128xf32> to vector<256x128xf32>
    %add3A_93 = arith.addf %add3A_87, %get3A_92 : vector<256x128xf32>
    %get3A_94 = arith.constant 0 : index
    %get3A_95 = arith.constant 7 : index
    %get3A_96 = arith.constant 0 : index
    %get3A_97 = vector.load %arg13[%get3A_94, %get3A_95, %get3A_96] : memref<256x16x128xf32, #tpu.memory_space<vmem>>, vector<256x1x128xf32>
    %get3A_98 = vector.shape_cast %get3A_97 : vector<256x1x128xf32> to vector<256x128xf32>
    %add3A_99 = arith.addf %add3A_93, %get3A_98 : vector<256x128xf32>
    %get3A_100 = arith.constant 0 : index
    %get3A_101 = arith.constant 8 : index
    %get3A_102 = arith.constant 0 : index
    %get3A_103 = vector.load %arg13[%get3A_100, %get3A_101, %get3A_102] : memref<256x16x128xf32, #tpu.memory_space<vmem>>, vector<256x1x128xf32>
    %get3A_104 = vector.shape_cast %get3A_103 : vector<256x1x128xf32> to vector<256x128xf32>
    %add3A_105 = arith.addf %add3A_99, %get3A_104 : vector<256x128xf32>
    %get3A_106 = arith.constant 0 : index
    %get3A_107 = arith.constant 9 : index
    %get3A_108 = arith.constant 0 : index
    %get3A_109 = vector.load %arg13[%get3A_106, %get3A_107, %get3A_108] : memref<256x16x128xf32, #tpu.memory_space<vmem>>, vector<256x1x128xf32>
    %get3A_110 = vector.shape_cast %get3A_109 : vector<256x1x128xf32> to vector<256x128xf32>
    %add3A_111 = arith.addf %add3A_105, %get3A_110 : vector<256x128xf32>
    %get3A_112 = arith.constant 0 : index
    %get3A_113 = arith.constant 10 : index
    %get3A_114 = arith.constant 0 : index
    %get3A_115 = vector.load %arg13[%get3A_112, %get3A_113, %get3A_114] : memref<256x16x128xf32, #tpu.memory_space<vmem>>, vector<256x1x128xf32>
    %get3A_116 = vector.shape_cast %get3A_115 : vector<256x1x128xf32> to vector<256x128xf32>
    %add3A_117 = arith.addf %add3A_111, %get3A_116 : vector<256x128xf32>
    %get3A_118 = arith.constant 0 : index
    %get3A_119 = arith.constant 11 : index
    %get3A_120 = arith.constant 0 : index
    %get3A_121 = vector.load %arg13[%get3A_118, %get3A_119, %get3A_120] : memref<256x16x128xf32, #tpu.memory_space<vmem>>, vector<256x1x128xf32>
    %get3A_122 = vector.shape_cast %get3A_121 : vector<256x1x128xf32> to vector<256x128xf32>
    %add3A_123 = arith.addf %add3A_117, %get3A_122 : vector<256x128xf32>
    %get3A_124 = arith.constant 0 : index
    %get3A_125 = arith.constant 12 : index
    %get3A_126 = arith.constant 0 : index
    %get3A_127 = vector.load %arg13[%get3A_124, %get3A_125, %get3A_126] : memref<256x16x128xf32, #tpu.memory_space<vmem>>, vector<256x1x128xf32>
    %get3A_128 = vector.shape_cast %get3A_127 : vector<256x1x128xf32> to vector<256x128xf32>
    %add3A_129 = arith.addf %add3A_123, %get3A_128 : vector<256x128xf32>
    %get3A_130 = arith.constant 0 : index
    %get3A_131 = arith.constant 13 : index
    %get3A_132 = arith.constant 0 : index
    %get3A_133 = vector.load %arg13[%get3A_130, %get3A_131, %get3A_132] : memref<256x16x128xf32, #tpu.memory_space<vmem>>, vector<256x1x128xf32>
    %get3A_134 = vector.shape_cast %get3A_133 : vector<256x1x128xf32> to vector<256x128xf32>
    %add3A_135 = arith.addf %add3A_129, %get3A_134 : vector<256x128xf32>
    %get3A_136 = arith.constant 0 : index
    %get3A_137 = arith.constant 14 : index
    %get3A_138 = arith.constant 0 : index
    %get3A_139 = vector.load %arg13[%get3A_136, %get3A_137, %get3A_138] : memref<256x16x128xf32, #tpu.memory_space<vmem>>, vector<256x1x128xf32>
    %get3A_140 = vector.shape_cast %get3A_139 : vector<256x1x128xf32> to vector<256x128xf32>
    %add3A_141 = arith.addf %add3A_135, %get3A_140 : vector<256x128xf32>
    %get3A_142 = arith.constant 0 : index
    %get3A_143 = arith.constant 15 : index
    %get3A_144 = arith.constant 0 : index
    %get3A_145 = vector.load %arg13[%get3A_142, %get3A_143, %get3A_144] : memref<256x16x128xf32, #tpu.memory_space<vmem>>, vector<256x1x128xf32>
    %get3A_146 = vector.shape_cast %get3A_145 : vector<256x1x128xf32> to vector<256x128xf32>
    %add3A_147 = arith.addf %add3A_141, %get3A_146 : vector<256x128xf32>
    %get3A_148 = arith.constant 0 : index
    %get3A_149 = arith.constant 0 : index
    %get3A_150 = vector.load %arg4[%get3A_148, %get3A_149] : memref<256x16xf32, #tpu.memory_space<vmem>>, vector<256x16xf32>
    %reduce_sum3A = arith.constant dense<0.000000e+00> : vector<256xf32>
    %reduce_sum3A_151 = vector.multi_reduction <add>, %get3A_150, %reduce_sum3A [1] : vector<256x16xf32> to vector<256xf32>
    %broadcast_in_dim3A = vector.shape_cast %reduce_sum3A_151 : vector<256xf32> to vector<256x1xf32>
    %add3A_152 = arith.constant 1.000000e+00 : f32
    %add3A_153 = vector.broadcast %add3A_152 : f32 to vector<256x1xf32>
    %add3A_154 = arith.addf %broadcast_in_dim3A, %add3A_153 : vector<256x1xf32>
    %div3A_155 = vector.broadcast %add3A_154 : vector<256x1xf32> to vector<256x128xf32>
    %div3A_156 = arith.divf %add3A_147, %div3A_155 : vector<256x128xf32>
    %get3A_157 = arith.constant 0 : index
    %get3A_158 = arith.constant 0 : index
    %get3A_159 = vector.load %arg8[%get3A_157, %get3A_158] : memref<128x128xf32, #tpu.memory_space<vmem>>, vector<128x128xf32>
    %dot_general3A = arith.constant dense<0.000000e+00> : vector<256x128xf32>
    %dot_general3A_160 = tpu.matmul %div3A_156, %get3A_159, %dot_general3A {dimension_numbers = #tpu.dot_dimension_numbers<[1], [0], [0], [1], [0, 0, 1, 1], [], []>, transpose_lhs_hint = false} : vector<256x128xf32>, vector<128x128xf32>, vector<256x128xf32> -> vector<256x128xf32>
    %get3A_161 = arith.constant 0 : index
    %get3A_162 = arith.constant 0 : index
    %get3A_163 = vector.load %arg9[%get3A_161, %get3A_162] : memref<1x128xf32, #tpu.memory_space<vmem>>, vector<1x128xf32>
    %add3A_164 = vector.broadcast %get3A_163 : vector<1x128xf32> to vector<256x128xf32>
    %add3A_165 = arith.addf %dot_general3A_160, %add3A_164 : vector<256x128xf32>
    %swap3A_166 = arith.constant 0 : index
    %swap3A_167 = arith.constant 0 : index
    %swap3A_168 = vector.load %arg10[%swap3A_166, %swap3A_167] : memref<256x128xf32, #tpu.memory_space<vmem>>, vector<256x128xf32>
    tpu.vector_store %arg10[%swap3A_166, %swap3A_167], %add3A_165 {strides = array<i32>} : memref<256x128xf32, #tpu.memory_space<vmem>>, vector<256x128xf32>,
    %iota3A = tpu.iota {dimensions = array<i32: 0>} : vector<256x1xi32>
    %mul3A_169 = arith.constant 256 : i32
    %mul3A_170 = arith.muli %arg0, %mul3A_169 : i32
    %add3A_171 = vector.broadcast %mul3A_170 : i32 to vector<256x1xi32>
    %add3A_172 = arith.addi %iota3A, %add3A_171 : vector<256x1xi32>
    %lt3A = arith.constant 10000 : i32
    %lt3A_173 = vector.broadcast %lt3A : i32 to vector<256x1xi32>
    %lt3A_174 = arith.cmpi slt, %add3A_172, %lt3A_173 : vector<256x1xi32>
    %convert_element_type3A_175 = arith.extui %lt3A_174 : vector<256x1xi1> to vector<256x1xi32>
    %convert_element_type3A_176 = arith.sitofp %convert_element_type3A_175 : vector<256x1xi32> to vector<256x1xf32>
    %mul3A_177 = vector.broadcast %convert_element_type3A_176 : vector<256x1xf32> to vector<256x128xf32>
    %mul3A_178 = arith.mulf %add3A_165, %mul3A_177 : vector<256x128xf32>
    %get3A_179 = arith.constant 0 : index
    %get3A_180 = arith.constant 0 : index
    %get3A_181 = vector.load %arg12[%get3A_179, %get3A_180] : memref<8x128xf32, #tpu.memory_space<vmem>>, vector<1x128xf32>
    %reduce_sum3A_182 = arith.constant dense<0.000000e+00> : vector<128xf32>
    %reduce_sum3A_183 = vector.multi_reduction <add>, %mul3A_178, %reduce_sum3A_182 [0] : vector<256x128xf32> to vector<128xf32>
    %broadcast_in_dim3A_184 = vector.shape_cast %reduce_sum3A_183 : vector<128xf32> to vector<1x128xf32>
    %add3A_185 = arith.addf %get3A_181, %broadcast_in_dim3A_184 : vector<1x128xf32>
    %swap3A_186 = arith.constant 0 : index
    %swap3A_187 = arith.constant 0 : index
    %swap3A_188 = vector.load %arg12[%swap3A_186, %swap3A_187] : memref<8x128xf32, #tpu.memory_space<vmem>>, vector<1x128xf32>
    tpu.vector_store %arg12[%swap3A_186, %swap3A_187], %add3A_185 {strides = array<i32>} : memref<8x128xf32, #tpu.memory_space<vmem>>, vector<1x128xf32>,
    %get3A_189 = arith.constant 1 : index
    %get3A_190 = arith.constant 0 : index
    %get3A_191 = vector.load %arg12[%get3A_189, %get3A_190] : memref<8x128xf32, #tpu.memory_space<vmem>>, vector<1x128xf32>
    %mul3A_192 = arith.mulf %add3A_165, %mul3A_178 : vector<256x128xf32>
    %reduce_sum3A_193 = arith.constant dense<0.000000e+00> : vector<128xf32>
    %reduce_sum3A_194 = vector.multi_reduction <add>, %mul3A_192, %reduce_sum3A_193 [0] : vector<256x128xf32> to vector<128xf32>
    %broadcast_in_dim3A_195 = vector.shape_cast %reduce_sum3A_194 : vector<128xf32> to vector<1x128xf32>
    %add3A_196 = arith.addf %get3A_191, %broadcast_in_dim3A_195 : vector<1x128xf32>
    %swap3A_197 = arith.constant 1 : index
    %swap3A_198 = arith.constant 0 : index
    %swap3A_199 = vector.load %arg12[%swap3A_197, %swap3A_198] : memref<8x128xf32, #tpu.memory_space<vmem>>, vector<1x128xf32>
    tpu.vector_store %arg12[%swap3A_197, %swap3A_198], %add3A_196 {strides = array<i32>} : memref<8x128xf32, #tpu.memory_space<vmem>>, vector<1x128xf32>,
    %get3A_200 = arith.constant 2 : index
    %get3A_201 = arith.constant 0 : index
    %get3A_202 = vector.load %arg12[%get3A_200, %get3A_201] : memref<8x128xf32, #tpu.memory_space<vmem>>, vector<1x128xf32>
    %reduce_sum3A_203 = vector.shape_cast %convert_element_type3A_176 : vector<256x1xf32> to vector<1x256x1xf32>
    %reduce_sum3A_204 = arith.constant dense<0.000000e+00> : vector<1xf32>
    %reduce_sum3A_205 = vector.multi_reduction <add>, %reduce_sum3A_203, %reduce_sum3A_204 [1, 2] : vector<1x256x1xf32> to vector<1xf32>
    %reduce_sum3A_206 = vector.shape_cast %reduce_sum3A_205 : vector<1xf32> to vector<1x1x1xf32>
    %reduce_sum3A_207 = vector.extract %reduce_sum3A_206[0, 0, 0] : f32 from vector<1x1x1xf32>
    %broadcast_in_dim3A_208 = vector.broadcast %reduce_sum3A_207 : f32 to vector<1x128xf32>
    %add3A_209 = arith.addf %get3A_202, %broadcast_in_dim3A_208 : vector<1x128xf32>
    %swap3A_210 = arith.constant 2 : index
    %swap3A_211 = arith.constant 0 : index
    %swap3A_212 = vector.load %arg12[%swap3A_210, %swap3A_211] : memref<8x128xf32, #tpu.memory_space<vmem>>, vector<1x128xf32>
    tpu.vector_store %arg12[%swap3A_210, %swap3A_211], %add3A_209 {strides = array<i32>} : memref<8x128xf32, #tpu.memory_space<vmem>>, vector<1x128xf32>,
    %get3A_213 = arith.constant 0 : index
    %get3A_214 = arith.constant 0 : index
    %get3A_215 = vector.load %arg12[%get3A_213, %get3A_214] : memref<8x128xf32, #tpu.memory_space<vmem>>, vector<8x128xf32>
    %swap3A_216 = arith.constant 0 : index
    %swap3A_217 = arith.constant 0 : index
    %swap3A_218 = vector.load %arg11[%swap3A_216, %swap3A_217] : memref<8x128xf32, #tpu.memory_space<vmem>>, vector<8x128xf32>
    tpu.vector_store %arg11[%swap3A_216, %swap3A_217], %get3A_215 {strides = array<i32>} : memref<8x128xf32, #tpu.memory_space<vmem>>, vector<8x128xf32>,
    return
  }
  func.func @transform_0(%arg0: i32) -> (i32, i32) {
    %c0_i32 = arith.constant 0 : i32
    %c0_i32_0 = arith.constant 0 : i32
    return %arg0, %c0_i32 : i32, i32
  }
  func.func @transform_1(%arg0: i32) -> (i32, i32) {
    %add3A = arith.constant 640 : i32
    %add3A_0 = arith.addi %add3A, %arg0 : i32
    %c0_i32 = arith.constant 0 : i32
    %c0_i32_1 = arith.constant 0 : i32
    return %add3A_0, %c0_i32 : i32, i32
  }
  func.func @transform_2(%arg0: i32) -> (i32, i32) {
    %c0_i32 = arith.constant 0 : i32
    %c0_i32_0 = arith.constant 0 : i32
    return %arg0, %c0_i32 : i32, i32
  }
  func.func @transform_3(%arg0: i32) -> (i32, i32) {
    %c0_i32 = arith.constant 0 : i32
    %c0_i32_0 = arith.constant 0 : i32
    return %arg0, %c0_i32 : i32, i32
  }
  func.func @transform_4(%arg0: i32) -> (i32, i32) {
    %c0_i32 = arith.constant 0 : i32
    %c0_i32_0 = arith.constant 0 : i32
    %c0_i32_1 = arith.constant 0 : i32
    return %c0_i32, %c0_i32_0 : i32, i32
  }
  func.func @transform_5(%arg0: i32) -> (i32, i32) {
    %c0_i32 = arith.constant 0 : i32
    %c0_i32_0 = arith.constant 0 : i32
    %c0_i32_1 = arith.constant 0 : i32
    return %c0_i32, %c0_i32_0 : i32, i32
  }
  func.func @transform_6(%arg0: i32) -> (i32, i32) {
    %c0_i32 = arith.constant 0 : i32
    %c0_i32_0 = arith.constant 0 : i32
    %c0_i32_1 = arith.constant 0 : i32
    return %c0_i32, %c0_i32_0 : i32, i32
  }
  func.func @transform_7(%arg0: i32) -> (i32, i32) {
    %c0_i32 = arith.constant 0 : i32
    %c0_i32_0 = arith.constant 0 : i32
    %c0_i32_1 = arith.constant 0 : i32
    return %c0_i32, %c0_i32_0 : i32, i32
  }
  func.func @transform_8(%arg0: i32) -> (i32, i32) {
    %c0_i32 = arith.constant 0 : i32
    %c0_i32_0 = arith.constant 0 : i32
    %c0_i32_1 = arith.constant 0 : i32
    return %c0_i32, %c0_i32_0 : i32, i32
  }
  func.func @transform_9(%arg0: i32) -> (i32, i32) {
    %c0_i32 = arith.constant 0 : i32
    %c0_i32_0 = arith.constant 0 : i32
    return %arg0, %c0_i32 : i32, i32
  }
  func.func @transform_10(%arg0: i32) -> (i32, i32) {
    %c0_i32 = arith.constant 0 : i32
    %c0_i32_0 = arith.constant 0 : i32
    %c0_i32_1 = arith.constant 0 : i32
    return %c0_i32, %c0_i32_0 : i32, i32
  }
}

module attributes {stable_mosaic.version = 14 : i64} {
  func.func @_final_body(%arg0: i32, %arg1: memref<512x128xf32, #tpu.memory_space<vmem>>, %arg2: memref<8x128xf32, #tpu.memory_space<vmem>>, %arg3: memref<1x128xf32, #tpu.memory_space<vmem>>, %arg4: memref<1x128xf32, #tpu.memory_space<vmem>>, %arg5: memref<512x128xf32, #tpu.memory_space<vmem>>) attributes {dimension_semantics = [#tpu.dimension_semantics<arbitrary>], iteration_bounds = array<i64: 20>, scalar_prefetch = 0 : i64, scratch_operands = 0 : i64, tpu.core_type = #tpu.core_type<tc>, window_params = [{transform_indices = @transform_0, window_bounds = array<i64: 512, 128>}, {pipeline_mode = #tpu.pipeline_mode<synchronous>, transform_indices = @transform_1, window_bounds = array<i64: 8, 128>}, {pipeline_mode = #tpu.pipeline_mode<synchronous>, transform_indices = @transform_2, window_bounds = array<i64: 1, 128>}, {pipeline_mode = #tpu.pipeline_mode<synchronous>, transform_indices = @transform_3, window_bounds = array<i64: 1, 128>}, {transform_indices = @transform_4, window_bounds = array<i64: 512, 128>}]} {
    %get3A = arith.constant 2 : index
    %get3A_0 = arith.constant 0 : index
    %get3A_1 = vector.load %arg2[%get3A, %get3A_0] : memref<8x128xf32, #tpu.memory_space<vmem>>, vector<1x128xf32>
    %max3A = arith.constant 1.000000e+00 : f32
    %max3A_2 = vector.broadcast %max3A : f32 to vector<1x128xf32>
    %max3A_3 = arith.maximumf %get3A_1, %max3A_2 : vector<1x128xf32>
    %get3A_4 = arith.constant 0 : index
    %get3A_5 = arith.constant 0 : index
    %get3A_6 = vector.load %arg2[%get3A_4, %get3A_5] : memref<8x128xf32, #tpu.memory_space<vmem>>, vector<1x128xf32>
    %div3A = arith.divf %get3A_6, %max3A_3 : vector<1x128xf32>
    %get3A_7 = arith.constant 1 : index
    %get3A_8 = arith.constant 0 : index
    %get3A_9 = vector.load %arg2[%get3A_7, %get3A_8] : memref<8x128xf32, #tpu.memory_space<vmem>>, vector<1x128xf32>
    %div3A_10 = arith.divf %get3A_9, %max3A_3 : vector<1x128xf32>
    %mul3A = arith.mulf %div3A, %div3A : vector<1x128xf32>
    %sub3A = arith.subf %div3A_10, %mul3A : vector<1x128xf32>
    %get3A_11 = arith.constant 0 : index
    %get3A_12 = arith.constant 0 : index
    %get3A_13 = vector.load %arg3[%get3A_11, %get3A_12] : memref<1x128xf32, #tpu.memory_space<vmem>>, vector<1x128xf32>
    %add3A = arith.constant 9.99999974E-6 : f32
    %add3A_14 = vector.broadcast %add3A : f32 to vector<1x128xf32>
    %add3A_15 = arith.addf %sub3A, %add3A_14 : vector<1x128xf32>
    %rsqrt3A = math.rsqrt %add3A_15 : vector<1x128xf32>
    %mul3A_16 = arith.mulf %get3A_13, %rsqrt3A : vector<1x128xf32>
    %get3A_17 = arith.constant 0 : index
    %get3A_18 = arith.constant 0 : index
    %get3A_19 = vector.load %arg4[%get3A_17, %get3A_18] : memref<1x128xf32, #tpu.memory_space<vmem>>, vector<1x128xf32>
    %mul3A_20 = arith.mulf %div3A, %mul3A_16 : vector<1x128xf32>
    %sub3A_21 = arith.subf %get3A_19, %mul3A_20 : vector<1x128xf32>
    %get3A_22 = arith.constant 0 : index
    %get3A_23 = arith.constant 0 : index
    %get3A_24 = vector.load %arg1[%get3A_22, %get3A_23] : memref<512x128xf32, #tpu.memory_space<vmem>>, vector<512x128xf32>
    %mul3A_25 = vector.broadcast %mul3A_16 : vector<1x128xf32> to vector<512x128xf32>
    %mul3A_26 = arith.mulf %get3A_24, %mul3A_25 : vector<512x128xf32>
    %add3A_27 = vector.broadcast %sub3A_21 : vector<1x128xf32> to vector<512x128xf32>
    %add3A_28 = arith.addf %mul3A_26, %add3A_27 : vector<512x128xf32>
    %max3A_29 = arith.constant 0.000000e+00 : f32
    %max3A_30 = vector.broadcast %max3A_29 : f32 to vector<512x128xf32>
    %max3A_31 = arith.maximumf %add3A_28, %max3A_30 : vector<512x128xf32>
    %swap3A = arith.constant 0 : index
    %swap3A_32 = arith.constant 0 : index
    %swap3A_33 = vector.load %arg5[%swap3A, %swap3A_32] : memref<512x128xf32, #tpu.memory_space<vmem>>, vector<512x128xf32>
    tpu.vector_store %arg5[%swap3A, %swap3A_32], %max3A_31 {strides = array<i32>} : memref<512x128xf32, #tpu.memory_space<vmem>>, vector<512x128xf32>,
    return
  }
  func.func @transform_0(%arg0: i32) -> (i32, i32) {
    %c0_i32 = arith.constant 0 : i32
    %c0_i32_0 = arith.constant 0 : i32
    return %arg0, %c0_i32 : i32, i32
  }
  func.func @transform_1(%arg0: i32) -> (i32, i32) {
    %c0_i32 = arith.constant 0 : i32
    %c0_i32_0 = arith.constant 0 : i32
    %c0_i32_1 = arith.constant 0 : i32
    return %c0_i32, %c0_i32_0 : i32, i32
  }
  func.func @transform_2(%arg0: i32) -> (i32, i32) {
    %c0_i32 = arith.constant 0 : i32
    %c0_i32_0 = arith.constant 0 : i32
    %c0_i32_1 = arith.constant 0 : i32
    return %c0_i32, %c0_i32_0 : i32, i32
  }
  func.func @transform_3(%arg0: i32) -> (i32, i32) {
    %c0_i32 = arith.constant 0 : i32
    %c0_i32_0 = arith.constant 0 : i32
    %c0_i32_1 = arith.constant 0 : i32
    return %c0_i32, %c0_i32_0 : i32, i32
  }
  func.func @transform_4(%arg0: i32) -> (i32, i32) {
    %c0_i32 = arith.constant 0 : i32
    %c0_i32_0 = arith.constant 0 : i32
    return %arg0, %c0_i32 : i32, i32
  }
}

</mosaic_0001>

<sc_bundles>
// kernel: _run.10.cloned.1.call-start
scs
__scs_entry_jumppad:
0x0: {  	(pc) =	sbr.rel $0x88, $3  }
0x1: {  	(tag) =	ssettag $0x0;
	lr =	simm.s32 $0x1  }
0x2: {  	[smem:$0x3F95] =	sst lr;
	_ =	strace $0xD0000000  }
0x3: {  	_ = 	snop  }
0x4: {  	_ = 	snop  }
0x5: {  	_ = 	snop  }
0x6: {  	_ = 	snop  }
0x7: {  	_ = 	snop  }
__scs_overlays_trampoline_lowered:
0x8: {  	[smem:$0x3FA4] =	sst s0  }
0x9: {  	[smem:$0x3FA5] =	sst s1  }
0xa: {  	[smem:$0x3FA6] =	sst s2  }
0xb: {  	[smem:$0x3FA7] =	sst s3  }
0xc: {  	[smem:$0x3FA8] =	sst s4  }
0xd: {  	[smem:$0x3FA9] =	sst s5  }
0xe: {  	[smem:$0x3FAA] =	sst s6  }
0xf: {  	[smem:$0x3FAB] =	sst s7  }
0x10: {  	[smem:$0x3FAC] =	sst s8  }
0x11: {  	[smem:$0x3FAD] =	sst s9;
	s0 =	simm.s32 @!p0 $0x0  }
0x12: {  	s1 =	sld [smem:$0x3F93];
	s0 =	simm.s32 @p0 $0x1  }
0x13: {  	[smem:$0x3FAE] =	sst s0;
	s0 =	simm.s32 @!p1 $0x0  }
0x14: {  	s2 =	sld [smem:$0x3F92];
	s0 =	simm.s32 @p1 $0x1  }
0x15: {  	[smem:$0x3FAF] =	sst s0;
	s0 =	simm.s32 @!p2 $0x0  }
0x16: {  	s3 =	sld [smem:$0x3FDB];
	s0 =	simm.s32 @p2 $0x1  }
0x17: {  	s4 =	simm.s32 $0x1BF5;
	[smem:$0x3FB1] =	sst s0  }
0x18: {  	s0 =	sld [smem:$0x3F94];
	_ =	swait.ge [sflag:s4], $0x0  }
0x19: {  	s7 =	sld [smem:$0x3F95]  }
0x1a: {  	s8 =	sadd.s32 $0xFFFFE003, lr  }
0x1b: {  	s9 =	sadd.s32 $0xFFFFFEF7, lr;
	s5 =	simm.s32 $0xFFFFFFFF;
	p2 =	slt.u32 s8, $0xFFFFF086  }
0x1c: {  	p1 =	slt.u32 s9, $0xF7A;
	s5 =	simm.s32 @!p2 $0x0  }
0x1d: {  	s5 =	simm.s32 @p1 $0x1;
	p0 =	seq.s32 s7, s2  }
0x1e: {  	s7 =	smul.u32 @!p0 $0xF7A, s2;
	p2 =	seq.s32 @!p0 s5, $0x0  }
0x1f: {  	s9 =	smul.u32 $0xF7A, s1;
	s8 =	simm.s32 @!p0 $0x1BF5;
	p2 =	por !p2, p0  }
0x20: {  	[sflag:s8] =	ssyncset.s32 @!p0 $0xFFFFF086;
	s6 =	sadd.s32 @!p0 s3, s7;
	s7 =	simm.s32 @!p0 $0x108  }
0x21: {  	s3 =	sadd.s32 s3, s9;
	s6 =	sadd.s32 @!p0 $0x88, s6;
	s7 =	simm.s32 @p2 $0x1082  }
0x22: {  	[simem:s7], [sflag:s8] =	dma.local @!p0 [hbm:s6], $0xF7A  }
0x23: {  	s9 =	sor.u32 $0xD0000000, s2;
	s6 =	simm.s32 $0x108;
	_ =	swait.ge @!p0 [sflag:s8], $0x0  }
0x24: {  	s3 =	sadd.s32 $0x88, s3;
	s6 =	simm.s32 @!p1 $0x1082;
	[sflag:s4] =	ssyncset.s32 $0xFFFFF086  }
0x25: {  	[simem:s6], [sflag:s4] =	dma.local [hbm:s3], $0xF7A  }
0x26: {  	[smem:$0x3F95] =	sst s1;
	(tag) =	ssettag s2;
	_ =	strace s9  }
0x27: {  	s1 =	sld [smem:$0x3FA5]  }
0x28: {  	s2 =	sld [smem:$0x3FA6]  }
0x29: {  	s4 =	sld [smem:$0x3FA8]  }
0x2a: {  	p0 =	seq.s32 s5, $0x0;
	s5 =	sld [smem:$0x3FA9]  }
0x2b: {  	s6 =	sld [smem:$0x3FAA]  }
0x2c: {  	s7 =	sld [smem:$0x3FAB]  }
0x2d: {  	s3 =	simm.s32 $0x108;
	s8 =	sld [smem:$0x3FAC]  }
0x2e: {  	s3 =	simm.s32 @!p0 $0x1082;
	s9 =	sld [smem:$0x3FAD]  }
0x2f: {  	lr =	sadd.s32 s0, s3;
	s0 =	sld [smem:$0x3FA4]  }
0x30: {  	s3 =	sld [smem:$0x3FA7]  }
0x31: {  	[smem:$0x3FB0] =	sst s10  }
0x32: {  	s10 =	sld [smem:$0x3FAE];
	_ =	sdelay $0x3  }
0x33: {  	p0 =	seq.s32 s10, $0x1;
	s10 =	sld [smem:$0x3FB0];
	_ =	sdelay $0x3  }
0x34: {  	[smem:$0x3FB0] =	sst s10  }
0x35: {  	s10 =	sld [smem:$0x3FAF];
	_ =	sdelay $0x3  }
0x36: {  	p1 =	seq.s32 s10, $0x1;
	s10 =	sld [smem:$0x3FB0];
	_ =	sdelay $0x3  }
0x37: {  	[smem:$0x3FB0] =	sst s10  }
0x38: {  	s10 =	sld [smem:$0x3FB1]  }
0x39: {  	_ = 	snop;
	(pc) =	sbr.ind lr, $3  }
0x3a: {  	_ = 	snop  }
0x3b: {  	_ = 	snop  }
0x3c: {  	p2 =	seq.s32 s10, $0x1;
	s10 =	sld [smem:$0x3FB0]  }
0x3d: {  	_ =	shalt  }
0x3e: {  	_ =	shalt  }
0x3f: {  	_ =	shalt  }
0x40: {  	_ =	shalt  }
0x41: {  	_ =	shalt  }
0x42: {  	_ =	shalt  }
0x43: {  	_ =	shalt  }
0x44: {  	_ =	shalt  }
0x45: {  	_ =	shalt  }
0x46: {  	_ =	shalt  }
0x47: {  	_ =	shalt  }
0x48: {  	_ =	shalt  }
0x49: {  	_ =	shalt  }
0x4a: {  	_ =	shalt  }
0x4b: {  	_ =	shalt  }
0x4c: {  	_ =	shalt  }
0x4d: {  	_ =	shalt  }
0x4e: {  	_ =	shalt  }
0x4f: {  	_ =	shalt  }
0x50: {  	_ =	shalt  }
0x51: {  	_ =	shalt  }
0x52: {  	_ =	shalt  }
0x53: {  	_ =	shalt  }
0x54: {  	_ =	shalt  }
0x55: {  	_ =	shalt  }
0x56: {  	_ =	shalt  }
0x57: {  	_ =	shalt  }
0x58: {  	_ =	shalt  }
0x59: {  	_ =	shalt  }
0x5a: {  	_ =	shalt  }
0x5b: {  	_ =	shalt  }
0x5c: {  	_ =	shalt  }
0x5d: {  	_ =	shalt  }
0x5e: {  	_ =	shalt  }
0x5f: {  	_ =	shalt  }
0x60: {  	_ =	shalt  }
0x61: {  	_ =	shalt  }
0x62: {  	_ =	shalt  }
0x63: {  	_ =	shalt  }
0x64: {  	_ =	shalt  }
0x65: {  	_ =	shalt  }
0x66: {  	_ =	shalt  }
0x67: {  	_ =	shalt  }
0x68: {  	_ =	shalt  }
0x69: {  	_ =	shalt  }
0x6a: {  	_ =	shalt  }
0x6b: {  	_ =	shalt  }
0x6c: {  	_ =	shalt  }
0x6d: {  	_ =	shalt  }
0x6e: {  	_ =	shalt  }
0x6f: {  	_ =	shalt  }
0x70: {  	_ =	shalt  }
0x71: {  	_ =	shalt  }
0x72: {  	_ =	shalt  }
0x73: {  	_ =	shalt  }
0x74: {  	_ =	shalt  }
0x75: {  	_ =	shalt  }
0x76: {  	_ =	shalt  }
0x77: {  	_ =	shalt  }
0x78: {  	_ =	shalt  }
0x79: {  	_ =	shalt  }
0x7a: {  	_ =	shalt  }
0x7b: {  	_ =	shalt  }
0x7c: {  	_ =	shalt  }
0x7d: {  	_ =	shalt  }
0x7e: {  	_ =	shalt  }
0x7f: {  	_ =	shalt  }
0x80: {  	_ =	shalt  }
0x81: {  	_ =	shalt  }
0x82: {  	_ =	shalt  }
0x83: {  	_ =	shalt  }
0x84: {  	_ =	shalt  }
0x85: {  	_ =	shalt  }
0x86: {  	_ =	shalt  }
0x87: {  	_ =	shalt  }
.Lfunc_end0:
.L_simem_size_0:
called_computation_lowered:
.L_overlay_start_0:
0x88: {  	s2 =	sld [smem:$0x3FD9]  }
0x89: {  	s3 =	sld [smem:$0x3FFE];
	_ =	sdelay $0x1  }
0x8a: {  	s1 =	srdreg.scid  }
0x8b: {  	s0 =	sand.u32 $0x1, s1  }
0x8c: {  	s16 =	sshll.u32 s0, $0xA;
	s2 =	sadd.s32 s3, s2  }
0x8d: {  	s2 =	sadd.s32 s2, s16  }
0x8e: {  	[smem:$0x3FBC] =	sst s2  }
0x8f: {  	_ = 	snop  }
0x90: {  	(tm) =	ssettm $0x1  }
0x91: {  	s17 =	sld [smem:$0x3FFB];
	_ =	sdelay $0x3  }
0x92: {  	_ =	strace s17  }
0x93: {  	s2 =	sld [smem:$0x3FFC];
	_ =	sdelay $0x3  }
0x94: {  	_ =	strace s2  }
0x95: {  	s2 =	sld [smem:$0x3FFD];
	_ =	sdelay $0x3  }
0x96: {  	_ =	strace s2  }
0x97: {  	_ =	strace $0x8FFFFFFF  }
0x98: {  	s18 =	sld [smem:$0x3FDB];
	_ =	sdelay $0x1  }
0x99: {  	s19 =	simm.s32 $_scs_section_size  }
0x9a: {  	s4 =	simm.s32 $_size__tile_overlayer_lowered;
	s5 =	simm.s32 $_tile_overlayer_lowered  }
0x9b: {  	s22 =	simm.s32 $0x1BFF;
	s21 =	sshll.u32 s5, $0x1;
	s2 =	sadd.s32 s19, s18  }
0x9c: {  	s6 =	simm.s32 $0x0;
	s20 =	sshll.u32 s4, $0x1;
	s4 =	sadd.s32 s21, s2  }
0x9d: {  	[timem:s6], [sflag:s22] =	dma.local [hbm:s4], s20  }
0x9e: {  	_ =	swait.ge [sflag:s22], s20  }
0x9f: {  	s3 =	ssub.s32 $0x0, s20;
	[sflag:s22] =	ssyncset.done $0x0  }
0xa0: {  	[sflag:s22] =	ssyncadd.s32 s3;
	_ =	sdelay $0x1  }
0xa1: {  	s23 =	simm.s32 $0x1B8B  }
0xa2: {  	_ =	swait.ge [sflag:s23], $0x1  }
0xa3: {  	[sflag:s23] =	ssyncset.done $0x0  }
0xa4: {  	s25 =	simm.s32 $0x1B8E;
	s24 =	sld [smem:$0x3FFE];
	[sflag:s23] =	ssyncadd.s32 $0xFFFFFFFF  }
0xa5: {  	s26 =	simm.s32 $execute0_lowered;
	[smem:$0x3FD2] =	sst s25  }
0xa6: {  	s4 =	sshll.u32 s26, $0x1;
	_ =	strace $0x80000046;
	[dreg:$0x1] =	wrdreg $0xFFFFFFFF  }
0xa7: {  	s28 =	simm.s32 $_size_execute0_lowered;
	s2 =	sadd.s32 s2, s4;
	[dreg:$0x0] =	wrdreg $0x0  }
0xa8: {  	s4 =	sshll.u32 s28, $0x1;
	[dreg:$0x2] =	wrdreg s2  }
0xa9: {  	[dreg:$0x3] =	wrdreg s4  }
0xaa: {  	[dreg:$0x4] =	wrdreg $0xC0  }
0xab: {  	_ =	task [dreg:s6], $0x5FFFF  }
0xac: {  	[dreg:$0x1] =	wrdreg $0xFFFFFFFF  }
0xad: {  	[dreg:$0x0] =	wrdreg $0x60  }
0xae: {  	[dreg:$0x2] =	wrdreg s24  }
0xaf: {  	[dreg:$0x3] =	wrdreg $0x9  }
0xb0: {  	_ =	task.clear_ibuf [dreg:s6], $0x4FFFF;
	_ =	strace $0x90000046  }
0xb1: {  	s29 =	simm.s32 $0x9;
	_ =	strace $0x80000048  }
0xb2: {  	_ =	swait.ge [sflag:s29], $0x1  }
0xb3: {  	[sflag:s29] =	ssyncadd.s32 $0xFFFFFFFF  }
0xb4: {  	_ =	strace $0x90000048  }
0xb5: {  	_ =	sfence  }
0xb6: {  	s30 =	sld [smem:$0x0];
	_ =	sdelay $0x2  }
0xb7: {  	s31 =	sshll.u32 s1, $0xD;
	s1 =	sshrl.u32 s1, $0x2  }
0xb8: {  	s3 =	sand.u32 $0x4000, s31;
	s1 =	sadd.s32 s1, s30  }
0xb9: {  	s0 =	sor.u32 s3, s0;
	s1 =	sshll.u32 s1, $0x11  }
0xba: {  	s0 =	sor.u32 s1, s0  }
0xbb: {  	s0 =	sadd.s32 $0x8F2B, s0  }
0xbc: {  	[sflag:s0] =	ssyncadd.remote.s32 $0x1  }
0xbd: {  	_ =	sfence.sel $0xFFFF  }
0xbe: {  	[dreg:$0x0] =	wrdreg $0xFFFFFFFF;
	(pc) =	sbr.abs _section_cstart, $3  }
0xbf: {  	[dreg:$0x1] =	wrdreg $0xFFFFFFFF  }
0xc0: {  	_ =	task.clear_ibuf [dreg:s6], $0x2FFFF;
	_ =	strace $0x9FFFFFFF  }
0xc1: {  	(tm) =	ssettm $0x7FFFFFFF  }
tec
execute0_lowered:
.L_overlay_start_1:
0x0: {  	(tag) =	ssettag $0x1  }
0x1: {  	s0 =	srdreg.scid  }
0x2: {  	s4 =	stileid.u32;
	s1 =	rddreg [dreg:$0x0];
	s5 =	simm.s32 $0x0  }
0x3: {  	s15 =	simm.s32 $0x1;
	s16 =	simm.s32 $0x80;
	s17 =	simm.s32 $0x1000  }
0x4: {  	s28 =	simm.s32 $0x9;
	s29 =	simm.s32 $0xB;
	s30 =	simm.s32 $0x4  }
0x5: {  	s31 =	simm.s32 $0xA;
	s0 =	sand.u32 $0x1, s0;
	s3 =	smul.u32 $0x140, s4  }
0x6: {  	[smem:$0x7FF] =	sst s5;
	s18 =	smul.u32 $0x14000, s4;
	s4 =	sadd.s32 $0x3C00, s1  }
0x7: {  	s5 =	simm.s32 $0x18;
	s2 =	ssub.s32 $0x0, s0;
	_ =	strace $0x80000047  }
0x8: {  	s7 =	ssub.s32 $0x2, s0;
	p0 =	seq.s32 s0, $0x0;
	s2 =	sand.u32 $0xC0, s2  }
0x9: {  	s19 =	sshrl.u32 s7, $0x1;
	s5 =	simm.s32 @!p0 $0x10;
	s3 =	sadd.s32 s3, s2  }
0xa: {  	s7 =	ssub.s32 s7, s19;
	s21 =	sshll.u32 s2, $0x8;
	s19 =	simm.s32 $0x1100  }
0xb: {  	s2 =	simm.s32 $0x0;
	s3 =	sshll.u32 s3, $0x4;
	s23 =	smax.u32 s7, $0x1  }
0xc: {  	s6 =	sadd.s32 s3, s1;
	s3 =	sadd.s32 $0x2BC00, s1;
	s1 =	sadd.s32 s18, s1  }
0xd: {  	[dreg:$0x4] =	wrdreg s23;
	s18 =	simm.s32 $0x1200;
	s23 =	simm.s32 $0x5200  }
0xe: {  	s20 =	sadd.s32 $0x53C00, s6;
	s22 =	sadd.s32 $0x53C80, s6;
	s0 =	sadd.s32 s21, s1  }
0xf: {  	s24 =	sadd.s32 $0x53D80, s6;
	s25 =	sadd.s32 $0x53D00, s6;
	[dreg:$0x2] =	wrdreg s20  }
.Ltmp0:
0x10: {  	s26 =	sadd.s32 $0x53E00, s6;
	[dreg:$0x3] =	wrdreg s22;
	(pc) =	sbr.rel .LBB2_1-.Ltmp0, $4  }
0x11: {  	s21 =	simm.s32 $0x2;
	s1 =	simm.s32 $0xC;
	[dreg:$0x5] =	wrdreg s24  }
0x12: {  	s9 =	sadd.s32 $0x7BC00, s0;
	s10 =	sadd.s32 $0x1BBC00, s0;
	[dreg:$0x6] =	wrdreg s25  }
0x13: {  	[dreg:$0x7] =	wrdreg s26;
	s20 =	simm.s32 $0x9200;
	s22 =	simm.s32 $0x1080  }
0x14: {  	s24 =	simm.s32 $0x1180;
	s25 =	simm.s32 $0xD200;
	s26 =	simm.s32 $0x3  }
.LBB2_5:
0x15: {  	_ =	swait.ge [sflag:s28], $0x4000  }
0x16: {  	[sflag:s28] =	ssyncset.done $0x0  }
0x17: {  	[sflag:s28] =	ssyncadd.s32 $0xFFFFC000  }
0x18: {  	_ =	swait.ge [sflag:s29], $0x4000  }
0x19: {  	[sflag:s29] =	ssyncset.done $0x0  }
0x1a: {  	[sflag:s29] =	ssyncadd.s32 $0xFFFFC000  }
0x1b: {  	_ =	swait.ge [sflag:s31], $0x4000  }
0x1c: {  	[sflag:s31] =	ssyncset.done $0x0  }
0x1d: {  	[sflag:s31] =	ssyncadd.s32 $0xFFFFC000  }
0x1e: {  	_ =	swait.ge [sflag:s1], $0x4000  }
0x1f: {  	s2 =	rddreg [dreg:$0x8]  }
0x20: {  	s0 =	rddreg [dreg:$0x4];
	s2 =	sadd.s32 $0x1, s2  }
0x21: {  	p0 =	sne.s32 s2, s0  }
.Ltmp1:
0x22: {  	_ = 	snop;
	(pc) =	sbr.rel @!p0 .LBB2_6-.Ltmp1, $3  }
0x23: {  	_ =	sdelay $0x1  }
0x24: {  	[sflag:s1] =	ssyncset.done $0x0  }
0x25: {  	[sflag:s1] =	ssyncadd.s32 $0xFFFFC000  }
.LBB2_1:
0x26: {  	[dreg:$0x8] =	wrdreg s2  }
0x27: {  	s0 =	simm.s32 $0x0;
	s13 =	rddreg [dreg:$0x2]  }
0x28: {  	[tilespmem:s0], [sflag:$0x1] =	stream.linear.gather [hbm4b:s13+s0], $0x400, $0x38;
	[tilespmem:$0x11200] =	vst v63  }
0x29: {  	s14 =	rddreg [dreg:$0x3];
	s6 =	simm.s32 $0x400  }
0x2a: {  	[tilespmem:s6], [sflag:$0x2] =	stream.linear.gather [hbm4b:s14+s0], $0x400, $0x38;
	[tilespmem:$0x11200] =	vst v63  }
0x2b: {  	_ =	swait.ge [sflag:s15], $0x400  }
0x2c: {  	[sflag:s15] =	ssyncset.done $0x0  }
0x2d: {  	[sflag:s15] =	ssyncadd.s32 $0xFFFFFC00  }
0x2e: {  	v0 =	vld [tilespmem:$0x0]  }
0x2f: {  	v1 =	vld [tilespmem:$0x10]  }
0x30: {  	v2 =	vld [tilespmem:$0x80]  }
0x31: {  	v3 =	vld [tilespmem:$0x90]  }
0x32: {  	v4 =	vld [tilespmem:$0x100]  }
0x33: {  	v5 =	vld [tilespmem:$0x110]  }
0x34: {  	v51 =	vld [tilespmem:$0x180];
	(xrf1) =	vsort.ascd.msk.f32 $0xffff, v0, v1  }
0x35: {  	v6 =	vld [tilespmem:$0x190]  }
0x36: {  	v52 =	vld [tilespmem:$0x200]  }
0x37: {  	v7 =	vld [tilespmem:$0x210]  }
0x38: {  	v53 =	vld [tilespmem:$0x280]  }
0x39: {  	v8 =	vld [tilespmem:$0x290]  }
0x3a: {  	v54 =	vld [tilespmem:$0x300]  }
0x3b: {  	v9 =	vld [tilespmem:$0x310]  }
0x3c: {  	v55 =	vld [tilespmem:$0x380];
	(xrf1) =	vsort.ascd.msk.f32 $0xffff, v2, v3  }
0x3d: {  	v10 =	vld [tilespmem:$0x390];
	(xrf1) =	vsort.ascd.msk.f32 $0xffff, v4, v5  }
0x3e: {  	(xrf1) =	vsort.ascd.msk.f32 $0xffff, v51, v6  }
0x3f: {  	(xrf1) =	vsort.ascd.msk.f32 $0xffff, v52, v7  }
0x40: {  	(xrf1) =	vsort.ascd.msk.f32 $0xffff, v53, v8  }
0x41: {  	(xrf1) =	vsort.ascd.msk.f32 $0xffff, v54, v9  }
0x42: {  	[tilespmem:$0x1100] =	vst v1;
	_, v56, _ =	vpop (xrf1);
	(xrf1) =	vsort.ascd.msk.f32 $0xffff, v55, v10  }
0x43: {  	[tilespmem:$0x1110] =	vst v3  }
0x44: {  	[tilespmem:$0x1120] =	vst v5  }
0x45: {  	[tilespmem:$0x1130] =	vst v6  }
0x46: {  	[tilespmem:$0x1140] =	vst v7  }
0x47: {  	[tilespmem:$0x1150] =	vst v8  }
0x48: {  	[tilespmem:$0x1160] =	vst v9  }
0x49: {  	[tilespmem:$0x1170] =	vst v10  }
0x4a: {  	[tilespmem:$0x1000] =	vst v56;
	_, v57, _ =	vpop (xrf1)  }
0x4b: {  	[tilespmem:$0x1010] =	vst v57;
	_, v58, _ =	vpop (xrf1)  }
0x4c: {  	[tilespmem:$0x1020] =	vst v58;
	_, v59, _ =	vpop (xrf1)  }
0x4d: {  	[tilespmem:$0x1030] =	vst v59;
	_, v60, _ =	vpop (xrf1)  }
0x4e: {  	[tilespmem:$0x1040] =	vst v60;
	_, v61, _ =	vpop (xrf1)  }
0x4f: {  	[tilespmem:$0x1050] =	vst v61;
	_, v62, _ =	vpop (xrf1)  }
.Ltmp2:
0x50: {  	s13 =	rddreg [dreg:$0x7];
	[tilespmem:$0x1060] =	vst v62;
	_, v63, _ =	vpop (xrf1);
	(pc) =	sbr.rel .LBB2_2-.Ltmp2, $4  }
0x51: {  	s12 =	rddreg [dreg:$0x6];
	[tilespmem:$0x1070] =	vst v63  }
0x52: {  	[tilespmem:s18], [sflag:$0x5] =	stream.indirect.gather [hbm4b:s3+s16], $0x80, s17, s16, $0xb8;
	[tilespmem:$0x11200] =	vst v63  }
0x53: {  	s8 =	simm.s32 $0x0;
	s7 =	simm.s32 $0x0;
	s11 =	rddreg [dreg:$0x5]  }
0x54: {  	[tilespmem:s20], [sflag:$0x7] =	stream.indirect.gather [hbm4b:s4+s16], $0x80, s19, s16, $0xb8;
	[tilespmem:$0x11200] =	vst v63  }
.LBB2_4:
0x55: {  	p1 =	sge.u32 s8, s5  }
0x56: {  	s2 =	simm.s32 @!p1 $0x5  }
0x57: {  	_ =	swait.ge @!p1 [sflag:s2], $0x4000  }
0x58: {  	[sflag:s2] =	ssyncset.done @!p1 $0x0  }
0x59: {  	[sflag:s2] =	ssyncadd.s32 @!p1 $0xFFFFC000;
	s2 =	simm.s32 @!p1 $0x7  }
0x5a: {  	_ =	swait.ge @!p1 [sflag:s2], $0x4000  }
0x5b: {  	s6 =	simm.s32 @!p1 $0x0;
	[sflag:s2] =	ssyncset.done @!p1 $0x0  }
0x5c: {  	s14 =	simm.s32 @!p1 $0x1200;
	[sflag:s2] =	ssyncadd.s32 @!p1 $0xFFFFC000;
	s2 =	sadd.s32 @!p1 s7, s9  }
0x5d: {  	[hbm4b:s2+s6] =	stream.linear.scatter @!p1 [tilespmem:s14], [sflag:$0x9], $0x4000, $0x38;
	[tilespmem:$0x11200] =	vst v63  }
0x5e: {  	s2 =	sadd.s32 @!p1 s7, s10;
	s14 =	simm.s32 @!p1 $0x9200  }
0x5f: {  	[hbm4b:s2+s6] =	stream.linear.scatter @!p1 [tilespmem:s14], [sflag:$0xB], $0x4000, $0x38;
	[tilespmem:$0x11200] =	vst v63  }
0x60: {  	s6 =	sadd.s32 $0x3, s8  }
0x61: {  	p1 =	sge.u32 s6, s5  }
0x62: {  	s2 =	simm.s32 @!p1 $0x0;
	s6 =	simm.s32 @!p1 $0xC00  }
0x63: {  	[tilespmem:s6], [sflag:$0x4] =	stream.linear.gather @!p1 [hbm4b:s11+s2], $0x400, $0x38;
	[tilespmem:$0x11200] =	vst v63  }
0x64: {  	_ =	swait.ge @!p0 [sflag:s26], $0x400  }
0x65: {  	[sflag:s26] =	ssyncset.done @!p0 $0x0  }
0x66: {  	[sflag:s26] =	ssyncadd.s32 @!p0 $0xFFFFFC00  }
0x67: {  	v0 =	vld @!p0 [tilespmem:$0x800]  }
0x68: {  	v1 =	vld @!p0 [tilespmem:$0x810]  }
0x69: {  	v2 =	vld @!p0 [tilespmem:$0x880]  }
0x6a: {  	v3 =	vld @!p0 [tilespmem:$0x890]  }
0x6b: {  	v4 =	vld @!p0 [tilespmem:$0x900]  }
0x6c: {  	v5 =	vld @!p0 [tilespmem:$0x910]  }
0x6d: {  	v6 =	vld @!p0 [tilespmem:$0x990];
	(xrf1) =	vsort.ascd.msk.f32 @!p0 $0xffff, v0, v1  }
0x6e: {  	v7 =	vld @!p0 [tilespmem:$0xA10]  }
0x6f: {  	v8 =	vld @!p0 [tilespmem:$0xA90]  }
0x70: {  	v0 =	vld @!p0 [tilespmem:$0x980]  }
0x71: {  	(xrf1) =	vsort.ascd.msk.f32 @!p0 $0xffff, v2, v3;
	v2 =	vld @!p0 [tilespmem:$0xA00]  }
0x72: {  	v9 =	vld @!p0 [tilespmem:$0xB10]  }
0x73: {  	v10 =	vld @!p0 [tilespmem:$0xB90]  }
0x74: {  	(xrf1) =	vsort.ascd.msk.f32 @!p0 $0xffff, v4, v5;
	v4 =	vld @!p0 [tilespmem:$0xA80]  }
0x75: {  	(xrf1) =	vsort.ascd.msk.f32 @!p0 $0xffff, v0, v6;
	v0 =	vld @!p0 [tilespmem:$0xB00]  }
0x76: {  	(xrf1) =	vsort.ascd.msk.f32 @!p0 $0xffff, v2, v7;
	v2 =	vld @!p0 [tilespmem:$0xB80];
	_ =	sdelay $0x2  }
0x77: {  	(xrf1) =	vsort.ascd.msk.f32 @!p0 $0xffff, v4, v8  }
0x78: {  	(xrf1) =	vsort.ascd.msk.f32 @!p0 $0xffff, v0, v9  }
0x79: {  	[tilespmem:$0x1100] =	vst @!p0 v1;
	_, v0, _ =	vpop @!p0 (xrf1);
	(xrf1) =	vsort.ascd.msk.f32 @!p0 $0xffff, v2, v10  }
0x7a: {  	[tilespmem:$0x1110] =	vst @!p0 v3  }
0x7b: {  	[tilespmem:$0x1120] =	vst @!p0 v5  }
0x7c: {  	[tilespmem:$0x1130] =	vst @!p0 v6  }
0x7d: {  	[tilespmem:$0x1140] =	vst @!p0 v7  }
0x7e: {  	[tilespmem:$0x1150] =	vst @!p0 v8  }
0x7f: {  	[tilespmem:$0x1160] =	vst @!p0 v9  }
0x80: {  	[tilespmem:$0x1170] =	vst @!p0 v10  }
0x81: {  	[tilespmem:$0x1000] =	vst @!p0 v0;
	_, v0, _ =	vpop @!p0 (xrf1)  }
0x82: {  	[tilespmem:$0x1010] =	vst @!p0 v0;
	_, v0, _ =	vpop @!p0 (xrf1)  }
0x83: {  	[tilespmem:$0x1020] =	vst @!p0 v0;
	_, v0, _ =	vpop @!p0 (xrf1)  }
0x84: {  	[tilespmem:$0x1030] =	vst @!p0 v0;
	_, v0, _ =	vpop @!p0 (xrf1)  }
0x85: {  	[tilespmem:$0x1040] =	vst @!p0 v0;
	_, v0, _ =	vpop @!p0 (xrf1)  }
0x86: {  	[tilespmem:$0x1050] =	vst @!p0 v0;
	_, v0, _ =	vpop @!p0 (xrf1)  }
0x87: {  	[tilespmem:$0x1060] =	vst @!p0 v0;
	_, v0, _ =	vpop @!p0 (xrf1)  }
0x88: {  	[tilespmem:$0x1070] =	vst @!p0 v0  }
0x89: {  	_ =	swait.ge @!p0 [sflag:s28], $0x4000  }
0x8a: {  	[sflag:s28] =	ssyncset.done @!p0 $0x0  }
0x8b: {  	[sflag:s28] =	ssyncadd.s32 @!p0 $0xFFFFC000  }
0x8c: {  	_ =	swait.ge @!p0 [sflag:s29], $0x4000  }
0x8d: {  	[sflag:s29] =	ssyncset.done @!p0 $0x0  }
0x8e: {  	[sflag:s29] =	ssyncadd.s32 @!p0 $0xFFFFC000  }
0x8f: {  	[tilespmem:s18], [sflag:$0x5] =	stream.indirect.gather @!p0 [hbm4b:s3+s16], $0x80, s17, s16, $0xb8;
	[tilespmem:$0x11200] =	vst v63  }
0x90: {  	s2 =	simm.s32 @!p2 $0x6  }
0x91: {  	[tilespmem:s20], [sflag:$0x7] =	stream.indirect.gather @!p0 [hbm4b:s4+s16], $0x80, s19, s16, $0xb8;
	[tilespmem:$0x11200] =	vst v63  }
0x92: {  	_ =	swait.ge @!p2 [sflag:s2], $0x4000  }
0x93: {  	[sflag:s2] =	ssyncset.done @!p2 $0x0  }
0x94: {  	[sflag:s2] =	ssyncadd.s32 @!p2 $0xFFFFC000;
	s2 =	simm.s32 @!p2 $0x8  }
0x95: {  	_ =	swait.ge @!p2 [sflag:s2], $0x4000  }
0x96: {  	[sflag:s2] =	ssyncset.done @!p2 $0x0  }
0x97: {  	[sflag:s2] =	ssyncadd.s32 @!p2 $0xFFFFC000;
	s2 =	sadd.s32 @!p2 s7, s9  }
0x98: {  	s14 =	simm.s32 @!p2 $0x5200;
	s6 =	simm.s32 @!p2 $0x0;
	s2 =	sadd.s32 @!p2 $0x800, s2  }
0x99: {  	[hbm4b:s2+s6] =	stream.linear.scatter @!p2 [tilespmem:s14], [sflag:$0xA], $0x4000, $0x38;
	[tilespmem:$0x11200] =	vst v63  }
0x9a: {  	s2 =	sadd.s32 @!p2 s7, s10  }
0x9b: {  	s14 =	simm.s32 @!p2 $0xD200;
	s2 =	sadd.s32 @!p2 $0x800, s2  }
0x9c: {  	[hbm4b:s2+s6] =	stream.linear.scatter @!p2 [tilespmem:s14], [sflag:$0xC], $0x4000, $0x38;
	[tilespmem:$0x11200] =	vst v63  }
0x9d: {  	s6 =	sadd.s32 $0x4, s8  }
0x9e: {  	p2 =	sge.u32 s6, s5  }
0x9f: {  	s2 =	simm.s32 @!p2 $0x0  }
0xa0: {  	[tilespmem:s2], [sflag:$0x1] =	stream.linear.gather @!p2 [hbm4b:s13+s2], $0x400, $0x38;
	[tilespmem:$0x11200] =	vst v63  }
0xa1: {  	_ =	swait.ge @!p1 [sflag:s30], $0x400  }
0xa2: {  	[sflag:s30] =	ssyncset.done @!p1 $0x0  }
0xa3: {  	[sflag:s30] =	ssyncadd.s32 @!p1 $0xFFFFFC00  }
0xa4: {  	v0 =	vld @!p1 [tilespmem:$0xC00]  }
0xa5: {  	v1 =	vld @!p1 [tilespmem:$0xC10]  }
0xa6: {  	v2 =	vld @!p1 [tilespmem:$0xC80]  }
0xa7: {  	v3 =	vld @!p1 [tilespmem:$0xC90]  }
0xa8: {  	v4 =	vld @!p1 [tilespmem:$0xD00]  }
0xa9: {  	v5 =	vld @!p1 [tilespmem:$0xD10]  }
0xaa: {  	v6 =	vld @!p1 [tilespmem:$0xD90];
	(xrf1) =	vsort.ascd.msk.f32 @!p1 $0xffff, v0, v1  }
0xab: {  	v7 =	vld @!p1 [tilespmem:$0xE10]  }
0xac: {  	v8 =	vld @!p1 [tilespmem:$0xE90]  }
0xad: {  	v0 =	vld @!p1 [tilespmem:$0xD80]  }
0xae: {  	(xrf1) =	vsort.ascd.msk.f32 @!p1 $0xffff, v2, v3;
	v2 =	vld @!p1 [tilespmem:$0xE00]  }
0xaf: {  	v9 =	vld @!p1 [tilespmem:$0xF10]  }
0xb0: {  	v10 =	vld @!p1 [tilespmem:$0xF90]  }
0xb1: {  	(xrf1) =	vsort.ascd.msk.f32 @!p1 $0xffff, v4, v5;
	v4 =	vld @!p1 [tilespmem:$0xE80]  }
0xb2: {  	(xrf1) =	vsort.ascd.msk.f32 @!p1 $0xffff, v0, v6;
	v0 =	vld @!p1 [tilespmem:$0xF00]  }
0xb3: {  	(xrf1) =	vsort.ascd.msk.f32 @!p1 $0xffff, v2, v7;
	v2 =	vld @!p1 [tilespmem:$0xF80];
	_ =	sdelay $0x2  }
0xb4: {  	(xrf1) =	vsort.ascd.msk.f32 @!p1 $0xffff, v4, v8  }
0xb5: {  	(xrf1) =	vsort.ascd.msk.f32 @!p1 $0xffff, v0, v9  }
0xb6: {  	[tilespmem:$0x1180] =	vst @!p1 v1;
	_, v0, _ =	vpop @!p1 (xrf1);
	(xrf1) =	vsort.ascd.msk.f32 @!p1 $0xffff, v2, v10  }
0xb7: {  	[tilespmem:$0x1190] =	vst @!p1 v3  }
0xb8: {  	[tilespmem:$0x11A0] =	vst @!p1 v5  }
0xb9: {  	[tilespmem:$0x11B0] =	vst @!p1 v6  }
0xba: {  	[tilespmem:$0x11C0] =	vst @!p1 v7  }
0xbb: {  	[tilespmem:$0x11D0] =	vst @!p1 v8  }
0xbc: {  	[tilespmem:$0x11E0] =	vst @!p1 v9  }
0xbd: {  	[tilespmem:$0x11F0] =	vst @!p1 v10  }
0xbe: {  	[tilespmem:$0x1080] =	vst @!p1 v0;
	_, v0, _ =	vpop @!p1 (xrf1)  }
0xbf: {  	[tilespmem:$0x1090] =	vst @!p1 v0;
	_, v0, _ =	vpop @!p1 (xrf1)  }
0xc0: {  	[tilespmem:$0x10A0] =	vst @!p1 v0;
	_, v0, _ =	vpop @!p1 (xrf1)  }
0xc1: {  	[tilespmem:$0x10B0] =	vst @!p1 v0;
	_, v0, _ =	vpop @!p1 (xrf1)  }
0xc2: {  	[tilespmem:$0x10C0] =	vst @!p1 v0;
	_, v0, _ =	vpop @!p1 (xrf1)  }
0xc3: {  	[tilespmem:$0x10D0] =	vst @!p1 v0;
	_, v0, _ =	vpop @!p1 (xrf1)  }
0xc4: {  	[tilespmem:$0x10E0] =	vst @!p1 v0;
	_, v0, _ =	vpop @!p1 (xrf1)  }
0xc5: {  	[tilespmem:$0x10F0] =	vst @!p1 v0  }
0xc6: {  	_ =	swait.ge @!p1 [sflag:s31], $0x4000  }
0xc7: {  	[sflag:s31] =	ssyncset.done @!p1 $0x0  }
0xc8: {  	[sflag:s31] =	ssyncadd.s32 @!p1 $0xFFFFC000  }
0xc9: {  	_ =	swait.ge @!p1 [sflag:s1], $0x4000  }
0xca: {  	[sflag:s1] =	ssyncset.done @!p1 $0x0  }
0xcb: {  	[sflag:s1] =	ssyncadd.s32 @!p1 $0xFFFFC000  }
0xcc: {  	[tilespmem:s23], [sflag:$0x6] =	stream.indirect.gather @!p1 [hbm4b:s3+s16], $0x80, s22, s16, $0xb8;
	[tilespmem:$0x11200] =	vst v63  }
0xcd: {  	s2 =	simm.s32 @!p0 $0x5  }
0xce: {  	[tilespmem:s25], [sflag:$0x8] =	stream.indirect.gather @!p1 [hbm4b:s4+s16], $0x80, s24, s16, $0xb8;
	[tilespmem:$0x11200] =	vst v63  }
0xcf: {  	_ =	swait.ge @!p0 [sflag:s2], $0x4000  }
0xd0: {  	[sflag:s2] =	ssyncset.done @!p0 $0x0  }
0xd1: {  	[sflag:s2] =	ssyncadd.s32 @!p0 $0xFFFFC000;
	s2 =	simm.s32 @!p0 $0x7  }
0xd2: {  	_ =	swait.ge @!p0 [sflag:s2], $0x4000  }
0xd3: {  	[sflag:s2] =	ssyncset.done @!p0 $0x0  }
0xd4: {  	[sflag:s2] =	ssyncadd.s32 @!p0 $0xFFFFC000;
	s2 =	sadd.s32 @!p0 s7, s9  }
0xd5: {  	s0 =	simm.s32 @!p0 $0x1200;
	s14 =	simm.s32 @!p0 $0x0;
	s2 =	sadd.s32 @!p0 $0x1000, s2  }
0xd6: {  	[hbm4b:s2+s14] =	stream.linear.scatter @!p0 [tilespmem:s0], [sflag:$0x9], $0x4000, $0x38;
	[tilespmem:$0x11200] =	vst v63  }
0xd7: {  	s0 =	sadd.s32 @!p0 s7, s10  }
0xd8: {  	s2 =	simm.s32 @!p0 $0x9200;
	s0 =	sadd.s32 @!p0 $0x1000, s0  }
0xd9: {  	[hbm4b:s0+s14] =	stream.linear.scatter @!p0 [tilespmem:s2], [sflag:$0xB], $0x4000, $0x38;
	[tilespmem:$0x11200] =	vst v63  }
0xda: {  	s14 =	sadd.s32 $0x5, s8  }
0xdb: {  	p0 =	sge.u32 s14, s5  }
0xdc: {  	s0 =	sadd.s32 @!p0 $0x100, s11;
	s2 =	simm.s32 @!p0 $0x0;
	s8 =	simm.s32 @!p0 $0x400  }
0xdd: {  	[tilespmem:s8], [sflag:$0x2] =	stream.linear.gather @!p0 [hbm4b:s0+s2], $0x400, $0x38;
	[tilespmem:$0x11200] =	vst v63  }
0xde: {  	_ =	swait.ge @!p2 [sflag:s15], $0x400  }
0xdf: {  	[sflag:s15] =	ssyncset.done @!p2 $0x0  }
0xe0: {  	[sflag:s15] =	ssyncadd.s32 @!p2 $0xFFFFFC00  }
0xe1: {  	v0 =	vld @!p2 [tilespmem:$0x0]  }
0xe2: {  	v1 =	vld @!p2 [tilespmem:$0x10]  }
0xe3: {  	v2 =	vld @!p2 [tilespmem:$0x80]  }
0xe4: {  	v3 =	vld @!p2 [tilespmem:$0x90]  }
0xe5: {  	v4 =	vld @!p2 [tilespmem:$0x100]  }
0xe6: {  	v5 =	vld @!p2 [tilespmem:$0x110]  }
0xe7: {  	v6 =	vld @!p2 [tilespmem:$0x190];
	(xrf1) =	vsort.ascd.msk.f32 @!p2 $0xffff, v0, v1  }
0xe8: {  	v7 =	vld @!p2 [tilespmem:$0x210]  }
0xe9: {  	v8 =	vld @!p2 [tilespmem:$0x290]  }
0xea: {  	v0 =	vld @!p2 [tilespmem:$0x180]  }
0xeb: {  	(xrf1) =	vsort.ascd.msk.f32 @!p2 $0xffff, v2, v3;
	v2 =	vld @!p2 [tilespmem:$0x200]  }
0xec: {  	v9 =	vld @!p2 [tilespmem:$0x310]  }
0xed: {  	v10 =	vld @!p2 [tilespmem:$0x390]  }
0xee: {  	(xrf1) =	vsort.ascd.msk.f32 @!p2 $0xffff, v4, v5;
	v4 =	vld @!p2 [tilespmem:$0x280]  }
0xef: {  	(xrf1) =	vsort.ascd.msk.f32 @!p2 $0xffff, v0, v6;
	v0 =	vld @!p2 [tilespmem:$0x300]  }
0xf0: {  	(xrf1) =	vsort.ascd.msk.f32 @!p2 $0xffff, v2, v7;
	v2 =	vld @!p2 [tilespmem:$0x380];
	_ =	sdelay $0x2  }
0xf1: {  	(xrf1) =	vsort.ascd.msk.f32 @!p2 $0xffff, v4, v8  }
0xf2: {  	(xrf1) =	vsort.ascd.msk.f32 @!p2 $0xffff, v0, v9  }
0xf3: {  	[tilespmem:$0x1100] =	vst @!p2 v1;
	_, v0, _ =	vpop @!p2 (xrf1);
	(xrf1) =	vsort.ascd.msk.f32 @!p2 $0xffff, v2, v10  }
0xf4: {  	[tilespmem:$0x1110] =	vst @!p2 v3  }
0xf5: {  	[tilespmem:$0x1120] =	vst @!p2 v5  }
0xf6: {  	[tilespmem:$0x1130] =	vst @!p2 v6  }
0xf7: {  	[tilespmem:$0x1140] =	vst @!p2 v7  }
0xf8: {  	[tilespmem:$0x1150] =	vst @!p2 v8  }
0xf9: {  	[tilespmem:$0x1160] =	vst @!p2 v9  }
0xfa: {  	[tilespmem:$0x1170] =	vst @!p2 v10  }
0xfb: {  	[tilespmem:$0x1000] =	vst @!p2 v0;
	_, v0, _ =	vpop @!p2 (xrf1)  }
0xfc: {  	[tilespmem:$0x1010] =	vst @!p2 v0;
	_, v0, _ =	vpop @!p2 (xrf1)  }
0xfd: {  	[tilespmem:$0x1020] =	vst @!p2 v0;
	_, v0, _ =	vpop @!p2 (xrf1)  }
0xfe: {  	[tilespmem:$0x1030] =	vst @!p2 v0;
	_, v0, _ =	vpop @!p2 (xrf1)  }
0xff: {  	[tilespmem:$0x1040] =	vst @!p2 v0;
	_, v0, _ =	vpop @!p2 (xrf1)  }
0x100: {  	[tilespmem:$0x1050] =	vst @!p2 v0;
	_, v0, _ =	vpop @!p2 (xrf1)  }
0x101: {  	[tilespmem:$0x1060] =	vst @!p2 v0;
	_, v0, _ =	vpop @!p2 (xrf1)  }
0x102: {  	[tilespmem:$0x1070] =	vst @!p2 v0  }
0x103: {  	_ =	swait.ge @!p2 [sflag:s28], $0x4000  }
0x104: {  	[sflag:s28] =	ssyncset.done @!p2 $0x0  }
0x105: {  	[sflag:s28] =	ssyncadd.s32 @!p2 $0xFFFFC000  }
0x106: {  	_ =	swait.ge @!p2 [sflag:s29], $0x4000  }
0x107: {  	[sflag:s29] =	ssyncset.done @!p2 $0x0  }
0x108: {  	[sflag:s29] =	ssyncadd.s32 @!p2 $0xFFFFC000  }
0x109: {  	[tilespmem:s18], [sflag:$0x5] =	stream.indirect.gather @!p2 [hbm4b:s3+s16], $0x80, s17, s16, $0xb8;
	[tilespmem:$0x11200] =	vst v63  }
0x10a: {  	s0 =	simm.s32 @!p1 $0x6  }
0x10b: {  	[tilespmem:s20], [sflag:$0x7] =	stream.indirect.gather @!p2 [hbm4b:s4+s16], $0x80, s19, s16, $0xb8;
	[tilespmem:$0x11200] =	vst v63  }
0x10c: {  	_ =	swait.ge @!p1 [sflag:s0], $0x4000  }
0x10d: {  	[sflag:s0] =	ssyncset.done @!p1 $0x0  }
0x10e: {  	[sflag:s0] =	ssyncadd.s32 @!p1 $0xFFFFC000;
	s0 =	simm.s32 @!p1 $0x8  }
0x10f: {  	_ =	swait.ge @!p1 [sflag:s0], $0x4000  }
0x110: {  	[sflag:s0] =	ssyncset.done @!p1 $0x0  }
0x111: {  	[sflag:s0] =	ssyncadd.s32 @!p1 $0xFFFFC000;
	s0 =	sadd.s32 @!p1 s7, s9  }
0x112: {  	s2 =	simm.s32 @!p1 $0x0;
	s8 =	simm.s32 @!p1 $0x5200;
	s0 =	sadd.s32 @!p1 $0x1800, s0  }
0x113: {  	[hbm4b:s0+s2] =	stream.linear.scatter @!p1 [tilespmem:s8], [sflag:$0xA], $0x4000, $0x38;
	[tilespmem:$0x11200] =	vst v63  }
0x114: {  	s0 =	sadd.s32 @!p1 s7, s10;
	s7 =	sadd.s32 $0x2000, s7  }
0x115: {  	p0 =	sne.s32 s7, $0xC000  }
.Ltmp3:
0x116: {  	_ = 	snop;
	(pc) =	sbr.rel @!p0 .LBB2_5-.Ltmp3, $4  }
0x117: {  	_ = 	snop  }
0x118: {  	s12 =	sadd.s32 $0x200, s12;
	s8 =	simm.s32 @!p1 $0xD200;
	s0 =	sadd.s32 @!p1 $0x1800, s0  }
0x119: {  	[hbm4b:s0+s2] =	stream.linear.scatter @!p1 [tilespmem:s8], [sflag:$0xC], $0x4000, $0x38;
	[tilespmem:$0x11200] =	vst v63  }
0x11a: {  	s13 =	sadd.s32 $0x200, s13;
	s11 =	sadd.s32 $0x200, s11;
	s8 =	smov.u32 s6  }
.LBB2_2:
0x11b: {  	s14 =	sadd.s32 $0x1, s8  }
0x11c: {  	p2 =	sge.u32 s14, s5  }
.Ltmp4:
0x11d: {  	_ = 	snop;
	(pc) =	sbr.rel @p2 .LBB2_4-.Ltmp4, $4  }
0x11e: {  	s6 =	sadd.s32 $0x2, s8  }
0x11f: {  	p0 =	sge.u32 s6, s5  }
0x120: {  	s6 =	simm.s32 @!p0 $0x0;
	s2 =	simm.s32 @!p0 $0x800  }
0x121: {  	[tilespmem:s2], [sflag:$0x3] =	stream.linear.gather @!p0 [hbm4b:s12+s6], $0x400, $0x38;
	[tilespmem:$0x11200] =	vst v63  }
0x122: {  	_ =	swait.ge [sflag:s21], $0x400  }
0x123: {  	[sflag:s21] =	ssyncset.done $0x0  }
0x124: {  	[sflag:s21] =	ssyncadd.s32 $0xFFFFFC00  }
0x125: {  	v0 =	vld [tilespmem:$0x400]  }
0x126: {  	v1 =	vld [tilespmem:$0x410]  }
0x127: {  	v2 =	vld [tilespmem:$0x480]  }
0x128: {  	v3 =	vld [tilespmem:$0x490]  }
0x129: {  	v4 =	vld [tilespmem:$0x500]  }
0x12a: {  	v5 =	vld [tilespmem:$0x510]  }
0x12b: {  	v51 =	vld [tilespmem:$0x580];
	(xrf1) =	vsort.ascd.msk.f32 $0xffff, v0, v1  }
0x12c: {  	v6 =	vld [tilespmem:$0x590]  }
0x12d: {  	v52 =	vld [tilespmem:$0x600]  }
0x12e: {  	v7 =	vld [tilespmem:$0x610]  }
0x12f: {  	v53 =	vld [tilespmem:$0x680]  }
0x130: {  	v8 =	vld [tilespmem:$0x690]  }
0x131: {  	v54 =	vld [tilespmem:$0x700]  }
0x132: {  	v9 =	vld [tilespmem:$0x710]  }
0x133: {  	v55 =	vld [tilespmem:$0x780];
	(xrf1) =	vsort.ascd.msk.f32 $0xffff, v2, v3  }
0x134: {  	v10 =	vld [tilespmem:$0x790];
	(xrf1) =	vsort.ascd.msk.f32 $0xffff, v4, v5  }
0x135: {  	(xrf1) =	vsort.ascd.msk.f32 $0xffff, v51, v6  }
0x136: {  	(xrf1) =	vsort.ascd.msk.f32 $0xffff, v52, v7  }
0x137: {  	(xrf1) =	vsort.ascd.msk.f32 $0xffff, v53, v8  }
0x138: {  	(xrf1) =	vsort.ascd.msk.f32 $0xffff, v54, v9  }
0x139: {  	[tilespmem:$0x1180] =	vst v1;
	_, v56, _ =	vpop (xrf1);
	(xrf1) =	vsort.ascd.msk.f32 $0xffff, v55, v10  }
0x13a: {  	[tilespmem:$0x1190] =	vst v3  }
0x13b: {  	[tilespmem:$0x11A0] =	vst v5  }
0x13c: {  	[tilespmem:$0x11B0] =	vst v6  }
0x13d: {  	[tilespmem:$0x11C0] =	vst v7  }
0x13e: {  	[tilespmem:$0x11D0] =	vst v8  }
0x13f: {  	[tilespmem:$0x11E0] =	vst v9  }
0x140: {  	[tilespmem:$0x11F0] =	vst v10  }
0x141: {  	[tilespmem:$0x1080] =	vst v56;
	_, v57, _ =	vpop (xrf1)  }
0x142: {  	[tilespmem:$0x1090] =	vst v57;
	_, v58, _ =	vpop (xrf1)  }
0x143: {  	[tilespmem:$0x10A0] =	vst v58;
	_, v59, _ =	vpop (xrf1)  }
0x144: {  	[tilespmem:$0x10B0] =	vst v59;
	_, v60, _ =	vpop (xrf1)  }
0x145: {  	[tilespmem:$0x10C0] =	vst v60;
	_, v61, _ =	vpop (xrf1)  }
0x146: {  	[tilespmem:$0x10D0] =	vst v61;
	_, v62, _ =	vpop (xrf1)  }
0x147: {  	p1 =	seq.s32 s7, $0x0;
	[tilespmem:$0x10E0] =	vst v62;
	_, v63, _ =	vpop (xrf1)  }
0x148: {  	s2 =	simm.s32 @!p1 $0xA;
	[tilespmem:$0x10F0] =	vst v63  }
0x149: {  	_ =	swait.ge @!p1 [sflag:s2], $0x4000  }
0x14a: {  	[sflag:s2] =	ssyncset.done @!p1 $0x0  }
0x14b: {  	[sflag:s2] =	ssyncadd.s32 @!p1 $0xFFFFC000;
	s2 =	simm.s32 @!p1 $0xC  }
0x14c: {  	_ =	swait.ge @!p1 [sflag:s2], $0x4000  }
.Ltmp5:
0x14d: {  	[sflag:s2] =	ssyncset.done @!p1 $0x0;
	(pc) =	sbr.rel .LBB2_4-.Ltmp5, $4  }
0x14e: {  	[sflag:s2] =	ssyncadd.s32 @!p1 $0xFFFFC000  }
0x14f: {  	[tilespmem:s23], [sflag:$0x6] =	stream.indirect.gather [hbm4b:s3+s16], $0x80, s22, s16, $0xb8;
	[tilespmem:$0x11200] =	vst v63  }
0x150: {  	_ = 	snop  }
0x151: {  	[tilespmem:s25], [sflag:$0x8] =	stream.indirect.gather [hbm4b:s4+s16], $0x80, s24, s16, $0xb8;
	[tilespmem:$0x11200] =	vst v63  }
.LBB2_6:
0x152: {  	_ =	sfence.sel $0x180000  }
0x153: {  	[bflag:$0x0] =	sbarrier.arrive $0xFFFF  }
0x154: {  	_ =	strace $0x90000047  }
0x155: {  	s0 =	stileid.u32;
	[bflag:$0x2] =	sbarrier.arrive $0xFFFF  }
0x156: {  	p0 =	sne.s32 s0, $0x0;
	s0 =	rddreg [dreg:$0x1]  }
0x157: {  	s0 =	sadd.s32 @!p0 $0x100000, s0  }
0x158: {  	[sflag:s0] =	ssyncadd.tile.s32 @!p0 $0x1;
	_ =	shalt  }
.Lfunc_end2:
_tile_overlayer_lowered:
.L_overlay_start_2:
0x159: {  	(tag) =	ssettag $0x2  }
0x15a: {  	s0 =	rddreg [dreg:$0x0];
	s2 =	stileid.u32  }
0x15b: {  	s1 =	rddreg [dreg:$0x1];
	p0 =	sne.s32 s2, $0x0  }
0x15c: {  	s3 =	rddreg [dreg:$0x2];
	[bflag:$0x3] =	sbarrier.arrive $0xFFFF;
	s2 =	simm.s32 @!p0 $0x1C0D  }
0x15d: {  	[timem:s3], [sflag:s2] =	dma.local @!p0 [hbm:s0], s1  }
0x15e: {  	s0 =	simm.s32 @!p0 $0xD  }
0x15f: {  	_ =	swait.ge @!p0 [sflag:s0], s1  }
0x160: {  	s1 =	ssub.s32 @!p0 $0x0, s1;
	[sflag:s0] =	ssyncset.done @!p0 $0x0  }
0x161: {  	[sflag:s0] =	ssyncadd.s32 @!p0 s1  }
0x162: {  	[bflag:$0x3] =	sbarrier.arrive $0xFFFF  }
0x163: {  	_ =	shalt  }

// kernel: _run.13.cloned.1.call-start
scs
__scs_entry_jumppad:
0x0: {  	(pc) =	sbr.rel $0x88, $3  }
0x1: {  	(tag) =	ssettag $0x0;
	lr =	simm.s32 $0x1  }
0x2: {  	[smem:$0x3F95] =	sst lr;
	_ =	strace $0xD0000000  }
0x3: {  	_ = 	snop  }
0x4: {  	_ = 	snop  }
0x5: {  	_ = 	snop  }
0x6: {  	_ = 	snop  }
0x7: {  	_ = 	snop  }
__scs_overlays_trampoline_lowered:
0x8: {  	[smem:$0x3FA4] =	sst s0  }
0x9: {  	[smem:$0x3FA5] =	sst s1  }
0xa: {  	[smem:$0x3FA6] =	sst s2  }
0xb: {  	[smem:$0x3FA7] =	sst s3  }
0xc: {  	[smem:$0x3FA8] =	sst s4  }
0xd: {  	[smem:$0x3FA9] =	sst s5  }
0xe: {  	[smem:$0x3FAA] =	sst s6  }
0xf: {  	[smem:$0x3FAB] =	sst s7  }
0x10: {  	[smem:$0x3FAC] =	sst s8  }
0x11: {  	[smem:$0x3FAD] =	sst s9;
	s0 =	simm.s32 @!p0 $0x0  }
0x12: {  	s1 =	sld [smem:$0x3F93];
	s0 =	simm.s32 @p0 $0x1  }
0x13: {  	[smem:$0x3FAE] =	sst s0;
	s0 =	simm.s32 @!p1 $0x0  }
0x14: {  	s2 =	sld [smem:$0x3F92];
	s0 =	simm.s32 @p1 $0x1  }
0x15: {  	[smem:$0x3FAF] =	sst s0;
	s0 =	simm.s32 @!p2 $0x0  }
0x16: {  	s3 =	sld [smem:$0x3FDB];
	s0 =	simm.s32 @p2 $0x1  }
0x17: {  	s4 =	simm.s32 $0x1BF5;
	[smem:$0x3FB1] =	sst s0  }
0x18: {  	s0 =	sld [smem:$0x3F94];
	_ =	swait.ge [sflag:s4], $0x0  }
0x19: {  	s7 =	sld [smem:$0x3F95]  }
0x1a: {  	s8 =	sadd.s32 $0xFFFFE003, lr  }
0x1b: {  	s9 =	sadd.s32 $0xFFFFFEF7, lr;
	s5 =	simm.s32 $0xFFFFFFFF;
	p2 =	slt.u32 s8, $0xFFFFF086  }
0x1c: {  	p1 =	slt.u32 s9, $0xF7A;
	s5 =	simm.s32 @!p2 $0x0  }
0x1d: {  	s5 =	simm.s32 @p1 $0x1;
	p0 =	seq.s32 s7, s2  }
0x1e: {  	s7 =	smul.u32 @!p0 $0xF7A, s2;
	p2 =	seq.s32 @!p0 s5, $0x0  }
0x1f: {  	s9 =	smul.u32 $0xF7A, s1;
	s8 =	simm.s32 @!p0 $0x1BF5;
	p2 =	por !p2, p0  }
0x20: {  	[sflag:s8] =	ssyncset.s32 @!p0 $0xFFFFF086;
	s6 =	sadd.s32 @!p0 s3, s7;
	s7 =	simm.s32 @!p0 $0x108  }
0x21: {  	s3 =	sadd.s32 s3, s9;
	s6 =	sadd.s32 @!p0 $0x88, s6;
	s7 =	simm.s32 @p2 $0x1082  }
0x22: {  	[simem:s7], [sflag:s8] =	dma.local @!p0 [hbm:s6], $0xF7A  }
0x23: {  	s9 =	sor.u32 $0xD0000000, s2;
	s6 =	simm.s32 $0x108;
	_ =	swait.ge @!p0 [sflag:s8], $0x0  }
0x24: {  	s3 =	sadd.s32 $0x88, s3;
	s6 =	simm.s32 @!p1 $0x1082;
	[sflag:s4] =	ssyncset.s32 $0xFFFFF086  }
0x25: {  	[simem:s6], [sflag:s4] =	dma.local [hbm:s3], $0xF7A  }
0x26: {  	[smem:$0x3F95] =	sst s1;
	(tag) =	ssettag s2;
	_ =	strace s9  }
0x27: {  	s1 =	sld [smem:$0x3FA5]  }
0x28: {  	s2 =	sld [smem:$0x3FA6]  }
0x29: {  	s4 =	sld [smem:$0x3FA8]  }
0x2a: {  	p0 =	seq.s32 s5, $0x0;
	s5 =	sld [smem:$0x3FA9]  }
0x2b: {  	s6 =	sld [smem:$0x3FAA]  }
0x2c: {  	s7 =	sld [smem:$0x3FAB]  }
0x2d: {  	s3 =	simm.s32 $0x108;
	s8 =	sld [smem:$0x3FAC]  }
0x2e: {  	s3 =	simm.s32 @!p0 $0x1082;
	s9 =	sld [smem:$0x3FAD]  }
0x2f: {  	lr =	sadd.s32 s0, s3;
	s0 =	sld [smem:$0x3FA4]  }
0x30: {  	s3 =	sld [smem:$0x3FA7]  }
0x31: {  	[smem:$0x3FB0] =	sst s10  }
0x32: {  	s10 =	sld [smem:$0x3FAE];
	_ =	sdelay $0x3  }
0x33: {  	p0 =	seq.s32 s10, $0x1;
	s10 =	sld [smem:$0x3FB0];
	_ =	sdelay $0x3  }
0x34: {  	[smem:$0x3FB0] =	sst s10  }
0x35: {  	s10 =	sld [smem:$0x3FAF];
	_ =	sdelay $0x3  }
0x36: {  	p1 =	seq.s32 s10, $0x1;
	s10 =	sld [smem:$0x3FB0];
	_ =	sdelay $0x3  }
0x37: {  	[smem:$0x3FB0] =	sst s10  }
0x38: {  	s10 =	sld [smem:$0x3FB1]  }
0x39: {  	_ = 	snop;
	(pc) =	sbr.ind lr, $3  }
0x3a: {  	_ = 	snop  }
0x3b: {  	_ = 	snop  }
0x3c: {  	p2 =	seq.s32 s10, $0x1;
	s10 =	sld [smem:$0x3FB0]  }
0x3d: {  	_ =	shalt  }
0x3e: {  	_ =	shalt  }
0x3f: {  	_ =	shalt  }
0x40: {  	_ =	shalt  }
0x41: {  	_ =	shalt  }
0x42: {  	_ =	shalt  }
0x43: {  	_ =	shalt  }
0x44: {  	_ =	shalt  }
0x45: {  	_ =	shalt  }
0x46: {  	_ =	shalt  }
0x47: {  	_ =	shalt  }
0x48: {  	_ =	shalt  }
0x49: {  	_ =	shalt  }
0x4a: {  	_ =	shalt  }
0x4b: {  	_ =	shalt  }
0x4c: {  	_ =	shalt  }
0x4d: {  	_ =	shalt  }
0x4e: {  	_ =	shalt  }
0x4f: {  	_ =	shalt  }
0x50: {  	_ =	shalt  }
0x51: {  	_ =	shalt  }
0x52: {  	_ =	shalt  }
0x53: {  	_ =	shalt  }
0x54: {  	_ =	shalt  }
0x55: {  	_ =	shalt  }
0x56: {  	_ =	shalt  }
0x57: {  	_ =	shalt  }
0x58: {  	_ =	shalt  }
0x59: {  	_ =	shalt  }
0x5a: {  	_ =	shalt  }
0x5b: {  	_ =	shalt  }
0x5c: {  	_ =	shalt  }
0x5d: {  	_ =	shalt  }
0x5e: {  	_ =	shalt  }
0x5f: {  	_ =	shalt  }
0x60: {  	_ =	shalt  }
0x61: {  	_ =	shalt  }
0x62: {  	_ =	shalt  }
0x63: {  	_ =	shalt  }
0x64: {  	_ =	shalt  }
0x65: {  	_ =	shalt  }
0x66: {  	_ =	shalt  }
0x67: {  	_ =	shalt  }
0x68: {  	_ =	shalt  }
0x69: {  	_ =	shalt  }
0x6a: {  	_ =	shalt  }
0x6b: {  	_ =	shalt  }
0x6c: {  	_ =	shalt  }
0x6d: {  	_ =	shalt  }
0x6e: {  	_ =	shalt  }
0x6f: {  	_ =	shalt  }
0x70: {  	_ =	shalt  }
0x71: {  	_ =	shalt  }
0x72: {  	_ =	shalt  }
0x73: {  	_ =	shalt  }
0x74: {  	_ =	shalt  }
0x75: {  	_ =	shalt  }
0x76: {  	_ =	shalt  }
0x77: {  	_ =	shalt  }
0x78: {  	_ =	shalt  }
0x79: {  	_ =	shalt  }
0x7a: {  	_ =	shalt  }
0x7b: {  	_ =	shalt  }
0x7c: {  	_ =	shalt  }
0x7d: {  	_ =	shalt  }
0x7e: {  	_ =	shalt  }
0x7f: {  	_ =	shalt  }
0x80: {  	_ =	shalt  }
0x81: {  	_ =	shalt  }
0x82: {  	_ =	shalt  }
0x83: {  	_ =	shalt  }
0x84: {  	_ =	shalt  }
0x85: {  	_ =	shalt  }
0x86: {  	_ =	shalt  }
0x87: {  	_ =	shalt  }
.Lfunc_end0:
.L_simem_size_0:
called_computation.1_lowered:
.L_overlay_start_0:
0x88: {  	s2 =	sld [smem:$0x3FD9]  }
0x89: {  	s3 =	sld [smem:$0x3FFE];
	_ =	sdelay $0x1  }
0x8a: {  	s1 =	srdreg.scid  }
0x8b: {  	s0 =	sand.u32 $0x1, s1  }
0x8c: {  	s17 =	sshll.u32 s0, $0xA;
	s2 =	sadd.s32 s3, s2  }
0x8d: {  	s2 =	sadd.s32 s2, s17  }
0x8e: {  	[smem:$0x3FBC] =	sst s2  }
0x8f: {  	_ = 	snop  }
0x90: {  	(tm) =	ssettm $0x1  }
0x91: {  	s18 =	sld [smem:$0x3FFB];
	_ =	sdelay $0x3  }
0x92: {  	_ =	strace s18  }
0x93: {  	s2 =	sld [smem:$0x3FFC];
	_ =	sdelay $0x3  }
0x94: {  	_ =	strace s2  }
0x95: {  	s2 =	sld [smem:$0x3FFD];
	_ =	sdelay $0x3  }
0x96: {  	_ =	strace s2  }
0x97: {  	_ =	strace $0x8FFFFFFF  }
0x98: {  	s19 =	sld [smem:$0x3FDB];
	_ =	sdelay $0x1  }
0x99: {  	s20 =	simm.s32 $_scs_section_size  }
0x9a: {  	s4 =	simm.s32 $_size__tile_overlayer_lowered;
	s5 =	simm.s32 $_tile_overlayer_lowered  }
0x9b: {  	s6 =	simm.s32 $0x1BFF;
	s21 =	sshll.u32 s5, $0x1;
	s3 =	sadd.s32 s20, s19  }
0x9c: {  	s22 =	simm.s32 $0x0;
	s4 =	sshll.u32 s4, $0x1;
	s5 =	sadd.s32 s21, s3  }
0x9d: {  	[timem:s22], [sflag:s6] =	dma.local [hbm:s5], s4  }
0x9e: {  	_ =	swait.ge [sflag:s6], s4  }
0x9f: {  	s4 =	ssub.s32 $0x0, s4;
	[sflag:s6] =	ssyncset.done $0x0  }
0xa0: {  	[sflag:s6] =	ssyncadd.s32 s4;
	_ =	sdelay $0x1  }
0xa1: {  	s23 =	simm.s32 $0x1B8B  }
0xa2: {  	_ =	swait.ge [sflag:s23], $0x1  }
0xa3: {  	[sflag:s23] =	ssyncset.done $0x0  }
0xa4: {  	[sflag:s23] =	ssyncadd.s32 $0xFFFFFFFF  }
0xa5: {  	s4 =	sld [smem:$0x0]  }
0xa6: {  	s5 =	sand.u32 $0xFFFFFFFE, s1  }
0xa7: {  	p0 =	sne.s32 s1, s5  }
0xa8: {  	s5 =	sshll.u32 @p0 s5, $0xE  }
0xa9: {  	s5 =	sadd.s32 @p0 $0x11B8D, s5;
	s6 =	sshll.u32 @p0 s4, $0x11  }
0xaa: {  	s5 =	sor.u32 @p0 s6, s5  }
0xab: {  	[sflag:s5] =	ssyncadd.remote.s32 @p0 $0x1;
	_ =	sdelay $0x1  }
0xac: {  	s5 =	simm.s32 @p0 $0x1B8D  }
0xad: {  	_ =	swait.eq @p0 [sflag:s5], $0x1  }
0xae: {  	[sflag:s5] =	ssyncadd.s32 @p0 $0xFFFFFFFF  }
0xaf: {  	s6 =	sshll.u32 @!p0 s1, $0xE  }
0xb0: {  	s6 =	sor.u32 @!p0 $0x4000, s6;
	s5 =	simm.s32 @!p0 $0x1B8D  }
0xb1: {  	s4 =	sshll.u32 @!p0 s4, $0x11;
	s6 =	sadd.s32 @!p0 $0x11B8D, s6;
	_ =	swait.eq @!p0 [sflag:s5], $0x1  }
0xb2: {  	s4 =	sor.u32 @!p0 s4, s6;
	[sflag:s5] =	ssyncadd.s32 @!p0 $0xFFFFFFFF  }
0xb3: {  	s25 =	simm.s32 $0x1B8E;
	s24 =	sld [smem:$0x3FFE];
	[sflag:s4] =	ssyncadd.remote.s32 @!p0 $0x1  }
0xb4: {  	s26 =	simm.s32 $execute0_lowered;
	[smem:$0x3FD2] =	sst s25  }
0xb5: {  	s5 =	sshll.u32 s26, $0x1;
	_ =	strace $0x80000049;
	[dreg:$0x1] =	wrdreg $0xFFFFFFFF  }
0xb6: {  	s28 =	simm.s32 $_size_execute0_lowered;
	s3 =	sadd.s32 s3, s5;
	[dreg:$0x0] =	wrdreg $0x0  }
0xb7: {  	s5 =	sshll.u32 s28, $0x1;
	[dreg:$0x2] =	wrdreg s3  }
0xb8: {  	[dreg:$0x3] =	wrdreg s5  }
0xb9: {  	[dreg:$0x4] =	wrdreg $0xC0  }
0xba: {  	_ =	task [dreg:s22], $0x5FFFF  }
0xbb: {  	[dreg:$0x1] =	wrdreg $0xFFFFFFFF  }
0xbc: {  	[dreg:$0x0] =	wrdreg $0x60  }
0xbd: {  	[dreg:$0x2] =	wrdreg s24  }
0xbe: {  	[dreg:$0x3] =	wrdreg $0xA  }
0xbf: {  	_ =	task.clear_ibuf [dreg:s22], $0x4FFFF;
	_ =	strace $0x90000049  }
0xc0: {  	s29 =	simm.s32 $0xA;
	_ =	strace $0x8000004B  }
0xc1: {  	_ =	swait.ge [sflag:s29], $0x1  }
0xc2: {  	[sflag:s29] =	ssyncadd.s32 $0xFFFFFFFF  }
0xc3: {  	_ =	strace $0x9000004B  }
0xc4: {  	_ =	sfence  }
0xc5: {  	s30 =	sld [smem:$0x0];
	_ =	sdelay $0x2  }
0xc6: {  	s31 =	sshll.u32 s1, $0xD;
	s1 =	sshrl.u32 s1, $0x2  }
0xc7: {  	s4 =	sand.u32 $0x4000, s31;
	s1 =	sadd.s32 s1, s30  }
0xc8: {  	s0 =	sor.u32 s4, s0;
	s1 =	sshll.u32 s1, $0x11  }
0xc9: {  	s0 =	sor.u32 s1, s0  }
0xca: {  	s0 =	sadd.s32 $0x8F2B, s0  }
0xcb: {  	[sflag:s0] =	ssyncadd.remote.s32 $0x1  }
0xcc: {  	_ =	sfence.sel $0xFFFF  }
0xcd: {  	[dreg:$0x0] =	wrdreg $0xFFFFFFFF;
	(pc) =	sbr.abs _section_cstart, $3  }
0xce: {  	[dreg:$0x1] =	wrdreg $0xFFFFFFFF  }
0xcf: {  	_ =	task.clear_ibuf [dreg:s22], $0x2FFFF;
	_ =	strace $0x9FFFFFFF  }
0xd0: {  	(tm) =	ssettm $0x7FFFFFFF  }
0xd1: {  	_ =	shalt  }
tec
execute0_lowered:
.L_overlay_start_1:
0x0: {  	(tag) =	ssettag $0x1  }
0x1: {  	s0 =	srdreg.scid  }
0x2: {  	s4 =	stileid.u32;
	s1 =	rddreg [dreg:$0x0];
	s5 =	simm.s32 $0x0  }
0x3: {  	s15 =	simm.s32 $0x1;
	s16 =	simm.s32 $0x80;
	s17 =	simm.s32 $0x1000  }
0x4: {  	s28 =	simm.s32 $0x9;
	s29 =	simm.s32 $0xB;
	s30 =	simm.s32 $0x4  }
0x5: {  	s31 =	simm.s32 $0xA;
	s0 =	sand.u32 $0x1, s0;
	s3 =	smul.u32 $0x140, s4  }
0x6: {  	[smem:$0x7FF] =	sst s5;
	s18 =	smul.u32 $0x14000, s4;
	s4 =	sadd.s32 $0x3C00, s1  }
0x7: {  	s5 =	simm.s32 $0x18;
	s2 =	ssub.s32 $0x0, s0;
	_ =	strace $0x8000004A  }
0x8: {  	s7 =	ssub.s32 $0x2, s0;
	p0 =	seq.s32 s0, $0x0;
	s2 =	sand.u32 $0xC0, s2  }
0x9: {  	s8 =	sshrl.u32 s7, $0x1;
	s5 =	simm.s32 @!p0 $0x10;
	s3 =	sadd.s32 s3, s2  }
0xa: {  	s19 =	sshll.u32 s2, $0x8;
	s20 =	ssub.s32 s7, s8;
	s2 =	simm.s32 $0x0  }
0xb: {  	s3 =	sshll.u32 s3, $0x4;
	s23 =	smax.u32 s20, $0x1;
	s20 =	simm.s32 $0x9200  }
0xc: {  	s6 =	sadd.s32 s3, s1;
	s3 =	sadd.s32 $0x2BC00, s1;
	s1 =	sadd.s32 s18, s1  }
0xd: {  	[dreg:$0x4] =	wrdreg s23;
	s18 =	simm.s32 $0x1200;
	s23 =	simm.s32 $0x5200  }
0xe: {  	s0 =	sadd.s32 s19, s1;
	s21 =	sadd.s32 $0x67C00, s6;
	s22 =	sadd.s32 $0x67C80, s6  }
0xf: {  	s24 =	sadd.s32 $0x67D80, s6;
	s25 =	sadd.s32 $0x67D00, s6;
	[dreg:$0x2] =	wrdreg s21  }
.Ltmp0:
0x10: {  	s26 =	sadd.s32 $0x67E00, s6;
	[dreg:$0x3] =	wrdreg s22;
	(pc) =	sbr.rel .LBB2_1-.Ltmp0, $4  }
0x11: {  	s19 =	simm.s32 $0x1100;
	s1 =	simm.s32 $0xC;
	[dreg:$0x5] =	wrdreg s24  }
0x12: {  	s8 =	sadd.s32 $0x2FBC00, s0;
	s10 =	sadd.s32 $0x43BC00, s0;
	[dreg:$0x6] =	wrdreg s25  }
0x13: {  	[dreg:$0x7] =	wrdreg s26;
	s21 =	simm.s32 $0x2;
	s22 =	simm.s32 $0x1080  }
0x14: {  	s24 =	simm.s32 $0x1180;
	s25 =	simm.s32 $0xD200;
	s26 =	simm.s32 $0x3  }
.LBB2_5:
0x15: {  	_ =	swait.ge [sflag:s28], $0x4000  }
0x16: {  	[sflag:s28] =	ssyncset.done $0x0  }
0x17: {  	[sflag:s28] =	ssyncadd.s32 $0xFFFFC000  }
0x18: {  	_ =	swait.ge [sflag:s29], $0x4000  }
0x19: {  	[sflag:s29] =	ssyncset.done $0x0  }
0x1a: {  	[sflag:s29] =	ssyncadd.s32 $0xFFFFC000  }
0x1b: {  	_ =	swait.ge [sflag:s31], $0x4000  }
0x1c: {  	[sflag:s31] =	ssyncset.done $0x0  }
0x1d: {  	[sflag:s31] =	ssyncadd.s32 $0xFFFFC000  }
0x1e: {  	_ =	swait.ge [sflag:s1], $0x4000  }
0x1f: {  	s2 =	rddreg [dreg:$0x8]  }
0x20: {  	s0 =	rddreg [dreg:$0x4];
	s2 =	sadd.s32 $0x1, s2  }
0x21: {  	p0 =	sne.s32 s2, s0  }
.Ltmp1:
0x22: {  	_ = 	snop;
	(pc) =	sbr.rel @!p0 .LBB2_6-.Ltmp1, $3  }
0x23: {  	_ =	sdelay $0x1  }
0x24: {  	[sflag:s1] =	ssyncset.done $0x0  }
0x25: {  	[sflag:s1] =	ssyncadd.s32 $0xFFFFC000  }
.LBB2_1:
0x26: {  	[dreg:$0x8] =	wrdreg s2  }
0x27: {  	s0 =	simm.s32 $0x0;
	s13 =	rddreg [dreg:$0x2]  }
0x28: {  	[tilespmem:s0], [sflag:$0x1] =	stream.linear.gather [hbm4b:s13+s0], $0x400, $0x38;
	[tilespmem:$0x11200] =	vst v63  }
0x29: {  	s14 =	rddreg [dreg:$0x3];
	s6 =	simm.s32 $0x400  }
0x2a: {  	[tilespmem:s6], [sflag:$0x2] =	stream.linear.gather [hbm4b:s14+s0], $0x400, $0x38;
	[tilespmem:$0x11200] =	vst v63  }
0x2b: {  	_ =	swait.ge [sflag:s15], $0x400  }
0x2c: {  	[sflag:s15] =	ssyncset.done $0x0  }
0x2d: {  	[sflag:s15] =	ssyncadd.s32 $0xFFFFFC00  }
0x2e: {  	v0 =	vld [tilespmem:$0x0]  }
0x2f: {  	v1 =	vld [tilespmem:$0x10]  }
0x30: {  	v2 =	vld [tilespmem:$0x80]  }
0x31: {  	v3 =	vld [tilespmem:$0x90]  }
0x32: {  	v4 =	vld [tilespmem:$0x100]  }
0x33: {  	v5 =	vld [tilespmem:$0x110]  }
0x34: {  	v51 =	vld [tilespmem:$0x180];
	(xrf1) =	vsort.ascd.msk.f32 $0xffff, v0, v1  }
0x35: {  	v6 =	vld [tilespmem:$0x190]  }
0x36: {  	v52 =	vld [tilespmem:$0x200]  }
0x37: {  	v7 =	vld [tilespmem:$0x210]  }
0x38: {  	v53 =	vld [tilespmem:$0x280]  }
0x39: {  	v8 =	vld [tilespmem:$0x290]  }
0x3a: {  	v54 =	vld [tilespmem:$0x300]  }
0x3b: {  	v9 =	vld [tilespmem:$0x310]  }
0x3c: {  	v55 =	vld [tilespmem:$0x380];
	(xrf1) =	vsort.ascd.msk.f32 $0xffff, v2, v3  }
0x3d: {  	v10 =	vld [tilespmem:$0x390];
	(xrf1) =	vsort.ascd.msk.f32 $0xffff, v4, v5  }
0x3e: {  	(xrf1) =	vsort.ascd.msk.f32 $0xffff, v51, v6  }
0x3f: {  	(xrf1) =	vsort.ascd.msk.f32 $0xffff, v52, v7  }
0x40: {  	(xrf1) =	vsort.ascd.msk.f32 $0xffff, v53, v8  }
0x41: {  	(xrf1) =	vsort.ascd.msk.f32 $0xffff, v54, v9  }
0x42: {  	[tilespmem:$0x1100] =	vst v1;
	_, v56, _ =	vpop (xrf1);
	(xrf1) =	vsort.ascd.msk.f32 $0xffff, v55, v10  }
0x43: {  	[tilespmem:$0x1110] =	vst v3  }
0x44: {  	[tilespmem:$0x1120] =	vst v5  }
0x45: {  	[tilespmem:$0x1130] =	vst v6  }
0x46: {  	[tilespmem:$0x1140] =	vst v7  }
0x47: {  	[tilespmem:$0x1150] =	vst v8  }
0x48: {  	[tilespmem:$0x1160] =	vst v9  }
0x49: {  	[tilespmem:$0x1170] =	vst v10  }
0x4a: {  	[tilespmem:$0x1000] =	vst v56;
	_, v57, _ =	vpop (xrf1)  }
0x4b: {  	[tilespmem:$0x1010] =	vst v57;
	_, v58, _ =	vpop (xrf1)  }
0x4c: {  	[tilespmem:$0x1020] =	vst v58;
	_, v59, _ =	vpop (xrf1)  }
0x4d: {  	[tilespmem:$0x1030] =	vst v59;
	_, v60, _ =	vpop (xrf1)  }
0x4e: {  	[tilespmem:$0x1040] =	vst v60;
	_, v61, _ =	vpop (xrf1)  }
0x4f: {  	[tilespmem:$0x1050] =	vst v61;
	_, v62, _ =	vpop (xrf1)  }
.Ltmp2:
0x50: {  	s13 =	rddreg [dreg:$0x7];
	[tilespmem:$0x1060] =	vst v62;
	_, v63, _ =	vpop (xrf1);
	(pc) =	sbr.rel .LBB2_2-.Ltmp2, $4  }
0x51: {  	s12 =	rddreg [dreg:$0x6];
	[tilespmem:$0x1070] =	vst v63  }
0x52: {  	[tilespmem:s18], [sflag:$0x5] =	stream.indirect.gather [hbm4b:s3+s16], $0x80, s17, s16, $0xb8;
	[tilespmem:$0x11200] =	vst v63  }
0x53: {  	s9 =	simm.s32 $0x0;
	s7 =	simm.s32 $0x0;
	s11 =	rddreg [dreg:$0x5]  }
0x54: {  	[tilespmem:s20], [sflag:$0x7] =	stream.indirect.gather [hbm4b:s4+s16], $0x80, s19, s16, $0xb8;
	[tilespmem:$0x11200] =	vst v63  }
.LBB2_4:
0x55: {  	p1 =	sge.u32 s9, s5  }
0x56: {  	s2 =	simm.s32 @!p1 $0x5  }
0x57: {  	_ =	swait.ge @!p1 [sflag:s2], $0x4000  }
0x58: {  	[sflag:s2] =	ssyncset.done @!p1 $0x0  }
0x59: {  	[sflag:s2] =	ssyncadd.s32 @!p1 $0xFFFFC000;
	s2 =	simm.s32 @!p1 $0x7  }
0x5a: {  	_ =	swait.ge @!p1 [sflag:s2], $0x4000  }
0x5b: {  	s6 =	simm.s32 @!p1 $0x0;
	[sflag:s2] =	ssyncset.done @!p1 $0x0  }
0x5c: {  	s14 =	simm.s32 @!p1 $0x1200;
	[sflag:s2] =	ssyncadd.s32 @!p1 $0xFFFFC000;
	s2 =	sadd.s32 @!p1 s7, s8  }
0x5d: {  	[hbm4b:s2+s6] =	stream.linear.scatter @!p1 [tilespmem:s14], [sflag:$0x9], $0x4000, $0x38;
	[tilespmem:$0x11200] =	vst v63  }
0x5e: {  	s2 =	sadd.s32 @!p1 s7, s10;
	s14 =	simm.s32 @!p1 $0x9200  }
0x5f: {  	[hbm4b:s2+s6] =	stream.linear.scatter @!p1 [tilespmem:s14], [sflag:$0xB], $0x4000, $0x38;
	[tilespmem:$0x11200] =	vst v63  }
0x60: {  	s6 =	sadd.s32 $0x3, s9  }
0x61: {  	p1 =	sge.u32 s6, s5  }
0x62: {  	s2 =	simm.s32 @!p1 $0x0;
	s6 =	simm.s32 @!p1 $0xC00  }
0x63: {  	[tilespmem:s6], [sflag:$0x4] =	stream.linear.gather @!p1 [hbm4b:s11+s2], $0x400, $0x38;
	[tilespmem:$0x11200] =	vst v63  }
0x64: {  	_ =	swait.ge @!p0 [sflag:s26], $0x400  }
0x65: {  	[sflag:s26] =	ssyncset.done @!p0 $0x0  }
0x66: {  	[sflag:s26] =	ssyncadd.s32 @!p0 $0xFFFFFC00  }
0x67: {  	v0 =	vld @!p0 [tilespmem:$0x800]  }
0x68: {  	v1 =	vld @!p0 [tilespmem:$0x810]  }
0x69: {  	v2 =	vld @!p0 [tilespmem:$0x880]  }
0x6a: {  	v3 =	vld @!p0 [tilespmem:$0x890]  }
0x6b: {  	v4 =	vld @!p0 [tilespmem:$0x900]  }
0x6c: {  	v5 =	vld @!p0 [tilespmem:$0x910]  }
0x6d: {  	v6 =	vld @!p0 [tilespmem:$0x990];
	(xrf1) =	vsort.ascd.msk.f32 @!p0 $0xffff, v0, v1  }
0x6e: {  	v7 =	vld @!p0 [tilespmem:$0xA10]  }
0x6f: {  	v8 =	vld @!p0 [tilespmem:$0xA90]  }
0x70: {  	v0 =	vld @!p0 [tilespmem:$0x980]  }
0x71: {  	(xrf1) =	vsort.ascd.msk.f32 @!p0 $0xffff, v2, v3;
	v2 =	vld @!p0 [tilespmem:$0xA00]  }
0x72: {  	v9 =	vld @!p0 [tilespmem:$0xB10]  }
0x73: {  	v10 =	vld @!p0 [tilespmem:$0xB90]  }
0x74: {  	(xrf1) =	vsort.ascd.msk.f32 @!p0 $0xffff, v4, v5;
	v4 =	vld @!p0 [tilespmem:$0xA80]  }
0x75: {  	(xrf1) =	vsort.ascd.msk.f32 @!p0 $0xffff, v0, v6;
	v0 =	vld @!p0 [tilespmem:$0xB00]  }
0x76: {  	(xrf1) =	vsort.ascd.msk.f32 @!p0 $0xffff, v2, v7;
	v2 =	vld @!p0 [tilespmem:$0xB80];
	_ =	sdelay $0x2  }
0x77: {  	(xrf1) =	vsort.ascd.msk.f32 @!p0 $0xffff, v4, v8  }
0x78: {  	(xrf1) =	vsort.ascd.msk.f32 @!p0 $0xffff, v0, v9  }
0x79: {  	[tilespmem:$0x1100] =	vst @!p0 v1;
	_, v0, _ =	vpop @!p0 (xrf1);
	(xrf1) =	vsort.ascd.msk.f32 @!p0 $0xffff, v2, v10  }
0x7a: {  	[tilespmem:$0x1110] =	vst @!p0 v3  }
0x7b: {  	[tilespmem:$0x1120] =	vst @!p0 v5  }
0x7c: {  	[tilespmem:$0x1130] =	vst @!p0 v6  }
0x7d: {  	[tilespmem:$0x1140] =	vst @!p0 v7  }
0x7e: {  	[tilespmem:$0x1150] =	vst @!p0 v8  }
0x7f: {  	[tilespmem:$0x1160] =	vst @!p0 v9  }
0x80: {  	[tilespmem:$0x1170] =	vst @!p0 v10  }
0x81: {  	[tilespmem:$0x1000] =	vst @!p0 v0;
	_, v0, _ =	vpop @!p0 (xrf1)  }
0x82: {  	[tilespmem:$0x1010] =	vst @!p0 v0;
	_, v0, _ =	vpop @!p0 (xrf1)  }
0x83: {  	[tilespmem:$0x1020] =	vst @!p0 v0;
	_, v0, _ =	vpop @!p0 (xrf1)  }
0x84: {  	[tilespmem:$0x1030] =	vst @!p0 v0;
	_, v0, _ =	vpop @!p0 (xrf1)  }
0x85: {  	[tilespmem:$0x1040] =	vst @!p0 v0;
	_, v0, _ =	vpop @!p0 (xrf1)  }
0x86: {  	[tilespmem:$0x1050] =	vst @!p0 v0;
	_, v0, _ =	vpop @!p0 (xrf1)  }
0x87: {  	[tilespmem:$0x1060] =	vst @!p0 v0;
	_, v0, _ =	vpop @!p0 (xrf1)  }
0x88: {  	[tilespmem:$0x1070] =	vst @!p0 v0  }
0x89: {  	_ =	swait.ge @!p0 [sflag:s28], $0x4000  }
0x8a: {  	[sflag:s28] =	ssyncset.done @!p0 $0x0  }
0x8b: {  	[sflag:s28] =	ssyncadd.s32 @!p0 $0xFFFFC000  }
0x8c: {  	_ =	swait.ge @!p0 [sflag:s29], $0x4000  }
0x8d: {  	[sflag:s29] =	ssyncset.done @!p0 $0x0  }
0x8e: {  	[sflag:s29] =	ssyncadd.s32 @!p0 $0xFFFFC000  }
0x8f: {  	[tilespmem:s18], [sflag:$0x5] =	stream.indirect.gather @!p0 [hbm4b:s3+s16], $0x80, s17, s16, $0xb8;
	[tilespmem:$0x11200] =	vst v63  }
0x90: {  	s2 =	simm.s32 @!p2 $0x6  }
0x91: {  	[tilespmem:s20], [sflag:$0x7] =	stream.indirect.gather @!p0 [hbm4b:s4+s16], $0x80, s19, s16, $0xb8;
	[tilespmem:$0x11200] =	vst v63  }
0x92: {  	_ =	swait.ge @!p2 [sflag:s2], $0x4000  }
0x93: {  	[sflag:s2] =	ssyncset.done @!p2 $0x0  }
0x94: {  	[sflag:s2] =	ssyncadd.s32 @!p2 $0xFFFFC000;
	s2 =	simm.s32 @!p2 $0x8  }
0x95: {  	_ =	swait.ge @!p2 [sflag:s2], $0x4000  }
0x96: {  	[sflag:s2] =	ssyncset.done @!p2 $0x0  }
0x97: {  	[sflag:s2] =	ssyncadd.s32 @!p2 $0xFFFFC000;
	s2 =	sadd.s32 @!p2 s7, s8  }
0x98: {  	s14 =	simm.s32 @!p2 $0x5200;
	s6 =	simm.s32 @!p2 $0x0;
	s2 =	sadd.s32 @!p2 $0x800, s2  }
0x99: {  	[hbm4b:s2+s6] =	stream.linear.scatter @!p2 [tilespmem:s14], [sflag:$0xA], $0x4000, $0x38;
	[tilespmem:$0x11200] =	vst v63  }
0x9a: {  	s2 =	sadd.s32 @!p2 s7, s10  }
0x9b: {  	s14 =	simm.s32 @!p2 $0xD200;
	s2 =	sadd.s32 @!p2 $0x800, s2  }
0x9c: {  	[hbm4b:s2+s6] =	stream.linear.scatter @!p2 [tilespmem:s14], [sflag:$0xC], $0x4000, $0x38;
	[tilespmem:$0x11200] =	vst v63  }
0x9d: {  	s6 =	sadd.s32 $0x4, s9  }
0x9e: {  	p2 =	sge.u32 s6, s5  }
0x9f: {  	s2 =	simm.s32 @!p2 $0x0  }
0xa0: {  	[tilespmem:s2], [sflag:$0x1] =	stream.linear.gather @!p2 [hbm4b:s13+s2], $0x400, $0x38;
	[tilespmem:$0x11200] =	vst v63  }
0xa1: {  	_ =	swait.ge @!p1 [sflag:s30], $0x400  }
0xa2: {  	[sflag:s30] =	ssyncset.done @!p1 $0x0  }
0xa3: {  	[sflag:s30] =	ssyncadd.s32 @!p1 $0xFFFFFC00  }
0xa4: {  	v0 =	vld @!p1 [tilespmem:$0xC00]  }
0xa5: {  	v1 =	vld @!p1 [tilespmem:$0xC10]  }
0xa6: {  	v2 =	vld @!p1 [tilespmem:$0xC80]  }
0xa7: {  	v3 =	vld @!p1 [tilespmem:$0xC90]  }
0xa8: {  	v4 =	vld @!p1 [tilespmem:$0xD00]  }
0xa9: {  	v5 =	vld @!p1 [tilespmem:$0xD10]  }
0xaa: {  	v6 =	vld @!p1 [tilespmem:$0xD90];
	(xrf1) =	vsort.ascd.msk.f32 @!p1 $0xffff, v0, v1  }
0xab: {  	v7 =	vld @!p1 [tilespmem:$0xE10]  }
0xac: {  	v8 =	vld @!p1 [tilespmem:$0xE90]  }
0xad: {  	v0 =	vld @!p1 [tilespmem:$0xD80]  }
0xae: {  	(xrf1) =	vsort.ascd.msk.f32 @!p1 $0xffff, v2, v3;
	v2 =	vld @!p1 [tilespmem:$0xE00]  }
0xaf: {  	v9 =	vld @!p1 [tilespmem:$0xF10]  }
0xb0: {  	v10 =	vld @!p1 [tilespmem:$0xF90]  }
0xb1: {  	(xrf1) =	vsort.ascd.msk.f32 @!p1 $0xffff, v4, v5;
	v4 =	vld @!p1 [tilespmem:$0xE80]  }
0xb2: {  	(xrf1) =	vsort.ascd.msk.f32 @!p1 $0xffff, v0, v6;
	v0 =	vld @!p1 [tilespmem:$0xF00]  }
0xb3: {  	(xrf1) =	vsort.ascd.msk.f32 @!p1 $0xffff, v2, v7;
	v2 =	vld @!p1 [tilespmem:$0xF80];
	_ =	sdelay $0x2  }
0xb4: {  	(xrf1) =	vsort.ascd.msk.f32 @!p1 $0xffff, v4, v8  }
0xb5: {  	(xrf1) =	vsort.ascd.msk.f32 @!p1 $0xffff, v0, v9  }
0xb6: {  	[tilespmem:$0x1180] =	vst @!p1 v1;
	_, v0, _ =	vpop @!p1 (xrf1);
	(xrf1) =	vsort.ascd.msk.f32 @!p1 $0xffff, v2, v10  }
0xb7: {  	[tilespmem:$0x1190] =	vst @!p1 v3  }
0xb8: {  	[tilespmem:$0x11A0] =	vst @!p1 v5  }
0xb9: {  	[tilespmem:$0x11B0] =	vst @!p1 v6  }
0xba: {  	[tilespmem:$0x11C0] =	vst @!p1 v7  }
0xbb: {  	[tilespmem:$0x11D0] =	vst @!p1 v8  }
0xbc: {  	[tilespmem:$0x11E0] =	vst @!p1 v9  }
0xbd: {  	[tilespmem:$0x11F0] =	vst @!p1 v10  }
0xbe: {  	[tilespmem:$0x1080] =	vst @!p1 v0;
	_, v0, _ =	vpop @!p1 (xrf1)  }
0xbf: {  	[tilespmem:$0x1090] =	vst @!p1 v0;
	_, v0, _ =	vpop @!p1 (xrf1)  }
0xc0: {  	[tilespmem:$0x10A0] =	vst @!p1 v0;
	_, v0, _ =	vpop @!p1 (xrf1)  }
0xc1: {  	[tilespmem:$0x10B0] =	vst @!p1 v0;
	_, v0, _ =	vpop @!p1 (xrf1)  }
0xc2: {  	[tilespmem:$0x10C0] =	vst @!p1 v0;
	_, v0, _ =	vpop @!p1 (xrf1)  }
0xc3: {  	[tilespmem:$0x10D0] =	vst @!p1 v0;
	_, v0, _ =	vpop @!p1 (xrf1)  }
0xc4: {  	[tilespmem:$0x10E0] =	vst @!p1 v0;
	_, v0, _ =	vpop @!p1 (xrf1)  }
0xc5: {  	[tilespmem:$0x10F0] =	vst @!p1 v0  }
0xc6: {  	_ =	swait.ge @!p1 [sflag:s31], $0x4000  }
0xc7: {  	[sflag:s31] =	ssyncset.done @!p1 $0x0  }
0xc8: {  	[sflag:s31] =	ssyncadd.s32 @!p1 $0xFFFFC000  }
0xc9: {  	_ =	swait.ge @!p1 [sflag:s1], $0x4000  }
0xca: {  	[sflag:s1] =	ssyncset.done @!p1 $0x0  }
0xcb: {  	[sflag:s1] =	ssyncadd.s32 @!p1 $0xFFFFC000  }
0xcc: {  	[tilespmem:s23], [sflag:$0x6] =	stream.indirect.gather @!p1 [hbm4b:s3+s16], $0x80, s22, s16, $0xb8;
	[tilespmem:$0x11200] =	vst v63  }
0xcd: {  	s2 =	simm.s32 @!p0 $0x5  }
0xce: {  	[tilespmem:s25], [sflag:$0x8] =	stream.indirect.gather @!p1 [hbm4b:s4+s16], $0x80, s24, s16, $0xb8;
	[tilespmem:$0x11200] =	vst v63  }
0xcf: {  	_ =	swait.ge @!p0 [sflag:s2], $0x4000  }
0xd0: {  	[sflag:s2] =	ssyncset.done @!p0 $0x0  }
0xd1: {  	[sflag:s2] =	ssyncadd.s32 @!p0 $0xFFFFC000;
	s2 =	simm.s32 @!p0 $0x7  }
0xd2: {  	_ =	swait.ge @!p0 [sflag:s2], $0x4000  }
0xd3: {  	[sflag:s2] =	ssyncset.done @!p0 $0x0  }
0xd4: {  	[sflag:s2] =	ssyncadd.s32 @!p0 $0xFFFFC000;
	s2 =	sadd.s32 @!p0 s7, s8  }
0xd5: {  	s0 =	simm.s32 @!p0 $0x1200;
	s14 =	simm.s32 @!p0 $0x0;
	s2 =	sadd.s32 @!p0 $0x1000, s2  }
0xd6: {  	[hbm4b:s2+s14] =	stream.linear.scatter @!p0 [tilespmem:s0], [sflag:$0x9], $0x4000, $0x38;
	[tilespmem:$0x11200] =	vst v63  }
0xd7: {  	s0 =	sadd.s32 @!p0 s7, s10  }
0xd8: {  	s2 =	simm.s32 @!p0 $0x9200;
	s0 =	sadd.s32 @!p0 $0x1000, s0  }
0xd9: {  	[hbm4b:s0+s14] =	stream.linear.scatter @!p0 [tilespmem:s2], [sflag:$0xB], $0x4000, $0x38;
	[tilespmem:$0x11200] =	vst v63  }
0xda: {  	s14 =	sadd.s32 $0x5, s9  }
0xdb: {  	p0 =	sge.u32 s14, s5  }
0xdc: {  	s0 =	sadd.s32 @!p0 $0x100, s11;
	s2 =	simm.s32 @!p0 $0x0;
	s9 =	simm.s32 @!p0 $0x400  }
0xdd: {  	[tilespmem:s9], [sflag:$0x2] =	stream.linear.gather @!p0 [hbm4b:s0+s2], $0x400, $0x38;
	[tilespmem:$0x11200] =	vst v63  }
0xde: {  	_ =	swait.ge @!p2 [sflag:s15], $0x400  }
0xdf: {  	[sflag:s15] =	ssyncset.done @!p2 $0x0  }
0xe0: {  	[sflag:s15] =	ssyncadd.s32 @!p2 $0xFFFFFC00  }
0xe1: {  	v0 =	vld @!p2 [tilespmem:$0x0]  }
0xe2: {  	v1 =	vld @!p2 [tilespmem:$0x10]  }
0xe3: {  	v2 =	vld @!p2 [tilespmem:$0x80]  }
0xe4: {  	v3 =	vld @!p2 [tilespmem:$0x90]  }
0xe5: {  	v4 =	vld @!p2 [tilespmem:$0x100]  }
0xe6: {  	v5 =	vld @!p2 [tilespmem:$0x110]  }
0xe7: {  	v6 =	vld @!p2 [tilespmem:$0x190];
	(xrf1) =	vsort.ascd.msk.f32 @!p2 $0xffff, v0, v1  }
0xe8: {  	v7 =	vld @!p2 [tilespmem:$0x210]  }
0xe9: {  	v8 =	vld @!p2 [tilespmem:$0x290]  }
0xea: {  	v0 =	vld @!p2 [tilespmem:$0x180]  }
0xeb: {  	(xrf1) =	vsort.ascd.msk.f32 @!p2 $0xffff, v2, v3;
	v2 =	vld @!p2 [tilespmem:$0x200]  }
0xec: {  	v9 =	vld @!p2 [tilespmem:$0x310]  }
0xed: {  	v10 =	vld @!p2 [tilespmem:$0x390]  }
0xee: {  	(xrf1) =	vsort.ascd.msk.f32 @!p2 $0xffff, v4, v5;
	v4 =	vld @!p2 [tilespmem:$0x280]  }
0xef: {  	(xrf1) =	vsort.ascd.msk.f32 @!p2 $0xffff, v0, v6;
	v0 =	vld @!p2 [tilespmem:$0x300]  }
0xf0: {  	(xrf1) =	vsort.ascd.msk.f32 @!p2 $0xffff, v2, v7;
	v2 =	vld @!p2 [tilespmem:$0x380];
	_ =	sdelay $0x2  }
0xf1: {  	(xrf1) =	vsort.ascd.msk.f32 @!p2 $0xffff, v4, v8  }
0xf2: {  	(xrf1) =	vsort.ascd.msk.f32 @!p2 $0xffff, v0, v9  }
0xf3: {  	[tilespmem:$0x1100] =	vst @!p2 v1;
	_, v0, _ =	vpop @!p2 (xrf1);
	(xrf1) =	vsort.ascd.msk.f32 @!p2 $0xffff, v2, v10  }
0xf4: {  	[tilespmem:$0x1110] =	vst @!p2 v3  }
0xf5: {  	[tilespmem:$0x1120] =	vst @!p2 v5  }
0xf6: {  	[tilespmem:$0x1130] =	vst @!p2 v6  }
0xf7: {  	[tilespmem:$0x1140] =	vst @!p2 v7  }
0xf8: {  	[tilespmem:$0x1150] =	vst @!p2 v8  }
0xf9: {  	[tilespmem:$0x1160] =	vst @!p2 v9  }
0xfa: {  	[tilespmem:$0x1170] =	vst @!p2 v10  }
0xfb: {  	[tilespmem:$0x1000] =	vst @!p2 v0;
	_, v0, _ =	vpop @!p2 (xrf1)  }
0xfc: {  	[tilespmem:$0x1010] =	vst @!p2 v0;
	_, v0, _ =	vpop @!p2 (xrf1)  }
0xfd: {  	[tilespmem:$0x1020] =	vst @!p2 v0;
	_, v0, _ =	vpop @!p2 (xrf1)  }
0xfe: {  	[tilespmem:$0x1030] =	vst @!p2 v0;
	_, v0, _ =	vpop @!p2 (xrf1)  }
0xff: {  	[tilespmem:$0x1040] =	vst @!p2 v0;
	_, v0, _ =	vpop @!p2 (xrf1)  }
0x100: {  	[tilespmem:$0x1050] =	vst @!p2 v0;
	_, v0, _ =	vpop @!p2 (xrf1)  }
0x101: {  	[tilespmem:$0x1060] =	vst @!p2 v0;
	_, v0, _ =	vpop @!p2 (xrf1)  }
0x102: {  	[tilespmem:$0x1070] =	vst @!p2 v0  }
0x103: {  	_ =	swait.ge @!p2 [sflag:s28], $0x4000  }
0x104: {  	[sflag:s28] =	ssyncset.done @!p2 $0x0  }
0x105: {  	[sflag:s28] =	ssyncadd.s32 @!p2 $0xFFFFC000  }
0x106: {  	_ =	swait.ge @!p2 [sflag:s29], $0x4000  }
0x107: {  	[sflag:s29] =	ssyncset.done @!p2 $0x0  }
0x108: {  	[sflag:s29] =	ssyncadd.s32 @!p2 $0xFFFFC000  }
0x109: {  	[tilespmem:s18], [sflag:$0x5] =	stream.indirect.gather @!p2 [hbm4b:s3+s16], $0x80, s17, s16, $0xb8;
	[tilespmem:$0x11200] =	vst v63  }
0x10a: {  	s0 =	simm.s32 @!p1 $0x6  }
0x10b: {  	[tilespmem:s20], [sflag:$0x7] =	stream.indirect.gather @!p2 [hbm4b:s4+s16], $0x80, s19, s16, $0xb8;
	[tilespmem:$0x11200] =	vst v63  }
0x10c: {  	_ =	swait.ge @!p1 [sflag:s0], $0x4000  }
0x10d: {  	[sflag:s0] =	ssyncset.done @!p1 $0x0  }
0x10e: {  	[sflag:s0] =	ssyncadd.s32 @!p1 $0xFFFFC000;
	s0 =	simm.s32 @!p1 $0x8  }
0x10f: {  	_ =	swait.ge @!p1 [sflag:s0], $0x4000  }
0x110: {  	[sflag:s0] =	ssyncset.done @!p1 $0x0  }
0x111: {  	[sflag:s0] =	ssyncadd.s32 @!p1 $0xFFFFC000;
	s0 =	sadd.s32 @!p1 s7, s8  }
0x112: {  	s2 =	simm.s32 @!p1 $0x0;
	s9 =	simm.s32 @!p1 $0x5200;
	s0 =	sadd.s32 @!p1 $0x1800, s0  }
0x113: {  	[hbm4b:s0+s2] =	stream.linear.scatter @!p1 [tilespmem:s9], [sflag:$0xA], $0x4000, $0x38;
	[tilespmem:$0x11200] =	vst v63  }
0x114: {  	s0 =	sadd.s32 @!p1 s7, s10;
	s7 =	sadd.s32 $0x2000, s7  }
0x115: {  	p0 =	sne.s32 s7, $0xC000  }
.Ltmp3:
0x116: {  	_ = 	snop;
	(pc) =	sbr.rel @!p0 .LBB2_5-.Ltmp3, $4  }
0x117: {  	_ = 	snop  }
0x118: {  	s12 =	sadd.s32 $0x200, s12;
	s9 =	simm.s32 @!p1 $0xD200;
	s0 =	sadd.s32 @!p1 $0x1800, s0  }
0x119: {  	[hbm4b:s0+s2] =	stream.linear.scatter @!p1 [tilespmem:s9], [sflag:$0xC], $0x4000, $0x38;
	[tilespmem:$0x11200] =	vst v63  }
0x11a: {  	s13 =	sadd.s32 $0x200, s13;
	s11 =	sadd.s32 $0x200, s11;
	s9 =	smov.u32 s6  }
.LBB2_2:
0x11b: {  	s14 =	sadd.s32 $0x1, s9  }
0x11c: {  	p2 =	sge.u32 s14, s5  }
.Ltmp4:
0x11d: {  	_ = 	snop;
	(pc) =	sbr.rel @p2 .LBB2_4-.Ltmp4, $4  }
0x11e: {  	s6 =	sadd.s32 $0x2, s9  }
0x11f: {  	p0 =	sge.u32 s6, s5  }
0x120: {  	s6 =	simm.s32 @!p0 $0x0;
	s2 =	simm.s32 @!p0 $0x800  }
0x121: {  	[tilespmem:s2], [sflag:$0x3] =	stream.linear.gather @!p0 [hbm4b:s12+s6], $0x400, $0x38;
	[tilespmem:$0x11200] =	vst v63  }
0x122: {  	_ =	swait.ge [sflag:s21], $0x400  }
0x123: {  	[sflag:s21] =	ssyncset.done $0x0  }
0x124: {  	[sflag:s21] =	ssyncadd.s32 $0xFFFFFC00  }
0x125: {  	v0 =	vld [tilespmem:$0x400]  }
0x126: {  	v1 =	vld [tilespmem:$0x410]  }
0x127: {  	v2 =	vld [tilespmem:$0x480]  }
0x128: {  	v3 =	vld [tilespmem:$0x490]  }
0x129: {  	v4 =	vld [tilespmem:$0x500]  }
0x12a: {  	v5 =	vld [tilespmem:$0x510]  }
0x12b: {  	v51 =	vld [tilespmem:$0x580];
	(xrf1) =	vsort.ascd.msk.f32 $0xffff, v0, v1  }
0x12c: {  	v6 =	vld [tilespmem:$0x590]  }
0x12d: {  	v52 =	vld [tilespmem:$0x600]  }
0x12e: {  	v7 =	vld [tilespmem:$0x610]  }
0x12f: {  	v53 =	vld [tilespmem:$0x680]  }
0x130: {  	v8 =	vld [tilespmem:$0x690]  }
0x131: {  	v54 =	vld [tilespmem:$0x700]  }
0x132: {  	v9 =	vld [tilespmem:$0x710]  }
0x133: {  	v55 =	vld [tilespmem:$0x780];
	(xrf1) =	vsort.ascd.msk.f32 $0xffff, v2, v3  }
0x134: {  	v10 =	vld [tilespmem:$0x790];
	(xrf1) =	vsort.ascd.msk.f32 $0xffff, v4, v5  }
0x135: {  	(xrf1) =	vsort.ascd.msk.f32 $0xffff, v51, v6  }
0x136: {  	(xrf1) =	vsort.ascd.msk.f32 $0xffff, v52, v7  }
0x137: {  	(xrf1) =	vsort.ascd.msk.f32 $0xffff, v53, v8  }
0x138: {  	(xrf1) =	vsort.ascd.msk.f32 $0xffff, v54, v9  }
0x139: {  	[tilespmem:$0x1180] =	vst v1;
	_, v56, _ =	vpop (xrf1);
	(xrf1) =	vsort.ascd.msk.f32 $0xffff, v55, v10  }
0x13a: {  	[tilespmem:$0x1190] =	vst v3  }
0x13b: {  	[tilespmem:$0x11A0] =	vst v5  }
0x13c: {  	[tilespmem:$0x11B0] =	vst v6  }
0x13d: {  	[tilespmem:$0x11C0] =	vst v7  }
0x13e: {  	[tilespmem:$0x11D0] =	vst v8  }
0x13f: {  	[tilespmem:$0x11E0] =	vst v9  }
0x140: {  	[tilespmem:$0x11F0] =	vst v10  }
0x141: {  	[tilespmem:$0x1080] =	vst v56;
	_, v57, _ =	vpop (xrf1)  }
0x142: {  	[tilespmem:$0x1090] =	vst v57;
	_, v58, _ =	vpop (xrf1)  }
0x143: {  	[tilespmem:$0x10A0] =	vst v58;
	_, v59, _ =	vpop (xrf1)  }
0x144: {  	[tilespmem:$0x10B0] =	vst v59;
	_, v60, _ =	vpop (xrf1)  }
0x145: {  	[tilespmem:$0x10C0] =	vst v60;
	_, v61, _ =	vpop (xrf1)  }
0x146: {  	[tilespmem:$0x10D0] =	vst v61;
	_, v62, _ =	vpop (xrf1)  }
0x147: {  	p1 =	seq.s32 s7, $0x0;
	[tilespmem:$0x10E0] =	vst v62;
	_, v63, _ =	vpop (xrf1)  }
0x148: {  	s2 =	simm.s32 @!p1 $0xA;
	[tilespmem:$0x10F0] =	vst v63  }
0x149: {  	_ =	swait.ge @!p1 [sflag:s2], $0x4000  }
0x14a: {  	[sflag:s2] =	ssyncset.done @!p1 $0x0  }
0x14b: {  	[sflag:s2] =	ssyncadd.s32 @!p1 $0xFFFFC000;
	s2 =	simm.s32 @!p1 $0xC  }
0x14c: {  	_ =	swait.ge @!p1 [sflag:s2], $0x4000  }
.Ltmp5:
0x14d: {  	[sflag:s2] =	ssyncset.done @!p1 $0x0;
	(pc) =	sbr.rel .LBB2_4-.Ltmp5, $4  }
0x14e: {  	[sflag:s2] =	ssyncadd.s32 @!p1 $0xFFFFC000  }
0x14f: {  	[tilespmem:s23], [sflag:$0x6] =	stream.indirect.gather [hbm4b:s3+s16], $0x80, s22, s16, $0xb8;
	[tilespmem:$0x11200] =	vst v63  }
0x150: {  	_ = 	snop  }
0x151: {  	[tilespmem:s25], [sflag:$0x8] =	stream.indirect.gather [hbm4b:s4+s16], $0x80, s24, s16, $0xb8;
	[tilespmem:$0x11200] =	vst v63  }
.LBB2_6:
0x152: {  	_ =	sfence.sel $0x180000  }
0x153: {  	[bflag:$0x0] =	sbarrier.arrive $0xFFFF  }
0x154: {  	_ =	strace $0x9000004A  }
0x155: {  	s0 =	stileid.u32;
	[bflag:$0x2] =	sbarrier.arrive $0xFFFF  }
0x156: {  	p0 =	sne.s32 s0, $0x0;
	s0 =	rddreg [dreg:$0x1]  }
0x157: {  	s0 =	sadd.s32 @!p0 $0x100000, s0  }
0x158: {  	[sflag:s0] =	ssyncadd.tile.s32 @!p0 $0x1;
	_ =	shalt  }
.Lfunc_end2:
_tile_overlayer_lowered:
.L_overlay_start_2:
0x159: {  	(tag) =	ssettag $0x2  }
0x15a: {  	s0 =	rddreg [dreg:$0x0];
	s2 =	stileid.u32  }
0x15b: {  	s1 =	rddreg [dreg:$0x1];
	p0 =	sne.s32 s2, $0x0  }
0x15c: {  	s3 =	rddreg [dreg:$0x2];
	[bflag:$0x3] =	sbarrier.arrive $0xFFFF;
	s2 =	simm.s32 @!p0 $0x1C0D  }
0x15d: {  	[timem:s3], [sflag:s2] =	dma.local @!p0 [hbm:s0], s1  }
0x15e: {  	s0 =	simm.s32 @!p0 $0xD  }
0x15f: {  	_ =	swait.ge @!p0 [sflag:s0], s1  }
0x160: {  	s1 =	ssub.s32 @!p0 $0x0, s1;
	[sflag:s0] =	ssyncset.done @!p0 $0x0  }
0x161: {  	[sflag:s0] =	ssyncadd.s32 @!p0 s1  }
0x162: {  	[bflag:$0x3] =	sbarrier.arrive $0xFFFF  }
0x163: {  	_ =	shalt  }

// kernel: _run.16.cloned.1.call-start
scs
__scs_entry_jumppad:
0x0: {  	(pc) =	sbr.rel $0x88, $3  }
0x1: {  	(tag) =	ssettag $0x0;
	lr =	simm.s32 $0x1  }
0x2: {  	[smem:$0x3F95] =	sst lr;
	_ =	strace $0xD0000000  }
0x3: {  	_ = 	snop  }
0x4: {  	_ = 	snop  }
0x5: {  	_ = 	snop  }
0x6: {  	_ = 	snop  }
0x7: {  	_ = 	snop  }
__scs_overlays_trampoline_lowered:
0x8: {  	[smem:$0x3FA4] =	sst s0  }
0x9: {  	[smem:$0x3FA5] =	sst s1  }
0xa: {  	[smem:$0x3FA6] =	sst s2  }
0xb: {  	[smem:$0x3FA7] =	sst s3  }
0xc: {  	[smem:$0x3FA8] =	sst s4  }
0xd: {  	[smem:$0x3FA9] =	sst s5  }
0xe: {  	[smem:$0x3FAA] =	sst s6  }
0xf: {  	[smem:$0x3FAB] =	sst s7  }
0x10: {  	[smem:$0x3FAC] =	sst s8  }
0x11: {  	[smem:$0x3FAD] =	sst s9;
	s0 =	simm.s32 @!p0 $0x0  }
0x12: {  	s1 =	sld [smem:$0x3F93];
	s0 =	simm.s32 @p0 $0x1  }
0x13: {  	[smem:$0x3FAE] =	sst s0;
	s0 =	simm.s32 @!p1 $0x0  }
0x14: {  	s2 =	sld [smem:$0x3F92];
	s0 =	simm.s32 @p1 $0x1  }
0x15: {  	[smem:$0x3FAF] =	sst s0;
	s0 =	simm.s32 @!p2 $0x0  }
0x16: {  	s3 =	sld [smem:$0x3FDB];
	s0 =	simm.s32 @p2 $0x1  }
0x17: {  	s4 =	simm.s32 $0x1BF5;
	[smem:$0x3FB1] =	sst s0  }
0x18: {  	s0 =	sld [smem:$0x3F94];
	_ =	swait.ge [sflag:s4], $0x0  }
0x19: {  	s7 =	sld [smem:$0x3F95]  }
0x1a: {  	s8 =	sadd.s32 $0xFFFFE003, lr  }
0x1b: {  	s9 =	sadd.s32 $0xFFFFFEF7, lr;
	s5 =	simm.s32 $0xFFFFFFFF;
	p2 =	slt.u32 s8, $0xFFFFF086  }
0x1c: {  	p1 =	slt.u32 s9, $0xF7A;
	s5 =	simm.s32 @!p2 $0x0  }
0x1d: {  	s5 =	simm.s32 @p1 $0x1;
	p0 =	seq.s32 s7, s2  }
0x1e: {  	s7 =	smul.u32 @!p0 $0xF7A, s2;
	p2 =	seq.s32 @!p0 s5, $0x0  }
0x1f: {  	s9 =	smul.u32 $0xF7A, s1;
	s8 =	simm.s32 @!p0 $0x1BF5;
	p2 =	por !p2, p0  }
0x20: {  	[sflag:s8] =	ssyncset.s32 @!p0 $0xFFFFF086;
	s6 =	sadd.s32 @!p0 s3, s7;
	s7 =	simm.s32 @!p0 $0x108  }
0x21: {  	s3 =	sadd.s32 s3, s9;
	s6 =	sadd.s32 @!p0 $0x88, s6;
	s7 =	simm.s32 @p2 $0x1082  }
0x22: {  	[simem:s7], [sflag:s8] =	dma.local @!p0 [hbm:s6], $0xF7A  }
0x23: {  	s9 =	sor.u32 $0xD0000000, s2;
	s6 =	simm.s32 $0x108;
	_ =	swait.ge @!p0 [sflag:s8], $0x0  }
0x24: {  	s3 =	sadd.s32 $0x88, s3;
	s6 =	simm.s32 @!p1 $0x1082;
	[sflag:s4] =	ssyncset.s32 $0xFFFFF086  }
0x25: {  	[simem:s6], [sflag:s4] =	dma.local [hbm:s3], $0xF7A  }
0x26: {  	[smem:$0x3F95] =	sst s1;
	(tag) =	ssettag s2;
	_ =	strace s9  }
0x27: {  	s1 =	sld [smem:$0x3FA5]  }
0x28: {  	s2 =	sld [smem:$0x3FA6]  }
0x29: {  	s4 =	sld [smem:$0x3FA8]  }
0x2a: {  	p0 =	seq.s32 s5, $0x0;
	s5 =	sld [smem:$0x3FA9]  }
0x2b: {  	s6 =	sld [smem:$0x3FAA]  }
0x2c: {  	s7 =	sld [smem:$0x3FAB]  }
0x2d: {  	s3 =	simm.s32 $0x108;
	s8 =	sld [smem:$0x3FAC]  }
0x2e: {  	s3 =	simm.s32 @!p0 $0x1082;
	s9 =	sld [smem:$0x3FAD]  }
0x2f: {  	lr =	sadd.s32 s0, s3;
	s0 =	sld [smem:$0x3FA4]  }
0x30: {  	s3 =	sld [smem:$0x3FA7]  }
0x31: {  	[smem:$0x3FB0] =	sst s10  }
0x32: {  	s10 =	sld [smem:$0x3FAE];
	_ =	sdelay $0x3  }
0x33: {  	p0 =	seq.s32 s10, $0x1;
	s10 =	sld [smem:$0x3FB0];
	_ =	sdelay $0x3  }
0x34: {  	[smem:$0x3FB0] =	sst s10  }
0x35: {  	s10 =	sld [smem:$0x3FAF];
	_ =	sdelay $0x3  }
0x36: {  	p1 =	seq.s32 s10, $0x1;
	s10 =	sld [smem:$0x3FB0];
	_ =	sdelay $0x3  }
0x37: {  	[smem:$0x3FB0] =	sst s10  }
0x38: {  	s10 =	sld [smem:$0x3FB1]  }
0x39: {  	_ = 	snop;
	(pc) =	sbr.ind lr, $3  }
0x3a: {  	_ = 	snop  }
0x3b: {  	_ = 	snop  }
0x3c: {  	p2 =	seq.s32 s10, $0x1;
	s10 =	sld [smem:$0x3FB0]  }
0x3d: {  	_ =	shalt  }
0x3e: {  	_ =	shalt  }
0x3f: {  	_ =	shalt  }
0x40: {  	_ =	shalt  }
0x41: {  	_ =	shalt  }
0x42: {  	_ =	shalt  }
0x43: {  	_ =	shalt  }
0x44: {  	_ =	shalt  }
0x45: {  	_ =	shalt  }
0x46: {  	_ =	shalt  }
0x47: {  	_ =	shalt  }
0x48: {  	_ =	shalt  }
0x49: {  	_ =	shalt  }
0x4a: {  	_ =	shalt  }
0x4b: {  	_ =	shalt  }
0x4c: {  	_ =	shalt  }
0x4d: {  	_ =	shalt  }
0x4e: {  	_ =	shalt  }
0x4f: {  	_ =	shalt  }
0x50: {  	_ =	shalt  }
0x51: {  	_ =	shalt  }
0x52: {  	_ =	shalt  }
0x53: {  	_ =	shalt  }
0x54: {  	_ =	shalt  }
0x55: {  	_ =	shalt  }
0x56: {  	_ =	shalt  }
0x57: {  	_ =	shalt  }
0x58: {  	_ =	shalt  }
0x59: {  	_ =	shalt  }
0x5a: {  	_ =	shalt  }
0x5b: {  	_ =	shalt  }
0x5c: {  	_ =	shalt  }
0x5d: {  	_ =	shalt  }
0x5e: {  	_ =	shalt  }
0x5f: {  	_ =	shalt  }
0x60: {  	_ =	shalt  }
0x61: {  	_ =	shalt  }
0x62: {  	_ =	shalt  }
0x63: {  	_ =	shalt  }
0x64: {  	_ =	shalt  }
0x65: {  	_ =	shalt  }
0x66: {  	_ =	shalt  }
0x67: {  	_ =	shalt  }
0x68: {  	_ =	shalt  }
0x69: {  	_ =	shalt  }
0x6a: {  	_ =	shalt  }
0x6b: {  	_ =	shalt  }
0x6c: {  	_ =	shalt  }
0x6d: {  	_ =	shalt  }
0x6e: {  	_ =	shalt  }
0x6f: {  	_ =	shalt  }
0x70: {  	_ =	shalt  }
0x71: {  	_ =	shalt  }
0x72: {  	_ =	shalt  }
0x73: {  	_ =	shalt  }
0x74: {  	_ =	shalt  }
0x75: {  	_ =	shalt  }
0x76: {  	_ =	shalt  }
0x77: {  	_ =	shalt  }
0x78: {  	_ =	shalt  }
0x79: {  	_ =	shalt  }
0x7a: {  	_ =	shalt  }
0x7b: {  	_ =	shalt  }
0x7c: {  	_ =	shalt  }
0x7d: {  	_ =	shalt  }
0x7e: {  	_ =	shalt  }
0x7f: {  	_ =	shalt  }
0x80: {  	_ =	shalt  }
0x81: {  	_ =	shalt  }
0x82: {  	_ =	shalt  }
0x83: {  	_ =	shalt  }
0x84: {  	_ =	shalt  }
0x85: {  	_ =	shalt  }
0x86: {  	_ =	shalt  }
0x87: {  	_ =	shalt  }
.Lfunc_end0:
.L_simem_size_0:
called_computation.2_lowered:
.L_overlay_start_0:
0x88: {  	s2 =	sld [smem:$0x3FD9]  }
0x89: {  	s3 =	sld [smem:$0x3FFE];
	_ =	sdelay $0x1  }
0x8a: {  	s1 =	srdreg.scid  }
0x8b: {  	s0 =	sand.u32 $0x1, s1  }
0x8c: {  	s16 =	sshll.u32 s0, $0xA;
	s2 =	sadd.s32 s3, s2  }
0x8d: {  	s2 =	sadd.s32 s2, s16  }
0x8e: {  	[smem:$0x3FBC] =	sst s2  }
0x8f: {  	_ = 	snop  }
0x90: {  	(tm) =	ssettm $0x1  }
0x91: {  	s17 =	sld [smem:$0x3FFB];
	_ =	sdelay $0x3  }
0x92: {  	_ =	strace s17  }
0x93: {  	s2 =	sld [smem:$0x3FFC];
	_ =	sdelay $0x3  }
0x94: {  	_ =	strace s2  }
0x95: {  	s2 =	sld [smem:$0x3FFD];
	_ =	sdelay $0x3  }
0x96: {  	_ =	strace s2  }
0x97: {  	_ =	strace $0x8FFFFFFF  }
0x98: {  	s18 =	sld [smem:$0x3FDB];
	_ =	sdelay $0x1  }
0x99: {  	s19 =	simm.s32 $_scs_section_size  }
0x9a: {  	s4 =	simm.s32 $_size__tile_overlayer_lowered;
	s5 =	simm.s32 $_tile_overlayer_lowered  }
0x9b: {  	s22 =	simm.s32 $0x1BFF;
	s21 =	sshll.u32 s5, $0x1;
	s2 =	sadd.s32 s19, s18  }
0x9c: {  	s6 =	simm.s32 $0x0;
	s20 =	sshll.u32 s4, $0x1;
	s4 =	sadd.s32 s21, s2  }
0x9d: {  	[timem:s6], [sflag:s22] =	dma.local [hbm:s4], s20  }
0x9e: {  	_ =	swait.ge [sflag:s22], s20  }
0x9f: {  	s3 =	ssub.s32 $0x0, s20;
	[sflag:s22] =	ssyncset.done $0x0  }
0xa0: {  	[sflag:s22] =	ssyncadd.s32 s3;
	_ =	sdelay $0x1  }
0xa1: {  	s23 =	simm.s32 $0x1B8B  }
0xa2: {  	_ =	swait.ge [sflag:s23], $0x1  }
0xa3: {  	[sflag:s23] =	ssyncset.done $0x0  }
0xa4: {  	s25 =	simm.s32 $0x1B8E;
	s24 =	sld [smem:$0x3FFE];
	[sflag:s23] =	ssyncadd.s32 $0xFFFFFFFF  }
0xa5: {  	s26 =	simm.s32 $execute0_lowered;
	[smem:$0x3FD2] =	sst s25  }
0xa6: {  	s4 =	sshll.u32 s26, $0x1;
	_ =	strace $0x8000004C;
	[dreg:$0x1] =	wrdreg $0xFFFFFFFF  }
0xa7: {  	s28 =	simm.s32 $_size_execute0_lowered;
	s2 =	sadd.s32 s2, s4;
	[dreg:$0x0] =	wrdreg $0x0  }
0xa8: {  	s4 =	sshll.u32 s28, $0x1;
	[dreg:$0x2] =	wrdreg s2  }
0xa9: {  	[dreg:$0x3] =	wrdreg s4  }
0xaa: {  	[dreg:$0x4] =	wrdreg $0xC0  }
0xab: {  	_ =	task [dreg:s6], $0x5FFFF  }
0xac: {  	[dreg:$0x1] =	wrdreg $0xFFFFFFFF  }
0xad: {  	[dreg:$0x0] =	wrdreg $0x60  }
0xae: {  	[dreg:$0x2] =	wrdreg s24  }
0xaf: {  	[dreg:$0x3] =	wrdreg $0x9  }
0xb0: {  	_ =	task.clear_ibuf [dreg:s6], $0x4FFFF;
	_ =	strace $0x9000004C  }
0xb1: {  	s29 =	simm.s32 $0x9;
	_ =	strace $0x8000004E  }
0xb2: {  	_ =	swait.ge [sflag:s29], $0x1  }
0xb3: {  	[sflag:s29] =	ssyncadd.s32 $0xFFFFFFFF  }
0xb4: {  	_ =	strace $0x9000004E  }
0xb5: {  	_ =	sfence  }
0xb6: {  	s30 =	sld [smem:$0x0];
	_ =	sdelay $0x2  }
0xb7: {  	s31 =	sshll.u32 s1, $0xD;
	s1 =	sshrl.u32 s1, $0x2  }
0xb8: {  	s3 =	sand.u32 $0x4000, s31;
	s1 =	sadd.s32 s1, s30  }
0xb9: {  	s0 =	sor.u32 s3, s0;
	s1 =	sshll.u32 s1, $0x11  }
0xba: {  	s0 =	sor.u32 s1, s0  }
0xbb: {  	s0 =	sadd.s32 $0x8F2B, s0  }
0xbc: {  	[sflag:s0] =	ssyncadd.remote.s32 $0x1  }
0xbd: {  	_ =	sfence.sel $0xFFFF  }
0xbe: {  	[dreg:$0x0] =	wrdreg $0xFFFFFFFF;
	(pc) =	sbr.abs _section_cstart, $3  }
0xbf: {  	[dreg:$0x1] =	wrdreg $0xFFFFFFFF  }
0xc0: {  	_ =	task.clear_ibuf [dreg:s6], $0x2FFFF;
	_ =	strace $0x9FFFFFFF  }
0xc1: {  	(tm) =	ssettm $0x7FFFFFFF  }
tec
execute0_lowered:
.L_overlay_start_1:
0x0: {  	(tag) =	ssettag $0x1  }
0x1: {  	s0 =	rddreg [dreg:$0x0]  }
0x2: {  	s2 =	simm.s32 $0x0;
	s4 =	stileid.u32;
	s1 =	srdreg.scid  }
0x3: {  	s15 =	simm.s32 $0x80;
	s18 =	simm.s32 $0x1;
	s21 =	simm.s32 $0x5  }
0x4: {  	s22 =	simm.s32 $0x6;
	s23 =	simm.s32 $0x0;
	s5 =	smul.u32 $0x2C000, s4  }
0x5: {  	[smem:$0x7FF] =	sst s2;
	s3 =	sadd.s32 $0x3C00, s0;
	s7 =	smul.u32 $0x2C00, s4  }
0x6: {  	s1 =	sand.u32 $0x1, s1;
	s4 =	sadd.s32 $0xA7C200, s0;
	_ =	strace $0x8000004D  }
0x7: {  	s6 =	ssub.s32 $0x0, s1;
	s8 =	ssub.s32 $0x2, s1;
	p0 =	seq.s32 s1, $0x0  }
0x8: {  	s11 =	sand.u32 $0x1A00, s6;
	s12 =	sadd.s32 s5, s0;
	s25 =	sshrl.u32 s8, $0x1  }
0x9: {  	s5 =	simm.s32 $0x1A;
	s13 =	sadd.s32 s7, s11;
	s8 =	ssub.s32 s8, s25  }
0xa: {  	s7 =	sadd.s32 $0x3C10, s0;
	s5 =	simm.s32 @!p0 $0x12;
	s30 =	sshll.u32 s11, $0x4  }
0xb: {  	s26 =	sshrl.u32 s13, $0x3;
	s31 =	sadd.s32 $0x300, s13;
	s11 =	smax.u32 s8, $0x1  }
0xc: {  	s13 =	sadd.s32 $0x200, s13;
	s6 =	sadd.s32 s3, s26;
	s0 =	sadd.s32 s26, s7  }
0xd: {  	s1 =	sshrl.u32 s31, $0x3;
	[dreg:$0x2] =	wrdreg s0;
	s28 =	sadd.s32 $0x20, s6  }
0xe: {  	s29 =	sadd.s32 $0x30, s6;
	s0 =	sadd.s32 s30, s12;
	[dreg:$0x3] =	wrdreg s28  }
0xf: {  	[dreg:$0x4] =	wrdreg s29;
	s12 =	sadd.s32 $0x9400, s0;
	s0 =	sadd.s32 s1, s7  }
.LBB2_1:
0x10: {  	[tilespmem:s2], [sflag:$0x1] =	stream.linear.gather [hbm4b:s6+s2], $0x80, $0x38;
	[tilespmem:$0x10200] =	vst v63  }
0x11: {  	s1 =	rddreg [dreg:$0x2]  }
0x12: {  	[tilespmem:s15], [sflag:$0x1] =	stream.linear.gather [hbm4b:s1+s2], $0x80, $0x38;
	[tilespmem:$0x10200] =	vst v63  }
0x13: {  	s19 =	rddreg [dreg:$0x3];
	s8 =	simm.s32 $0x100  }
0x14: {  	[tilespmem:s8], [sflag:$0x2] =	stream.linear.gather [hbm4b:s19+s2], $0x80, $0x38;
	[tilespmem:$0x10200] =	vst v63  }
0x15: {  	s20 =	rddreg [dreg:$0x4];
	s24 =	simm.s32 $0x180  }
0x16: {  	[tilespmem:s24], [sflag:$0x2] =	stream.linear.gather [hbm4b:s20+s2], $0x80, $0x38;
	[tilespmem:$0x10200] =	vst v63  }
0x17: {  	_ =	swait.ge [sflag:s18], $0x80  }
0x18: {  	[sflag:s18] =	ssyncset.done $0x0  }
0x19: {  	[sflag:s18] =	ssyncadd.s32 $0xFFFFFF80  }
0x1a: {  	_ =	swait.ge [sflag:s18], $0x80  }
0x1b: {  	[sflag:s18] =	ssyncset.done $0x0  }
0x1c: {  	s25 =	simm.s32 $0x200;
	p0 =	sle.u32 s5, $0x1;
	[sflag:s18] =	ssyncadd.s32 $0xFFFFFF80  }
0x1d: {  	[tilespmem:s25], [sflag:$0x3] =	stream.indirect.gather [hbm4b:s4+s15], $0x80, s2, s15, $0xb8;
	[tilespmem:$0x10200] =	vst v63  }
0x1e: {  	s26 =	simm.s32 $0x4200;
	s1 =	simm.s32 @!p0 $0x2;
	p0 =	por p0, p0  }
0x1f: {  	[tilespmem:s26], [sflag:$0x3] =	stream.indirect.gather [hbm4b:s4+s15], $0x80, s15, s15, $0xb8;
	[tilespmem:$0x10200] =	vst v63  }
0x20: {  	_ =	swait.ge @!p0 [sflag:s1], $0x80  }
0x21: {  	[sflag:s1] =	ssyncset.done @!p0 $0x0  }
0x22: {  	[sflag:s1] =	ssyncadd.s32 @!p0 $0xFFFFFF80  }
0x23: {  	p1 =	por @!p0 $0x1, $0x1;
	_ =	swait.ge @!p0 [sflag:s1], $0x80  }
0x24: {  	p2 =	por p1, p0;
	[sflag:s1] =	ssyncset.done @!p0 $0x0  }
0x25: {  	s8 =	simm.s32 @!p2 $0x6;
	[sflag:s1] =	ssyncadd.s32 @!p0 $0xFFFFFF80  }
0x26: {  	_ =	swait.ge @!p2 [sflag:s8], $0x8000  }
0x27: {  	s14 =	simm.s32 @!p0 $0x100;
	s30 =	simm.s32 @!p0 $0x8200;
	[sflag:s8] =	ssyncset.done @!p2 $0x0  }
0x28: {  	p1 =	sle.u32 s5, $0x0;
	s1 =	simm.s32 @!p0 $0x80;
	[sflag:s8] =	ssyncadd.s32 @!p2 $0xFFFF8000  }
0x29: {  	[tilespmem:s30], [sflag:$0x4] =	stream.indirect.gather @!p0 [hbm4b:s4+s1], $0x80, s14, s1, $0xb8;
	[tilespmem:$0x10200] =	vst v63  }
0x2a: {  	s16 =	simm.s32 @!p1 $0x3;
	s8 =	simm.s32 @!p0 $0x180;
	s14 =	simm.s32 @!p0 $0xC200  }
0x2b: {  	[tilespmem:s14], [sflag:$0x4] =	stream.indirect.gather @!p0 [hbm4b:s4+s1], $0x80, s8, s1, $0xb8;
	[tilespmem:$0x10200] =	vst v63  }
0x2c: {  	_ =	swait.ge @!p1 [sflag:s16], $0x4000  }
0x2d: {  	[sflag:s16] =	ssyncset.done @!p1 $0x0  }
0x2e: {  	[sflag:s16] =	ssyncadd.s32 @!p1 $0xFFFFC000  }
0x2f: {  	_ =	swait.ge @!p1 [sflag:s16], $0x4000  }
0x30: {  	p2 =	sle.u32 s5, $0x2;
	s1 =	simm.s32 @!p1 $0x0;
	[sflag:s16] =	ssyncset.done @!p1 $0x0  }
0x31: {  	s8 =	simm.s32 @!p1 $0x200;
	s14 =	sshrl.u32 @!p2 s13, $0x3;
	[sflag:s16] =	ssyncadd.s32 @!p1 $0xFFFFC000  }
0x32: {  	[hbm4b:s12+s1] =	stream.linear.scatter @!p1 [tilespmem:s8], [sflag:$0x5], $0x8000, $0x38;
	[tilespmem:$0x10200] =	vst v63  }
0x33: {  	s1 =	sadd.s32 @!p2 s3, s14;
	s8 =	simm.s32 @!p2 $0x0  }
0x34: {  	[tilespmem:s8], [sflag:$0x1] =	stream.linear.gather @!p2 [hbm4b:s1+s8], $0x80, $0x38;
	[tilespmem:$0x10200] =	vst v63  }
0x35: {  	s16 =	simm.s32 @!p2 $0x80;
	s1 =	sadd.s32 @!p2 s14, s7;
	s14 =	simm.s32 @!p2 $0x1  }
0x36: {  	[tilespmem:s16], [sflag:$0x1] =	stream.linear.gather @!p2 [hbm4b:s1+s8], $0x80, $0x38;
	[tilespmem:$0x10200] =	vst v63  }
0x37: {  	_ =	swait.ge @!p2 [sflag:s14], $0x80  }
0x38: {  	[sflag:s14] =	ssyncset.done @!p2 $0x0  }
0x39: {  	[sflag:s14] =	ssyncadd.s32 @!p2 $0xFFFFFF80  }
0x3a: {  	s31 =	simm.s32 $0x4;
	_ =	swait.ge @!p2 [sflag:s14], $0x80  }
0x3b: {  	s28 =	sadd.s32 $0x200, s13;
	s29 =	simm.s32 $0x4;
	[sflag:s14] =	ssyncset.done @!p2 $0x0  }
0x3c: {  	s17 =	simm.s32 @!p0 $0x4;
	s1 =	simm.s32 @!p2 $0x5;
	[sflag:s14] =	ssyncadd.s32 @!p2 $0xFFFFFF80  }
0x3d: {  	s19 =	sadd.s32 @!p0 $0x1000, s12;
	s24 =	sadd.s32 $0x40, s0;
	_ =	swait.ge @!p2 [sflag:s1], $0x8000  }
0x3e: {  	s20 =	simm.s32 @!p0 $0x0;
	s25 =	simm.s32 $0x2;
	[sflag:s1] =	ssyncset.done @!p2 $0x0  }
0x3f: {  	s26 =	sadd.s32 $0x2000, s12;
	s14 =	simm.s32 @!p2 $0x200;
	[sflag:s1] =	ssyncadd.s32 @!p2 $0xFFFF8000  }
0x40: {  	[tilespmem:s14], [sflag:$0x3] =	stream.indirect.gather @!p2 [hbm4b:s4+s16], $0x80, s8, s16, $0xb8;
	[tilespmem:$0x10200] =	vst v63  }
0x41: {  	s1 =	simm.s32 $0x0;
	s8 =	simm.s32 @!p2 $0x4200;
	s14 =	smov.u32 s0  }
.LBB2_2:
0x42: {  	[tilespmem:s8], [sflag:$0x3] =	stream.indirect.gather @!p2 [hbm4b:s4+s16], $0x80, s16, s16, $0xb8;
	[tilespmem:$0x10200] =	vst v63  }
0x43: {  	s8 =	smov.u32 s31;
	s31 =	sadd.s32 $0x2, s31;
	_ =	swait.ge @!p0 [sflag:s17], $0x4000  }
0x44: {  	p1 =	sne.s32 s31, $0x1A;
	[sflag:s17] =	ssyncset.done @!p0 $0x0  }
0x45: {  	[sflag:s17] =	ssyncadd.s32 @!p0 $0xFFFFC000  }
0x46: {  	s16 =	sadd.s32 $0x3, s1;
	s1 =	smov.u32 s25;
	_ =	swait.ge @!p0 [sflag:s17], $0x4000  }
0x47: {  	s9 =	sadd.s32 $0x1, s1;
	s25 =	smov.u32 s8;
	[sflag:s17] =	ssyncset.done @!p0 $0x0  }
0x48: {  	p3 =	sge.u32 s16, s5;
	p2 =	sge.u32 s9, s5;
	[sflag:s17] =	ssyncadd.s32 @!p0 $0xFFFFC000  }
0x49: {  	[hbm4b:s19+s20] =	stream.linear.scatter @!p0 [tilespmem:s30], [sflag:$0x6], $0x8000, $0x38;
	[tilespmem:$0x10200] =	vst v63  }
0x4a: {  	s8 =	sadd.s32 @!p3 $0xFFFFFFF0, s14;
	s9 =	simm.s32 @!p3 $0x0;
	s16 =	simm.s32 @!p3 $0x100  }
0x4b: {  	[tilespmem:s16], [sflag:$0x2] =	stream.linear.gather @!p3 [hbm4b:s8+s9], $0x80, $0x38;
	[tilespmem:$0x10200] =	vst v63  }
0x4c: {  	p0 =	por p2, p2;
	s8 =	simm.s32 @!p2 $0x2;
	s16 =	simm.s32 @!p3 $0x180  }
0x4d: {  	[tilespmem:s16], [sflag:$0x2] =	stream.linear.gather @!p3 [hbm4b:s14+s9], $0x80, $0x38;
	[tilespmem:$0x10200] =	vst v63  }
0x4e: {  	s9 =	simm.s32 @!p0 $0x80;
	s16 =	simm.s32 @!p0 $0x100;
	_ =	swait.ge @!p0 [sflag:s8], $0x80  }
0x4f: {  	s14 =	smov.u32 s24;
	[sflag:s8] =	ssyncset.done @!p0 $0x0  }
0x50: {  	p2 =	seq.s32 @!p0 s1, $0x0;
	[sflag:s8] =	ssyncadd.s32 @!p0 $0xFFFFFF80  }
0x51: {  	p2 =	por p2, p0;
	_ =	swait.ge @!p0 [sflag:s8], $0x80  }
0x52: {  	s17 =	simm.s32 @!p2 $0x6;
	[sflag:s8] =	ssyncset.done @!p0 $0x0  }
0x53: {  	[sflag:s8] =	ssyncadd.s32 @!p0 $0xFFFFFF80  }
0x54: {  	s8 =	simm.s32 @!p0 $0x180;
	_ =	swait.ge @!p2 [sflag:s17], $0x8000  }
0x55: {  	s19 =	simm.s32 @!p0 $0xC200;
	p3 =	sge.u32 s1, s5;
	[sflag:s17] =	ssyncset.done @!p2 $0x0  }
0x56: {  	s30 =	simm.s32 @!p0 $0x8200;
	[sflag:s17] =	ssyncadd.s32 @!p2 $0xFFFF8000  }
0x57: {  	s20 =	simm.s32 @!p3 $0x0;
	s10 =	simm.s32 @!p3 $0x200;
	s17 =	simm.s32 @!p3 $0x3  }
0x58: {  	[tilespmem:s30], [sflag:$0x4] =	stream.indirect.gather @!p0 [hbm4b:s4+s9], $0x80, s16, s9, $0xb8;
	[tilespmem:$0x10200] =	vst v63  }
0x59: {  	_ = 	snop  }
0x5a: {  	[tilespmem:s19], [sflag:$0x4] =	stream.indirect.gather @!p0 [hbm4b:s4+s9], $0x80, s8, s9, $0xb8;
	[tilespmem:$0x10200] =	vst v63  }
0x5b: {  	_ =	swait.ge @!p3 [sflag:s17], $0x4000  }
0x5c: {  	[sflag:s17] =	ssyncset.done @!p3 $0x0  }
0x5d: {  	[sflag:s17] =	ssyncadd.s32 @!p3 $0xFFFFC000  }
0x5e: {  	_ =	swait.ge @!p3 [sflag:s17], $0x4000  }
0x5f: {  	p2 =	sge.u32 s29, s5;
	s29 =	smov.u32 s31;
	[sflag:s17] =	ssyncset.done @!p3 $0x0  }
0x60: {  	s8 =	sshrl.u32 @!p2 s28, $0x3;
	[sflag:s17] =	ssyncadd.s32 @!p3 $0xFFFFC000  }
0x61: {  	[hbm4b:s26+s20] =	stream.linear.scatter @!p3 [tilespmem:s10], [sflag:$0x5], $0x8000, $0x38;
	[tilespmem:$0x10200] =	vst v63  }
0x62: {  	s9 =	sadd.s32 @!p2 s3, s8;
	s10 =	simm.s32 @!p2 $0x0  }
0x63: {  	[tilespmem:s10], [sflag:$0x1] =	stream.linear.gather @!p2 [hbm4b:s9+s10], $0x80, $0x38;
	[tilespmem:$0x10200] =	vst v63  }
0x64: {  	s16 =	simm.s32 @!p2 $0x80;
	s8 =	sadd.s32 @!p2 s8, s7;
	s9 =	simm.s32 @!p2 $0x1  }
0x65: {  	[tilespmem:s16], [sflag:$0x1] =	stream.linear.gather @!p2 [hbm4b:s8+s10], $0x80, $0x38;
	[tilespmem:$0x10200] =	vst v63  }
0x66: {  	_ =	swait.ge @!p2 [sflag:s9], $0x80  }
0x67: {  	[sflag:s9] =	ssyncset.done @!p2 $0x0  }
0x68: {  	[sflag:s9] =	ssyncadd.s32 @!p2 $0xFFFFFF80  }
0x69: {  	_ =	swait.ge @!p2 [sflag:s9], $0x80  }
0x6a: {  	[sflag:s9] =	ssyncset.done @!p2 $0x0  }
0x6b: {  	s24 =	sadd.s32 $0x40, s24;
	s8 =	simm.s32 @!p2 $0x5;
	[sflag:s9] =	ssyncadd.s32 @!p2 $0xFFFFFF80  }
.Ltmp0:
0x6c: {  	s17 =	simm.s32 @!p0 $0x4;
	_ =	swait.ge @!p2 [sflag:s8], $0x8000;
	(pc) =	sbr.rel @p1 .LBB2_2-.Ltmp0, $4  }
0x6d: {  	s9 =	simm.s32 @!p2 $0x200;
	[sflag:s8] =	ssyncset.done @!p2 $0x0  }
0x6e: {  	s19 =	sadd.s32 @!p0 $0x1000, s26;
	s20 =	simm.s32 @!p0 $0x0;
	[sflag:s8] =	ssyncadd.s32 @!p2 $0xFFFF8000  }
0x6f: {  	[tilespmem:s9], [sflag:$0x3] =	stream.indirect.gather @!p2 [hbm4b:s4+s16], $0x80, s10, s16, $0xb8;
	[tilespmem:$0x10200] =	vst v63  }
0x70: {  	s28 =	sadd.s32 $0x200, s28;
	s26 =	sadd.s32 $0x2000, s26;
	s8 =	simm.s32 @!p2 $0x4200  }
0x71: {  	[tilespmem:s8], [sflag:$0x3] =	stream.indirect.gather @!p2 [hbm4b:s4+s16], $0x80, s16, s16, $0xb8;
	[tilespmem:$0x10200] =	vst v63  }
0x72: {  	_ =	swait.ge @!p0 [sflag:s17], $0x4000  }
0x73: {  	[sflag:s17] =	ssyncset.done @!p0 $0x0  }
0x74: {  	[sflag:s17] =	ssyncadd.s32 @!p0 $0xFFFFC000  }
0x75: {  	_ =	swait.ge @!p0 [sflag:s17], $0x4000  }
0x76: {  	s1 =	sadd.s32 $0x3, s1;
	s16 =	sadd.s32 $0x1, s25;
	[sflag:s17] =	ssyncset.done @!p0 $0x0  }
0x77: {  	p1 =	sge.u32 s16, s5;
	p2 =	sge.u32 s1, s5;
	[sflag:s17] =	ssyncadd.s32 @!p0 $0xFFFFC000  }
0x78: {  	[hbm4b:s19+s20] =	stream.linear.scatter @!p0 [tilespmem:s30], [sflag:$0x6], $0x8000, $0x38;
	[tilespmem:$0x10200] =	vst v63  }
0x79: {  	s1 =	sadd.s32 @!p2 $0xFFFFFFF0, s14;
	s8 =	simm.s32 @!p2 $0x0;
	s9 =	simm.s32 @!p2 $0x100  }
0x7a: {  	[tilespmem:s9], [sflag:$0x2] =	stream.linear.gather @!p2 [hbm4b:s1+s8], $0x80, $0x38;
	[tilespmem:$0x10200] =	vst v63  }
0x7b: {  	p0 =	por p1, p1;
	s1 =	simm.s32 @!p1 $0x2;
	s9 =	simm.s32 @!p2 $0x180  }
0x7c: {  	[tilespmem:s9], [sflag:$0x2] =	stream.linear.gather @!p2 [hbm4b:s14+s8], $0x80, $0x38;
	[tilespmem:$0x10200] =	vst v63  }
0x7d: {  	_ =	swait.ge @!p0 [sflag:s1], $0x80  }
0x7e: {  	[sflag:s1] =	ssyncset.done @!p0 $0x0  }
0x7f: {  	[sflag:s1] =	ssyncadd.s32 @!p0 $0xFFFFFF80  }
0x80: {  	p1 =	seq.s32 @!p0 s25, $0x0;
	_ =	swait.ge @!p0 [sflag:s1], $0x80  }
0x81: {  	p1 =	por p1, p0;
	[sflag:s1] =	ssyncset.done @!p0 $0x0  }
0x82: {  	s8 =	simm.s32 @!p1 $0x6;
	[sflag:s1] =	ssyncadd.s32 @!p0 $0xFFFFFF80  }
0x83: {  	_ =	swait.ge @!p1 [sflag:s8], $0x8000  }
0x84: {  	s9 =	simm.s32 @!p0 $0x100;
	p2 =	sge.u32 s25, s5;
	[sflag:s8] =	ssyncset.done @!p1 $0x0  }
0x85: {  	s1 =	simm.s32 @!p0 $0x80;
	[sflag:s8] =	ssyncadd.s32 @!p1 $0xFFFF8000;
	s8 =	simm.s32 @!p0 $0x8200  }
0x86: {  	[tilespmem:s8], [sflag:$0x4] =	stream.indirect.gather @!p0 [hbm4b:s4+s1], $0x80, s9, s1, $0xb8;
	[tilespmem:$0x10200] =	vst v63  }
0x87: {  	s10 =	simm.s32 @!p0 $0xC200;
	s14 =	simm.s32 @!p2 $0x3;
	s9 =	simm.s32 @!p0 $0x180  }
0x88: {  	[tilespmem:s10], [sflag:$0x4] =	stream.indirect.gather @!p0 [hbm4b:s4+s1], $0x80, s9, s1, $0xb8;
	[tilespmem:$0x10200] =	vst v63  }
0x89: {  	_ =	swait.ge @!p2 [sflag:s14], $0x4000  }
0x8a: {  	[sflag:s14] =	ssyncset.done @!p2 $0x0  }
0x8b: {  	[sflag:s14] =	ssyncadd.s32 @!p2 $0xFFFFC000  }
0x8c: {  	_ =	swait.ge @!p2 [sflag:s14], $0x4000  }
0x8d: {  	p1 =	sge.u32 s29, s5;
	s1 =	simm.s32 @!p2 $0x0;
	[sflag:s14] =	ssyncset.done @!p2 $0x0  }
0x8e: {  	s9 =	simm.s32 @!p2 $0x200;
	s10 =	sshrl.u32 @!p1 s28, $0x3;
	[sflag:s14] =	ssyncadd.s32 @!p2 $0xFFFFC000  }
0x8f: {  	[hbm4b:s26+s1] =	stream.linear.scatter @!p2 [tilespmem:s9], [sflag:$0x5], $0x8000, $0x38;
	[tilespmem:$0x10200] =	vst v63  }
0x90: {  	s1 =	sadd.s32 @!p1 s3, s10;
	s9 =	simm.s32 @!p1 $0x0  }
0x91: {  	[tilespmem:s9], [sflag:$0x1] =	stream.linear.gather @!p1 [hbm4b:s1+s9], $0x80, $0x38;
	[tilespmem:$0x10200] =	vst v63  }
0x92: {  	s14 =	simm.s32 @!p1 $0x1;
	s1 =	sadd.s32 @!p1 s10, s7;
	s10 =	simm.s32 @!p1 $0x80  }
0x93: {  	[tilespmem:s10], [sflag:$0x1] =	stream.linear.gather @!p1 [hbm4b:s1+s9], $0x80, $0x38;
	[tilespmem:$0x10200] =	vst v63  }
0x94: {  	_ =	swait.ge @!p1 [sflag:s14], $0x80  }
0x95: {  	[sflag:s14] =	ssyncset.done @!p1 $0x0  }
0x96: {  	[sflag:s14] =	ssyncadd.s32 @!p1 $0xFFFFFF80  }
0x97: {  	_ =	swait.ge @!p1 [sflag:s14], $0x80  }
0x98: {  	[sflag:s14] =	ssyncset.done @!p1 $0x0  }
0x99: {  	s1 =	simm.s32 @!p1 $0x5;
	[sflag:s14] =	ssyncadd.s32 @!p1 $0xFFFFFF80  }
0x9a: {  	_ =	swait.ge @!p1 [sflag:s1], $0x8000  }
0x9b: {  	[sflag:s1] =	ssyncset.done @!p1 $0x0  }
0x9c: {  	s14 =	simm.s32 @!p1 $0x200;
	[sflag:s1] =	ssyncadd.s32 @!p1 $0xFFFF8000  }
0x9d: {  	[tilespmem:s14], [sflag:$0x3] =	stream.indirect.gather @!p1 [hbm4b:s4+s10], $0x80, s9, s10, $0xb8;
	[tilespmem:$0x10200] =	vst v63  }
0x9e: {  	s1 =	simm.s32 @!p0 $0x4;
	s9 =	simm.s32 @!p1 $0x4200  }
0x9f: {  	[tilespmem:s9], [sflag:$0x3] =	stream.indirect.gather @!p1 [hbm4b:s4+s10], $0x80, s10, s10, $0xb8;
	[tilespmem:$0x10200] =	vst v63  }
0xa0: {  	_ =	swait.ge @!p0 [sflag:s1], $0x4000  }
0xa1: {  	[sflag:s1] =	ssyncset.done @!p0 $0x0  }
0xa2: {  	[sflag:s1] =	ssyncadd.s32 @!p0 $0xFFFFC000  }
0xa3: {  	_ =	swait.ge @!p0 [sflag:s1], $0x4000  }
0xa4: {  	s31 =	sadd.s32 $0x3, s25;
	s14 =	simm.s32 @!p0 $0x0;
	[sflag:s1] =	ssyncset.done @!p0 $0x0  }
0xa5: {  	s9 =	sadd.s32 @!p0 $0x1000, s26;
	p1 =	sge.u32 s31, s5;
	[sflag:s1] =	ssyncadd.s32 @!p0 $0xFFFFC000  }
0xa6: {  	[hbm4b:s9+s14] =	stream.linear.scatter @!p0 [tilespmem:s8], [sflag:$0x6], $0x8000, $0x38;
	[tilespmem:$0x10200] =	vst v63  }
0xa7: {  	s1 =	sadd.s32 @!p1 $0xFFFFFFF0, s24;
	s8 =	simm.s32 @!p1 $0x0;
	s9 =	simm.s32 @!p1 $0x100  }
0xa8: {  	[tilespmem:s9], [sflag:$0x2] =	stream.linear.gather @!p1 [hbm4b:s1+s8], $0x80, $0x38;
	[tilespmem:$0x10200] =	vst v63  }
0xa9: {  	s23 =	sadd.s32 $0x1, s23;
	s1 =	simm.s32 @!p1 $0x180  }
0xaa: {  	[tilespmem:s1], [sflag:$0x2] =	stream.linear.gather @!p1 [hbm4b:s24+s8], $0x80, $0x38;
	[tilespmem:$0x10200] =	vst v63  }
0xab: {  	p0 =	sne.s32 s23, s11;
	_ =	swait.ge [sflag:s21], $0x8000  }
.Ltmp1:
0xac: {  	[sflag:s21] =	ssyncset.done $0x0;
	(pc) =	sbr.rel @p0 .LBB2_1-.Ltmp1, $4  }
0xad: {  	[sflag:s21] =	ssyncadd.s32 $0xFFFF8000  }
0xae: {  	_ =	swait.ge [sflag:s22], $0x8000  }
0xaf: {  	[sflag:s22] =	ssyncset.done $0x0  }
0xb0: {  	[sflag:s22] =	ssyncadd.s32 $0xFFFF8000  }
0xb1: {  	_ =	sfence.sel $0x180000  }
0xb2: {  	[bflag:$0x0] =	sbarrier.arrive $0xFFFF  }
0xb3: {  	_ =	strace $0x9000004D  }
0xb4: {  	s0 =	stileid.u32;
	[bflag:$0x2] =	sbarrier.arrive $0xFFFF  }
0xb5: {  	p0 =	sne.s32 s0, $0x0;
	s0 =	rddreg [dreg:$0x1]  }
0xb6: {  	s0 =	sadd.s32 @!p0 $0x100000, s0  }
0xb7: {  	[sflag:s0] =	ssyncadd.tile.s32 @!p0 $0x1;
	_ =	shalt  }
.Lfunc_end2:
_tile_overlayer_lowered:
.L_overlay_start_2:
0xb8: {  	(tag) =	ssettag $0x2  }
0xb9: {  	s0 =	rddreg [dreg:$0x0];
	s2 =	stileid.u32  }
0xba: {  	s1 =	rddreg [dreg:$0x1];
	p0 =	sne.s32 s2, $0x0  }
0xbb: {  	s3 =	rddreg [dreg:$0x2];
	[bflag:$0x3] =	sbarrier.arrive $0xFFFF;
	s2 =	simm.s32 @!p0 $0x1C07  }
0xbc: {  	[timem:s3], [sflag:s2] =	dma.local @!p0 [hbm:s0], s1  }
0xbd: {  	s0 =	simm.s32 @!p0 $0x7  }
0xbe: {  	_ =	swait.ge @!p0 [sflag:s0], s1  }
0xbf: {  	s1 =	ssub.s32 @!p0 $0x0, s1;
	[sflag:s0] =	ssyncset.done @!p0 $0x0  }
0xc0: {  	[sflag:s0] =	ssyncadd.s32 @!p0 s1  }
0xc1: {  	[bflag:$0x3] =	sbarrier.arrive $0xFFFF  }
0xc2: {  	_ =	shalt  }

</sc_bundles>
